<compile_context>
chip_gen: v7x
topology: tpu7x:2x2x1
jax: 0.10.2.dev20260603
libtpu: 0.0.44.dev20260713+nightly
codegen_flags: <defaults>
</compile_context>

<pallas_src>
import jax
import jax.numpy as jnp
from jax import lax
from jax.experimental import pallas as pl
from jax.experimental.pallas import tpu as pltpu
from jax.experimental.pallas import tpu_sc as plsc

B = 4
C = 32
D = H = W = 64
N = 100000
NTOT = B * N

NC = 2
NS = 16
NW = NC * NS
L = 16

DHW = D * H * W
VTOT = B * DHW

CV = 80
CPB = N // CV
NCHT = B * CPB
NCH_LO = NCHT // NW
N_HI = NCHT - NCH_LO * NW

_CORNER_OFFS = (0, W, H * W, H * W + W, 1, W + 1, H * W + 1, H * W + W + 1)


def _axis01(v, extent):
    t = (v + 1.0) * 0.5 * (extent - 1)
    t = jnp.clip(t, 0.0, float(extent - 1))
    i0 = jnp.minimum(t.astype(jnp.int32), extent - 2)
    frac = t - i0.astype(jnp.float32)
    return i0, frac


def _sample_body(table, xs, ys, zs, out, idx_v, rows_v, wgt_v, crd_v, outb_v,
                 sem_g, sem_c):
    wid = lax.axis_index("s") * NC + lax.axis_index("c")
    nch = NCH_LO + jnp.where(wid < N_HI, 1, 0)

    def fire_coords(j):
        ch = j * NW + wid
        vbase = (ch // CPB) * N + (ch % CPB) * CV
        s = j % 2
        pltpu.async_copy(xs.at[pl.ds(vbase, CV)], crd_v.at[s, 0], sem_c)
        pltpu.async_copy(ys.at[pl.ds(vbase, CV)], crd_v.at[s, 1], sem_c)
        pltpu.async_copy(zs.at[pl.ds(vbase, CV)], crd_v.at[s, 2], sem_c)

    def wait_coords(j):
        s = j % 2
        ch = j * NW + wid
        vbase = (ch // CPB) * N + (ch % CPB) * CV
        pltpu.make_async_copy(xs.at[pl.ds(vbase, CV)], crd_v.at[s, 0],
                              sem_c).wait()
        pltpu.make_async_copy(ys.at[pl.ds(vbase, CV)], crd_v.at[s, 1],
                              sem_c).wait()
        pltpu.make_async_copy(zs.at[pl.ds(vbase, CV)], crd_v.at[s, 2],
                              sem_c).wait()

    def phase_a(j):
        s = j % 2
        ch = j * NW + wid
        b = ch // CPB
        wait_coords(j)
        for g in range(CV // L):
            xv = crd_v[s, 0, pl.ds(g * L, L)]
            yv = crd_v[s, 1, pl.ds(g * L, L)]
            zv = crd_v[s, 2, pl.ds(g * L, L)]
            x0, wx = _axis01(xv, W)
            y0, wy = _axis01(yv, H)
            z0, wz = _axis01(zv, D)
            rbase = (b << 18) + (z0 << 12) + (y0 << 6) + x0
            for k in range(8):
                idx_v[s, k, pl.ds(g * L, L)] = rbase + _CORNER_OFFS[k]
            wy1 = wy
            wy0 = 1.0 - wy
            wz1 = wz
            wz0 = 1.0 - wz
            wgt_v[s, pl.ds(0 * CV + g * L, L)] = wx
            wgt_v[s, pl.ds(1 * CV + g * L, L)] = wz0 * wy0
            wgt_v[s, pl.ds(2 * CV + g * L, L)] = wz0 * wy1
            wgt_v[s, pl.ds(3 * CV + g * L, L)] = wz1 * wy0
            wgt_v[s, pl.ds(4 * CV + g * L, L)] = wz1 * wy1
        for k in range(8):
            pltpu.async_copy(table.at[idx_v.at[s, k]], rows_v.at[s, k],
                             sem_g.at[s])

    def phase_b(j):
        s = j % 2
        ch = j * NW + wid
        b = ch // CPB
        lc = ch % CPB
        for k in range(8):
            pltpu.make_async_copy(table.at[idx_v.at[s, k]],
                                  rows_v.at[s, k], sem_g.at[s]).wait()

        def lerp_group(g, _):
            wxv = wgt_v[s, pl.ds(0 * CV + g * L, L)]
            w00v = wgt_v[s, pl.ds(1 * CV + g * L, L)]
            w01v = wgt_v[s, pl.ds(2 * CV + g * L, L)]
            w10v = wgt_v[s, pl.ds(3 * CV + g * L, L)]
            w11v = wgt_v[s, pl.ds(4 * CV + g * L, L)]
            for lane in range(L):
                i = g * L + lane
                wx = wxv[lane]
                w00 = w00v[lane]
                w01 = w01v[lane]
                w10 = w10v[lane]
                w11 = w11v[lane]
                for h in range(C // L):
                    hs = pl.ds(h * L, L)
                    a = (w00 * rows_v[s, 0, i, hs] + w01 * rows_v[s, 1, i, hs]
                         + w10 * rows_v[s, 2, i, hs]
                         + w11 * rows_v[s, 3, i, hs])
                    bb = (w00 * rows_v[s, 4, i, hs] + w01 * rows_v[s, 5, i, hs]
                          + w10 * rows_v[s, 6, i, hs]
                          + w11 * rows_v[s, 7, i, hs])
                    outb_v[i, hs] = a + wx * (bb - a)
            return 0

        lax.fori_loop(0, CV // L, lerp_group, 0)
        pltpu.sync_copy(outb_v, out.at[b, pl.ds(lc * CV, CV)])

    fire_coords(0)

    def pipe_body(j, _):
        @pl.when(j < nch)
        def _():
            phase_a(j)

            @pl.when(j + 1 < nch)
            def _():
                fire_coords(j + 1)

        @pl.when((j >= 1) & (j <= nch))
        def _():
            phase_b(j - 1)
        return 0

    lax.fori_loop(0, NCH_LO + 2, pipe_body, 0)


_MESH = plsc.VectorSubcoreMesh(core_axis_name="c", subcore_axis_name="s")
_PARAMS = pltpu.CompilerParams(
    use_tc_tiling_on_sc=False, needs_layout_passes=False)


@jax.jit
def _run(voxel_features, vertices):
    table = jnp.transpose(voxel_features, (0, 2, 3, 4, 1)).reshape(VTOT, C)
    xs = vertices[:, :, 0].reshape(NTOT)
    ys = vertices[:, :, 1].reshape(NTOT)
    zs = vertices[:, :, 2].reshape(NTOT)
    out = pl.kernel(
        _sample_body,
        out_type=jax.ShapeDtypeStruct((B, N, C), jnp.float32),
        mesh=_MESH,
        compiler_params=_PARAMS,
        scratch_types=[
            pltpu.VMEM((2, 8, CV), jnp.int32),
            pltpu.VMEM((2, 8, CV, C), jnp.float32),
            pltpu.VMEM((2, 5 * CV), jnp.float32),
            pltpu.VMEM((2, 3, CV), jnp.float32),
            pltpu.VMEM((CV, C), jnp.float32),
            pltpu.SemaphoreType.DMA((2,)),
            pltpu.SemaphoreType.DMA,
        ],
    )(table, xs, ys, zs)
    return out


def kernel(voxel_features, vertices, pad_img_shape):
    del pad_img_shape
    return _run(voxel_features, vertices)

# --- scband reference (transcript-rebuilt; emitter-appended) ---
"""Pipeline reference for scband-basic-feature-sampling-90202903151300 (READ-ONLY COPY).

The authoritative reference and input builder live on the scoring server;
editing this copy changes nothing except your own understanding.
"""

import jax, jax.numpy as jnp
import numpy as np


def setup_inputs(seed: int = 0) -> dict:
    key = jax.random.key(seed)
    k1, k2 = jax.random.split(key)
    voxel_features = jax.random.normal(k1, (4, 32, 64, 64, 64), dtype=jnp.float32)
    # grid_sample coordinates normalized to [-1, 1]; rand in [0,1) is valid (border padding clamps anyway)
    vertices = jax.random.uniform(k2, (4, 100000, 3), dtype=jnp.float32)
    pad_img_shape = jnp.arange(2, dtype=jnp.int32)  # unused by forward, kept for signature fidelity
    return {"voxel_features": voxel_features, "vertices": vertices, "pad_img_shape": pad_img_shape}


def _grid_sample_points(vol, coords):
    # vol: [B, C, D, H, W]; coords: [B, N, 3] with last dim (x, y, z) like torch grid_sample
    # mode='bilinear' (trilinear), padding_mode='border', align_corners=True
    B, C, D, H, W = vol.shape
    x = (coords[..., 0] + 1.0) * 0.5 * (W - 1)
    y = (coords[..., 1] + 1.0) * 0.5 * (H - 1)
    z = (coords[..., 2] + 1.0) * 0.5 * (D - 1)
    x = jnp.clip(x, 0.0, W - 1)
    y = jnp.clip(y, 0.0, H - 1)
    z = jnp.clip(z, 0.0, D - 1)
    x0f = jnp.floor(x); y0f = jnp.floor(y); z0f = jnp.floor(z)
    wx = (x - x0f)[..., None]
    wy = (y - y0f)[..., None]
    wz = (z - z0f)[..., None]
    x0 = x0f.astype(jnp.int32); x1 = jnp.minimum(x0 + 1, W - 1)
    y0 = y0f.astype(jnp.int32); y1 = jnp.minimum(y0 + 1, H - 1)
    z0 = z0f.astype(jnp.int32); z1 = jnp.minimum(z0 + 1, D - 1)
    b = jnp.arange(B)[:, None]  # [B, 1] broadcasts against [B, N]

    def g(zi, yi, xi):
        # advanced indices non-adjacent (slice in channel dim) -> result [B, N, C]
        return vol[b, :, zi, yi, xi]

    v000 = g(z0, y0, x0); v001 = g(z0, y0, x1)
    v010 = g(z0, y1, x0); v011 = g(z0, y1, x1)
    v100 = g(z1, y0, x0); v101 = g(z1, y0, x1)
    v110 = g(z1, y1, x0); v111 = g(z1, y1, x1)

    c00 = v000 * (1 - wx) + v001 * wx
    c01 = v010 * (1 - wx) + v011 * wx
    c10 = v100 * (1 - wx) + v101 * wx
    c11 = v110 * (1 - wx) + v111 * wx
    c0 = c00 * (1 - wy) + c01 * wy
    c1 = c10 * (1 - wy) + c11 * wy
    out = c0 * (1 - wz) + c1 * wz
    return out  # [B, N, C]


def reference(voxel_features, vertices, pad_img_shape):
    # torch: F.grid_sample(vol, verts[:,:,None,None]) -> [B,C,N,1,1] -> [:,:,:,0,0].transpose(2,1) -> [B,N,C]
    return _grid_sample_points(voxel_features, vertices)

if __name__ == "__main__":
    import jax
    _d = setup_inputs()
    print(jax.jit(kernel)(*tuple(_d.values())))

</pallas_src>

<mosaic_0001>
#map = affine_map<(d0, d1) -> (0, 0)>
#map1 = affine_map<(d0, d1) -> (0)>
#map2 = affine_map<(d0, d1) -> (0, 0, 0)>
module attributes {stable_mosaic.version = 14 : i64} {
  func.func @_sample_body(%arg0: i32, %arg1: i32, %arg2: memref<1048576x32xf32, #tpu.memory_space<hbm>>, %arg3: memref<400000xf32, #tpu.memory_space<hbm>>, %arg4: memref<400000xf32, #tpu.memory_space<hbm>>, %arg5: memref<400000xf32, #tpu.memory_space<hbm>>, %arg6: memref<4x100000x32xf32, #tpu.memory_space<hbm>>, %arg7: memref<2x8x80xi32, #tpu.memory_space<vmem>>, %arg8: memref<2x8x80x32xf32, #tpu.memory_space<vmem>>, %arg9: memref<2x400xf32, #tpu.memory_space<vmem>>, %arg10: memref<2x3x80xf32, #tpu.memory_space<vmem>>, %arg11: memref<80x32xf32, #tpu.memory_space<vmem>>, %arg12: memref<2x!tpu.dma_semaphore, #tpu.memory_space<semaphore_mem>>, %arg13: memref<!tpu.dma_semaphore, #tpu.memory_space<semaphore_mem>>) attributes {dimension_semantics = [#tpu.dimension_semantics<core_parallel>, #tpu.dimension_semantics<subcore_parallel>], iteration_bounds = array<i64: 2, 16>, scalar_prefetch = 0 : i64, scratch_operands = 7 : i64, tpu.core_type = #tpu.core_type<sc_vector_subcore>, window_params = [{transform_indices = #map}, {transform_indices = #map1}, {transform_indices = #map1}, {transform_indices = #map1}, {transform_indices = #map2}]} {
    %mul3A = arith.constant 2 : i32
    %mul3A_0 = arith.muli %arg1, %mul3A : i32
    %add3A = arith.addi %mul3A_0, %arg0 : i32
    %lt3A = arith.constant 8 : i32
    %lt3A_1 = arith.cmpi slt, %add3A, %lt3A : i32
    %jit3A = arith.constant 1 : i32
    %jit3A_2 = arith.constant 0 : i32
    %select_n3A = arith.select %lt3A_1, %jit3A, %jit3A_2 : i32
    %add3A_3 = arith.constant 156 : i32
    %add3A_4 = arith.addi %add3A_3, %select_n3A : i32
    %add3A_5 = arith.constant 0 : i32
    %add3A_6 = arith.addi %add3A_5, %add3A : i32
    %jit3A_7 = arith.constant 1250 : i32
    %div3A = arith.divsi %add3A_6, %jit3A_7 : i32
    %sign3A = arith.constant 0 : i32
    %sign3A_8 = arith.cmpi sgt, %add3A_6, %sign3A : i32
    %sign3A_9 = arith.extui %sign3A_8 : i1 to i32
    %sign3A_10 = arith.constant 0 : i32
    %sign3A_11 = arith.cmpi slt, %add3A_6, %sign3A_10 : i32
    %sign3A_12 = arith.extui %sign3A_11 : i1 to i32
    %sign3A_13 = arith.subi %sign3A_9, %sign3A_12 : i32
    %sign3A_14 = arith.constant 0 : i32
    %sign3A_15 = arith.cmpi sgt, %jit3A_7, %sign3A_14 : i32
    %sign3A_16 = arith.extui %sign3A_15 : i1 to i32
    %sign3A_17 = arith.constant 0 : i32
    %sign3A_18 = arith.cmpi slt, %jit3A_7, %sign3A_17 : i32
    %sign3A_19 = arith.extui %sign3A_18 : i1 to i32
    %sign3A_20 = arith.subi %sign3A_16, %sign3A_19 : i32
    %ne3A = arith.cmpi ne, %sign3A_13, %sign3A_20 : i32
    %rem3A = arith.remsi %add3A_6, %jit3A_7 : i32
    %ne3A_21 = arith.constant 0 : i32
    %ne3A_22 = arith.cmpi ne, %rem3A, %ne3A_21 : i32
    %and3A = arith.andi %ne3A, %ne3A_22 : i1
    %sub3A = arith.constant 1 : i32
    %sub3A_23 = arith.subi %div3A, %sub3A : i32
    %select_n3A_24 = arith.select %and3A, %sub3A_23, %div3A : i32
    %mul3A_25 = arith.constant 100000 : i32
    %mul3A_26 = arith.muli %select_n3A_24, %mul3A_25 : i32
    %jit3A_27 = arith.constant 1250 : i32
    %eq3A = arith.constant 0 : i32
    %eq3A_28 = arith.cmpi eq, %jit3A_27, %eq3A : i32
    %jit3A_29 = arith.constant 1 : i32
    %select_n3A_30 = arith.select %eq3A_28, %jit3A_29, %jit3A_27 : i32
    %rem3A_31 = arith.remsi %add3A_6, %select_n3A_30 : i32
    %ne3A_32 = arith.constant 0 : i32
    %ne3A_33 = arith.cmpi ne, %rem3A_31, %ne3A_32 : i32
    %lt3A_34 = arith.constant 0 : i32
    %lt3A_35 = arith.cmpi slt, %rem3A_31, %lt3A_34 : i32
    %lt3A_36 = arith.constant 0 : i32
    %lt3A_37 = arith.cmpi slt, %select_n3A_30, %lt3A_36 : i32
    %ne3A_38 = arith.xori %lt3A_35, %lt3A_37 : i1
    %and3A_39 = arith.andi %ne3A_38, %ne3A_33 : i1
    %add3A_40 = arith.addi %rem3A_31, %select_n3A_30 : i32
    %select_n3A_41 = arith.select %and3A_39, %add3A_40, %rem3A_31 : i32
    %mul3A_42 = arith.constant 80 : i32
    %mul3A_43 = arith.muli %select_n3A_41, %mul3A_42 : i32
    %add3A_44 = arith.addi %mul3A_26, %mul3A_43 : i32
    %dma_start3A = arith.constant 0 : i32
    %dma_start3A_45 = arith.constant 0 : i32
    %dma_start3A_46 = arith.constant 0 : i32
    %dma_start3A_47 = tpu.memref_slice %arg10[%dma_start3A, %dma_start3A_45, %dma_start3A_46] : memref<2x3x80xf32, #tpu.memory_space<vmem>> -> memref<1x1x80xf32, #tpu.memory_space<vmem>>
    %dma_start3A_48 = tpu.memref_squeeze %dma_start3A_47 : memref<1x1x80xf32, #tpu.memory_space<vmem>> -> memref<80xf32, #tpu.memory_space<vmem>>
    %dma_start3A_49 = tpu.memref_slice %arg3[%add3A_44] : memref<400000xf32, #tpu.memory_space<hbm>> -> memref<80xf32, #tpu.memory_space<hbm>>
    %dma_start3A_50 = arith.constant 0 : i32
    %dma_start3A_51 = tpu.memref_slice %arg10[%dma_start3A, %dma_start3A_45, %dma_start3A_50] : memref<2x3x80xf32, #tpu.memory_space<vmem>> -> memref<1x1x80xf32, #tpu.memory_space<vmem>>
    %dma_start3A_52 = tpu.memref_squeeze %dma_start3A_51 : memref<1x1x80xf32, #tpu.memory_space<vmem>> -> memref<80xf32, #tpu.memory_space<vmem>>
    %dma_start3A_53 = tpu.memref_slice %arg3[%add3A_44] : memref<400000xf32, #tpu.memory_space<hbm>> -> memref<80xf32, #tpu.memory_space<hbm>>
    tpu.enqueue_dma source(%dma_start3A_53 : memref<80xf32, #tpu.memory_space<hbm>>) target(%dma_start3A_52 : memref<80xf32, #tpu.memory_space<vmem>>) target_semaphore(%arg13 : memref<!tpu.dma_semaphore, #tpu.memory_space<semaphore_mem>>)
    %dma_start3A_54 = arith.constant 0 : i32
    %dma_start3A_55 = arith.constant 1 : i32
    %dma_start3A_56 = arith.constant 0 : i32
    %dma_start3A_57 = tpu.memref_slice %arg10[%dma_start3A_54, %dma_start3A_55, %dma_start3A_56] : memref<2x3x80xf32, #tpu.memory_space<vmem>> -> memref<1x1x80xf32, #tpu.memory_space<vmem>>
    %dma_start3A_58 = tpu.memref_squeeze %dma_start3A_57 : memref<1x1x80xf32, #tpu.memory_space<vmem>> -> memref<80xf32, #tpu.memory_space<vmem>>
    %dma_start3A_59 = tpu.memref_slice %arg4[%add3A_44] : memref<400000xf32, #tpu.memory_space<hbm>> -> memref<80xf32, #tpu.memory_space<hbm>>
    %dma_start3A_60 = arith.constant 0 : i32
    %dma_start3A_61 = tpu.memref_slice %arg10[%dma_start3A_54, %dma_start3A_55, %dma_start3A_60] : memref<2x3x80xf32, #tpu.memory_space<vmem>> -> memref<1x1x80xf32, #tpu.memory_space<vmem>>
    %dma_start3A_62 = tpu.memref_squeeze %dma_start3A_61 : memref<1x1x80xf32, #tpu.memory_space<vmem>> -> memref<80xf32, #tpu.memory_space<vmem>>
    %dma_start3A_63 = tpu.memref_slice %arg4[%add3A_44] : memref<400000xf32, #tpu.memory_space<hbm>> -> memref<80xf32, #tpu.memory_space<hbm>>
    tpu.enqueue_dma source(%dma_start3A_63 : memref<80xf32, #tpu.memory_space<hbm>>) target(%dma_start3A_62 : memref<80xf32, #tpu.memory_space<vmem>>) target_semaphore(%arg13 : memref<!tpu.dma_semaphore, #tpu.memory_space<semaphore_mem>>)
    %dma_start3A_64 = arith.constant 0 : i32
    %dma_start3A_65 = arith.constant 2 : i32
    %dma_start3A_66 = arith.constant 0 : i32
    %dma_start3A_67 = tpu.memref_slice %arg10[%dma_start3A_64, %dma_start3A_65, %dma_start3A_66] : memref<2x3x80xf32, #tpu.memory_space<vmem>> -> memref<1x1x80xf32, #tpu.memory_space<vmem>>
    %dma_start3A_68 = tpu.memref_squeeze %dma_start3A_67 : memref<1x1x80xf32, #tpu.memory_space<vmem>> -> memref<80xf32, #tpu.memory_space<vmem>>
    %dma_start3A_69 = tpu.memref_slice %arg5[%add3A_44] : memref<400000xf32, #tpu.memory_space<hbm>> -> memref<80xf32, #tpu.memory_space<hbm>>
    %dma_start3A_70 = arith.constant 0 : i32
    %dma_start3A_71 = tpu.memref_slice %arg10[%dma_start3A_64, %dma_start3A_65, %dma_start3A_70] : memref<2x3x80xf32, #tpu.memory_space<vmem>> -> memref<1x1x80xf32, #tpu.memory_space<vmem>>
    %dma_start3A_72 = tpu.memref_squeeze %dma_start3A_71 : memref<1x1x80xf32, #tpu.memory_space<vmem>> -> memref<80xf32, #tpu.memory_space<vmem>>
    %dma_start3A_73 = tpu.memref_slice %arg5[%add3A_44] : memref<400000xf32, #tpu.memory_space<hbm>> -> memref<80xf32, #tpu.memory_space<hbm>>
    tpu.enqueue_dma source(%dma_start3A_73 : memref<80xf32, #tpu.memory_space<hbm>>) target(%dma_start3A_72 : memref<80xf32, #tpu.memory_space<vmem>>) target_semaphore(%arg13 : memref<!tpu.dma_semaphore, #tpu.memory_space<semaphore_mem>>)
    %scan3A = arith.constant 0 : i32
    %scan3A_74 = arith.constant 0 : i32
    %scan3A_75 = arith.constant 158 : i32
    %scan3A_76 = arith.addi %scan3A_74, %scan3A_75 : i32
    %scan3A_77 = arith.constant 1 : i32
    %scan3A_78 = scf.for %scan3A_80 = %scan3A_74 to %scan3A_76 step %scan3A_77 iter_args(%scan3A_81 = %scan3A) -> (i32)  : i32 {
      %lt3A_82 = arith.cmpi slt, %scan3A_80, %add3A_4 : i32
      %convert_element_type3A = arith.extui %lt3A_82 : i1 to i32
      %cond3A = arith.constant 0 : i32
      %cond3A_83 = arith.cmpi ne, %convert_element_type3A, %cond3A : i32
      scf.if %cond3A_83 {
        %jit3A_90 = arith.constant 2 : i32
        %eq3A_91 = arith.constant 0 : i32
        %eq3A_92 = arith.cmpi eq, %jit3A_90, %eq3A_91 : i32
        %jit3A_93 = arith.constant 1 : i32
        %select_n3A_94 = arith.select %eq3A_92, %jit3A_93, %jit3A_90 : i32
        %rem3A_95 = arith.remsi %scan3A_80, %select_n3A_94 : i32
        %ne3A_96 = arith.constant 0 : i32
        %ne3A_97 = arith.cmpi ne, %rem3A_95, %ne3A_96 : i32
        %lt3A_98 = arith.constant 0 : i32
        %lt3A_99 = arith.cmpi slt, %rem3A_95, %lt3A_98 : i32
        %lt3A_100 = arith.constant 0 : i32
        %lt3A_101 = arith.cmpi slt, %select_n3A_94, %lt3A_100 : i32
        %ne3A_102 = arith.xori %lt3A_99, %lt3A_101 : i1
        %and3A_103 = arith.andi %ne3A_102, %ne3A_97 : i1
        %add3A_104 = arith.addi %rem3A_95, %select_n3A_94 : i32
        %select_n3A_105 = arith.select %and3A_103, %add3A_104, %rem3A_95 : i32
        %mul3A_106 = arith.constant 32 : i32
        %mul3A_107 = arith.muli %scan3A_80, %mul3A_106 : i32
        %add3A_108 = arith.addi %mul3A_107, %add3A : i32
        %jit3A_109 = arith.constant 1250 : i32
        %div3A_110 = arith.divsi %add3A_108, %jit3A_109 : i32
        %sign3A_111 = arith.constant 0 : i32
        %sign3A_112 = arith.cmpi sgt, %add3A_108, %sign3A_111 : i32
        %sign3A_113 = arith.extui %sign3A_112 : i1 to i32
        %sign3A_114 = arith.constant 0 : i32
        %sign3A_115 = arith.cmpi slt, %add3A_108, %sign3A_114 : i32
        %sign3A_116 = arith.extui %sign3A_115 : i1 to i32
        %sign3A_117 = arith.subi %sign3A_113, %sign3A_116 : i32
        %sign3A_118 = arith.constant 0 : i32
        %sign3A_119 = arith.cmpi sgt, %jit3A_109, %sign3A_118 : i32
        %sign3A_120 = arith.extui %sign3A_119 : i1 to i32
        %sign3A_121 = arith.constant 0 : i32
        %sign3A_122 = arith.cmpi slt, %jit3A_109, %sign3A_121 : i32
        %sign3A_123 = arith.extui %sign3A_122 : i1 to i32
        %sign3A_124 = arith.subi %sign3A_120, %sign3A_123 : i32
        %ne3A_125 = arith.cmpi ne, %sign3A_117, %sign3A_124 : i32
        %rem3A_126 = arith.remsi %add3A_108, %jit3A_109 : i32
        %ne3A_127 = arith.constant 0 : i32
        %ne3A_128 = arith.cmpi ne, %rem3A_126, %ne3A_127 : i32
        %and3A_129 = arith.andi %ne3A_125, %ne3A_128 : i1
        %sub3A_130 = arith.constant 1 : i32
        %sub3A_131 = arith.subi %div3A_110, %sub3A_130 : i32
        %select_n3A_132 = arith.select %and3A_129, %sub3A_131, %div3A_110 : i32
        %jit3A_133 = arith.constant 2 : i32
        %eq3A_134 = arith.constant 0 : i32
        %eq3A_135 = arith.cmpi eq, %jit3A_133, %eq3A_134 : i32
        %jit3A_136 = arith.constant 1 : i32
        %select_n3A_137 = arith.select %eq3A_135, %jit3A_136, %jit3A_133 : i32
        %rem3A_138 = arith.remsi %scan3A_80, %select_n3A_137 : i32
        %ne3A_139 = arith.constant 0 : i32
        %ne3A_140 = arith.cmpi ne, %rem3A_138, %ne3A_139 : i32
        %lt3A_141 = arith.constant 0 : i32
        %lt3A_142 = arith.cmpi slt, %rem3A_138, %lt3A_141 : i32
        %lt3A_143 = arith.constant 0 : i32
        %lt3A_144 = arith.cmpi slt, %select_n3A_137, %lt3A_143 : i32
        %ne3A_145 = arith.xori %lt3A_142, %lt3A_144 : i1
        %and3A_146 = arith.andi %ne3A_145, %ne3A_140 : i1
        %add3A_147 = arith.addi %rem3A_138, %select_n3A_137 : i32
        %select_n3A_148 = arith.select %and3A_146, %add3A_147, %rem3A_138 : i32
        %mul3A_149 = arith.constant 32 : i32
        %mul3A_150 = arith.muli %scan3A_80, %mul3A_149 : i32
        %add3A_151 = arith.addi %mul3A_150, %add3A : i32
        %jit3A_152 = arith.constant 1250 : i32
        %div3A_153 = arith.divsi %add3A_151, %jit3A_152 : i32
        %sign3A_154 = arith.constant 0 : i32
        %sign3A_155 = arith.cmpi sgt, %add3A_151, %sign3A_154 : i32
        %sign3A_156 = arith.extui %sign3A_155 : i1 to i32
        %sign3A_157 = arith.constant 0 : i32
        %sign3A_158 = arith.cmpi slt, %add3A_151, %sign3A_157 : i32
        %sign3A_159 = arith.extui %sign3A_158 : i1 to i32
        %sign3A_160 = arith.subi %sign3A_156, %sign3A_159 : i32
        %sign3A_161 = arith.constant 0 : i32
        %sign3A_162 = arith.cmpi sgt, %jit3A_152, %sign3A_161 : i32
        %sign3A_163 = arith.extui %sign3A_162 : i1 to i32
        %sign3A_164 = arith.constant 0 : i32
        %sign3A_165 = arith.cmpi slt, %jit3A_152, %sign3A_164 : i32
        %sign3A_166 = arith.extui %sign3A_165 : i1 to i32
        %sign3A_167 = arith.subi %sign3A_163, %sign3A_166 : i32
        %ne3A_168 = arith.cmpi ne, %sign3A_160, %sign3A_167 : i32
        %rem3A_169 = arith.remsi %add3A_151, %jit3A_152 : i32
        %ne3A_170 = arith.constant 0 : i32
        %ne3A_171 = arith.cmpi ne, %rem3A_169, %ne3A_170 : i32
        %and3A_172 = arith.andi %ne3A_168, %ne3A_171 : i1
        %sub3A_173 = arith.constant 1 : i32
        %sub3A_174 = arith.subi %div3A_153, %sub3A_173 : i32
        %select_n3A_175 = arith.select %and3A_172, %sub3A_174, %div3A_153 : i32
        %mul3A_176 = arith.constant 100000 : i32
        %mul3A_177 = arith.muli %select_n3A_175, %mul3A_176 : i32
        %jit3A_178 = arith.constant 1250 : i32
        %eq3A_179 = arith.constant 0 : i32
        %eq3A_180 = arith.cmpi eq, %jit3A_178, %eq3A_179 : i32
        %jit3A_181 = arith.constant 1 : i32
        %select_n3A_182 = arith.select %eq3A_180, %jit3A_181, %jit3A_178 : i32
        %rem3A_183 = arith.remsi %add3A_151, %select_n3A_182 : i32
        %ne3A_184 = arith.constant 0 : i32
        %ne3A_185 = arith.cmpi ne, %rem3A_183, %ne3A_184 : i32
        %lt3A_186 = arith.constant 0 : i32
        %lt3A_187 = arith.cmpi slt, %rem3A_183, %lt3A_186 : i32
        %lt3A_188 = arith.constant 0 : i32
        %lt3A_189 = arith.cmpi slt, %select_n3A_182, %lt3A_188 : i32
        %ne3A_190 = arith.xori %lt3A_187, %lt3A_189 : i1
        %and3A_191 = arith.andi %ne3A_190, %ne3A_185 : i1
        %add3A_192 = arith.addi %rem3A_183, %select_n3A_182 : i32
        %select_n3A_193 = arith.select %and3A_191, %add3A_192, %rem3A_183 : i32
        %mul3A_194 = arith.constant 80 : i32
        %mul3A_195 = arith.muli %select_n3A_193, %mul3A_194 : i32
        %add3A_196 = arith.addi %mul3A_177, %mul3A_195 : i32
        %dma_wait3A = arith.constant 0 : i32
        %dma_wait3A_197 = arith.constant 0 : i32
        %dma_wait3A_198 = tpu.memref_slice %arg10[%select_n3A_148, %dma_wait3A, %dma_wait3A_197] : memref<2x3x80xf32, #tpu.memory_space<vmem>> -> memref<1x1x80xf32, #tpu.memory_space<vmem>>
        %dma_wait3A_199 = tpu.memref_squeeze %dma_wait3A_198 : memref<1x1x80xf32, #tpu.memory_space<vmem>> -> memref<80xf32, #tpu.memory_space<vmem>>
        %dma_wait3A_200 = tpu.memref_slice %arg3[%add3A_196] : memref<400000xf32, #tpu.memory_space<hbm>> -> memref<80xf32, #tpu.memory_space<hbm>>
        %dma_wait3A_201 = arith.constant 0 : i32
        %dma_wait3A_202 = tpu.memref_slice %arg10[%select_n3A_148, %dma_wait3A, %dma_wait3A_201] : memref<2x3x80xf32, #tpu.memory_space<vmem>> -> memref<1x1x80xf32, #tpu.memory_space<vmem>>
        %dma_wait3A_203 = tpu.memref_squeeze %dma_wait3A_202 : memref<1x1x80xf32, #tpu.memory_space<vmem>> -> memref<80xf32, #tpu.memory_space<vmem>>
        %dma_wait3A_204 = tpu.memref_slice %arg3[%add3A_196] : memref<400000xf32, #tpu.memory_space<hbm>> -> memref<80xf32, #tpu.memory_space<hbm>>
        tpu.wait_dma2 semaphore(%arg13 : memref<!tpu.dma_semaphore, #tpu.memory_space<semaphore_mem>>) src(%dma_wait3A_204 : memref<80xf32, #tpu.memory_space<hbm>>) dst(%dma_wait3A_203 : memref<80xf32, #tpu.memory_space<vmem>>)
        %dma_wait3A_205 = arith.constant 1 : i32
        %dma_wait3A_206 = arith.constant 0 : i32
        %dma_wait3A_207 = tpu.memref_slice %arg10[%select_n3A_148, %dma_wait3A_205, %dma_wait3A_206] : memref<2x3x80xf32, #tpu.memory_space<vmem>> -> memref<1x1x80xf32, #tpu.memory_space<vmem>>
        %dma_wait3A_208 = tpu.memref_squeeze %dma_wait3A_207 : memref<1x1x80xf32, #tpu.memory_space<vmem>> -> memref<80xf32, #tpu.memory_space<vmem>>
        %dma_wait3A_209 = tpu.memref_slice %arg4[%add3A_196] : memref<400000xf32, #tpu.memory_space<hbm>> -> memref<80xf32, #tpu.memory_space<hbm>>
        %dma_wait3A_210 = arith.constant 0 : i32
        %dma_wait3A_211 = tpu.memref_slice %arg10[%select_n3A_148, %dma_wait3A_205, %dma_wait3A_210] : memref<2x3x80xf32, #tpu.memory_space<vmem>> -> memref<1x1x80xf32, #tpu.memory_space<vmem>>
        %dma_wait3A_212 = tpu.memref_squeeze %dma_wait3A_211 : memref<1x1x80xf32, #tpu.memory_space<vmem>> -> memref<80xf32, #tpu.memory_space<vmem>>
        %dma_wait3A_213 = tpu.memref_slice %arg4[%add3A_196] : memref<400000xf32, #tpu.memory_space<hbm>> -> memref<80xf32, #tpu.memory_space<hbm>>
        tpu.wait_dma2 semaphore(%arg13 : memref<!tpu.dma_semaphore, #tpu.memory_space<semaphore_mem>>) src(%dma_wait3A_213 : memref<80xf32, #tpu.memory_space<hbm>>) dst(%dma_wait3A_212 : memref<80xf32, #tpu.memory_space<vmem>>)
        %dma_wait3A_214 = arith.constant 2 : i32
        %dma_wait3A_215 = arith.constant 0 : i32
        %dma_wait3A_216 = tpu.memref_slice %arg10[%select_n3A_148, %dma_wait3A_214, %dma_wait3A_215] : memref<2x3x80xf32, #tpu.memory_space<vmem>> -> memref<1x1x80xf32, #tpu.memory_space<vmem>>
        %dma_wait3A_217 = tpu.memref_squeeze %dma_wait3A_216 : memref<1x1x80xf32, #tpu.memory_space<vmem>> -> memref<80xf32, #tpu.memory_space<vmem>>
        %dma_wait3A_218 = tpu.memref_slice %arg5[%add3A_196] : memref<400000xf32, #tpu.memory_space<hbm>> -> memref<80xf32, #tpu.memory_space<hbm>>
        %dma_wait3A_219 = arith.constant 0 : i32
        %dma_wait3A_220 = tpu.memref_slice %arg10[%select_n3A_148, %dma_wait3A_214, %dma_wait3A_219] : memref<2x3x80xf32, #tpu.memory_space<vmem>> -> memref<1x1x80xf32, #tpu.memory_space<vmem>>
        %dma_wait3A_221 = tpu.memref_squeeze %dma_wait3A_220 : memref<1x1x80xf32, #tpu.memory_space<vmem>> -> memref<80xf32, #tpu.memory_space<vmem>>
        %dma_wait3A_222 = tpu.memref_slice %arg5[%add3A_196] : memref<400000xf32, #tpu.memory_space<hbm>> -> memref<80xf32, #tpu.memory_space<hbm>>
        tpu.wait_dma2 semaphore(%arg13 : memref<!tpu.dma_semaphore, #tpu.memory_space<semaphore_mem>>) src(%dma_wait3A_222 : memref<80xf32, #tpu.memory_space<hbm>>) dst(%dma_wait3A_221 : memref<80xf32, #tpu.memory_space<vmem>>)
        %get3A = arith.constant 0 : i32
        %get3A_223 = arith.index_cast %select_n3A_105 : i32 to index
        %get3A_224 = arith.index_cast %get3A : i32 to index
        %get3A_225 = arith.constant 0 : index
        %get3A_226 = tpu.vector_load %arg10[%get3A_223, %get3A_224, %get3A_225] {strides = array<i32>} : memref<2x3x80xf32, #tpu.memory_space<vmem>>, vector<16xf32>,
        %get3A_227 = arith.constant 1 : i32
        %get3A_228 = arith.index_cast %select_n3A_105 : i32 to index
        %get3A_229 = arith.index_cast %get3A_227 : i32 to index
        %get3A_230 = arith.constant 0 : index
        %get3A_231 = tpu.vector_load %arg10[%get3A_228, %get3A_229, %get3A_230] {strides = array<i32>} : memref<2x3x80xf32, #tpu.memory_space<vmem>>, vector<16xf32>,
        %get3A_232 = arith.constant 2 : i32
        %get3A_233 = arith.index_cast %select_n3A_105 : i32 to index
        %get3A_234 = arith.index_cast %get3A_232 : i32 to index
        %get3A_235 = arith.constant 0 : index
        %get3A_236 = tpu.vector_load %arg10[%get3A_233, %get3A_234, %get3A_235] {strides = array<i32>} : memref<2x3x80xf32, #tpu.memory_space<vmem>>, vector<16xf32>,
        %add3A_237 = arith.constant 1.000000e+00 : f32
        %add3A_238 = vector.broadcast %add3A_237 : f32 to vector<16xf32>
        %add3A_239 = arith.addf %get3A_226, %add3A_238 : vector<16xf32>
        %mul3A_240 = arith.constant 5.000000e-01 : f32
        %mul3A_241 = vector.broadcast %mul3A_240 : f32 to vector<16xf32>
        %mul3A_242 = arith.mulf %add3A_239, %mul3A_241 : vector<16xf32>
        %mul3A_243 = arith.constant 6.300000e+01 : f32
        %mul3A_244 = vector.broadcast %mul3A_243 : f32 to vector<16xf32>
        %mul3A_245 = arith.mulf %mul3A_242, %mul3A_244 : vector<16xf32>
        %jit3A_246 = arith.constant 0.000000e+00 : f32
        %jit3A_247 = arith.constant 6.300000e+01 : f32
        %max3A = vector.broadcast %jit3A_246 : f32 to vector<16xf32>
        %max3A_248 = arith.maximumf %max3A, %mul3A_245 : vector<16xf32>
        %min3A = vector.broadcast %jit3A_247 : f32 to vector<16xf32>
        %min3A_249 = arith.minimumf %min3A, %max3A_248 : vector<16xf32>
        %convert_element_type3A_250 = arith.fptosi %min3A_249 : vector<16xf32> to vector<16xi32>
        %min3A_251 = arith.constant 62 : i32
        %min3A_252 = vector.broadcast %min3A_251 : i32 to vector<16xi32>
        %min3A_253 = arith.minsi %convert_element_type3A_250, %min3A_252 : vector<16xi32>
        %convert_element_type3A_254 = arith.sitofp %min3A_253 : vector<16xi32> to vector<16xf32>
        %sub3A_255 = arith.subf %min3A_249, %convert_element_type3A_254 : vector<16xf32>
        %add3A_256 = arith.constant 1.000000e+00 : f32
        %add3A_257 = vector.broadcast %add3A_256 : f32 to vector<16xf32>
        %add3A_258 = arith.addf %get3A_231, %add3A_257 : vector<16xf32>
        %mul3A_259 = arith.constant 5.000000e-01 : f32
        %mul3A_260 = vector.broadcast %mul3A_259 : f32 to vector<16xf32>
        %mul3A_261 = arith.mulf %add3A_258, %mul3A_260 : vector<16xf32>
        %mul3A_262 = arith.constant 6.300000e+01 : f32
        %mul3A_263 = vector.broadcast %mul3A_262 : f32 to vector<16xf32>
        %mul3A_264 = arith.mulf %mul3A_261, %mul3A_263 : vector<16xf32>
        %jit3A_265 = arith.constant 0.000000e+00 : f32
        %jit3A_266 = arith.constant 6.300000e+01 : f32
        %max3A_267 = vector.broadcast %jit3A_265 : f32 to vector<16xf32>
        %max3A_268 = arith.maximumf %max3A_267, %mul3A_264 : vector<16xf32>
        %min3A_269 = vector.broadcast %jit3A_266 : f32 to vector<16xf32>
        %min3A_270 = arith.minimumf %min3A_269, %max3A_268 : vector<16xf32>
        %convert_element_type3A_271 = arith.fptosi %min3A_270 : vector<16xf32> to vector<16xi32>
        %min3A_272 = arith.constant 62 : i32
        %min3A_273 = vector.broadcast %min3A_272 : i32 to vector<16xi32>
        %min3A_274 = arith.minsi %convert_element_type3A_271, %min3A_273 : vector<16xi32>
        %convert_element_type3A_275 = arith.sitofp %min3A_274 : vector<16xi32> to vector<16xf32>
        %sub3A_276 = arith.subf %min3A_270, %convert_element_type3A_275 : vector<16xf32>
        %add3A_277 = arith.constant 1.000000e+00 : f32
        %add3A_278 = vector.broadcast %add3A_277 : f32 to vector<16xf32>
        %add3A_279 = arith.addf %get3A_236, %add3A_278 : vector<16xf32>
        %mul3A_280 = arith.constant 5.000000e-01 : f32
        %mul3A_281 = vector.broadcast %mul3A_280 : f32 to vector<16xf32>
        %mul3A_282 = arith.mulf %add3A_279, %mul3A_281 : vector<16xf32>
        %mul3A_283 = arith.constant 6.300000e+01 : f32
        %mul3A_284 = vector.broadcast %mul3A_283 : f32 to vector<16xf32>
        %mul3A_285 = arith.mulf %mul3A_282, %mul3A_284 : vector<16xf32>
        %jit3A_286 = arith.constant 0.000000e+00 : f32
        %jit3A_287 = arith.constant 6.300000e+01 : f32
        %max3A_288 = vector.broadcast %jit3A_286 : f32 to vector<16xf32>
        %max3A_289 = arith.maximumf %max3A_288, %mul3A_285 : vector<16xf32>
        %min3A_290 = vector.broadcast %jit3A_287 : f32 to vector<16xf32>
        %min3A_291 = arith.minimumf %min3A_290, %max3A_289 : vector<16xf32>
        %convert_element_type3A_292 = arith.fptosi %min3A_291 : vector<16xf32> to vector<16xi32>
        %min3A_293 = arith.constant 62 : i32
        %min3A_294 = vector.broadcast %min3A_293 : i32 to vector<16xi32>
        %min3A_295 = arith.minsi %convert_element_type3A_292, %min3A_294 : vector<16xi32>
        %convert_element_type3A_296 = arith.sitofp %min3A_295 : vector<16xi32> to vector<16xf32>
        %sub3A_297 = arith.subf %min3A_291, %convert_element_type3A_296 : vector<16xf32>
        %shift_left3A = arith.constant 18 : i32
        %shift_left3A_298 = arith.shli %select_n3A_132, %shift_left3A : i32
        %shift_left3A_299 = arith.constant 12 : i32
        %shift_left3A_300 = vector.broadcast %shift_left3A_299 : i32 to vector<16xi32>
        %shift_left3A_301 = arith.shli %min3A_295, %shift_left3A_300 : vector<16xi32>
        %add3A_302 = vector.broadcast %shift_left3A_298 : i32 to vector<16xi32>
        %add3A_303 = arith.addi %add3A_302, %shift_left3A_301 : vector<16xi32>
        %shift_left3A_304 = arith.constant 6 : i32
        %shift_left3A_305 = vector.broadcast %shift_left3A_304 : i32 to vector<16xi32>
        %shift_left3A_306 = arith.shli %min3A_274, %shift_left3A_305 : vector<16xi32>
        %add3A_307 = arith.addi %add3A_303, %shift_left3A_306 : vector<16xi32>
        %add3A_308 = arith.addi %add3A_307, %min3A_253 : vector<16xi32>
        %add3A_309 = arith.constant 0 : i32
        %add3A_310 = vector.broadcast %add3A_309 : i32 to vector<16xi32>
        %add3A_311 = arith.addi %add3A_308, %add3A_310 : vector<16xi32>
        %swap3A = arith.constant 0 : i32
        %swap3A_312 = arith.index_cast %select_n3A_105 : i32 to index
        %swap3A_313 = arith.index_cast %swap3A : i32 to index
        %swap3A_314 = arith.constant 0 : index
        %swap3A_315 = tpu.vector_load %arg7[%swap3A_312, %swap3A_313, %swap3A_314] {strides = array<i32>} : memref<2x8x80xi32, #tpu.memory_space<vmem>>, vector<16xi32>,
        tpu.vector_store %arg7[%swap3A_312, %swap3A_313, %swap3A_314], %add3A_311 {strides = array<i32>} : memref<2x8x80xi32, #tpu.memory_space<vmem>>, vector<16xi32>,
        %add3A_316 = arith.constant 64 : i32
        %add3A_317 = vector.broadcast %add3A_316 : i32 to vector<16xi32>
        %add3A_318 = arith.addi %add3A_308, %add3A_317 : vector<16xi32>
        %swap3A_319 = arith.constant 1 : i32
        %swap3A_320 = arith.index_cast %select_n3A_105 : i32 to index
        %swap3A_321 = arith.index_cast %swap3A_319 : i32 to index
        %swap3A_322 = arith.constant 0 : index
        %swap3A_323 = tpu.vector_load %arg7[%swap3A_320, %swap3A_321, %swap3A_322] {strides = array<i32>} : memref<2x8x80xi32, #tpu.memory_space<vmem>>, vector<16xi32>,
        tpu.vector_store %arg7[%swap3A_320, %swap3A_321, %swap3A_322], %add3A_318 {strides = array<i32>} : memref<2x8x80xi32, #tpu.memory_space<vmem>>, vector<16xi32>,
        %add3A_324 = arith.constant 4096 : i32
        %add3A_325 = vector.broadcast %add3A_324 : i32 to vector<16xi32>
        %add3A_326 = arith.addi %add3A_308, %add3A_325 : vector<16xi32>
        %swap3A_327 = arith.constant 2 : i32
        %swap3A_328 = arith.index_cast %select_n3A_105 : i32 to index
        %swap3A_329 = arith.index_cast %swap3A_327 : i32 to index
        %swap3A_330 = arith.constant 0 : index
        %swap3A_331 = tpu.vector_load %arg7[%swap3A_328, %swap3A_329, %swap3A_330] {strides = array<i32>} : memref<2x8x80xi32, #tpu.memory_space<vmem>>, vector<16xi32>,
        tpu.vector_store %arg7[%swap3A_328, %swap3A_329, %swap3A_330], %add3A_326 {strides = array<i32>} : memref<2x8x80xi32, #tpu.memory_space<vmem>>, vector<16xi32>,
        %add3A_332 = arith.constant 4160 : i32
        %add3A_333 = vector.broadcast %add3A_332 : i32 to vector<16xi32>
        %add3A_334 = arith.addi %add3A_308, %add3A_333 : vector<16xi32>
        %swap3A_335 = arith.constant 3 : i32
        %swap3A_336 = arith.index_cast %select_n3A_105 : i32 to index
        %swap3A_337 = arith.index_cast %swap3A_335 : i32 to index
        %swap3A_338 = arith.constant 0 : index
        %swap3A_339 = tpu.vector_load %arg7[%swap3A_336, %swap3A_337, %swap3A_338] {strides = array<i32>} : memref<2x8x80xi32, #tpu.memory_space<vmem>>, vector<16xi32>,
        tpu.vector_store %arg7[%swap3A_336, %swap3A_337, %swap3A_338], %add3A_334 {strides = array<i32>} : memref<2x8x80xi32, #tpu.memory_space<vmem>>, vector<16xi32>,
        %add3A_340 = arith.constant 1 : i32
        %add3A_341 = vector.broadcast %add3A_340 : i32 to vector<16xi32>
        %add3A_342 = arith.addi %add3A_308, %add3A_341 : vector<16xi32>
        %swap3A_343 = arith.constant 4 : i32
        %swap3A_344 = arith.index_cast %select_n3A_105 : i32 to index
        %swap3A_345 = arith.index_cast %swap3A_343 : i32 to index
        %swap3A_346 = arith.constant 0 : index
        %swap3A_347 = tpu.vector_load %arg7[%swap3A_344, %swap3A_345, %swap3A_346] {strides = array<i32>} : memref<2x8x80xi32, #tpu.memory_space<vmem>>, vector<16xi32>,
        tpu.vector_store %arg7[%swap3A_344, %swap3A_345, %swap3A_346], %add3A_342 {strides = array<i32>} : memref<2x8x80xi32, #tpu.memory_space<vmem>>, vector<16xi32>,
        %add3A_348 = arith.constant 65 : i32
        %add3A_349 = vector.broadcast %add3A_348 : i32 to vector<16xi32>
        %add3A_350 = arith.addi %add3A_308, %add3A_349 : vector<16xi32>
        %swap3A_351 = arith.constant 5 : i32
        %swap3A_352 = arith.index_cast %select_n3A_105 : i32 to index
        %swap3A_353 = arith.index_cast %swap3A_351 : i32 to index
        %swap3A_354 = arith.constant 0 : index
        %swap3A_355 = tpu.vector_load %arg7[%swap3A_352, %swap3A_353, %swap3A_354] {strides = array<i32>} : memref<2x8x80xi32, #tpu.memory_space<vmem>>, vector<16xi32>,
        tpu.vector_store %arg7[%swap3A_352, %swap3A_353, %swap3A_354], %add3A_350 {strides = array<i32>} : memref<2x8x80xi32, #tpu.memory_space<vmem>>, vector<16xi32>,
        %add3A_356 = arith.constant 4097 : i32
        %add3A_357 = vector.broadcast %add3A_356 : i32 to vector<16xi32>
        %add3A_358 = arith.addi %add3A_308, %add3A_357 : vector<16xi32>
        %swap3A_359 = arith.constant 6 : i32
        %swap3A_360 = arith.index_cast %select_n3A_105 : i32 to index
        %swap3A_361 = arith.index_cast %swap3A_359 : i32 to index
        %swap3A_362 = arith.constant 0 : index
        %swap3A_363 = tpu.vector_load %arg7[%swap3A_360, %swap3A_361, %swap3A_362] {strides = array<i32>} : memref<2x8x80xi32, #tpu.memory_space<vmem>>, vector<16xi32>,
        tpu.vector_store %arg7[%swap3A_360, %swap3A_361, %swap3A_362], %add3A_358 {strides = array<i32>} : memref<2x8x80xi32, #tpu.memory_space<vmem>>, vector<16xi32>,
        %add3A_364 = arith.constant 4161 : i32
        %add3A_365 = vector.broadcast %add3A_364 : i32 to vector<16xi32>
        %add3A_366 = arith.addi %add3A_308, %add3A_365 : vector<16xi32>
        %swap3A_367 = arith.constant 7 : i32
        %swap3A_368 = arith.index_cast %select_n3A_105 : i32 to index
        %swap3A_369 = arith.index_cast %swap3A_367 : i32 to index
        %swap3A_370 = arith.constant 0 : index
        %swap3A_371 = tpu.vector_load %arg7[%swap3A_368, %swap3A_369, %swap3A_370] {strides = array<i32>} : memref<2x8x80xi32, #tpu.memory_space<vmem>>, vector<16xi32>,
        tpu.vector_store %arg7[%swap3A_368, %swap3A_369, %swap3A_370], %add3A_366 {strides = array<i32>} : memref<2x8x80xi32, #tpu.memory_space<vmem>>, vector<16xi32>,
        %sub3A_372 = arith.constant 1.000000e+00 : f32
        %sub3A_373 = vector.broadcast %sub3A_372 : f32 to vector<16xf32>
        %sub3A_374 = arith.subf %sub3A_373, %sub3A_276 : vector<16xf32>
        %sub3A_375 = arith.constant 1.000000e+00 : f32
        %sub3A_376 = vector.broadcast %sub3A_375 : f32 to vector<16xf32>
        %sub3A_377 = arith.subf %sub3A_376, %sub3A_297 : vector<16xf32>
        %swap3A_378 = arith.index_cast %select_n3A_105 : i32 to index
        %swap3A_379 = arith.constant 0 : index
        %swap3A_380 = tpu.vector_load %arg9[%swap3A_378, %swap3A_379] {strides = array<i32>} : memref<2x400xf32, #tpu.memory_space<vmem>>, vector<16xf32>,
        tpu.vector_store %arg9[%swap3A_378, %swap3A_379], %sub3A_255 {strides = array<i32>} : memref<2x400xf32, #tpu.memory_space<vmem>>, vector<16xf32>,
        %mul3A_381 = arith.mulf %sub3A_377, %sub3A_374 : vector<16xf32>
        %swap3A_382 = arith.index_cast %select_n3A_105 : i32 to index
        %swap3A_383 = arith.constant 80 : index
        %swap3A_384 = tpu.vector_load %arg9[%swap3A_382, %swap3A_383] {strides = array<i32>} : memref<2x400xf32, #tpu.memory_space<vmem>>, vector<16xf32>,
        tpu.vector_store %arg9[%swap3A_382, %swap3A_383], %mul3A_381 {strides = array<i32>} : memref<2x400xf32, #tpu.memory_space<vmem>>, vector<16xf32>,
        %mul3A_385 = arith.mulf %sub3A_377, %sub3A_276 : vector<16xf32>
        %swap3A_386 = arith.index_cast %select_n3A_105 : i32 to index
        %swap3A_387 = arith.constant 160 : index
        %swap3A_388 = tpu.vector_load %arg9[%swap3A_386, %swap3A_387] {strides = array<i32>} : memref<2x400xf32, #tpu.memory_space<vmem>>, vector<16xf32>,
        tpu.vector_store %arg9[%swap3A_386, %swap3A_387], %mul3A_385 {strides = array<i32>} : memref<2x400xf32, #tpu.memory_space<vmem>>, vector<16xf32>,
        %mul3A_389 = arith.mulf %sub3A_297, %sub3A_374 : vector<16xf32>
        %swap3A_390 = arith.index_cast %select_n3A_105 : i32 to index
        %swap3A_391 = arith.constant 240 : index
        %swap3A_392 = tpu.vector_load %arg9[%swap3A_390, %swap3A_391] {strides = array<i32>} : memref<2x400xf32, #tpu.memory_space<vmem>>, vector<16xf32>,
        tpu.vector_store %arg9[%swap3A_390, %swap3A_391], %mul3A_389 {strides = array<i32>} : memref<2x400xf32, #tpu.memory_space<vmem>>, vector<16xf32>,
        %mul3A_393 = arith.mulf %sub3A_297, %sub3A_276 : vector<16xf32>
        %swap3A_394 = arith.index_cast %select_n3A_105 : i32 to index
        %swap3A_395 = arith.constant 320 : index
        %swap3A_396 = tpu.vector_load %arg9[%swap3A_394, %swap3A_395] {strides = array<i32>} : memref<2x400xf32, #tpu.memory_space<vmem>>, vector<16xf32>,
        tpu.vector_store %arg9[%swap3A_394, %swap3A_395], %mul3A_393 {strides = array<i32>} : memref<2x400xf32, #tpu.memory_space<vmem>>, vector<16xf32>,
        %get3A_397 = arith.constant 0 : i32
        %get3A_398 = arith.index_cast %select_n3A_105 : i32 to index
        %get3A_399 = arith.index_cast %get3A_397 : i32 to index
        %get3A_400 = arith.constant 16 : index
        %get3A_401 = tpu.vector_load %arg10[%get3A_398, %get3A_399, %get3A_400] {strides = array<i32>} : memref<2x3x80xf32, #tpu.memory_space<vmem>>, vector<16xf32>,
        %get3A_402 = arith.constant 1 : i32
        %get3A_403 = arith.index_cast %select_n3A_105 : i32 to index
        %get3A_404 = arith.index_cast %get3A_402 : i32 to index
        %get3A_405 = arith.constant 16 : index
        %get3A_406 = tpu.vector_load %arg10[%get3A_403, %get3A_404, %get3A_405] {strides = array<i32>} : memref<2x3x80xf32, #tpu.memory_space<vmem>>, vector<16xf32>,
        %get3A_407 = arith.constant 2 : i32
        %get3A_408 = arith.index_cast %select_n3A_105 : i32 to index
        %get3A_409 = arith.index_cast %get3A_407 : i32 to index
        %get3A_410 = arith.constant 16 : index
        %get3A_411 = tpu.vector_load %arg10[%get3A_408, %get3A_409, %get3A_410] {strides = array<i32>} : memref<2x3x80xf32, #tpu.memory_space<vmem>>, vector<16xf32>,
        %add3A_412 = arith.constant 1.000000e+00 : f32
        %add3A_413 = vector.broadcast %add3A_412 : f32 to vector<16xf32>
        %add3A_414 = arith.addf %get3A_401, %add3A_413 : vector<16xf32>
        %mul3A_415 = arith.constant 5.000000e-01 : f32
        %mul3A_416 = vector.broadcast %mul3A_415 : f32 to vector<16xf32>
        %mul3A_417 = arith.mulf %add3A_414, %mul3A_416 : vector<16xf32>
        %mul3A_418 = arith.constant 6.300000e+01 : f32
        %mul3A_419 = vector.broadcast %mul3A_418 : f32 to vector<16xf32>
        %mul3A_420 = arith.mulf %mul3A_417, %mul3A_419 : vector<16xf32>
        %jit3A_421 = arith.constant 0.000000e+00 : f32
        %jit3A_422 = arith.constant 6.300000e+01 : f32
        %max3A_423 = vector.broadcast %jit3A_421 : f32 to vector<16xf32>
        %max3A_424 = arith.maximumf %max3A_423, %mul3A_420 : vector<16xf32>
        %min3A_425 = vector.broadcast %jit3A_422 : f32 to vector<16xf32>
        %min3A_426 = arith.minimumf %min3A_425, %max3A_424 : vector<16xf32>
        %convert_element_type3A_427 = arith.fptosi %min3A_426 : vector<16xf32> to vector<16xi32>
        %min3A_428 = arith.constant 62 : i32
        %min3A_429 = vector.broadcast %min3A_428 : i32 to vector<16xi32>
        %min3A_430 = arith.minsi %convert_element_type3A_427, %min3A_429 : vector<16xi32>
        %convert_element_type3A_431 = arith.sitofp %min3A_430 : vector<16xi32> to vector<16xf32>
        %sub3A_432 = arith.subf %min3A_426, %convert_element_type3A_431 : vector<16xf32>
        %add3A_433 = arith.constant 1.000000e+00 : f32
        %add3A_434 = vector.broadcast %add3A_433 : f32 to vector<16xf32>
        %add3A_435 = arith.addf %get3A_406, %add3A_434 : vector<16xf32>
        %mul3A_436 = arith.constant 5.000000e-01 : f32
        %mul3A_437 = vector.broadcast %mul3A_436 : f32 to vector<16xf32>
        %mul3A_438 = arith.mulf %add3A_435, %mul3A_437 : vector<16xf32>
        %mul3A_439 = arith.constant 6.300000e+01 : f32
        %mul3A_440 = vector.broadcast %mul3A_439 : f32 to vector<16xf32>
        %mul3A_441 = arith.mulf %mul3A_438, %mul3A_440 : vector<16xf32>
        %jit3A_442 = arith.constant 0.000000e+00 : f32
        %jit3A_443 = arith.constant 6.300000e+01 : f32
        %max3A_444 = vector.broadcast %jit3A_442 : f32 to vector<16xf32>
        %max3A_445 = arith.maximumf %max3A_444, %mul3A_441 : vector<16xf32>
        %min3A_446 = vector.broadcast %jit3A_443 : f32 to vector<16xf32>
        %min3A_447 = arith.minimumf %min3A_446, %max3A_445 : vector<16xf32>
        %convert_element_type3A_448 = arith.fptosi %min3A_447 : vector<16xf32> to vector<16xi32>
        %min3A_449 = arith.constant 62 : i32
        %min3A_450 = vector.broadcast %min3A_449 : i32 to vector<16xi32>
        %min3A_451 = arith.minsi %convert_element_type3A_448, %min3A_450 : vector<16xi32>
        %convert_element_type3A_452 = arith.sitofp %min3A_451 : vector<16xi32> to vector<16xf32>
        %sub3A_453 = arith.subf %min3A_447, %convert_element_type3A_452 : vector<16xf32>
        %add3A_454 = arith.constant 1.000000e+00 : f32
        %add3A_455 = vector.broadcast %add3A_454 : f32 to vector<16xf32>
        %add3A_456 = arith.addf %get3A_411, %add3A_455 : vector<16xf32>
        %mul3A_457 = arith.constant 5.000000e-01 : f32
        %mul3A_458 = vector.broadcast %mul3A_457 : f32 to vector<16xf32>
        %mul3A_459 = arith.mulf %add3A_456, %mul3A_458 : vector<16xf32>
        %mul3A_460 = arith.constant 6.300000e+01 : f32
        %mul3A_461 = vector.broadcast %mul3A_460 : f32 to vector<16xf32>
        %mul3A_462 = arith.mulf %mul3A_459, %mul3A_461 : vector<16xf32>
        %jit3A_463 = arith.constant 0.000000e+00 : f32
        %jit3A_464 = arith.constant 6.300000e+01 : f32
        %max3A_465 = vector.broadcast %jit3A_463 : f32 to vector<16xf32>
        %max3A_466 = arith.maximumf %max3A_465, %mul3A_462 : vector<16xf32>
        %min3A_467 = vector.broadcast %jit3A_464 : f32 to vector<16xf32>
        %min3A_468 = arith.minimumf %min3A_467, %max3A_466 : vector<16xf32>
        %convert_element_type3A_469 = arith.fptosi %min3A_468 : vector<16xf32> to vector<16xi32>
        %min3A_470 = arith.constant 62 : i32
        %min3A_471 = vector.broadcast %min3A_470 : i32 to vector<16xi32>
        %min3A_472 = arith.minsi %convert_element_type3A_469, %min3A_471 : vector<16xi32>
        %convert_element_type3A_473 = arith.sitofp %min3A_472 : vector<16xi32> to vector<16xf32>
        %sub3A_474 = arith.subf %min3A_468, %convert_element_type3A_473 : vector<16xf32>
        %shift_left3A_475 = arith.constant 18 : i32
        %shift_left3A_476 = arith.shli %select_n3A_132, %shift_left3A_475 : i32
        %shift_left3A_477 = arith.constant 12 : i32
        %shift_left3A_478 = vector.broadcast %shift_left3A_477 : i32 to vector<16xi32>
        %shift_left3A_479 = arith.shli %min3A_472, %shift_left3A_478 : vector<16xi32>
        %add3A_480 = vector.broadcast %shift_left3A_476 : i32 to vector<16xi32>
        %add3A_481 = arith.addi %add3A_480, %shift_left3A_479 : vector<16xi32>
        %shift_left3A_482 = arith.constant 6 : i32
        %shift_left3A_483 = vector.broadcast %shift_left3A_482 : i32 to vector<16xi32>
        %shift_left3A_484 = arith.shli %min3A_451, %shift_left3A_483 : vector<16xi32>
        %add3A_485 = arith.addi %add3A_481, %shift_left3A_484 : vector<16xi32>
        %add3A_486 = arith.addi %add3A_485, %min3A_430 : vector<16xi32>
        %add3A_487 = arith.constant 0 : i32
        %add3A_488 = vector.broadcast %add3A_487 : i32 to vector<16xi32>
        %add3A_489 = arith.addi %add3A_486, %add3A_488 : vector<16xi32>
        %swap3A_490 = arith.constant 0 : i32
        %swap3A_491 = arith.index_cast %select_n3A_105 : i32 to index
        %swap3A_492 = arith.index_cast %swap3A_490 : i32 to index
        %swap3A_493 = arith.constant 16 : index
        %swap3A_494 = tpu.vector_load %arg7[%swap3A_491, %swap3A_492, %swap3A_493] {strides = array<i32>} : memref<2x8x80xi32, #tpu.memory_space<vmem>>, vector<16xi32>,
        tpu.vector_store %arg7[%swap3A_491, %swap3A_492, %swap3A_493], %add3A_489 {strides = array<i32>} : memref<2x8x80xi32, #tpu.memory_space<vmem>>, vector<16xi32>,
        %add3A_495 = arith.constant 64 : i32
        %add3A_496 = vector.broadcast %add3A_495 : i32 to vector<16xi32>
        %add3A_497 = arith.addi %add3A_486, %add3A_496 : vector<16xi32>
        %swap3A_498 = arith.constant 1 : i32
        %swap3A_499 = arith.index_cast %select_n3A_105 : i32 to index
        %swap3A_500 = arith.index_cast %swap3A_498 : i32 to index
        %swap3A_501 = arith.constant 16 : index
        %swap3A_502 = tpu.vector_load %arg7[%swap3A_499, %swap3A_500, %swap3A_501] {strides = array<i32>} : memref<2x8x80xi32, #tpu.memory_space<vmem>>, vector<16xi32>,
        tpu.vector_store %arg7[%swap3A_499, %swap3A_500, %swap3A_501], %add3A_497 {strides = array<i32>} : memref<2x8x80xi32, #tpu.memory_space<vmem>>, vector<16xi32>,
        %add3A_503 = arith.constant 4096 : i32
        %add3A_504 = vector.broadcast %add3A_503 : i32 to vector<16xi32>
        %add3A_505 = arith.addi %add3A_486, %add3A_504 : vector<16xi32>
        %swap3A_506 = arith.constant 2 : i32
        %swap3A_507 = arith.index_cast %select_n3A_105 : i32 to index
        %swap3A_508 = arith.index_cast %swap3A_506 : i32 to index
        %swap3A_509 = arith.constant 16 : index
        %swap3A_510 = tpu.vector_load %arg7[%swap3A_507, %swap3A_508, %swap3A_509] {strides = array<i32>} : memref<2x8x80xi32, #tpu.memory_space<vmem>>, vector<16xi32>,
        tpu.vector_store %arg7[%swap3A_507, %swap3A_508, %swap3A_509], %add3A_505 {strides = array<i32>} : memref<2x8x80xi32, #tpu.memory_space<vmem>>, vector<16xi32>,
        %add3A_511 = arith.constant 4160 : i32
        %add3A_512 = vector.broadcast %add3A_511 : i32 to vector<16xi32>
        %add3A_513 = arith.addi %add3A_486, %add3A_512 : vector<16xi32>
        %swap3A_514 = arith.constant 3 : i32
        %swap3A_515 = arith.index_cast %select_n3A_105 : i32 to index
        %swap3A_516 = arith.index_cast %swap3A_514 : i32 to index
        %swap3A_517 = arith.constant 16 : index
        %swap3A_518 = tpu.vector_load %arg7[%swap3A_515, %swap3A_516, %swap3A_517] {strides = array<i32>} : memref<2x8x80xi32, #tpu.memory_space<vmem>>, vector<16xi32>,
        tpu.vector_store %arg7[%swap3A_515, %swap3A_516, %swap3A_517], %add3A_513 {strides = array<i32>} : memref<2x8x80xi32, #tpu.memory_space<vmem>>, vector<16xi32>,
        %add3A_519 = arith.constant 1 : i32
        %add3A_520 = vector.broadcast %add3A_519 : i32 to vector<16xi32>
        %add3A_521 = arith.addi %add3A_486, %add3A_520 : vector<16xi32>
        %swap3A_522 = arith.constant 4 : i32
        %swap3A_523 = arith.index_cast %select_n3A_105 : i32 to index
        %swap3A_524 = arith.index_cast %swap3A_522 : i32 to index
        %swap3A_525 = arith.constant 16 : index
        %swap3A_526 = tpu.vector_load %arg7[%swap3A_523, %swap3A_524, %swap3A_525] {strides = array<i32>} : memref<2x8x80xi32, #tpu.memory_space<vmem>>, vector<16xi32>,
        tpu.vector_store %arg7[%swap3A_523, %swap3A_524, %swap3A_525], %add3A_521 {strides = array<i32>} : memref<2x8x80xi32, #tpu.memory_space<vmem>>, vector<16xi32>,
        %add3A_527 = arith.constant 65 : i32
        %add3A_528 = vector.broadcast %add3A_527 : i32 to vector<16xi32>
        %add3A_529 = arith.addi %add3A_486, %add3A_528 : vector<16xi32>
        %swap3A_530 = arith.constant 5 : i32
        %swap3A_531 = arith.index_cast %select_n3A_105 : i32 to index
        %swap3A_532 = arith.index_cast %swap3A_530 : i32 to index
        %swap3A_533 = arith.constant 16 : index
        %swap3A_534 = tpu.vector_load %arg7[%swap3A_531, %swap3A_532, %swap3A_533] {strides = array<i32>} : memref<2x8x80xi32, #tpu.memory_space<vmem>>, vector<16xi32>,
        tpu.vector_store %arg7[%swap3A_531, %swap3A_532, %swap3A_533], %add3A_529 {strides = array<i32>} : memref<2x8x80xi32, #tpu.memory_space<vmem>>, vector<16xi32>,
        %add3A_535 = arith.constant 4097 : i32
        %add3A_536 = vector.broadcast %add3A_535 : i32 to vector<16xi32>
        %add3A_537 = arith.addi %add3A_486, %add3A_536 : vector<16xi32>
        %swap3A_538 = arith.constant 6 : i32
        %swap3A_539 = arith.index_cast %select_n3A_105 : i32 to index
        %swap3A_540 = arith.index_cast %swap3A_538 : i32 to index
        %swap3A_541 = arith.constant 16 : index
        %swap3A_542 = tpu.vector_load %arg7[%swap3A_539, %swap3A_540, %swap3A_541] {strides = array<i32>} : memref<2x8x80xi32, #tpu.memory_space<vmem>>, vector<16xi32>,
        tpu.vector_store %arg7[%swap3A_539, %swap3A_540, %swap3A_541], %add3A_537 {strides = array<i32>} : memref<2x8x80xi32, #tpu.memory_space<vmem>>, vector<16xi32>,
        %add3A_543 = arith.constant 4161 : i32
        %add3A_544 = vector.broadcast %add3A_543 : i32 to vector<16xi32>
        %add3A_545 = arith.addi %add3A_486, %add3A_544 : vector<16xi32>
        %swap3A_546 = arith.constant 7 : i32
        %swap3A_547 = arith.index_cast %select_n3A_105 : i32 to index
        %swap3A_548 = arith.index_cast %swap3A_546 : i32 to index
        %swap3A_549 = arith.constant 16 : index
        %swap3A_550 = tpu.vector_load %arg7[%swap3A_547, %swap3A_548, %swap3A_549] {strides = array<i32>} : memref<2x8x80xi32, #tpu.memory_space<vmem>>, vector<16xi32>,
        tpu.vector_store %arg7[%swap3A_547, %swap3A_548, %swap3A_549], %add3A_545 {strides = array<i32>} : memref<2x8x80xi32, #tpu.memory_space<vmem>>, vector<16xi32>,
        %sub3A_551 = arith.constant 1.000000e+00 : f32
        %sub3A_552 = vector.broadcast %sub3A_551 : f32 to vector<16xf32>
        %sub3A_553 = arith.subf %sub3A_552, %sub3A_453 : vector<16xf32>
        %sub3A_554 = arith.constant 1.000000e+00 : f32
        %sub3A_555 = vector.broadcast %sub3A_554 : f32 to vector<16xf32>
        %sub3A_556 = arith.subf %sub3A_555, %sub3A_474 : vector<16xf32>
        %swap3A_557 = arith.index_cast %select_n3A_105 : i32 to index
        %swap3A_558 = arith.constant 16 : index
        %swap3A_559 = tpu.vector_load %arg9[%swap3A_557, %swap3A_558] {strides = array<i32>} : memref<2x400xf32, #tpu.memory_space<vmem>>, vector<16xf32>,
        tpu.vector_store %arg9[%swap3A_557, %swap3A_558], %sub3A_432 {strides = array<i32>} : memref<2x400xf32, #tpu.memory_space<vmem>>, vector<16xf32>,
        %mul3A_560 = arith.mulf %sub3A_556, %sub3A_553 : vector<16xf32>
        %swap3A_561 = arith.index_cast %select_n3A_105 : i32 to index
        %swap3A_562 = arith.constant 96 : index
        %swap3A_563 = tpu.vector_load %arg9[%swap3A_561, %swap3A_562] {strides = array<i32>} : memref<2x400xf32, #tpu.memory_space<vmem>>, vector<16xf32>,
        tpu.vector_store %arg9[%swap3A_561, %swap3A_562], %mul3A_560 {strides = array<i32>} : memref<2x400xf32, #tpu.memory_space<vmem>>, vector<16xf32>,
        %mul3A_564 = arith.mulf %sub3A_556, %sub3A_453 : vector<16xf32>
        %swap3A_565 = arith.index_cast %select_n3A_105 : i32 to index
        %swap3A_566 = arith.constant 176 : index
        %swap3A_567 = tpu.vector_load %arg9[%swap3A_565, %swap3A_566] {strides = array<i32>} : memref<2x400xf32, #tpu.memory_space<vmem>>, vector<16xf32>,
        tpu.vector_store %arg9[%swap3A_565, %swap3A_566], %mul3A_564 {strides = array<i32>} : memref<2x400xf32, #tpu.memory_space<vmem>>, vector<16xf32>,
        %mul3A_568 = arith.mulf %sub3A_474, %sub3A_553 : vector<16xf32>
        %swap3A_569 = arith.index_cast %select_n3A_105 : i32 to index
        %swap3A_570 = arith.constant 256 : index
        %swap3A_571 = tpu.vector_load %arg9[%swap3A_569, %swap3A_570] {strides = array<i32>} : memref<2x400xf32, #tpu.memory_space<vmem>>, vector<16xf32>,
        tpu.vector_store %arg9[%swap3A_569, %swap3A_570], %mul3A_568 {strides = array<i32>} : memref<2x400xf32, #tpu.memory_space<vmem>>, vector<16xf32>,
        %mul3A_572 = arith.mulf %sub3A_474, %sub3A_453 : vector<16xf32>
        %swap3A_573 = arith.index_cast %select_n3A_105 : i32 to index
        %swap3A_574 = arith.constant 336 : index
        %swap3A_575 = tpu.vector_load %arg9[%swap3A_573, %swap3A_574] {strides = array<i32>} : memref<2x400xf32, #tpu.memory_space<vmem>>, vector<16xf32>,
        tpu.vector_store %arg9[%swap3A_573, %swap3A_574], %mul3A_572 {strides = array<i32>} : memref<2x400xf32, #tpu.memory_space<vmem>>, vector<16xf32>,
        %get3A_576 = arith.constant 0 : i32
        %get3A_577 = arith.index_cast %select_n3A_105 : i32 to index
        %get3A_578 = arith.index_cast %get3A_576 : i32 to index
        %get3A_579 = arith.constant 32 : index
        %get3A_580 = tpu.vector_load %arg10[%get3A_577, %get3A_578, %get3A_579] {strides = array<i32>} : memref<2x3x80xf32, #tpu.memory_space<vmem>>, vector<16xf32>,
        %get3A_581 = arith.constant 1 : i32
        %get3A_582 = arith.index_cast %select_n3A_105 : i32 to index
        %get3A_583 = arith.index_cast %get3A_581 : i32 to index
        %get3A_584 = arith.constant 32 : index
        %get3A_585 = tpu.vector_load %arg10[%get3A_582, %get3A_583, %get3A_584] {strides = array<i32>} : memref<2x3x80xf32, #tpu.memory_space<vmem>>, vector<16xf32>,
        %get3A_586 = arith.constant 2 : i32
        %get3A_587 = arith.index_cast %select_n3A_105 : i32 to index
        %get3A_588 = arith.index_cast %get3A_586 : i32 to index
        %get3A_589 = arith.constant 32 : index
        %get3A_590 = tpu.vector_load %arg10[%get3A_587, %get3A_588, %get3A_589] {strides = array<i32>} : memref<2x3x80xf32, #tpu.memory_space<vmem>>, vector<16xf32>,
        %add3A_591 = arith.constant 1.000000e+00 : f32
        %add3A_592 = vector.broadcast %add3A_591 : f32 to vector<16xf32>
        %add3A_593 = arith.addf %get3A_580, %add3A_592 : vector<16xf32>
        %mul3A_594 = arith.constant 5.000000e-01 : f32
        %mul3A_595 = vector.broadcast %mul3A_594 : f32 to vector<16xf32>
        %mul3A_596 = arith.mulf %add3A_593, %mul3A_595 : vector<16xf32>
        %mul3A_597 = arith.constant 6.300000e+01 : f32
        %mul3A_598 = vector.broadcast %mul3A_597 : f32 to vector<16xf32>
        %mul3A_599 = arith.mulf %mul3A_596, %mul3A_598 : vector<16xf32>
        %jit3A_600 = arith.constant 0.000000e+00 : f32
        %jit3A_601 = arith.constant 6.300000e+01 : f32
        %max3A_602 = vector.broadcast %jit3A_600 : f32 to vector<16xf32>
        %max3A_603 = arith.maximumf %max3A_602, %mul3A_599 : vector<16xf32>
        %min3A_604 = vector.broadcast %jit3A_601 : f32 to vector<16xf32>
        %min3A_605 = arith.minimumf %min3A_604, %max3A_603 : vector<16xf32>
        %convert_element_type3A_606 = arith.fptosi %min3A_605 : vector<16xf32> to vector<16xi32>
        %min3A_607 = arith.constant 62 : i32
        %min3A_608 = vector.broadcast %min3A_607 : i32 to vector<16xi32>
        %min3A_609 = arith.minsi %convert_element_type3A_606, %min3A_608 : vector<16xi32>
        %convert_element_type3A_610 = arith.sitofp %min3A_609 : vector<16xi32> to vector<16xf32>
        %sub3A_611 = arith.subf %min3A_605, %convert_element_type3A_610 : vector<16xf32>
        %add3A_612 = arith.constant 1.000000e+00 : f32
        %add3A_613 = vector.broadcast %add3A_612 : f32 to vector<16xf32>
        %add3A_614 = arith.addf %get3A_585, %add3A_613 : vector<16xf32>
        %mul3A_615 = arith.constant 5.000000e-01 : f32
        %mul3A_616 = vector.broadcast %mul3A_615 : f32 to vector<16xf32>
        %mul3A_617 = arith.mulf %add3A_614, %mul3A_616 : vector<16xf32>
        %mul3A_618 = arith.constant 6.300000e+01 : f32
        %mul3A_619 = vector.broadcast %mul3A_618 : f32 to vector<16xf32>
        %mul3A_620 = arith.mulf %mul3A_617, %mul3A_619 : vector<16xf32>
        %jit3A_621 = arith.constant 0.000000e+00 : f32
        %jit3A_622 = arith.constant 6.300000e+01 : f32
        %max3A_623 = vector.broadcast %jit3A_621 : f32 to vector<16xf32>
        %max3A_624 = arith.maximumf %max3A_623, %mul3A_620 : vector<16xf32>
        %min3A_625 = vector.broadcast %jit3A_622 : f32 to vector<16xf32>
        %min3A_626 = arith.minimumf %min3A_625, %max3A_624 : vector<16xf32>
        %convert_element_type3A_627 = arith.fptosi %min3A_626 : vector<16xf32> to vector<16xi32>
        %min3A_628 = arith.constant 62 : i32
        %min3A_629 = vector.broadcast %min3A_628 : i32 to vector<16xi32>
        %min3A_630 = arith.minsi %convert_element_type3A_627, %min3A_629 : vector<16xi32>
        %convert_element_type3A_631 = arith.sitofp %min3A_630 : vector<16xi32> to vector<16xf32>
        %sub3A_632 = arith.subf %min3A_626, %convert_element_type3A_631 : vector<16xf32>
        %add3A_633 = arith.constant 1.000000e+00 : f32
        %add3A_634 = vector.broadcast %add3A_633 : f32 to vector<16xf32>
        %add3A_635 = arith.addf %get3A_590, %add3A_634 : vector<16xf32>
        %mul3A_636 = arith.constant 5.000000e-01 : f32
        %mul3A_637 = vector.broadcast %mul3A_636 : f32 to vector<16xf32>
        %mul3A_638 = arith.mulf %add3A_635, %mul3A_637 : vector<16xf32>
        %mul3A_639 = arith.constant 6.300000e+01 : f32
        %mul3A_640 = vector.broadcast %mul3A_639 : f32 to vector<16xf32>
        %mul3A_641 = arith.mulf %mul3A_638, %mul3A_640 : vector<16xf32>
        %jit3A_642 = arith.constant 0.000000e+00 : f32
        %jit3A_643 = arith.constant 6.300000e+01 : f32
        %max3A_644 = vector.broadcast %jit3A_642 : f32 to vector<16xf32>
        %max3A_645 = arith.maximumf %max3A_644, %mul3A_641 : vector<16xf32>
        %min3A_646 = vector.broadcast %jit3A_643 : f32 to vector<16xf32>
        %min3A_647 = arith.minimumf %min3A_646, %max3A_645 : vector<16xf32>
        %convert_element_type3A_648 = arith.fptosi %min3A_647 : vector<16xf32> to vector<16xi32>
        %min3A_649 = arith.constant 62 : i32
        %min3A_650 = vector.broadcast %min3A_649 : i32 to vector<16xi32>
        %min3A_651 = arith.minsi %convert_element_type3A_648, %min3A_650 : vector<16xi32>
        %convert_element_type3A_652 = arith.sitofp %min3A_651 : vector<16xi32> to vector<16xf32>
        %sub3A_653 = arith.subf %min3A_647, %convert_element_type3A_652 : vector<16xf32>
        %shift_left3A_654 = arith.constant 18 : i32
        %shift_left3A_655 = arith.shli %select_n3A_132, %shift_left3A_654 : i32
        %shift_left3A_656 = arith.constant 12 : i32
        %shift_left3A_657 = vector.broadcast %shift_left3A_656 : i32 to vector<16xi32>
        %shift_left3A_658 = arith.shli %min3A_651, %shift_left3A_657 : vector<16xi32>
        %add3A_659 = vector.broadcast %shift_left3A_655 : i32 to vector<16xi32>
        %add3A_660 = arith.addi %add3A_659, %shift_left3A_658 : vector<16xi32>
        %shift_left3A_661 = arith.constant 6 : i32
        %shift_left3A_662 = vector.broadcast %shift_left3A_661 : i32 to vector<16xi32>
        %shift_left3A_663 = arith.shli %min3A_630, %shift_left3A_662 : vector<16xi32>
        %add3A_664 = arith.addi %add3A_660, %shift_left3A_663 : vector<16xi32>
        %add3A_665 = arith.addi %add3A_664, %min3A_609 : vector<16xi32>
        %add3A_666 = arith.constant 0 : i32
        %add3A_667 = vector.broadcast %add3A_666 : i32 to vector<16xi32>
        %add3A_668 = arith.addi %add3A_665, %add3A_667 : vector<16xi32>
        %swap3A_669 = arith.constant 0 : i32
        %swap3A_670 = arith.index_cast %select_n3A_105 : i32 to index
        %swap3A_671 = arith.index_cast %swap3A_669 : i32 to index
        %swap3A_672 = arith.constant 32 : index
        %swap3A_673 = tpu.vector_load %arg7[%swap3A_670, %swap3A_671, %swap3A_672] {strides = array<i32>} : memref<2x8x80xi32, #tpu.memory_space<vmem>>, vector<16xi32>,
        tpu.vector_store %arg7[%swap3A_670, %swap3A_671, %swap3A_672], %add3A_668 {strides = array<i32>} : memref<2x8x80xi32, #tpu.memory_space<vmem>>, vector<16xi32>,
        %add3A_674 = arith.constant 64 : i32
        %add3A_675 = vector.broadcast %add3A_674 : i32 to vector<16xi32>
        %add3A_676 = arith.addi %add3A_665, %add3A_675 : vector<16xi32>
        %swap3A_677 = arith.constant 1 : i32
        %swap3A_678 = arith.index_cast %select_n3A_105 : i32 to index
        %swap3A_679 = arith.index_cast %swap3A_677 : i32 to index
        %swap3A_680 = arith.constant 32 : index
        %swap3A_681 = tpu.vector_load %arg7[%swap3A_678, %swap3A_679, %swap3A_680] {strides = array<i32>} : memref<2x8x80xi32, #tpu.memory_space<vmem>>, vector<16xi32>,
        tpu.vector_store %arg7[%swap3A_678, %swap3A_679, %swap3A_680], %add3A_676 {strides = array<i32>} : memref<2x8x80xi32, #tpu.memory_space<vmem>>, vector<16xi32>,
        %add3A_682 = arith.constant 4096 : i32
        %add3A_683 = vector.broadcast %add3A_682 : i32 to vector<16xi32>
        %add3A_684 = arith.addi %add3A_665, %add3A_683 : vector<16xi32>
        %swap3A_685 = arith.constant 2 : i32
        %swap3A_686 = arith.index_cast %select_n3A_105 : i32 to index
        %swap3A_687 = arith.index_cast %swap3A_685 : i32 to index
        %swap3A_688 = arith.constant 32 : index
        %swap3A_689 = tpu.vector_load %arg7[%swap3A_686, %swap3A_687, %swap3A_688] {strides = array<i32>} : memref<2x8x80xi32, #tpu.memory_space<vmem>>, vector<16xi32>,
        tpu.vector_store %arg7[%swap3A_686, %swap3A_687, %swap3A_688], %add3A_684 {strides = array<i32>} : memref<2x8x80xi32, #tpu.memory_space<vmem>>, vector<16xi32>,
        %add3A_690 = arith.constant 4160 : i32
        %add3A_691 = vector.broadcast %add3A_690 : i32 to vector<16xi32>
        %add3A_692 = arith.addi %add3A_665, %add3A_691 : vector<16xi32>
        %swap3A_693 = arith.constant 3 : i32
        %swap3A_694 = arith.index_cast %select_n3A_105 : i32 to index
        %swap3A_695 = arith.index_cast %swap3A_693 : i32 to index
        %swap3A_696 = arith.constant 32 : index
        %swap3A_697 = tpu.vector_load %arg7[%swap3A_694, %swap3A_695, %swap3A_696] {strides = array<i32>} : memref<2x8x80xi32, #tpu.memory_space<vmem>>, vector<16xi32>,
        tpu.vector_store %arg7[%swap3A_694, %swap3A_695, %swap3A_696], %add3A_692 {strides = array<i32>} : memref<2x8x80xi32, #tpu.memory_space<vmem>>, vector<16xi32>,
        %add3A_698 = arith.constant 1 : i32
        %add3A_699 = vector.broadcast %add3A_698 : i32 to vector<16xi32>
        %add3A_700 = arith.addi %add3A_665, %add3A_699 : vector<16xi32>
        %swap3A_701 = arith.constant 4 : i32
        %swap3A_702 = arith.index_cast %select_n3A_105 : i32 to index
        %swap3A_703 = arith.index_cast %swap3A_701 : i32 to index
        %swap3A_704 = arith.constant 32 : index
        %swap3A_705 = tpu.vector_load %arg7[%swap3A_702, %swap3A_703, %swap3A_704] {strides = array<i32>} : memref<2x8x80xi32, #tpu.memory_space<vmem>>, vector<16xi32>,
        tpu.vector_store %arg7[%swap3A_702, %swap3A_703, %swap3A_704], %add3A_700 {strides = array<i32>} : memref<2x8x80xi32, #tpu.memory_space<vmem>>, vector<16xi32>,
        %add3A_706 = arith.constant 65 : i32
        %add3A_707 = vector.broadcast %add3A_706 : i32 to vector<16xi32>
        %add3A_708 = arith.addi %add3A_665, %add3A_707 : vector<16xi32>
        %swap3A_709 = arith.constant 5 : i32
        %swap3A_710 = arith.index_cast %select_n3A_105 : i32 to index
        %swap3A_711 = arith.index_cast %swap3A_709 : i32 to index
        %swap3A_712 = arith.constant 32 : index
        %swap3A_713 = tpu.vector_load %arg7[%swap3A_710, %swap3A_711, %swap3A_712] {strides = array<i32>} : memref<2x8x80xi32, #tpu.memory_space<vmem>>, vector<16xi32>,
        tpu.vector_store %arg7[%swap3A_710, %swap3A_711, %swap3A_712], %add3A_708 {strides = array<i32>} : memref<2x8x80xi32, #tpu.memory_space<vmem>>, vector<16xi32>,
        %add3A_714 = arith.constant 4097 : i32
        %add3A_715 = vector.broadcast %add3A_714 : i32 to vector<16xi32>
        %add3A_716 = arith.addi %add3A_665, %add3A_715 : vector<16xi32>
        %swap3A_717 = arith.constant 6 : i32
        %swap3A_718 = arith.index_cast %select_n3A_105 : i32 to index
        %swap3A_719 = arith.index_cast %swap3A_717 : i32 to index
        %swap3A_720 = arith.constant 32 : index
        %swap3A_721 = tpu.vector_load %arg7[%swap3A_718, %swap3A_719, %swap3A_720] {strides = array<i32>} : memref<2x8x80xi32, #tpu.memory_space<vmem>>, vector<16xi32>,
        tpu.vector_store %arg7[%swap3A_718, %swap3A_719, %swap3A_720], %add3A_716 {strides = array<i32>} : memref<2x8x80xi32, #tpu.memory_space<vmem>>, vector<16xi32>,
        %add3A_722 = arith.constant 4161 : i32
        %add3A_723 = vector.broadcast %add3A_722 : i32 to vector<16xi32>
        %add3A_724 = arith.addi %add3A_665, %add3A_723 : vector<16xi32>
        %swap3A_725 = arith.constant 7 : i32
        %swap3A_726 = arith.index_cast %select_n3A_105 : i32 to index
        %swap3A_727 = arith.index_cast %swap3A_725 : i32 to index
        %swap3A_728 = arith.constant 32 : index
        %swap3A_729 = tpu.vector_load %arg7[%swap3A_726, %swap3A_727, %swap3A_728] {strides = array<i32>} : memref<2x8x80xi32, #tpu.memory_space<vmem>>, vector<16xi32>,
        tpu.vector_store %arg7[%swap3A_726, %swap3A_727, %swap3A_728], %add3A_724 {strides = array<i32>} : memref<2x8x80xi32, #tpu.memory_space<vmem>>, vector<16xi32>,
        %sub3A_730 = arith.constant 1.000000e+00 : f32
        %sub3A_731 = vector.broadcast %sub3A_730 : f32 to vector<16xf32>
        %sub3A_732 = arith.subf %sub3A_731, %sub3A_632 : vector<16xf32>
        %sub3A_733 = arith.constant 1.000000e+00 : f32
        %sub3A_734 = vector.broadcast %sub3A_733 : f32 to vector<16xf32>
        %sub3A_735 = arith.subf %sub3A_734, %sub3A_653 : vector<16xf32>
        %swap3A_736 = arith.index_cast %select_n3A_105 : i32 to index
        %swap3A_737 = arith.constant 32 : index
        %swap3A_738 = tpu.vector_load %arg9[%swap3A_736, %swap3A_737] {strides = array<i32>} : memref<2x400xf32, #tpu.memory_space<vmem>>, vector<16xf32>,
        tpu.vector_store %arg9[%swap3A_736, %swap3A_737], %sub3A_611 {strides = array<i32>} : memref<2x400xf32, #tpu.memory_space<vmem>>, vector<16xf32>,
        %mul3A_739 = arith.mulf %sub3A_735, %sub3A_732 : vector<16xf32>
        %swap3A_740 = arith.index_cast %select_n3A_105 : i32 to index
        %swap3A_741 = arith.constant 112 : index
        %swap3A_742 = tpu.vector_load %arg9[%swap3A_740, %swap3A_741] {strides = array<i32>} : memref<2x400xf32, #tpu.memory_space<vmem>>, vector<16xf32>,
        tpu.vector_store %arg9[%swap3A_740, %swap3A_741], %mul3A_739 {strides = array<i32>} : memref<2x400xf32, #tpu.memory_space<vmem>>, vector<16xf32>,
        %mul3A_743 = arith.mulf %sub3A_735, %sub3A_632 : vector<16xf32>
        %swap3A_744 = arith.index_cast %select_n3A_105 : i32 to index
        %swap3A_745 = arith.constant 192 : index
        %swap3A_746 = tpu.vector_load %arg9[%swap3A_744, %swap3A_745] {strides = array<i32>} : memref<2x400xf32, #tpu.memory_space<vmem>>, vector<16xf32>,
        tpu.vector_store %arg9[%swap3A_744, %swap3A_745], %mul3A_743 {strides = array<i32>} : memref<2x400xf32, #tpu.memory_space<vmem>>, vector<16xf32>,
        %mul3A_747 = arith.mulf %sub3A_653, %sub3A_732 : vector<16xf32>
        %swap3A_748 = arith.index_cast %select_n3A_105 : i32 to index
        %swap3A_749 = arith.constant 272 : index
        %swap3A_750 = tpu.vector_load %arg9[%swap3A_748, %swap3A_749] {strides = array<i32>} : memref<2x400xf32, #tpu.memory_space<vmem>>, vector<16xf32>,
        tpu.vector_store %arg9[%swap3A_748, %swap3A_749], %mul3A_747 {strides = array<i32>} : memref<2x400xf32, #tpu.memory_space<vmem>>, vector<16xf32>,
        %mul3A_751 = arith.mulf %sub3A_653, %sub3A_632 : vector<16xf32>
        %swap3A_752 = arith.index_cast %select_n3A_105 : i32 to index
        %swap3A_753 = arith.constant 352 : index
        %swap3A_754 = tpu.vector_load %arg9[%swap3A_752, %swap3A_753] {strides = array<i32>} : memref<2x400xf32, #tpu.memory_space<vmem>>, vector<16xf32>,
        tpu.vector_store %arg9[%swap3A_752, %swap3A_753], %mul3A_751 {strides = array<i32>} : memref<2x400xf32, #tpu.memory_space<vmem>>, vector<16xf32>,
        %get3A_755 = arith.constant 0 : i32
        %get3A_756 = arith.index_cast %select_n3A_105 : i32 to index
        %get3A_757 = arith.index_cast %get3A_755 : i32 to index
        %get3A_758 = arith.constant 48 : index
        %get3A_759 = tpu.vector_load %arg10[%get3A_756, %get3A_757, %get3A_758] {strides = array<i32>} : memref<2x3x80xf32, #tpu.memory_space<vmem>>, vector<16xf32>,
        %get3A_760 = arith.constant 1 : i32
        %get3A_761 = arith.index_cast %select_n3A_105 : i32 to index
        %get3A_762 = arith.index_cast %get3A_760 : i32 to index
        %get3A_763 = arith.constant 48 : index
        %get3A_764 = tpu.vector_load %arg10[%get3A_761, %get3A_762, %get3A_763] {strides = array<i32>} : memref<2x3x80xf32, #tpu.memory_space<vmem>>, vector<16xf32>,
        %get3A_765 = arith.constant 2 : i32
        %get3A_766 = arith.index_cast %select_n3A_105 : i32 to index
        %get3A_767 = arith.index_cast %get3A_765 : i32 to index
        %get3A_768 = arith.constant 48 : index
        %get3A_769 = tpu.vector_load %arg10[%get3A_766, %get3A_767, %get3A_768] {strides = array<i32>} : memref<2x3x80xf32, #tpu.memory_space<vmem>>, vector<16xf32>,
        %add3A_770 = arith.constant 1.000000e+00 : f32
        %add3A_771 = vector.broadcast %add3A_770 : f32 to vector<16xf32>
        %add3A_772 = arith.addf %get3A_759, %add3A_771 : vector<16xf32>
        %mul3A_773 = arith.constant 5.000000e-01 : f32
        %mul3A_774 = vector.broadcast %mul3A_773 : f32 to vector<16xf32>
        %mul3A_775 = arith.mulf %add3A_772, %mul3A_774 : vector<16xf32>
        %mul3A_776 = arith.constant 6.300000e+01 : f32
        %mul3A_777 = vector.broadcast %mul3A_776 : f32 to vector<16xf32>
        %mul3A_778 = arith.mulf %mul3A_775, %mul3A_777 : vector<16xf32>
        %jit3A_779 = arith.constant 0.000000e+00 : f32
        %jit3A_780 = arith.constant 6.300000e+01 : f32
        %max3A_781 = vector.broadcast %jit3A_779 : f32 to vector<16xf32>
        %max3A_782 = arith.maximumf %max3A_781, %mul3A_778 : vector<16xf32>
        %min3A_783 = vector.broadcast %jit3A_780 : f32 to vector<16xf32>
        %min3A_784 = arith.minimumf %min3A_783, %max3A_782 : vector<16xf32>
        %convert_element_type3A_785 = arith.fptosi %min3A_784 : vector<16xf32> to vector<16xi32>
        %min3A_786 = arith.constant 62 : i32
        %min3A_787 = vector.broadcast %min3A_786 : i32 to vector<16xi32>
        %min3A_788 = arith.minsi %convert_element_type3A_785, %min3A_787 : vector<16xi32>
        %convert_element_type3A_789 = arith.sitofp %min3A_788 : vector<16xi32> to vector<16xf32>
        %sub3A_790 = arith.subf %min3A_784, %convert_element_type3A_789 : vector<16xf32>
        %add3A_791 = arith.constant 1.000000e+00 : f32
        %add3A_792 = vector.broadcast %add3A_791 : f32 to vector<16xf32>
        %add3A_793 = arith.addf %get3A_764, %add3A_792 : vector<16xf32>
        %mul3A_794 = arith.constant 5.000000e-01 : f32
        %mul3A_795 = vector.broadcast %mul3A_794 : f32 to vector<16xf32>
        %mul3A_796 = arith.mulf %add3A_793, %mul3A_795 : vector<16xf32>
        %mul3A_797 = arith.constant 6.300000e+01 : f32
        %mul3A_798 = vector.broadcast %mul3A_797 : f32 to vector<16xf32>
        %mul3A_799 = arith.mulf %mul3A_796, %mul3A_798 : vector<16xf32>
        %jit3A_800 = arith.constant 0.000000e+00 : f32
        %jit3A_801 = arith.constant 6.300000e+01 : f32
        %max3A_802 = vector.broadcast %jit3A_800 : f32 to vector<16xf32>
        %max3A_803 = arith.maximumf %max3A_802, %mul3A_799 : vector<16xf32>
        %min3A_804 = vector.broadcast %jit3A_801 : f32 to vector<16xf32>
        %min3A_805 = arith.minimumf %min3A_804, %max3A_803 : vector<16xf32>
        %convert_element_type3A_806 = arith.fptosi %min3A_805 : vector<16xf32> to vector<16xi32>
        %min3A_807 = arith.constant 62 : i32
        %min3A_808 = vector.broadcast %min3A_807 : i32 to vector<16xi32>
        %min3A_809 = arith.minsi %convert_element_type3A_806, %min3A_808 : vector<16xi32>
        %convert_element_type3A_810 = arith.sitofp %min3A_809 : vector<16xi32> to vector<16xf32>
        %sub3A_811 = arith.subf %min3A_805, %convert_element_type3A_810 : vector<16xf32>
        %add3A_812 = arith.constant 1.000000e+00 : f32
        %add3A_813 = vector.broadcast %add3A_812 : f32 to vector<16xf32>
        %add3A_814 = arith.addf %get3A_769, %add3A_813 : vector<16xf32>
        %mul3A_815 = arith.constant 5.000000e-01 : f32
        %mul3A_816 = vector.broadcast %mul3A_815 : f32 to vector<16xf32>
        %mul3A_817 = arith.mulf %add3A_814, %mul3A_816 : vector<16xf32>
        %mul3A_818 = arith.constant 6.300000e+01 : f32
        %mul3A_819 = vector.broadcast %mul3A_818 : f32 to vector<16xf32>
        %mul3A_820 = arith.mulf %mul3A_817, %mul3A_819 : vector<16xf32>
        %jit3A_821 = arith.constant 0.000000e+00 : f32
        %jit3A_822 = arith.constant 6.300000e+01 : f32
        %max3A_823 = vector.broadcast %jit3A_821 : f32 to vector<16xf32>
        %max3A_824 = arith.maximumf %max3A_823, %mul3A_820 : vector<16xf32>
        %min3A_825 = vector.broadcast %jit3A_822 : f32 to vector<16xf32>
        %min3A_826 = arith.minimumf %min3A_825, %max3A_824 : vector<16xf32>
        %convert_element_type3A_827 = arith.fptosi %min3A_826 : vector<16xf32> to vector<16xi32>
        %min3A_828 = arith.constant 62 : i32
        %min3A_829 = vector.broadcast %min3A_828 : i32 to vector<16xi32>
        %min3A_830 = arith.minsi %convert_element_type3A_827, %min3A_829 : vector<16xi32>
        %convert_element_type3A_831 = arith.sitofp %min3A_830 : vector<16xi32> to vector<16xf32>
        %sub3A_832 = arith.subf %min3A_826, %convert_element_type3A_831 : vector<16xf32>
        %shift_left3A_833 = arith.constant 18 : i32
        %shift_left3A_834 = arith.shli %select_n3A_132, %shift_left3A_833 : i32
        %shift_left3A_835 = arith.constant 12 : i32
        %shift_left3A_836 = vector.broadcast %shift_left3A_835 : i32 to vector<16xi32>
        %shift_left3A_837 = arith.shli %min3A_830, %shift_left3A_836 : vector<16xi32>
        %add3A_838 = vector.broadcast %shift_left3A_834 : i32 to vector<16xi32>
        %add3A_839 = arith.addi %add3A_838, %shift_left3A_837 : vector<16xi32>
        %shift_left3A_840 = arith.constant 6 : i32
        %shift_left3A_841 = vector.broadcast %shift_left3A_840 : i32 to vector<16xi32>
        %shift_left3A_842 = arith.shli %min3A_809, %shift_left3A_841 : vector<16xi32>
        %add3A_843 = arith.addi %add3A_839, %shift_left3A_842 : vector<16xi32>
        %add3A_844 = arith.addi %add3A_843, %min3A_788 : vector<16xi32>
        %add3A_845 = arith.constant 0 : i32
        %add3A_846 = vector.broadcast %add3A_845 : i32 to vector<16xi32>
        %add3A_847 = arith.addi %add3A_844, %add3A_846 : vector<16xi32>
        %swap3A_848 = arith.constant 0 : i32
        %swap3A_849 = arith.index_cast %select_n3A_105 : i32 to index
        %swap3A_850 = arith.index_cast %swap3A_848 : i32 to index
        %swap3A_851 = arith.constant 48 : index
        %swap3A_852 = tpu.vector_load %arg7[%swap3A_849, %swap3A_850, %swap3A_851] {strides = array<i32>} : memref<2x8x80xi32, #tpu.memory_space<vmem>>, vector<16xi32>,
        tpu.vector_store %arg7[%swap3A_849, %swap3A_850, %swap3A_851], %add3A_847 {strides = array<i32>} : memref<2x8x80xi32, #tpu.memory_space<vmem>>, vector<16xi32>,
        %add3A_853 = arith.constant 64 : i32
        %add3A_854 = vector.broadcast %add3A_853 : i32 to vector<16xi32>
        %add3A_855 = arith.addi %add3A_844, %add3A_854 : vector<16xi32>
        %swap3A_856 = arith.constant 1 : i32
        %swap3A_857 = arith.index_cast %select_n3A_105 : i32 to index
        %swap3A_858 = arith.index_cast %swap3A_856 : i32 to index
        %swap3A_859 = arith.constant 48 : index
        %swap3A_860 = tpu.vector_load %arg7[%swap3A_857, %swap3A_858, %swap3A_859] {strides = array<i32>} : memref<2x8x80xi32, #tpu.memory_space<vmem>>, vector<16xi32>,
        tpu.vector_store %arg7[%swap3A_857, %swap3A_858, %swap3A_859], %add3A_855 {strides = array<i32>} : memref<2x8x80xi32, #tpu.memory_space<vmem>>, vector<16xi32>,
        %add3A_861 = arith.constant 4096 : i32
        %add3A_862 = vector.broadcast %add3A_861 : i32 to vector<16xi32>
        %add3A_863 = arith.addi %add3A_844, %add3A_862 : vector<16xi32>
        %swap3A_864 = arith.constant 2 : i32
        %swap3A_865 = arith.index_cast %select_n3A_105 : i32 to index
        %swap3A_866 = arith.index_cast %swap3A_864 : i32 to index
        %swap3A_867 = arith.constant 48 : index
        %swap3A_868 = tpu.vector_load %arg7[%swap3A_865, %swap3A_866, %swap3A_867] {strides = array<i32>} : memref<2x8x80xi32, #tpu.memory_space<vmem>>, vector<16xi32>,
        tpu.vector_store %arg7[%swap3A_865, %swap3A_866, %swap3A_867], %add3A_863 {strides = array<i32>} : memref<2x8x80xi32, #tpu.memory_space<vmem>>, vector<16xi32>,
        %add3A_869 = arith.constant 4160 : i32
        %add3A_870 = vector.broadcast %add3A_869 : i32 to vector<16xi32>
        %add3A_871 = arith.addi %add3A_844, %add3A_870 : vector<16xi32>
        %swap3A_872 = arith.constant 3 : i32
        %swap3A_873 = arith.index_cast %select_n3A_105 : i32 to index
        %swap3A_874 = arith.index_cast %swap3A_872 : i32 to index
        %swap3A_875 = arith.constant 48 : index
        %swap3A_876 = tpu.vector_load %arg7[%swap3A_873, %swap3A_874, %swap3A_875] {strides = array<i32>} : memref<2x8x80xi32, #tpu.memory_space<vmem>>, vector<16xi32>,
        tpu.vector_store %arg7[%swap3A_873, %swap3A_874, %swap3A_875], %add3A_871 {strides = array<i32>} : memref<2x8x80xi32, #tpu.memory_space<vmem>>, vector<16xi32>,
        %add3A_877 = arith.constant 1 : i32
        %add3A_878 = vector.broadcast %add3A_877 : i32 to vector<16xi32>
        %add3A_879 = arith.addi %add3A_844, %add3A_878 : vector<16xi32>
        %swap3A_880 = arith.constant 4 : i32
        %swap3A_881 = arith.index_cast %select_n3A_105 : i32 to index
        %swap3A_882 = arith.index_cast %swap3A_880 : i32 to index
        %swap3A_883 = arith.constant 48 : index
        %swap3A_884 = tpu.vector_load %arg7[%swap3A_881, %swap3A_882, %swap3A_883] {strides = array<i32>} : memref<2x8x80xi32, #tpu.memory_space<vmem>>, vector<16xi32>,
        tpu.vector_store %arg7[%swap3A_881, %swap3A_882, %swap3A_883], %add3A_879 {strides = array<i32>} : memref<2x8x80xi32, #tpu.memory_space<vmem>>, vector<16xi32>,
        %add3A_885 = arith.constant 65 : i32
        %add3A_886 = vector.broadcast %add3A_885 : i32 to vector<16xi32>
        %add3A_887 = arith.addi %add3A_844, %add3A_886 : vector<16xi32>
        %swap3A_888 = arith.constant 5 : i32
        %swap3A_889 = arith.index_cast %select_n3A_105 : i32 to index
        %swap3A_890 = arith.index_cast %swap3A_888 : i32 to index
        %swap3A_891 = arith.constant 48 : index
        %swap3A_892 = tpu.vector_load %arg7[%swap3A_889, %swap3A_890, %swap3A_891] {strides = array<i32>} : memref<2x8x80xi32, #tpu.memory_space<vmem>>, vector<16xi32>,
        tpu.vector_store %arg7[%swap3A_889, %swap3A_890, %swap3A_891], %add3A_887 {strides = array<i32>} : memref<2x8x80xi32, #tpu.memory_space<vmem>>, vector<16xi32>,
        %add3A_893 = arith.constant 4097 : i32
        %add3A_894 = vector.broadcast %add3A_893 : i32 to vector<16xi32>
        %add3A_895 = arith.addi %add3A_844, %add3A_894 : vector<16xi32>
        %swap3A_896 = arith.constant 6 : i32
        %swap3A_897 = arith.index_cast %select_n3A_105 : i32 to index
        %swap3A_898 = arith.index_cast %swap3A_896 : i32 to index
        %swap3A_899 = arith.constant 48 : index
        %swap3A_900 = tpu.vector_load %arg7[%swap3A_897, %swap3A_898, %swap3A_899] {strides = array<i32>} : memref<2x8x80xi32, #tpu.memory_space<vmem>>, vector<16xi32>,
        tpu.vector_store %arg7[%swap3A_897, %swap3A_898, %swap3A_899], %add3A_895 {strides = array<i32>} : memref<2x8x80xi32, #tpu.memory_space<vmem>>, vector<16xi32>,
        %add3A_901 = arith.constant 4161 : i32
        %add3A_902 = vector.broadcast %add3A_901 : i32 to vector<16xi32>
        %add3A_903 = arith.addi %add3A_844, %add3A_902 : vector<16xi32>
        %swap3A_904 = arith.constant 7 : i32
        %swap3A_905 = arith.index_cast %select_n3A_105 : i32 to index
        %swap3A_906 = arith.index_cast %swap3A_904 : i32 to index
        %swap3A_907 = arith.constant 48 : index
        %swap3A_908 = tpu.vector_load %arg7[%swap3A_905, %swap3A_906, %swap3A_907] {strides = array<i32>} : memref<2x8x80xi32, #tpu.memory_space<vmem>>, vector<16xi32>,
        tpu.vector_store %arg7[%swap3A_905, %swap3A_906, %swap3A_907], %add3A_903 {strides = array<i32>} : memref<2x8x80xi32, #tpu.memory_space<vmem>>, vector<16xi32>,
        %sub3A_909 = arith.constant 1.000000e+00 : f32
        %sub3A_910 = vector.broadcast %sub3A_909 : f32 to vector<16xf32>
        %sub3A_911 = arith.subf %sub3A_910, %sub3A_811 : vector<16xf32>
        %sub3A_912 = arith.constant 1.000000e+00 : f32
        %sub3A_913 = vector.broadcast %sub3A_912 : f32 to vector<16xf32>
        %sub3A_914 = arith.subf %sub3A_913, %sub3A_832 : vector<16xf32>
        %swap3A_915 = arith.index_cast %select_n3A_105 : i32 to index
        %swap3A_916 = arith.constant 48 : index
        %swap3A_917 = tpu.vector_load %arg9[%swap3A_915, %swap3A_916] {strides = array<i32>} : memref<2x400xf32, #tpu.memory_space<vmem>>, vector<16xf32>,
        tpu.vector_store %arg9[%swap3A_915, %swap3A_916], %sub3A_790 {strides = array<i32>} : memref<2x400xf32, #tpu.memory_space<vmem>>, vector<16xf32>,
        %mul3A_918 = arith.mulf %sub3A_914, %sub3A_911 : vector<16xf32>
        %swap3A_919 = arith.index_cast %select_n3A_105 : i32 to index
        %swap3A_920 = arith.constant 128 : index
        %swap3A_921 = tpu.vector_load %arg9[%swap3A_919, %swap3A_920] {strides = array<i32>} : memref<2x400xf32, #tpu.memory_space<vmem>>, vector<16xf32>,
        tpu.vector_store %arg9[%swap3A_919, %swap3A_920], %mul3A_918 {strides = array<i32>} : memref<2x400xf32, #tpu.memory_space<vmem>>, vector<16xf32>,
        %mul3A_922 = arith.mulf %sub3A_914, %sub3A_811 : vector<16xf32>
        %swap3A_923 = arith.index_cast %select_n3A_105 : i32 to index
        %swap3A_924 = arith.constant 208 : index
        %swap3A_925 = tpu.vector_load %arg9[%swap3A_923, %swap3A_924] {strides = array<i32>} : memref<2x400xf32, #tpu.memory_space<vmem>>, vector<16xf32>,
        tpu.vector_store %arg9[%swap3A_923, %swap3A_924], %mul3A_922 {strides = array<i32>} : memref<2x400xf32, #tpu.memory_space<vmem>>, vector<16xf32>,
        %mul3A_926 = arith.mulf %sub3A_832, %sub3A_911 : vector<16xf32>
        %swap3A_927 = arith.index_cast %select_n3A_105 : i32 to index
        %swap3A_928 = arith.constant 288 : index
        %swap3A_929 = tpu.vector_load %arg9[%swap3A_927, %swap3A_928] {strides = array<i32>} : memref<2x400xf32, #tpu.memory_space<vmem>>, vector<16xf32>,
        tpu.vector_store %arg9[%swap3A_927, %swap3A_928], %mul3A_926 {strides = array<i32>} : memref<2x400xf32, #tpu.memory_space<vmem>>, vector<16xf32>,
        %mul3A_930 = arith.mulf %sub3A_832, %sub3A_811 : vector<16xf32>
        %swap3A_931 = arith.index_cast %select_n3A_105 : i32 to index
        %swap3A_932 = arith.constant 368 : index
        %swap3A_933 = tpu.vector_load %arg9[%swap3A_931, %swap3A_932] {strides = array<i32>} : memref<2x400xf32, #tpu.memory_space<vmem>>, vector<16xf32>,
        tpu.vector_store %arg9[%swap3A_931, %swap3A_932], %mul3A_930 {strides = array<i32>} : memref<2x400xf32, #tpu.memory_space<vmem>>, vector<16xf32>,
        %get3A_934 = arith.constant 0 : i32
        %get3A_935 = arith.index_cast %select_n3A_105 : i32 to index
        %get3A_936 = arith.index_cast %get3A_934 : i32 to index
        %get3A_937 = arith.constant 64 : index
        %get3A_938 = tpu.vector_load %arg10[%get3A_935, %get3A_936, %get3A_937] {strides = array<i32>} : memref<2x3x80xf32, #tpu.memory_space<vmem>>, vector<16xf32>,
        %get3A_939 = arith.constant 1 : i32
        %get3A_940 = arith.index_cast %select_n3A_105 : i32 to index
        %get3A_941 = arith.index_cast %get3A_939 : i32 to index
        %get3A_942 = arith.constant 64 : index
        %get3A_943 = tpu.vector_load %arg10[%get3A_940, %get3A_941, %get3A_942] {strides = array<i32>} : memref<2x3x80xf32, #tpu.memory_space<vmem>>, vector<16xf32>,
        %get3A_944 = arith.constant 2 : i32
        %get3A_945 = arith.index_cast %select_n3A_105 : i32 to index
        %get3A_946 = arith.index_cast %get3A_944 : i32 to index
        %get3A_947 = arith.constant 64 : index
        %get3A_948 = tpu.vector_load %arg10[%get3A_945, %get3A_946, %get3A_947] {strides = array<i32>} : memref<2x3x80xf32, #tpu.memory_space<vmem>>, vector<16xf32>,
        %add3A_949 = arith.constant 1.000000e+00 : f32
        %add3A_950 = vector.broadcast %add3A_949 : f32 to vector<16xf32>
        %add3A_951 = arith.addf %get3A_938, %add3A_950 : vector<16xf32>
        %mul3A_952 = arith.constant 5.000000e-01 : f32
        %mul3A_953 = vector.broadcast %mul3A_952 : f32 to vector<16xf32>
        %mul3A_954 = arith.mulf %add3A_951, %mul3A_953 : vector<16xf32>
        %mul3A_955 = arith.constant 6.300000e+01 : f32
        %mul3A_956 = vector.broadcast %mul3A_955 : f32 to vector<16xf32>
        %mul3A_957 = arith.mulf %mul3A_954, %mul3A_956 : vector<16xf32>
        %jit3A_958 = arith.constant 0.000000e+00 : f32
        %jit3A_959 = arith.constant 6.300000e+01 : f32
        %max3A_960 = vector.broadcast %jit3A_958 : f32 to vector<16xf32>
        %max3A_961 = arith.maximumf %max3A_960, %mul3A_957 : vector<16xf32>
        %min3A_962 = vector.broadcast %jit3A_959 : f32 to vector<16xf32>
        %min3A_963 = arith.minimumf %min3A_962, %max3A_961 : vector<16xf32>
        %convert_element_type3A_964 = arith.fptosi %min3A_963 : vector<16xf32> to vector<16xi32>
        %min3A_965 = arith.constant 62 : i32
        %min3A_966 = vector.broadcast %min3A_965 : i32 to vector<16xi32>
        %min3A_967 = arith.minsi %convert_element_type3A_964, %min3A_966 : vector<16xi32>
        %convert_element_type3A_968 = arith.sitofp %min3A_967 : vector<16xi32> to vector<16xf32>
        %sub3A_969 = arith.subf %min3A_963, %convert_element_type3A_968 : vector<16xf32>
        %add3A_970 = arith.constant 1.000000e+00 : f32
        %add3A_971 = vector.broadcast %add3A_970 : f32 to vector<16xf32>
        %add3A_972 = arith.addf %get3A_943, %add3A_971 : vector<16xf32>
        %mul3A_973 = arith.constant 5.000000e-01 : f32
        %mul3A_974 = vector.broadcast %mul3A_973 : f32 to vector<16xf32>
        %mul3A_975 = arith.mulf %add3A_972, %mul3A_974 : vector<16xf32>
        %mul3A_976 = arith.constant 6.300000e+01 : f32
        %mul3A_977 = vector.broadcast %mul3A_976 : f32 to vector<16xf32>
        %mul3A_978 = arith.mulf %mul3A_975, %mul3A_977 : vector<16xf32>
        %jit3A_979 = arith.constant 0.000000e+00 : f32
        %jit3A_980 = arith.constant 6.300000e+01 : f32
        %max3A_981 = vector.broadcast %jit3A_979 : f32 to vector<16xf32>
        %max3A_982 = arith.maximumf %max3A_981, %mul3A_978 : vector<16xf32>
        %min3A_983 = vector.broadcast %jit3A_980 : f32 to vector<16xf32>
        %min3A_984 = arith.minimumf %min3A_983, %max3A_982 : vector<16xf32>
        %convert_element_type3A_985 = arith.fptosi %min3A_984 : vector<16xf32> to vector<16xi32>
        %min3A_986 = arith.constant 62 : i32
        %min3A_987 = vector.broadcast %min3A_986 : i32 to vector<16xi32>
        %min3A_988 = arith.minsi %convert_element_type3A_985, %min3A_987 : vector<16xi32>
        %convert_element_type3A_989 = arith.sitofp %min3A_988 : vector<16xi32> to vector<16xf32>
        %sub3A_990 = arith.subf %min3A_984, %convert_element_type3A_989 : vector<16xf32>
        %add3A_991 = arith.constant 1.000000e+00 : f32
        %add3A_992 = vector.broadcast %add3A_991 : f32 to vector<16xf32>
        %add3A_993 = arith.addf %get3A_948, %add3A_992 : vector<16xf32>
        %mul3A_994 = arith.constant 5.000000e-01 : f32
        %mul3A_995 = vector.broadcast %mul3A_994 : f32 to vector<16xf32>
        %mul3A_996 = arith.mulf %add3A_993, %mul3A_995 : vector<16xf32>
        %mul3A_997 = arith.constant 6.300000e+01 : f32
        %mul3A_998 = vector.broadcast %mul3A_997 : f32 to vector<16xf32>
        %mul3A_999 = arith.mulf %mul3A_996, %mul3A_998 : vector<16xf32>
        %jit3A_1000 = arith.constant 0.000000e+00 : f32
        %jit3A_1001 = arith.constant 6.300000e+01 : f32
        %max3A_1002 = vector.broadcast %jit3A_1000 : f32 to vector<16xf32>
        %max3A_1003 = arith.maximumf %max3A_1002, %mul3A_999 : vector<16xf32>
        %min3A_1004 = vector.broadcast %jit3A_1001 : f32 to vector<16xf32>
        %min3A_1005 = arith.minimumf %min3A_1004, %max3A_1003 : vector<16xf32>
        %convert_element_type3A_1006 = arith.fptosi %min3A_1005 : vector<16xf32> to vector<16xi32>
        %min3A_1007 = arith.constant 62 : i32
        %min3A_1008 = vector.broadcast %min3A_1007 : i32 to vector<16xi32>
        %min3A_1009 = arith.minsi %convert_element_type3A_1006, %min3A_1008 : vector<16xi32>
        %convert_element_type3A_1010 = arith.sitofp %min3A_1009 : vector<16xi32> to vector<16xf32>
        %sub3A_1011 = arith.subf %min3A_1005, %convert_element_type3A_1010 : vector<16xf32>
        %shift_left3A_1012 = arith.constant 18 : i32
        %shift_left3A_1013 = arith.shli %select_n3A_132, %shift_left3A_1012 : i32
        %shift_left3A_1014 = arith.constant 12 : i32
        %shift_left3A_1015 = vector.broadcast %shift_left3A_1014 : i32 to vector<16xi32>
        %shift_left3A_1016 = arith.shli %min3A_1009, %shift_left3A_1015 : vector<16xi32>
        %add3A_1017 = vector.broadcast %shift_left3A_1013 : i32 to vector<16xi32>
        %add3A_1018 = arith.addi %add3A_1017, %shift_left3A_1016 : vector<16xi32>
        %shift_left3A_1019 = arith.constant 6 : i32
        %shift_left3A_1020 = vector.broadcast %shift_left3A_1019 : i32 to vector<16xi32>
        %shift_left3A_1021 = arith.shli %min3A_988, %shift_left3A_1020 : vector<16xi32>
        %add3A_1022 = arith.addi %add3A_1018, %shift_left3A_1021 : vector<16xi32>
        %add3A_1023 = arith.addi %add3A_1022, %min3A_967 : vector<16xi32>
        %add3A_1024 = arith.constant 0 : i32
        %add3A_1025 = vector.broadcast %add3A_1024 : i32 to vector<16xi32>
        %add3A_1026 = arith.addi %add3A_1023, %add3A_1025 : vector<16xi32>
        %swap3A_1027 = arith.constant 0 : i32
        %swap3A_1028 = arith.index_cast %select_n3A_105 : i32 to index
        %swap3A_1029 = arith.index_cast %swap3A_1027 : i32 to index
        %swap3A_1030 = arith.constant 64 : index
        %swap3A_1031 = tpu.vector_load %arg7[%swap3A_1028, %swap3A_1029, %swap3A_1030] {strides = array<i32>} : memref<2x8x80xi32, #tpu.memory_space<vmem>>, vector<16xi32>,
        tpu.vector_store %arg7[%swap3A_1028, %swap3A_1029, %swap3A_1030], %add3A_1026 {strides = array<i32>} : memref<2x8x80xi32, #tpu.memory_space<vmem>>, vector<16xi32>,
        %add3A_1032 = arith.constant 64 : i32
        %add3A_1033 = vector.broadcast %add3A_1032 : i32 to vector<16xi32>
        %add3A_1034 = arith.addi %add3A_1023, %add3A_1033 : vector<16xi32>
        %swap3A_1035 = arith.constant 1 : i32
        %swap3A_1036 = arith.index_cast %select_n3A_105 : i32 to index
        %swap3A_1037 = arith.index_cast %swap3A_1035 : i32 to index
        %swap3A_1038 = arith.constant 64 : index
        %swap3A_1039 = tpu.vector_load %arg7[%swap3A_1036, %swap3A_1037, %swap3A_1038] {strides = array<i32>} : memref<2x8x80xi32, #tpu.memory_space<vmem>>, vector<16xi32>,
        tpu.vector_store %arg7[%swap3A_1036, %swap3A_1037, %swap3A_1038], %add3A_1034 {strides = array<i32>} : memref<2x8x80xi32, #tpu.memory_space<vmem>>, vector<16xi32>,
        %add3A_1040 = arith.constant 4096 : i32
        %add3A_1041 = vector.broadcast %add3A_1040 : i32 to vector<16xi32>
        %add3A_1042 = arith.addi %add3A_1023, %add3A_1041 : vector<16xi32>
        %swap3A_1043 = arith.constant 2 : i32
        %swap3A_1044 = arith.index_cast %select_n3A_105 : i32 to index
        %swap3A_1045 = arith.index_cast %swap3A_1043 : i32 to index
        %swap3A_1046 = arith.constant 64 : index
        %swap3A_1047 = tpu.vector_load %arg7[%swap3A_1044, %swap3A_1045, %swap3A_1046] {strides = array<i32>} : memref<2x8x80xi32, #tpu.memory_space<vmem>>, vector<16xi32>,
        tpu.vector_store %arg7[%swap3A_1044, %swap3A_1045, %swap3A_1046], %add3A_1042 {strides = array<i32>} : memref<2x8x80xi32, #tpu.memory_space<vmem>>, vector<16xi32>,
        %add3A_1048 = arith.constant 4160 : i32
        %add3A_1049 = vector.broadcast %add3A_1048 : i32 to vector<16xi32>
        %add3A_1050 = arith.addi %add3A_1023, %add3A_1049 : vector<16xi32>
        %swap3A_1051 = arith.constant 3 : i32
        %swap3A_1052 = arith.index_cast %select_n3A_105 : i32 to index
        %swap3A_1053 = arith.index_cast %swap3A_1051 : i32 to index
        %swap3A_1054 = arith.constant 64 : index
        %swap3A_1055 = tpu.vector_load %arg7[%swap3A_1052, %swap3A_1053, %swap3A_1054] {strides = array<i32>} : memref<2x8x80xi32, #tpu.memory_space<vmem>>, vector<16xi32>,
        tpu.vector_store %arg7[%swap3A_1052, %swap3A_1053, %swap3A_1054], %add3A_1050 {strides = array<i32>} : memref<2x8x80xi32, #tpu.memory_space<vmem>>, vector<16xi32>,
        %add3A_1056 = arith.constant 1 : i32
        %add3A_1057 = vector.broadcast %add3A_1056 : i32 to vector<16xi32>
        %add3A_1058 = arith.addi %add3A_1023, %add3A_1057 : vector<16xi32>
        %swap3A_1059 = arith.constant 4 : i32
        %swap3A_1060 = arith.index_cast %select_n3A_105 : i32 to index
        %swap3A_1061 = arith.index_cast %swap3A_1059 : i32 to index
        %swap3A_1062 = arith.constant 64 : index
        %swap3A_1063 = tpu.vector_load %arg7[%swap3A_1060, %swap3A_1061, %swap3A_1062] {strides = array<i32>} : memref<2x8x80xi32, #tpu.memory_space<vmem>>, vector<16xi32>,
        tpu.vector_store %arg7[%swap3A_1060, %swap3A_1061, %swap3A_1062], %add3A_1058 {strides = array<i32>} : memref<2x8x80xi32, #tpu.memory_space<vmem>>, vector<16xi32>,
        %add3A_1064 = arith.constant 65 : i32
        %add3A_1065 = vector.broadcast %add3A_1064 : i32 to vector<16xi32>
        %add3A_1066 = arith.addi %add3A_1023, %add3A_1065 : vector<16xi32>
        %swap3A_1067 = arith.constant 5 : i32
        %swap3A_1068 = arith.index_cast %select_n3A_105 : i32 to index
        %swap3A_1069 = arith.index_cast %swap3A_1067 : i32 to index
        %swap3A_1070 = arith.constant 64 : index
        %swap3A_1071 = tpu.vector_load %arg7[%swap3A_1068, %swap3A_1069, %swap3A_1070] {strides = array<i32>} : memref<2x8x80xi32, #tpu.memory_space<vmem>>, vector<16xi32>,
        tpu.vector_store %arg7[%swap3A_1068, %swap3A_1069, %swap3A_1070], %add3A_1066 {strides = array<i32>} : memref<2x8x80xi32, #tpu.memory_space<vmem>>, vector<16xi32>,
        %add3A_1072 = arith.constant 4097 : i32
        %add3A_1073 = vector.broadcast %add3A_1072 : i32 to vector<16xi32>
        %add3A_1074 = arith.addi %add3A_1023, %add3A_1073 : vector<16xi32>
        %swap3A_1075 = arith.constant 6 : i32
        %swap3A_1076 = arith.index_cast %select_n3A_105 : i32 to index
        %swap3A_1077 = arith.index_cast %swap3A_1075 : i32 to index
        %swap3A_1078 = arith.constant 64 : index
        %swap3A_1079 = tpu.vector_load %arg7[%swap3A_1076, %swap3A_1077, %swap3A_1078] {strides = array<i32>} : memref<2x8x80xi32, #tpu.memory_space<vmem>>, vector<16xi32>,
        tpu.vector_store %arg7[%swap3A_1076, %swap3A_1077, %swap3A_1078], %add3A_1074 {strides = array<i32>} : memref<2x8x80xi32, #tpu.memory_space<vmem>>, vector<16xi32>,
        %add3A_1080 = arith.constant 4161 : i32
        %add3A_1081 = vector.broadcast %add3A_1080 : i32 to vector<16xi32>
        %add3A_1082 = arith.addi %add3A_1023, %add3A_1081 : vector<16xi32>
        %swap3A_1083 = arith.constant 7 : i32
        %swap3A_1084 = arith.index_cast %select_n3A_105 : i32 to index
        %swap3A_1085 = arith.index_cast %swap3A_1083 : i32 to index
        %swap3A_1086 = arith.constant 64 : index
        %swap3A_1087 = tpu.vector_load %arg7[%swap3A_1084, %swap3A_1085, %swap3A_1086] {strides = array<i32>} : memref<2x8x80xi32, #tpu.memory_space<vmem>>, vector<16xi32>,
        tpu.vector_store %arg7[%swap3A_1084, %swap3A_1085, %swap3A_1086], %add3A_1082 {strides = array<i32>} : memref<2x8x80xi32, #tpu.memory_space<vmem>>, vector<16xi32>,
        %sub3A_1088 = arith.constant 1.000000e+00 : f32
        %sub3A_1089 = vector.broadcast %sub3A_1088 : f32 to vector<16xf32>
        %sub3A_1090 = arith.subf %sub3A_1089, %sub3A_990 : vector<16xf32>
        %sub3A_1091 = arith.constant 1.000000e+00 : f32
        %sub3A_1092 = vector.broadcast %sub3A_1091 : f32 to vector<16xf32>
        %sub3A_1093 = arith.subf %sub3A_1092, %sub3A_1011 : vector<16xf32>
        %swap3A_1094 = arith.index_cast %select_n3A_105 : i32 to index
        %swap3A_1095 = arith.constant 64 : index
        %swap3A_1096 = tpu.vector_load %arg9[%swap3A_1094, %swap3A_1095] {strides = array<i32>} : memref<2x400xf32, #tpu.memory_space<vmem>>, vector<16xf32>,
        tpu.vector_store %arg9[%swap3A_1094, %swap3A_1095], %sub3A_969 {strides = array<i32>} : memref<2x400xf32, #tpu.memory_space<vmem>>, vector<16xf32>,
        %mul3A_1097 = arith.mulf %sub3A_1093, %sub3A_1090 : vector<16xf32>
        %swap3A_1098 = arith.index_cast %select_n3A_105 : i32 to index
        %swap3A_1099 = arith.constant 144 : index
        %swap3A_1100 = tpu.vector_load %arg9[%swap3A_1098, %swap3A_1099] {strides = array<i32>} : memref<2x400xf32, #tpu.memory_space<vmem>>, vector<16xf32>,
        tpu.vector_store %arg9[%swap3A_1098, %swap3A_1099], %mul3A_1097 {strides = array<i32>} : memref<2x400xf32, #tpu.memory_space<vmem>>, vector<16xf32>,
        %mul3A_1101 = arith.mulf %sub3A_1093, %sub3A_990 : vector<16xf32>
        %swap3A_1102 = arith.index_cast %select_n3A_105 : i32 to index
        %swap3A_1103 = arith.constant 224 : index
        %swap3A_1104 = tpu.vector_load %arg9[%swap3A_1102, %swap3A_1103] {strides = array<i32>} : memref<2x400xf32, #tpu.memory_space<vmem>>, vector<16xf32>,
        tpu.vector_store %arg9[%swap3A_1102, %swap3A_1103], %mul3A_1101 {strides = array<i32>} : memref<2x400xf32, #tpu.memory_space<vmem>>, vector<16xf32>,
        %mul3A_1105 = arith.mulf %sub3A_1011, %sub3A_1090 : vector<16xf32>
        %swap3A_1106 = arith.index_cast %select_n3A_105 : i32 to index
        %swap3A_1107 = arith.constant 304 : index
        %swap3A_1108 = tpu.vector_load %arg9[%swap3A_1106, %swap3A_1107] {strides = array<i32>} : memref<2x400xf32, #tpu.memory_space<vmem>>, vector<16xf32>,
        tpu.vector_store %arg9[%swap3A_1106, %swap3A_1107], %mul3A_1105 {strides = array<i32>} : memref<2x400xf32, #tpu.memory_space<vmem>>, vector<16xf32>,
        %mul3A_1109 = arith.mulf %sub3A_1011, %sub3A_990 : vector<16xf32>
        %swap3A_1110 = arith.index_cast %select_n3A_105 : i32 to index
        %swap3A_1111 = arith.constant 384 : index
        %swap3A_1112 = tpu.vector_load %arg9[%swap3A_1110, %swap3A_1111] {strides = array<i32>} : memref<2x400xf32, #tpu.memory_space<vmem>>, vector<16xf32>,
        tpu.vector_store %arg9[%swap3A_1110, %swap3A_1111], %mul3A_1109 {strides = array<i32>} : memref<2x400xf32, #tpu.memory_space<vmem>>, vector<16xf32>,
        %dma_start3A_1113 = arith.constant 0 : i32
        %dma_start3A_1114 = arith.constant 0 : i32
        %dma_start3A_1115 = arith.constant 0 : i32
        %dma_start3A_1116 = arith.constant 0 : i32
        %dma_start3A_1117 = tpu.memref_slice %arg8[%select_n3A_105, %dma_start3A_1114, %dma_start3A_1115, %dma_start3A_1116] : memref<2x8x80x32xf32, #tpu.memory_space<vmem>> -> memref<1x1x80x32xf32, #tpu.memory_space<vmem>>
        %dma_start3A_1118 = tpu.memref_squeeze %dma_start3A_1117 : memref<1x1x80x32xf32, #tpu.memory_space<vmem>> -> memref<80x32xf32, #tpu.memory_space<vmem>>
        %dma_start3A_1119 = arith.constant 0 : i32
        %dma_start3A_1120 = tpu.memref_slice %arg7[%select_n3A_105, %dma_start3A_1113, %dma_start3A_1119] : memref<2x8x80xi32, #tpu.memory_space<vmem>> -> memref<1x1x80xi32, #tpu.memory_space<vmem>>
        %dma_start3A_1121 = tpu.memref_squeeze %dma_start3A_1120 : memref<1x1x80xi32, #tpu.memory_space<vmem>> -> memref<80xi32, #tpu.memory_space<vmem>>
        %dma_start3A_1122 = arith.constant 0 : i32
        %dma_start3A_1123 = arith.constant 0 : i32
        %dma_start3A_1124 = tpu.memref_slice %arg2[%dma_start3A_1122, %dma_start3A_1123] : memref<1048576x32xf32, #tpu.memory_space<hbm>> -> memref<1048576x32xf32, #tpu.memory_space<hbm>>
        %dma_start3A_1125 = tpu.memref_slice %arg12[%select_n3A_105] : memref<2x!tpu.dma_semaphore, #tpu.memory_space<semaphore_mem>> -> memref<1x!tpu.dma_semaphore, #tpu.memory_space<semaphore_mem>>
        %dma_start3A_1126 = tpu.memref_squeeze %dma_start3A_1125 : memref<1x!tpu.dma_semaphore, #tpu.memory_space<semaphore_mem>> -> memref<!tpu.dma_semaphore, #tpu.memory_space<semaphore_mem>>
        tpu.enqueue_indirect_dma source(%dma_start3A_1124 : memref<1048576x32xf32, #tpu.memory_space<hbm>>) target(%dma_start3A_1118 : memref<80x32xf32, #tpu.memory_space<vmem>>) offsets(%dma_start3A_1121 : memref<80xi32, #tpu.memory_space<vmem>>) semaphore(%dma_start3A_1126 : memref<!tpu.dma_semaphore, #tpu.memory_space<semaphore_mem>>)
        %dma_start3A_1127 = arith.constant 1 : i32
        %dma_start3A_1128 = arith.constant 1 : i32
        %dma_start3A_1129 = arith.constant 0 : i32
        %dma_start3A_1130 = arith.constant 0 : i32
        %dma_start3A_1131 = tpu.memref_slice %arg8[%select_n3A_105, %dma_start3A_1128, %dma_start3A_1129, %dma_start3A_1130] : memref<2x8x80x32xf32, #tpu.memory_space<vmem>> -> memref<1x1x80x32xf32, #tpu.memory_space<vmem>>
        %dma_start3A_1132 = tpu.memref_squeeze %dma_start3A_1131 : memref<1x1x80x32xf32, #tpu.memory_space<vmem>> -> memref<80x32xf32, #tpu.memory_space<vmem>>
        %dma_start3A_1133 = arith.constant 0 : i32
        %dma_start3A_1134 = tpu.memref_slice %arg7[%select_n3A_105, %dma_start3A_1127, %dma_start3A_1133] : memref<2x8x80xi32, #tpu.memory_space<vmem>> -> memref<1x1x80xi32, #tpu.memory_space<vmem>>
        %dma_start3A_1135 = tpu.memref_squeeze %dma_start3A_1134 : memref<1x1x80xi32, #tpu.memory_space<vmem>> -> memref<80xi32, #tpu.memory_space<vmem>>
        %dma_start3A_1136 = arith.constant 0 : i32
        %dma_start3A_1137 = arith.constant 0 : i32
        %dma_start3A_1138 = tpu.memref_slice %arg2[%dma_start3A_1136, %dma_start3A_1137] : memref<1048576x32xf32, #tpu.memory_space<hbm>> -> memref<1048576x32xf32, #tpu.memory_space<hbm>>
        %dma_start3A_1139 = tpu.memref_slice %arg12[%select_n3A_105] : memref<2x!tpu.dma_semaphore, #tpu.memory_space<semaphore_mem>> -> memref<1x!tpu.dma_semaphore, #tpu.memory_space<semaphore_mem>>
        %dma_start3A_1140 = tpu.memref_squeeze %dma_start3A_1139 : memref<1x!tpu.dma_semaphore, #tpu.memory_space<semaphore_mem>> -> memref<!tpu.dma_semaphore, #tpu.memory_space<semaphore_mem>>
        tpu.enqueue_indirect_dma source(%dma_start3A_1138 : memref<1048576x32xf32, #tpu.memory_space<hbm>>) target(%dma_start3A_1132 : memref<80x32xf32, #tpu.memory_space<vmem>>) offsets(%dma_start3A_1135 : memref<80xi32, #tpu.memory_space<vmem>>) semaphore(%dma_start3A_1140 : memref<!tpu.dma_semaphore, #tpu.memory_space<semaphore_mem>>)
        %dma_start3A_1141 = arith.constant 2 : i32
        %dma_start3A_1142 = arith.constant 2 : i32
        %dma_start3A_1143 = arith.constant 0 : i32
        %dma_start3A_1144 = arith.constant 0 : i32
        %dma_start3A_1145 = tpu.memref_slice %arg8[%select_n3A_105, %dma_start3A_1142, %dma_start3A_1143, %dma_start3A_1144] : memref<2x8x80x32xf32, #tpu.memory_space<vmem>> -> memref<1x1x80x32xf32, #tpu.memory_space<vmem>>
        %dma_start3A_1146 = tpu.memref_squeeze %dma_start3A_1145 : memref<1x1x80x32xf32, #tpu.memory_space<vmem>> -> memref<80x32xf32, #tpu.memory_space<vmem>>
        %dma_start3A_1147 = arith.constant 0 : i32
        %dma_start3A_1148 = tpu.memref_slice %arg7[%select_n3A_105, %dma_start3A_1141, %dma_start3A_1147] : memref<2x8x80xi32, #tpu.memory_space<vmem>> -> memref<1x1x80xi32, #tpu.memory_space<vmem>>
        %dma_start3A_1149 = tpu.memref_squeeze %dma_start3A_1148 : memref<1x1x80xi32, #tpu.memory_space<vmem>> -> memref<80xi32, #tpu.memory_space<vmem>>
        %dma_start3A_1150 = arith.constant 0 : i32
        %dma_start3A_1151 = arith.constant 0 : i32
        %dma_start3A_1152 = tpu.memref_slice %arg2[%dma_start3A_1150, %dma_start3A_1151] : memref<1048576x32xf32, #tpu.memory_space<hbm>> -> memref<1048576x32xf32, #tpu.memory_space<hbm>>
        %dma_start3A_1153 = tpu.memref_slice %arg12[%select_n3A_105] : memref<2x!tpu.dma_semaphore, #tpu.memory_space<semaphore_mem>> -> memref<1x!tpu.dma_semaphore, #tpu.memory_space<semaphore_mem>>
        %dma_start3A_1154 = tpu.memref_squeeze %dma_start3A_1153 : memref<1x!tpu.dma_semaphore, #tpu.memory_space<semaphore_mem>> -> memref<!tpu.dma_semaphore, #tpu.memory_space<semaphore_mem>>
        tpu.enqueue_indirect_dma source(%dma_start3A_1152 : memref<1048576x32xf32, #tpu.memory_space<hbm>>) target(%dma_start3A_1146 : memref<80x32xf32, #tpu.memory_space<vmem>>) offsets(%dma_start3A_1149 : memref<80xi32, #tpu.memory_space<vmem>>) semaphore(%dma_start3A_1154 : memref<!tpu.dma_semaphore, #tpu.memory_space<semaphore_mem>>)
        %dma_start3A_1155 = arith.constant 3 : i32
        %dma_start3A_1156 = arith.constant 3 : i32
        %dma_start3A_1157 = arith.constant 0 : i32
        %dma_start3A_1158 = arith.constant 0 : i32
        %dma_start3A_1159 = tpu.memref_slice %arg8[%select_n3A_105, %dma_start3A_1156, %dma_start3A_1157, %dma_start3A_1158] : memref<2x8x80x32xf32, #tpu.memory_space<vmem>> -> memref<1x1x80x32xf32, #tpu.memory_space<vmem>>
        %dma_start3A_1160 = tpu.memref_squeeze %dma_start3A_1159 : memref<1x1x80x32xf32, #tpu.memory_space<vmem>> -> memref<80x32xf32, #tpu.memory_space<vmem>>
        %dma_start3A_1161 = arith.constant 0 : i32
        %dma_start3A_1162 = tpu.memref_slice %arg7[%select_n3A_105, %dma_start3A_1155, %dma_start3A_1161] : memref<2x8x80xi32, #tpu.memory_space<vmem>> -> memref<1x1x80xi32, #tpu.memory_space<vmem>>
        %dma_start3A_1163 = tpu.memref_squeeze %dma_start3A_1162 : memref<1x1x80xi32, #tpu.memory_space<vmem>> -> memref<80xi32, #tpu.memory_space<vmem>>
        %dma_start3A_1164 = arith.constant 0 : i32
        %dma_start3A_1165 = arith.constant 0 : i32
        %dma_start3A_1166 = tpu.memref_slice %arg2[%dma_start3A_1164, %dma_start3A_1165] : memref<1048576x32xf32, #tpu.memory_space<hbm>> -> memref<1048576x32xf32, #tpu.memory_space<hbm>>
        %dma_start3A_1167 = tpu.memref_slice %arg12[%select_n3A_105] : memref<2x!tpu.dma_semaphore, #tpu.memory_space<semaphore_mem>> -> memref<1x!tpu.dma_semaphore, #tpu.memory_space<semaphore_mem>>
        %dma_start3A_1168 = tpu.memref_squeeze %dma_start3A_1167 : memref<1x!tpu.dma_semaphore, #tpu.memory_space<semaphore_mem>> -> memref<!tpu.dma_semaphore, #tpu.memory_space<semaphore_mem>>
        tpu.enqueue_indirect_dma source(%dma_start3A_1166 : memref<1048576x32xf32, #tpu.memory_space<hbm>>) target(%dma_start3A_1160 : memref<80x32xf32, #tpu.memory_space<vmem>>) offsets(%dma_start3A_1163 : memref<80xi32, #tpu.memory_space<vmem>>) semaphore(%dma_start3A_1168 : memref<!tpu.dma_semaphore, #tpu.memory_space<semaphore_mem>>)
        %dma_start3A_1169 = arith.constant 4 : i32
        %dma_start3A_1170 = arith.constant 4 : i32
        %dma_start3A_1171 = arith.constant 0 : i32
        %dma_start3A_1172 = arith.constant 0 : i32
        %dma_start3A_1173 = tpu.memref_slice %arg8[%select_n3A_105, %dma_start3A_1170, %dma_start3A_1171, %dma_start3A_1172] : memref<2x8x80x32xf32, #tpu.memory_space<vmem>> -> memref<1x1x80x32xf32, #tpu.memory_space<vmem>>
        %dma_start3A_1174 = tpu.memref_squeeze %dma_start3A_1173 : memref<1x1x80x32xf32, #tpu.memory_space<vmem>> -> memref<80x32xf32, #tpu.memory_space<vmem>>
        %dma_start3A_1175 = arith.constant 0 : i32
        %dma_start3A_1176 = tpu.memref_slice %arg7[%select_n3A_105, %dma_start3A_1169, %dma_start3A_1175] : memref<2x8x80xi32, #tpu.memory_space<vmem>> -> memref<1x1x80xi32, #tpu.memory_space<vmem>>
        %dma_start3A_1177 = tpu.memref_squeeze %dma_start3A_1176 : memref<1x1x80xi32, #tpu.memory_space<vmem>> -> memref<80xi32, #tpu.memory_space<vmem>>
        %dma_start3A_1178 = arith.constant 0 : i32
        %dma_start3A_1179 = arith.constant 0 : i32
        %dma_start3A_1180 = tpu.memref_slice %arg2[%dma_start3A_1178, %dma_start3A_1179] : memref<1048576x32xf32, #tpu.memory_space<hbm>> -> memref<1048576x32xf32, #tpu.memory_space<hbm>>
        %dma_start3A_1181 = tpu.memref_slice %arg12[%select_n3A_105] : memref<2x!tpu.dma_semaphore, #tpu.memory_space<semaphore_mem>> -> memref<1x!tpu.dma_semaphore, #tpu.memory_space<semaphore_mem>>
        %dma_start3A_1182 = tpu.memref_squeeze %dma_start3A_1181 : memref<1x!tpu.dma_semaphore, #tpu.memory_space<semaphore_mem>> -> memref<!tpu.dma_semaphore, #tpu.memory_space<semaphore_mem>>
        tpu.enqueue_indirect_dma source(%dma_start3A_1180 : memref<1048576x32xf32, #tpu.memory_space<hbm>>) target(%dma_start3A_1174 : memref<80x32xf32, #tpu.memory_space<vmem>>) offsets(%dma_start3A_1177 : memref<80xi32, #tpu.memory_space<vmem>>) semaphore(%dma_start3A_1182 : memref<!tpu.dma_semaphore, #tpu.memory_space<semaphore_mem>>)
        %dma_start3A_1183 = arith.constant 5 : i32
        %dma_start3A_1184 = arith.constant 5 : i32
        %dma_start3A_1185 = arith.constant 0 : i32
        %dma_start3A_1186 = arith.constant 0 : i32
        %dma_start3A_1187 = tpu.memref_slice %arg8[%select_n3A_105, %dma_start3A_1184, %dma_start3A_1185, %dma_start3A_1186] : memref<2x8x80x32xf32, #tpu.memory_space<vmem>> -> memref<1x1x80x32xf32, #tpu.memory_space<vmem>>
        %dma_start3A_1188 = tpu.memref_squeeze %dma_start3A_1187 : memref<1x1x80x32xf32, #tpu.memory_space<vmem>> -> memref<80x32xf32, #tpu.memory_space<vmem>>
        %dma_start3A_1189 = arith.constant 0 : i32
        %dma_start3A_1190 = tpu.memref_slice %arg7[%select_n3A_105, %dma_start3A_1183, %dma_start3A_1189] : memref<2x8x80xi32, #tpu.memory_space<vmem>> -> memref<1x1x80xi32, #tpu.memory_space<vmem>>
        %dma_start3A_1191 = tpu.memref_squeeze %dma_start3A_1190 : memref<1x1x80xi32, #tpu.memory_space<vmem>> -> memref<80xi32, #tpu.memory_space<vmem>>
        %dma_start3A_1192 = arith.constant 0 : i32
        %dma_start3A_1193 = arith.constant 0 : i32
        %dma_start3A_1194 = tpu.memref_slice %arg2[%dma_start3A_1192, %dma_start3A_1193] : memref<1048576x32xf32, #tpu.memory_space<hbm>> -> memref<1048576x32xf32, #tpu.memory_space<hbm>>
        %dma_start3A_1195 = tpu.memref_slice %arg12[%select_n3A_105] : memref<2x!tpu.dma_semaphore, #tpu.memory_space<semaphore_mem>> -> memref<1x!tpu.dma_semaphore, #tpu.memory_space<semaphore_mem>>
        %dma_start3A_1196 = tpu.memref_squeeze %dma_start3A_1195 : memref<1x!tpu.dma_semaphore, #tpu.memory_space<semaphore_mem>> -> memref<!tpu.dma_semaphore, #tpu.memory_space<semaphore_mem>>
        tpu.enqueue_indirect_dma source(%dma_start3A_1194 : memref<1048576x32xf32, #tpu.memory_space<hbm>>) target(%dma_start3A_1188 : memref<80x32xf32, #tpu.memory_space<vmem>>) offsets(%dma_start3A_1191 : memref<80xi32, #tpu.memory_space<vmem>>) semaphore(%dma_start3A_1196 : memref<!tpu.dma_semaphore, #tpu.memory_space<semaphore_mem>>)
        %dma_start3A_1197 = arith.constant 6 : i32
        %dma_start3A_1198 = arith.constant 6 : i32
        %dma_start3A_1199 = arith.constant 0 : i32
        %dma_start3A_1200 = arith.constant 0 : i32
        %dma_start3A_1201 = tpu.memref_slice %arg8[%select_n3A_105, %dma_start3A_1198, %dma_start3A_1199, %dma_start3A_1200] : memref<2x8x80x32xf32, #tpu.memory_space<vmem>> -> memref<1x1x80x32xf32, #tpu.memory_space<vmem>>
        %dma_start3A_1202 = tpu.memref_squeeze %dma_start3A_1201 : memref<1x1x80x32xf32, #tpu.memory_space<vmem>> -> memref<80x32xf32, #tpu.memory_space<vmem>>
        %dma_start3A_1203 = arith.constant 0 : i32
        %dma_start3A_1204 = tpu.memref_slice %arg7[%select_n3A_105, %dma_start3A_1197, %dma_start3A_1203] : memref<2x8x80xi32, #tpu.memory_space<vmem>> -> memref<1x1x80xi32, #tpu.memory_space<vmem>>
        %dma_start3A_1205 = tpu.memref_squeeze %dma_start3A_1204 : memref<1x1x80xi32, #tpu.memory_space<vmem>> -> memref<80xi32, #tpu.memory_space<vmem>>
        %dma_start3A_1206 = arith.constant 0 : i32
        %dma_start3A_1207 = arith.constant 0 : i32
        %dma_start3A_1208 = tpu.memref_slice %arg2[%dma_start3A_1206, %dma_start3A_1207] : memref<1048576x32xf32, #tpu.memory_space<hbm>> -> memref<1048576x32xf32, #tpu.memory_space<hbm>>
        %dma_start3A_1209 = tpu.memref_slice %arg12[%select_n3A_105] : memref<2x!tpu.dma_semaphore, #tpu.memory_space<semaphore_mem>> -> memref<1x!tpu.dma_semaphore, #tpu.memory_space<semaphore_mem>>
        %dma_start3A_1210 = tpu.memref_squeeze %dma_start3A_1209 : memref<1x!tpu.dma_semaphore, #tpu.memory_space<semaphore_mem>> -> memref<!tpu.dma_semaphore, #tpu.memory_space<semaphore_mem>>
        tpu.enqueue_indirect_dma source(%dma_start3A_1208 : memref<1048576x32xf32, #tpu.memory_space<hbm>>) target(%dma_start3A_1202 : memref<80x32xf32, #tpu.memory_space<vmem>>) offsets(%dma_start3A_1205 : memref<80xi32, #tpu.memory_space<vmem>>) semaphore(%dma_start3A_1210 : memref<!tpu.dma_semaphore, #tpu.memory_space<semaphore_mem>>)
        %dma_start3A_1211 = arith.constant 7 : i32
        %dma_start3A_1212 = arith.constant 7 : i32
        %dma_start3A_1213 = arith.constant 0 : i32
        %dma_start3A_1214 = arith.constant 0 : i32
        %dma_start3A_1215 = tpu.memref_slice %arg8[%select_n3A_105, %dma_start3A_1212, %dma_start3A_1213, %dma_start3A_1214] : memref<2x8x80x32xf32, #tpu.memory_space<vmem>> -> memref<1x1x80x32xf32, #tpu.memory_space<vmem>>
        %dma_start3A_1216 = tpu.memref_squeeze %dma_start3A_1215 : memref<1x1x80x32xf32, #tpu.memory_space<vmem>> -> memref<80x32xf32, #tpu.memory_space<vmem>>
        %dma_start3A_1217 = arith.constant 0 : i32
        %dma_start3A_1218 = tpu.memref_slice %arg7[%select_n3A_105, %dma_start3A_1211, %dma_start3A_1217] : memref<2x8x80xi32, #tpu.memory_space<vmem>> -> memref<1x1x80xi32, #tpu.memory_space<vmem>>
        %dma_start3A_1219 = tpu.memref_squeeze %dma_start3A_1218 : memref<1x1x80xi32, #tpu.memory_space<vmem>> -> memref<80xi32, #tpu.memory_space<vmem>>
        %dma_start3A_1220 = arith.constant 0 : i32
        %dma_start3A_1221 = arith.constant 0 : i32
        %dma_start3A_1222 = tpu.memref_slice %arg2[%dma_start3A_1220, %dma_start3A_1221] : memref<1048576x32xf32, #tpu.memory_space<hbm>> -> memref<1048576x32xf32, #tpu.memory_space<hbm>>
        %dma_start3A_1223 = tpu.memref_slice %arg12[%select_n3A_105] : memref<2x!tpu.dma_semaphore, #tpu.memory_space<semaphore_mem>> -> memref<1x!tpu.dma_semaphore, #tpu.memory_space<semaphore_mem>>
        %dma_start3A_1224 = tpu.memref_squeeze %dma_start3A_1223 : memref<1x!tpu.dma_semaphore, #tpu.memory_space<semaphore_mem>> -> memref<!tpu.dma_semaphore, #tpu.memory_space<semaphore_mem>>
        tpu.enqueue_indirect_dma source(%dma_start3A_1222 : memref<1048576x32xf32, #tpu.memory_space<hbm>>) target(%dma_start3A_1216 : memref<80x32xf32, #tpu.memory_space<vmem>>) offsets(%dma_start3A_1219 : memref<80xi32, #tpu.memory_space<vmem>>) semaphore(%dma_start3A_1224 : memref<!tpu.dma_semaphore, #tpu.memory_space<semaphore_mem>>)
        %add3A_1225 = arith.constant 1 : i32
        %add3A_1226 = arith.addi %scan3A_80, %add3A_1225 : i32
        %lt3A_1227 = arith.cmpi slt, %add3A_1226, %add3A_4 : i32
        %convert_element_type3A_1228 = arith.extui %lt3A_1227 : i1 to i32
        %cond3A_1229 = arith.constant 0 : i32
        %cond3A_1230 = arith.cmpi ne, %convert_element_type3A_1228, %cond3A_1229 : i32
        scf.if %cond3A_1230 {
          %add3A_1231 = arith.constant 1 : i32
          %add3A_1232 = arith.addi %scan3A_80, %add3A_1231 : i32
          %mul3A_1233 = arith.constant 32 : i32
          %mul3A_1234 = arith.muli %add3A_1232, %mul3A_1233 : i32
          %add3A_1235 = arith.addi %mul3A_1234, %add3A : i32
          %jit3A_1236 = arith.constant 1250 : i32
          %div3A_1237 = arith.divsi %add3A_1235, %jit3A_1236 : i32
          %sign3A_1238 = arith.constant 0 : i32
          %sign3A_1239 = arith.cmpi sgt, %add3A_1235, %sign3A_1238 : i32
          %sign3A_1240 = arith.extui %sign3A_1239 : i1 to i32
          %sign3A_1241 = arith.constant 0 : i32
          %sign3A_1242 = arith.cmpi slt, %add3A_1235, %sign3A_1241 : i32
          %sign3A_1243 = arith.extui %sign3A_1242 : i1 to i32
          %sign3A_1244 = arith.subi %sign3A_1240, %sign3A_1243 : i32
          %sign3A_1245 = arith.constant 0 : i32
          %sign3A_1246 = arith.cmpi sgt, %jit3A_1236, %sign3A_1245 : i32
          %sign3A_1247 = arith.extui %sign3A_1246 : i1 to i32
          %sign3A_1248 = arith.constant 0 : i32
          %sign3A_1249 = arith.cmpi slt, %jit3A_1236, %sign3A_1248 : i32
          %sign3A_1250 = arith.extui %sign3A_1249 : i1 to i32
          %sign3A_1251 = arith.subi %sign3A_1247, %sign3A_1250 : i32
          %ne3A_1252 = arith.cmpi ne, %sign3A_1244, %sign3A_1251 : i32
          %rem3A_1253 = arith.remsi %add3A_1235, %jit3A_1236 : i32
          %ne3A_1254 = arith.constant 0 : i32
          %ne3A_1255 = arith.cmpi ne, %rem3A_1253, %ne3A_1254 : i32
          %and3A_1256 = arith.andi %ne3A_1252, %ne3A_1255 : i1
          %sub3A_1257 = arith.constant 1 : i32
          %sub3A_1258 = arith.subi %div3A_1237, %sub3A_1257 : i32
          %select_n3A_1259 = arith.select %and3A_1256, %sub3A_1258, %div3A_1237 : i32
          %mul3A_1260 = arith.constant 100000 : i32
          %mul3A_1261 = arith.muli %select_n3A_1259, %mul3A_1260 : i32
          %jit3A_1262 = arith.constant 1250 : i32
          %eq3A_1263 = arith.constant 0 : i32
          %eq3A_1264 = arith.cmpi eq, %jit3A_1262, %eq3A_1263 : i32
          %jit3A_1265 = arith.constant 1 : i32
          %select_n3A_1266 = arith.select %eq3A_1264, %jit3A_1265, %jit3A_1262 : i32
          %rem3A_1267 = arith.remsi %add3A_1235, %select_n3A_1266 : i32
          %ne3A_1268 = arith.constant 0 : i32
          %ne3A_1269 = arith.cmpi ne, %rem3A_1267, %ne3A_1268 : i32
          %lt3A_1270 = arith.constant 0 : i32
          %lt3A_1271 = arith.cmpi slt, %rem3A_1267, %lt3A_1270 : i32
          %lt3A_1272 = arith.constant 0 : i32
          %lt3A_1273 = arith.cmpi slt, %select_n3A_1266, %lt3A_1272 : i32
          %ne3A_1274 = arith.xori %lt3A_1271, %lt3A_1273 : i1
          %and3A_1275 = arith.andi %ne3A_1274, %ne3A_1269 : i1
          %add3A_1276 = arith.addi %rem3A_1267, %select_n3A_1266 : i32
          %select_n3A_1277 = arith.select %and3A_1275, %add3A_1276, %rem3A_1267 : i32
          %mul3A_1278 = arith.constant 80 : i32
          %mul3A_1279 = arith.muli %select_n3A_1277, %mul3A_1278 : i32
          %add3A_1280 = arith.addi %mul3A_1261, %mul3A_1279 : i32
          %jit3A_1281 = arith.constant 2 : i32
          %eq3A_1282 = arith.constant 0 : i32
          %eq3A_1283 = arith.cmpi eq, %jit3A_1281, %eq3A_1282 : i32
          %jit3A_1284 = arith.constant 1 : i32
          %select_n3A_1285 = arith.select %eq3A_1283, %jit3A_1284, %jit3A_1281 : i32
          %rem3A_1286 = arith.remsi %add3A_1232, %select_n3A_1285 : i32
          %ne3A_1287 = arith.constant 0 : i32
          %ne3A_1288 = arith.cmpi ne, %rem3A_1286, %ne3A_1287 : i32
          %lt3A_1289 = arith.constant 0 : i32
          %lt3A_1290 = arith.cmpi slt, %rem3A_1286, %lt3A_1289 : i32
          %lt3A_1291 = arith.constant 0 : i32
          %lt3A_1292 = arith.cmpi slt, %select_n3A_1285, %lt3A_1291 : i32
          %ne3A_1293 = arith.xori %lt3A_1290, %lt3A_1292 : i1
          %and3A_1294 = arith.andi %ne3A_1293, %ne3A_1288 : i1
          %add3A_1295 = arith.addi %rem3A_1286, %select_n3A_1285 : i32
          %select_n3A_1296 = arith.select %and3A_1294, %add3A_1295, %rem3A_1286 : i32
          %dma_start3A_1297 = arith.constant 0 : i32
          %dma_start3A_1298 = arith.constant 0 : i32
          %dma_start3A_1299 = tpu.memref_slice %arg10[%select_n3A_1296, %dma_start3A_1297, %dma_start3A_1298] : memref<2x3x80xf32, #tpu.memory_space<vmem>> -> memref<1x1x80xf32, #tpu.memory_space<vmem>>
          %dma_start3A_1300 = tpu.memref_squeeze %dma_start3A_1299 : memref<1x1x80xf32, #tpu.memory_space<vmem>> -> memref<80xf32, #tpu.memory_space<vmem>>
          %dma_start3A_1301 = tpu.memref_slice %arg3[%add3A_1280] : memref<400000xf32, #tpu.memory_space<hbm>> -> memref<80xf32, #tpu.memory_space<hbm>>
          %dma_start3A_1302 = arith.constant 0 : i32
          %dma_start3A_1303 = tpu.memref_slice %arg10[%select_n3A_1296, %dma_start3A_1297, %dma_start3A_1302] : memref<2x3x80xf32, #tpu.memory_space<vmem>> -> memref<1x1x80xf32, #tpu.memory_space<vmem>>
          %dma_start3A_1304 = tpu.memref_squeeze %dma_start3A_1303 : memref<1x1x80xf32, #tpu.memory_space<vmem>> -> memref<80xf32, #tpu.memory_space<vmem>>
          %dma_start3A_1305 = tpu.memref_slice %arg3[%add3A_1280] : memref<400000xf32, #tpu.memory_space<hbm>> -> memref<80xf32, #tpu.memory_space<hbm>>
          tpu.enqueue_dma source(%dma_start3A_1305 : memref<80xf32, #tpu.memory_space<hbm>>) target(%dma_start3A_1304 : memref<80xf32, #tpu.memory_space<vmem>>) target_semaphore(%arg13 : memref<!tpu.dma_semaphore, #tpu.memory_space<semaphore_mem>>)
          %dma_start3A_1306 = arith.constant 1 : i32
          %dma_start3A_1307 = arith.constant 0 : i32
          %dma_start3A_1308 = tpu.memref_slice %arg10[%select_n3A_1296, %dma_start3A_1306, %dma_start3A_1307] : memref<2x3x80xf32, #tpu.memory_space<vmem>> -> memref<1x1x80xf32, #tpu.memory_space<vmem>>
          %dma_start3A_1309 = tpu.memref_squeeze %dma_start3A_1308 : memref<1x1x80xf32, #tpu.memory_space<vmem>> -> memref<80xf32, #tpu.memory_space<vmem>>
          %dma_start3A_1310 = tpu.memref_slice %arg4[%add3A_1280] : memref<400000xf32, #tpu.memory_space<hbm>> -> memref<80xf32, #tpu.memory_space<hbm>>
          %dma_start3A_1311 = arith.constant 0 : i32
          %dma_start3A_1312 = tpu.memref_slice %arg10[%select_n3A_1296, %dma_start3A_1306, %dma_start3A_1311] : memref<2x3x80xf32, #tpu.memory_space<vmem>> -> memref<1x1x80xf32, #tpu.memory_space<vmem>>
          %dma_start3A_1313 = tpu.memref_squeeze %dma_start3A_1312 : memref<1x1x80xf32, #tpu.memory_space<vmem>> -> memref<80xf32, #tpu.memory_space<vmem>>
          %dma_start3A_1314 = tpu.memref_slice %arg4[%add3A_1280] : memref<400000xf32, #tpu.memory_space<hbm>> -> memref<80xf32, #tpu.memory_space<hbm>>
          tpu.enqueue_dma source(%dma_start3A_1314 : memref<80xf32, #tpu.memory_space<hbm>>) target(%dma_start3A_1313 : memref<80xf32, #tpu.memory_space<vmem>>) target_semaphore(%arg13 : memref<!tpu.dma_semaphore, #tpu.memory_space<semaphore_mem>>)
          %dma_start3A_1315 = arith.constant 2 : i32
          %dma_start3A_1316 = arith.constant 0 : i32
          %dma_start3A_1317 = tpu.memref_slice %arg10[%select_n3A_1296, %dma_start3A_1315, %dma_start3A_1316] : memref<2x3x80xf32, #tpu.memory_space<vmem>> -> memref<1x1x80xf32, #tpu.memory_space<vmem>>
          %dma_start3A_1318 = tpu.memref_squeeze %dma_start3A_1317 : memref<1x1x80xf32, #tpu.memory_space<vmem>> -> memref<80xf32, #tpu.memory_space<vmem>>
          %dma_start3A_1319 = tpu.memref_slice %arg5[%add3A_1280] : memref<400000xf32, #tpu.memory_space<hbm>> -> memref<80xf32, #tpu.memory_space<hbm>>
          %dma_start3A_1320 = arith.constant 0 : i32
          %dma_start3A_1321 = tpu.memref_slice %arg10[%select_n3A_1296, %dma_start3A_1315, %dma_start3A_1320] : memref<2x3x80xf32, #tpu.memory_space<vmem>> -> memref<1x1x80xf32, #tpu.memory_space<vmem>>
          %dma_start3A_1322 = tpu.memref_squeeze %dma_start3A_1321 : memref<1x1x80xf32, #tpu.memory_space<vmem>> -> memref<80xf32, #tpu.memory_space<vmem>>
          %dma_start3A_1323 = tpu.memref_slice %arg5[%add3A_1280] : memref<400000xf32, #tpu.memory_space<hbm>> -> memref<80xf32, #tpu.memory_space<hbm>>
          tpu.enqueue_dma source(%dma_start3A_1323 : memref<80xf32, #tpu.memory_space<hbm>>) target(%dma_start3A_1322 : memref<80xf32, #tpu.memory_space<vmem>>) target_semaphore(%arg13 : memref<!tpu.dma_semaphore, #tpu.memory_space<semaphore_mem>>)
        } else {
        }
      } else {
      }
      %ge3A = arith.constant 1 : i32
      %ge3A_84 = arith.cmpi sge, %scan3A_80, %ge3A : i32
      %le3A = arith.cmpi sle, %scan3A_80, %add3A_4 : i32
      %and3A_85 = arith.andi %ge3A_84, %le3A : i1
      %convert_element_type3A_86 = arith.extui %and3A_85 : i1 to i32
      %cond3A_87 = arith.constant 0 : i32
      %cond3A_88 = arith.cmpi ne, %convert_element_type3A_86, %cond3A_87 : i32
      scf.if %cond3A_88 {
        %sub3A_90 = arith.constant 1 : i32
        %sub3A_91 = arith.subi %scan3A_80, %sub3A_90 : i32
        %jit3A_92 = arith.constant 2 : i32
        %eq3A_93 = arith.constant 0 : i32
        %eq3A_94 = arith.cmpi eq, %jit3A_92, %eq3A_93 : i32
        %jit3A_95 = arith.constant 1 : i32
        %select_n3A_96 = arith.select %eq3A_94, %jit3A_95, %jit3A_92 : i32
        %rem3A_97 = arith.remsi %sub3A_91, %select_n3A_96 : i32
        %ne3A_98 = arith.constant 0 : i32
        %ne3A_99 = arith.cmpi ne, %rem3A_97, %ne3A_98 : i32
        %lt3A_100 = arith.constant 0 : i32
        %lt3A_101 = arith.cmpi slt, %rem3A_97, %lt3A_100 : i32
        %lt3A_102 = arith.constant 0 : i32
        %lt3A_103 = arith.cmpi slt, %select_n3A_96, %lt3A_102 : i32
        %ne3A_104 = arith.xori %lt3A_101, %lt3A_103 : i1
        %and3A_105 = arith.andi %ne3A_104, %ne3A_99 : i1
        %add3A_106 = arith.addi %rem3A_97, %select_n3A_96 : i32
        %select_n3A_107 = arith.select %and3A_105, %add3A_106, %rem3A_97 : i32
        %mul3A_108 = arith.constant 32 : i32
        %mul3A_109 = arith.muli %sub3A_91, %mul3A_108 : i32
        %add3A_110 = arith.addi %mul3A_109, %add3A : i32
        %jit3A_111 = arith.constant 1250 : i32
        %div3A_112 = arith.divsi %add3A_110, %jit3A_111 : i32
        %sign3A_113 = arith.constant 0 : i32
        %sign3A_114 = arith.cmpi sgt, %add3A_110, %sign3A_113 : i32
        %sign3A_115 = arith.extui %sign3A_114 : i1 to i32
        %sign3A_116 = arith.constant 0 : i32
        %sign3A_117 = arith.cmpi slt, %add3A_110, %sign3A_116 : i32
        %sign3A_118 = arith.extui %sign3A_117 : i1 to i32
        %sign3A_119 = arith.subi %sign3A_115, %sign3A_118 : i32
        %sign3A_120 = arith.constant 0 : i32
        %sign3A_121 = arith.cmpi sgt, %jit3A_111, %sign3A_120 : i32
        %sign3A_122 = arith.extui %sign3A_121 : i1 to i32
        %sign3A_123 = arith.constant 0 : i32
        %sign3A_124 = arith.cmpi slt, %jit3A_111, %sign3A_123 : i32
        %sign3A_125 = arith.extui %sign3A_124 : i1 to i32
        %sign3A_126 = arith.subi %sign3A_122, %sign3A_125 : i32
        %ne3A_127 = arith.cmpi ne, %sign3A_119, %sign3A_126 : i32
        %rem3A_128 = arith.remsi %add3A_110, %jit3A_111 : i32
        %ne3A_129 = arith.constant 0 : i32
        %ne3A_130 = arith.cmpi ne, %rem3A_128, %ne3A_129 : i32
        %and3A_131 = arith.andi %ne3A_127, %ne3A_130 : i1
        %sub3A_132 = arith.constant 1 : i32
        %sub3A_133 = arith.subi %div3A_112, %sub3A_132 : i32
        %select_n3A_134 = arith.select %and3A_131, %sub3A_133, %div3A_112 : i32
        %jit3A_135 = arith.constant 1250 : i32
        %eq3A_136 = arith.constant 0 : i32
        %eq3A_137 = arith.cmpi eq, %jit3A_135, %eq3A_136 : i32
        %jit3A_138 = arith.constant 1 : i32
        %select_n3A_139 = arith.select %eq3A_137, %jit3A_138, %jit3A_135 : i32
        %rem3A_140 = arith.remsi %add3A_110, %select_n3A_139 : i32
        %ne3A_141 = arith.constant 0 : i32
        %ne3A_142 = arith.cmpi ne, %rem3A_140, %ne3A_141 : i32
        %lt3A_143 = arith.constant 0 : i32
        %lt3A_144 = arith.cmpi slt, %rem3A_140, %lt3A_143 : i32
        %lt3A_145 = arith.constant 0 : i32
        %lt3A_146 = arith.cmpi slt, %select_n3A_139, %lt3A_145 : i32
        %ne3A_147 = arith.xori %lt3A_144, %lt3A_146 : i1
        %and3A_148 = arith.andi %ne3A_147, %ne3A_142 : i1
        %add3A_149 = arith.addi %rem3A_140, %select_n3A_139 : i32
        %select_n3A_150 = arith.select %and3A_148, %add3A_149, %rem3A_140 : i32
        %dma_wait3A = arith.constant 0 : i32
        %dma_wait3A_151 = arith.constant 0 : i32
        %dma_wait3A_152 = arith.constant 0 : i32
        %dma_wait3A_153 = arith.constant 0 : i32
        %dma_wait3A_154 = tpu.memref_slice %arg8[%select_n3A_107, %dma_wait3A_151, %dma_wait3A_152, %dma_wait3A_153] : memref<2x8x80x32xf32, #tpu.memory_space<vmem>> -> memref<1x1x80x32xf32, #tpu.memory_space<vmem>>
        %dma_wait3A_155 = tpu.memref_squeeze %dma_wait3A_154 : memref<1x1x80x32xf32, #tpu.memory_space<vmem>> -> memref<80x32xf32, #tpu.memory_space<vmem>>
        %dma_wait3A_156 = arith.constant 0 : i32
        %dma_wait3A_157 = tpu.memref_slice %arg7[%select_n3A_107, %dma_wait3A, %dma_wait3A_156] : memref<2x8x80xi32, #tpu.memory_space<vmem>> -> memref<1x1x80xi32, #tpu.memory_space<vmem>>
        %dma_wait3A_158 = tpu.memref_squeeze %dma_wait3A_157 : memref<1x1x80xi32, #tpu.memory_space<vmem>> -> memref<80xi32, #tpu.memory_space<vmem>>
        %dma_wait3A_159 = arith.constant 0 : i32
        %dma_wait3A_160 = arith.constant 0 : i32
        %dma_wait3A_161 = tpu.memref_slice %arg2[%dma_wait3A_159, %dma_wait3A_160] : memref<1048576x32xf32, #tpu.memory_space<hbm>> -> memref<1048576x32xf32, #tpu.memory_space<hbm>>
        %dma_wait3A_162 = tpu.memref_slice %arg12[%select_n3A_107] : memref<2x!tpu.dma_semaphore, #tpu.memory_space<semaphore_mem>> -> memref<1x!tpu.dma_semaphore, #tpu.memory_space<semaphore_mem>>
        %dma_wait3A_163 = tpu.memref_squeeze %dma_wait3A_162 : memref<1x!tpu.dma_semaphore, #tpu.memory_space<semaphore_mem>> -> memref<!tpu.dma_semaphore, #tpu.memory_space<semaphore_mem>>
        tpu.wait_indirect_dma semaphore(%dma_wait3A_163 : memref<!tpu.dma_semaphore, #tpu.memory_space<semaphore_mem>>) src(%dma_wait3A_161 : memref<1048576x32xf32, #tpu.memory_space<hbm>>) dst(%dma_wait3A_155 : memref<80x32xf32, #tpu.memory_space<vmem>>)
        %dma_wait3A_164 = arith.constant 1 : i32
        %dma_wait3A_165 = arith.constant 1 : i32
        %dma_wait3A_166 = arith.constant 0 : i32
        %dma_wait3A_167 = arith.constant 0 : i32
        %dma_wait3A_168 = tpu.memref_slice %arg8[%select_n3A_107, %dma_wait3A_165, %dma_wait3A_166, %dma_wait3A_167] : memref<2x8x80x32xf32, #tpu.memory_space<vmem>> -> memref<1x1x80x32xf32, #tpu.memory_space<vmem>>
        %dma_wait3A_169 = tpu.memref_squeeze %dma_wait3A_168 : memref<1x1x80x32xf32, #tpu.memory_space<vmem>> -> memref<80x32xf32, #tpu.memory_space<vmem>>
        %dma_wait3A_170 = arith.constant 0 : i32
        %dma_wait3A_171 = tpu.memref_slice %arg7[%select_n3A_107, %dma_wait3A_164, %dma_wait3A_170] : memref<2x8x80xi32, #tpu.memory_space<vmem>> -> memref<1x1x80xi32, #tpu.memory_space<vmem>>
        %dma_wait3A_172 = tpu.memref_squeeze %dma_wait3A_171 : memref<1x1x80xi32, #tpu.memory_space<vmem>> -> memref<80xi32, #tpu.memory_space<vmem>>
        %dma_wait3A_173 = arith.constant 0 : i32
        %dma_wait3A_174 = arith.constant 0 : i32
        %dma_wait3A_175 = tpu.memref_slice %arg2[%dma_wait3A_173, %dma_wait3A_174] : memref<1048576x32xf32, #tpu.memory_space<hbm>> -> memref<1048576x32xf32, #tpu.memory_space<hbm>>
        %dma_wait3A_176 = tpu.memref_slice %arg12[%select_n3A_107] : memref<2x!tpu.dma_semaphore, #tpu.memory_space<semaphore_mem>> -> memref<1x!tpu.dma_semaphore, #tpu.memory_space<semaphore_mem>>
        %dma_wait3A_177 = tpu.memref_squeeze %dma_wait3A_176 : memref<1x!tpu.dma_semaphore, #tpu.memory_space<semaphore_mem>> -> memref<!tpu.dma_semaphore, #tpu.memory_space<semaphore_mem>>
        tpu.wait_indirect_dma semaphore(%dma_wait3A_177 : memref<!tpu.dma_semaphore, #tpu.memory_space<semaphore_mem>>) src(%dma_wait3A_175 : memref<1048576x32xf32, #tpu.memory_space<hbm>>) dst(%dma_wait3A_169 : memref<80x32xf32, #tpu.memory_space<vmem>>)
        %dma_wait3A_178 = arith.constant 2 : i32
        %dma_wait3A_179 = arith.constant 2 : i32
        %dma_wait3A_180 = arith.constant 0 : i32
        %dma_wait3A_181 = arith.constant 0 : i32
        %dma_wait3A_182 = tpu.memref_slice %arg8[%select_n3A_107, %dma_wait3A_179, %dma_wait3A_180, %dma_wait3A_181] : memref<2x8x80x32xf32, #tpu.memory_space<vmem>> -> memref<1x1x80x32xf32, #tpu.memory_space<vmem>>
        %dma_wait3A_183 = tpu.memref_squeeze %dma_wait3A_182 : memref<1x1x80x32xf32, #tpu.memory_space<vmem>> -> memref<80x32xf32, #tpu.memory_space<vmem>>
        %dma_wait3A_184 = arith.constant 0 : i32
        %dma_wait3A_185 = tpu.memref_slice %arg7[%select_n3A_107, %dma_wait3A_178, %dma_wait3A_184] : memref<2x8x80xi32, #tpu.memory_space<vmem>> -> memref<1x1x80xi32, #tpu.memory_space<vmem>>
        %dma_wait3A_186 = tpu.memref_squeeze %dma_wait3A_185 : memref<1x1x80xi32, #tpu.memory_space<vmem>> -> memref<80xi32, #tpu.memory_space<vmem>>
        %dma_wait3A_187 = arith.constant 0 : i32
        %dma_wait3A_188 = arith.constant 0 : i32
        %dma_wait3A_189 = tpu.memref_slice %arg2[%dma_wait3A_187, %dma_wait3A_188] : memref<1048576x32xf32, #tpu.memory_space<hbm>> -> memref<1048576x32xf32, #tpu.memory_space<hbm>>
        %dma_wait3A_190 = tpu.memref_slice %arg12[%select_n3A_107] : memref<2x!tpu.dma_semaphore, #tpu.memory_space<semaphore_mem>> -> memref<1x!tpu.dma_semaphore, #tpu.memory_space<semaphore_mem>>
        %dma_wait3A_191 = tpu.memref_squeeze %dma_wait3A_190 : memref<1x!tpu.dma_semaphore, #tpu.memory_space<semaphore_mem>> -> memref<!tpu.dma_semaphore, #tpu.memory_space<semaphore_mem>>
        tpu.wait_indirect_dma semaphore(%dma_wait3A_191 : memref<!tpu.dma_semaphore, #tpu.memory_space<semaphore_mem>>) src(%dma_wait3A_189 : memref<1048576x32xf32, #tpu.memory_space<hbm>>) dst(%dma_wait3A_183 : memref<80x32xf32, #tpu.memory_space<vmem>>)
        %dma_wait3A_192 = arith.constant 3 : i32
        %dma_wait3A_193 = arith.constant 3 : i32
        %dma_wait3A_194 = arith.constant 0 : i32
        %dma_wait3A_195 = arith.constant 0 : i32
        %dma_wait3A_196 = tpu.memref_slice %arg8[%select_n3A_107, %dma_wait3A_193, %dma_wait3A_194, %dma_wait3A_195] : memref<2x8x80x32xf32, #tpu.memory_space<vmem>> -> memref<1x1x80x32xf32, #tpu.memory_space<vmem>>
        %dma_wait3A_197 = tpu.memref_squeeze %dma_wait3A_196 : memref<1x1x80x32xf32, #tpu.memory_space<vmem>> -> memref<80x32xf32, #tpu.memory_space<vmem>>
        %dma_wait3A_198 = arith.constant 0 : i32
        %dma_wait3A_199 = tpu.memref_slice %arg7[%select_n3A_107, %dma_wait3A_192, %dma_wait3A_198] : memref<2x8x80xi32, #tpu.memory_space<vmem>> -> memref<1x1x80xi32, #tpu.memory_space<vmem>>
        %dma_wait3A_200 = tpu.memref_squeeze %dma_wait3A_199 : memref<1x1x80xi32, #tpu.memory_space<vmem>> -> memref<80xi32, #tpu.memory_space<vmem>>
        %dma_wait3A_201 = arith.constant 0 : i32
        %dma_wait3A_202 = arith.constant 0 : i32
        %dma_wait3A_203 = tpu.memref_slice %arg2[%dma_wait3A_201, %dma_wait3A_202] : memref<1048576x32xf32, #tpu.memory_space<hbm>> -> memref<1048576x32xf32, #tpu.memory_space<hbm>>
        %dma_wait3A_204 = tpu.memref_slice %arg12[%select_n3A_107] : memref<2x!tpu.dma_semaphore, #tpu.memory_space<semaphore_mem>> -> memref<1x!tpu.dma_semaphore, #tpu.memory_space<semaphore_mem>>
        %dma_wait3A_205 = tpu.memref_squeeze %dma_wait3A_204 : memref<1x!tpu.dma_semaphore, #tpu.memory_space<semaphore_mem>> -> memref<!tpu.dma_semaphore, #tpu.memory_space<semaphore_mem>>
        tpu.wait_indirect_dma semaphore(%dma_wait3A_205 : memref<!tpu.dma_semaphore, #tpu.memory_space<semaphore_mem>>) src(%dma_wait3A_203 : memref<1048576x32xf32, #tpu.memory_space<hbm>>) dst(%dma_wait3A_197 : memref<80x32xf32, #tpu.memory_space<vmem>>)
        %dma_wait3A_206 = arith.constant 4 : i32
        %dma_wait3A_207 = arith.constant 4 : i32
        %dma_wait3A_208 = arith.constant 0 : i32
        %dma_wait3A_209 = arith.constant 0 : i32
        %dma_wait3A_210 = tpu.memref_slice %arg8[%select_n3A_107, %dma_wait3A_207, %dma_wait3A_208, %dma_wait3A_209] : memref<2x8x80x32xf32, #tpu.memory_space<vmem>> -> memref<1x1x80x32xf32, #tpu.memory_space<vmem>>
        %dma_wait3A_211 = tpu.memref_squeeze %dma_wait3A_210 : memref<1x1x80x32xf32, #tpu.memory_space<vmem>> -> memref<80x32xf32, #tpu.memory_space<vmem>>
        %dma_wait3A_212 = arith.constant 0 : i32
        %dma_wait3A_213 = tpu.memref_slice %arg7[%select_n3A_107, %dma_wait3A_206, %dma_wait3A_212] : memref<2x8x80xi32, #tpu.memory_space<vmem>> -> memref<1x1x80xi32, #tpu.memory_space<vmem>>
        %dma_wait3A_214 = tpu.memref_squeeze %dma_wait3A_213 : memref<1x1x80xi32, #tpu.memory_space<vmem>> -> memref<80xi32, #tpu.memory_space<vmem>>
        %dma_wait3A_215 = arith.constant 0 : i32
        %dma_wait3A_216 = arith.constant 0 : i32
        %dma_wait3A_217 = tpu.memref_slice %arg2[%dma_wait3A_215, %dma_wait3A_216] : memref<1048576x32xf32, #tpu.memory_space<hbm>> -> memref<1048576x32xf32, #tpu.memory_space<hbm>>
        %dma_wait3A_218 = tpu.memref_slice %arg12[%select_n3A_107] : memref<2x!tpu.dma_semaphore, #tpu.memory_space<semaphore_mem>> -> memref<1x!tpu.dma_semaphore, #tpu.memory_space<semaphore_mem>>
        %dma_wait3A_219 = tpu.memref_squeeze %dma_wait3A_218 : memref<1x!tpu.dma_semaphore, #tpu.memory_space<semaphore_mem>> -> memref<!tpu.dma_semaphore, #tpu.memory_space<semaphore_mem>>
        tpu.wait_indirect_dma semaphore(%dma_wait3A_219 : memref<!tpu.dma_semaphore, #tpu.memory_space<semaphore_mem>>) src(%dma_wait3A_217 : memref<1048576x32xf32, #tpu.memory_space<hbm>>) dst(%dma_wait3A_211 : memref<80x32xf32, #tpu.memory_space<vmem>>)
        %dma_wait3A_220 = arith.constant 5 : i32
        %dma_wait3A_221 = arith.constant 5 : i32
        %dma_wait3A_222 = arith.constant 0 : i32
        %dma_wait3A_223 = arith.constant 0 : i32
        %dma_wait3A_224 = tpu.memref_slice %arg8[%select_n3A_107, %dma_wait3A_221, %dma_wait3A_222, %dma_wait3A_223] : memref<2x8x80x32xf32, #tpu.memory_space<vmem>> -> memref<1x1x80x32xf32, #tpu.memory_space<vmem>>
        %dma_wait3A_225 = tpu.memref_squeeze %dma_wait3A_224 : memref<1x1x80x32xf32, #tpu.memory_space<vmem>> -> memref<80x32xf32, #tpu.memory_space<vmem>>
        %dma_wait3A_226 = arith.constant 0 : i32
        %dma_wait3A_227 = tpu.memref_slice %arg7[%select_n3A_107, %dma_wait3A_220, %dma_wait3A_226] : memref<2x8x80xi32, #tpu.memory_space<vmem>> -> memref<1x1x80xi32, #tpu.memory_space<vmem>>
        %dma_wait3A_228 = tpu.memref_squeeze %dma_wait3A_227 : memref<1x1x80xi32, #tpu.memory_space<vmem>> -> memref<80xi32, #tpu.memory_space<vmem>>
        %dma_wait3A_229 = arith.constant 0 : i32
        %dma_wait3A_230 = arith.constant 0 : i32
        %dma_wait3A_231 = tpu.memref_slice %arg2[%dma_wait3A_229, %dma_wait3A_230] : memref<1048576x32xf32, #tpu.memory_space<hbm>> -> memref<1048576x32xf32, #tpu.memory_space<hbm>>
        %dma_wait3A_232 = tpu.memref_slice %arg12[%select_n3A_107] : memref<2x!tpu.dma_semaphore, #tpu.memory_space<semaphore_mem>> -> memref<1x!tpu.dma_semaphore, #tpu.memory_space<semaphore_mem>>
        %dma_wait3A_233 = tpu.memref_squeeze %dma_wait3A_232 : memref<1x!tpu.dma_semaphore, #tpu.memory_space<semaphore_mem>> -> memref<!tpu.dma_semaphore, #tpu.memory_space<semaphore_mem>>
        tpu.wait_indirect_dma semaphore(%dma_wait3A_233 : memref<!tpu.dma_semaphore, #tpu.memory_space<semaphore_mem>>) src(%dma_wait3A_231 : memref<1048576x32xf32, #tpu.memory_space<hbm>>) dst(%dma_wait3A_225 : memref<80x32xf32, #tpu.memory_space<vmem>>)
        %dma_wait3A_234 = arith.constant 6 : i32
        %dma_wait3A_235 = arith.constant 6 : i32
        %dma_wait3A_236 = arith.constant 0 : i32
        %dma_wait3A_237 = arith.constant 0 : i32
        %dma_wait3A_238 = tpu.memref_slice %arg8[%select_n3A_107, %dma_wait3A_235, %dma_wait3A_236, %dma_wait3A_237] : memref<2x8x80x32xf32, #tpu.memory_space<vmem>> -> memref<1x1x80x32xf32, #tpu.memory_space<vmem>>
        %dma_wait3A_239 = tpu.memref_squeeze %dma_wait3A_238 : memref<1x1x80x32xf32, #tpu.memory_space<vmem>> -> memref<80x32xf32, #tpu.memory_space<vmem>>
        %dma_wait3A_240 = arith.constant 0 : i32
        %dma_wait3A_241 = tpu.memref_slice %arg7[%select_n3A_107, %dma_wait3A_234, %dma_wait3A_240] : memref<2x8x80xi32, #tpu.memory_space<vmem>> -> memref<1x1x80xi32, #tpu.memory_space<vmem>>
        %dma_wait3A_242 = tpu.memref_squeeze %dma_wait3A_241 : memref<1x1x80xi32, #tpu.memory_space<vmem>> -> memref<80xi32, #tpu.memory_space<vmem>>
        %dma_wait3A_243 = arith.constant 0 : i32
        %dma_wait3A_244 = arith.constant 0 : i32
        %dma_wait3A_245 = tpu.memref_slice %arg2[%dma_wait3A_243, %dma_wait3A_244] : memref<1048576x32xf32, #tpu.memory_space<hbm>> -> memref<1048576x32xf32, #tpu.memory_space<hbm>>
        %dma_wait3A_246 = tpu.memref_slice %arg12[%select_n3A_107] : memref<2x!tpu.dma_semaphore, #tpu.memory_space<semaphore_mem>> -> memref<1x!tpu.dma_semaphore, #tpu.memory_space<semaphore_mem>>
        %dma_wait3A_247 = tpu.memref_squeeze %dma_wait3A_246 : memref<1x!tpu.dma_semaphore, #tpu.memory_space<semaphore_mem>> -> memref<!tpu.dma_semaphore, #tpu.memory_space<semaphore_mem>>
        tpu.wait_indirect_dma semaphore(%dma_wait3A_247 : memref<!tpu.dma_semaphore, #tpu.memory_space<semaphore_mem>>) src(%dma_wait3A_245 : memref<1048576x32xf32, #tpu.memory_space<hbm>>) dst(%dma_wait3A_239 : memref<80x32xf32, #tpu.memory_space<vmem>>)
        %dma_wait3A_248 = arith.constant 7 : i32
        %dma_wait3A_249 = arith.constant 7 : i32
        %dma_wait3A_250 = arith.constant 0 : i32
        %dma_wait3A_251 = arith.constant 0 : i32
        %dma_wait3A_252 = tpu.memref_slice %arg8[%select_n3A_107, %dma_wait3A_249, %dma_wait3A_250, %dma_wait3A_251] : memref<2x8x80x32xf32, #tpu.memory_space<vmem>> -> memref<1x1x80x32xf32, #tpu.memory_space<vmem>>
        %dma_wait3A_253 = tpu.memref_squeeze %dma_wait3A_252 : memref<1x1x80x32xf32, #tpu.memory_space<vmem>> -> memref<80x32xf32, #tpu.memory_space<vmem>>
        %dma_wait3A_254 = arith.constant 0 : i32
        %dma_wait3A_255 = tpu.memref_slice %arg7[%select_n3A_107, %dma_wait3A_248, %dma_wait3A_254] : memref<2x8x80xi32, #tpu.memory_space<vmem>> -> memref<1x1x80xi32, #tpu.memory_space<vmem>>
        %dma_wait3A_256 = tpu.memref_squeeze %dma_wait3A_255 : memref<1x1x80xi32, #tpu.memory_space<vmem>> -> memref<80xi32, #tpu.memory_space<vmem>>
        %dma_wait3A_257 = arith.constant 0 : i32
        %dma_wait3A_258 = arith.constant 0 : i32
        %dma_wait3A_259 = tpu.memref_slice %arg2[%dma_wait3A_257, %dma_wait3A_258] : memref<1048576x32xf32, #tpu.memory_space<hbm>> -> memref<1048576x32xf32, #tpu.memory_space<hbm>>
        %dma_wait3A_260 = tpu.memref_slice %arg12[%select_n3A_107] : memref<2x!tpu.dma_semaphore, #tpu.memory_space<semaphore_mem>> -> memref<1x!tpu.dma_semaphore, #tpu.memory_space<semaphore_mem>>
        %dma_wait3A_261 = tpu.memref_squeeze %dma_wait3A_260 : memref<1x!tpu.dma_semaphore, #tpu.memory_space<semaphore_mem>> -> memref<!tpu.dma_semaphore, #tpu.memory_space<semaphore_mem>>
        tpu.wait_indirect_dma semaphore(%dma_wait3A_261 : memref<!tpu.dma_semaphore, #tpu.memory_space<semaphore_mem>>) src(%dma_wait3A_259 : memref<1048576x32xf32, #tpu.memory_space<hbm>>) dst(%dma_wait3A_253 : memref<80x32xf32, #tpu.memory_space<vmem>>)
        %scan3A_262 = arith.constant 0 : i32
        %scan3A_263 = arith.constant 0 : i32
        %scan3A_264 = arith.constant 5 : i32
        %scan3A_265 = arith.addi %scan3A_263, %scan3A_264 : i32
        %scan3A_266 = arith.constant 1 : i32
        %scan3A_267 = scf.for %scan3A_271 = %scan3A_263 to %scan3A_265 step %scan3A_266 iter_args(%scan3A_272 = %scan3A_262) -> (i32)  : i32 {
          %mul3A_273 = arith.constant 16 : i32
          %mul3A_274 = arith.muli %scan3A_271, %mul3A_273 : i32
          %add3A_275 = arith.constant 0 : i32
          %add3A_276 = arith.addi %add3A_275, %mul3A_274 : i32
          %get3A = arith.index_cast %select_n3A_107 : i32 to index
          %get3A_277 = arith.index_cast %add3A_276 : i32 to index
          %get3A_278 = tpu.vector_load %arg9[%get3A, %get3A_277] {strides = array<i32>} : memref<2x400xf32, #tpu.memory_space<vmem>>, vector<16xf32>,
          %mul3A_279 = arith.constant 16 : i32
          %mul3A_280 = arith.muli %scan3A_271, %mul3A_279 : i32
          %add3A_281 = arith.constant 80 : i32
          %add3A_282 = arith.addi %add3A_281, %mul3A_280 : i32
          %get3A_283 = arith.index_cast %select_n3A_107 : i32 to index
          %get3A_284 = arith.index_cast %add3A_282 : i32 to index
          %get3A_285 = tpu.vector_load %arg9[%get3A_283, %get3A_284] {strides = array<i32>} : memref<2x400xf32, #tpu.memory_space<vmem>>, vector<16xf32>,
          %mul3A_286 = arith.constant 16 : i32
          %mul3A_287 = arith.muli %scan3A_271, %mul3A_286 : i32
          %add3A_288 = arith.constant 160 : i32
          %add3A_289 = arith.addi %add3A_288, %mul3A_287 : i32
          %get3A_290 = arith.index_cast %select_n3A_107 : i32 to index
          %get3A_291 = arith.index_cast %add3A_289 : i32 to index
          %get3A_292 = tpu.vector_load %arg9[%get3A_290, %get3A_291] {strides = array<i32>} : memref<2x400xf32, #tpu.memory_space<vmem>>, vector<16xf32>,
          %mul3A_293 = arith.constant 16 : i32
          %mul3A_294 = arith.muli %scan3A_271, %mul3A_293 : i32
          %add3A_295 = arith.constant 240 : i32
          %add3A_296 = arith.addi %add3A_295, %mul3A_294 : i32
          %get3A_297 = arith.index_cast %select_n3A_107 : i32 to index
          %get3A_298 = arith.index_cast %add3A_296 : i32 to index
          %get3A_299 = tpu.vector_load %arg9[%get3A_297, %get3A_298] {strides = array<i32>} : memref<2x400xf32, #tpu.memory_space<vmem>>, vector<16xf32>,
          %mul3A_300 = arith.constant 16 : i32
          %mul3A_301 = arith.muli %scan3A_271, %mul3A_300 : i32
          %add3A_302 = arith.constant 320 : i32
          %add3A_303 = arith.addi %add3A_302, %mul3A_301 : i32
          %get3A_304 = arith.index_cast %select_n3A_107 : i32 to index
          %get3A_305 = arith.index_cast %add3A_303 : i32 to index
          %get3A_306 = tpu.vector_load %arg9[%get3A_304, %get3A_305] {strides = array<i32>} : memref<2x400xf32, #tpu.memory_space<vmem>>, vector<16xf32>,
          %mul3A_307 = arith.constant 16 : i32
          %mul3A_308 = arith.muli %scan3A_271, %mul3A_307 : i32
          %add3A_309 = arith.constant 0 : i32
          %add3A_310 = arith.addi %mul3A_308, %add3A_309 : i32
          %slice3A = vector.extract_strided_slice %get3A_278 {offsets = [0], sizes = [1], strides = [1]} : vector<16xf32> to vector<1xf32>
          %squeeze3A = vector.extract %slice3A[0] : f32 from vector<1xf32>
          %slice3A_311 = vector.extract_strided_slice %get3A_285 {offsets = [0], sizes = [1], strides = [1]} : vector<16xf32> to vector<1xf32>
          %squeeze3A_312 = vector.extract %slice3A_311[0] : f32 from vector<1xf32>
          %slice3A_313 = vector.extract_strided_slice %get3A_292 {offsets = [0], sizes = [1], strides = [1]} : vector<16xf32> to vector<1xf32>
          %squeeze3A_314 = vector.extract %slice3A_313[0] : f32 from vector<1xf32>
          %slice3A_315 = vector.extract_strided_slice %get3A_299 {offsets = [0], sizes = [1], strides = [1]} : vector<16xf32> to vector<1xf32>
          %squeeze3A_316 = vector.extract %slice3A_315[0] : f32 from vector<1xf32>
          %slice3A_317 = vector.extract_strided_slice %get3A_306 {offsets = [0], sizes = [1], strides = [1]} : vector<16xf32> to vector<1xf32>
          %squeeze3A_318 = vector.extract %slice3A_317[0] : f32 from vector<1xf32>
          %get3A_319 = arith.constant 0 : i32
          %get3A_320 = arith.index_cast %select_n3A_107 : i32 to index
          %get3A_321 = arith.index_cast %get3A_319 : i32 to index
          %get3A_322 = arith.index_cast %add3A_310 : i32 to index
          %get3A_323 = arith.constant 0 : index
          %get3A_324 = tpu.vector_load %arg8[%get3A_320, %get3A_321, %get3A_322, %get3A_323] {strides = array<i32>} : memref<2x8x80x32xf32, #tpu.memory_space<vmem>>, vector<16xf32>,
          %mul3A_325 = vector.broadcast %squeeze3A_312 : f32 to vector<16xf32>
          %mul3A_326 = arith.mulf %mul3A_325, %get3A_324 : vector<16xf32>
          %get3A_327 = arith.constant 1 : i32
          %get3A_328 = arith.index_cast %select_n3A_107 : i32 to index
          %get3A_329 = arith.index_cast %get3A_327 : i32 to index
          %get3A_330 = arith.index_cast %add3A_310 : i32 to index
          %get3A_331 = arith.constant 0 : index
          %get3A_332 = tpu.vector_load %arg8[%get3A_328, %get3A_329, %get3A_330, %get3A_331] {strides = array<i32>} : memref<2x8x80x32xf32, #tpu.memory_space<vmem>>, vector<16xf32>,
          %mul3A_333 = vector.broadcast %squeeze3A_314 : f32 to vector<16xf32>
          %mul3A_334 = arith.mulf %mul3A_333, %get3A_332 : vector<16xf32>
          %add3A_335 = arith.addf %mul3A_326, %mul3A_334 : vector<16xf32>
          %get3A_336 = arith.constant 2 : i32
          %get3A_337 = arith.index_cast %select_n3A_107 : i32 to index
          %get3A_338 = arith.index_cast %get3A_336 : i32 to index
          %get3A_339 = arith.index_cast %add3A_310 : i32 to index
          %get3A_340 = arith.constant 0 : index
          %get3A_341 = tpu.vector_load %arg8[%get3A_337, %get3A_338, %get3A_339, %get3A_340] {strides = array<i32>} : memref<2x8x80x32xf32, #tpu.memory_space<vmem>>, vector<16xf32>,
          %mul3A_342 = vector.broadcast %squeeze3A_316 : f32 to vector<16xf32>
          %mul3A_343 = arith.mulf %mul3A_342, %get3A_341 : vector<16xf32>
          %add3A_344 = arith.addf %add3A_335, %mul3A_343 : vector<16xf32>
          %get3A_345 = arith.constant 3 : i32
          %get3A_346 = arith.index_cast %select_n3A_107 : i32 to index
          %get3A_347 = arith.index_cast %get3A_345 : i32 to index
          %get3A_348 = arith.index_cast %add3A_310 : i32 to index
          %get3A_349 = arith.constant 0 : index
          %get3A_350 = tpu.vector_load %arg8[%get3A_346, %get3A_347, %get3A_348, %get3A_349] {strides = array<i32>} : memref<2x8x80x32xf32, #tpu.memory_space<vmem>>, vector<16xf32>,
          %mul3A_351 = vector.broadcast %squeeze3A_318 : f32 to vector<16xf32>
          %mul3A_352 = arith.mulf %mul3A_351, %get3A_350 : vector<16xf32>
          %add3A_353 = arith.addf %add3A_344, %mul3A_352 : vector<16xf32>
          %get3A_354 = arith.constant 4 : i32
          %get3A_355 = arith.index_cast %select_n3A_107 : i32 to index
          %get3A_356 = arith.index_cast %get3A_354 : i32 to index
          %get3A_357 = arith.index_cast %add3A_310 : i32 to index
          %get3A_358 = arith.constant 0 : index
          %get3A_359 = tpu.vector_load %arg8[%get3A_355, %get3A_356, %get3A_357, %get3A_358] {strides = array<i32>} : memref<2x8x80x32xf32, #tpu.memory_space<vmem>>, vector<16xf32>,
          %mul3A_360 = vector.broadcast %squeeze3A_312 : f32 to vector<16xf32>
          %mul3A_361 = arith.mulf %mul3A_360, %get3A_359 : vector<16xf32>
          %get3A_362 = arith.constant 5 : i32
          %get3A_363 = arith.index_cast %select_n3A_107 : i32 to index
          %get3A_364 = arith.index_cast %get3A_362 : i32 to index
          %get3A_365 = arith.index_cast %add3A_310 : i32 to index
          %get3A_366 = arith.constant 0 : index
          %get3A_367 = tpu.vector_load %arg8[%get3A_363, %get3A_364, %get3A_365, %get3A_366] {strides = array<i32>} : memref<2x8x80x32xf32, #tpu.memory_space<vmem>>, vector<16xf32>,
          %mul3A_368 = vector.broadcast %squeeze3A_314 : f32 to vector<16xf32>
          %mul3A_369 = arith.mulf %mul3A_368, %get3A_367 : vector<16xf32>
          %add3A_370 = arith.addf %mul3A_361, %mul3A_369 : vector<16xf32>
          %get3A_371 = arith.constant 6 : i32
          %get3A_372 = arith.index_cast %select_n3A_107 : i32 to index
          %get3A_373 = arith.index_cast %get3A_371 : i32 to index
          %get3A_374 = arith.index_cast %add3A_310 : i32 to index
          %get3A_375 = arith.constant 0 : index
          %get3A_376 = tpu.vector_load %arg8[%get3A_372, %get3A_373, %get3A_374, %get3A_375] {strides = array<i32>} : memref<2x8x80x32xf32, #tpu.memory_space<vmem>>, vector<16xf32>,
          %mul3A_377 = vector.broadcast %squeeze3A_316 : f32 to vector<16xf32>
          %mul3A_378 = arith.mulf %mul3A_377, %get3A_376 : vector<16xf32>
          %add3A_379 = arith.addf %add3A_370, %mul3A_378 : vector<16xf32>
          %get3A_380 = arith.constant 7 : i32
          %get3A_381 = arith.index_cast %select_n3A_107 : i32 to index
          %get3A_382 = arith.index_cast %get3A_380 : i32 to index
          %get3A_383 = arith.index_cast %add3A_310 : i32 to index
          %get3A_384 = arith.constant 0 : index
          %get3A_385 = tpu.vector_load %arg8[%get3A_381, %get3A_382, %get3A_383, %get3A_384] {strides = array<i32>} : memref<2x8x80x32xf32, #tpu.memory_space<vmem>>, vector<16xf32>,
          %mul3A_386 = vector.broadcast %squeeze3A_318 : f32 to vector<16xf32>
          %mul3A_387 = arith.mulf %mul3A_386, %get3A_385 : vector<16xf32>
          %add3A_388 = arith.addf %add3A_379, %mul3A_387 : vector<16xf32>
          %sub3A_389 = arith.subf %add3A_388, %add3A_353 : vector<16xf32>
          %mul3A_390 = vector.broadcast %squeeze3A : f32 to vector<16xf32>
          %mul3A_391 = arith.mulf %mul3A_390, %sub3A_389 : vector<16xf32>
          %add3A_392 = arith.addf %add3A_353, %mul3A_391 : vector<16xf32>
          %swap3A = arith.index_cast %add3A_310 : i32 to index
          %swap3A_393 = arith.constant 0 : index
          %swap3A_394 = tpu.vector_load %arg11[%swap3A, %swap3A_393] {strides = array<i32>} : memref<80x32xf32, #tpu.memory_space<vmem>>, vector<16xf32>,
          tpu.vector_store %arg11[%swap3A, %swap3A_393], %add3A_392 {strides = array<i32>} : memref<80x32xf32, #tpu.memory_space<vmem>>, vector<16xf32>,
          %get3A_395 = arith.constant 0 : i32
          %get3A_396 = arith.index_cast %select_n3A_107 : i32 to index
          %get3A_397 = arith.index_cast %get3A_395 : i32 to index
          %get3A_398 = arith.index_cast %add3A_310 : i32 to index
          %get3A_399 = arith.constant 16 : index
          %get3A_400 = tpu.vector_load %arg8[%get3A_396, %get3A_397, %get3A_398, %get3A_399] {strides = array<i32>} : memref<2x8x80x32xf32, #tpu.memory_space<vmem>>, vector<16xf32>,
          %mul3A_401 = vector.broadcast %squeeze3A_312 : f32 to vector<16xf32>
          %mul3A_402 = arith.mulf %mul3A_401, %get3A_400 : vector<16xf32>
          %get3A_403 = arith.constant 1 : i32
          %get3A_404 = arith.index_cast %select_n3A_107 : i32 to index
          %get3A_405 = arith.index_cast %get3A_403 : i32 to index
          %get3A_406 = arith.index_cast %add3A_310 : i32 to index
          %get3A_407 = arith.constant 16 : index
          %get3A_408 = tpu.vector_load %arg8[%get3A_404, %get3A_405, %get3A_406, %get3A_407] {strides = array<i32>} : memref<2x8x80x32xf32, #tpu.memory_space<vmem>>, vector<16xf32>,
          %mul3A_409 = vector.broadcast %squeeze3A_314 : f32 to vector<16xf32>
          %mul3A_410 = arith.mulf %mul3A_409, %get3A_408 : vector<16xf32>
          %add3A_411 = arith.addf %mul3A_402, %mul3A_410 : vector<16xf32>
          %get3A_412 = arith.constant 2 : i32
          %get3A_413 = arith.index_cast %select_n3A_107 : i32 to index
          %get3A_414 = arith.index_cast %get3A_412 : i32 to index
          %get3A_415 = arith.index_cast %add3A_310 : i32 to index
          %get3A_416 = arith.constant 16 : index
          %get3A_417 = tpu.vector_load %arg8[%get3A_413, %get3A_414, %get3A_415, %get3A_416] {strides = array<i32>} : memref<2x8x80x32xf32, #tpu.memory_space<vmem>>, vector<16xf32>,
          %mul3A_418 = vector.broadcast %squeeze3A_316 : f32 to vector<16xf32>
          %mul3A_419 = arith.mulf %mul3A_418, %get3A_417 : vector<16xf32>
          %add3A_420 = arith.addf %add3A_411, %mul3A_419 : vector<16xf32>
          %get3A_421 = arith.constant 3 : i32
          %get3A_422 = arith.index_cast %select_n3A_107 : i32 to index
          %get3A_423 = arith.index_cast %get3A_421 : i32 to index
          %get3A_424 = arith.index_cast %add3A_310 : i32 to index
          %get3A_425 = arith.constant 16 : index
          %get3A_426 = tpu.vector_load %arg8[%get3A_422, %get3A_423, %get3A_424, %get3A_425] {strides = array<i32>} : memref<2x8x80x32xf32, #tpu.memory_space<vmem>>, vector<16xf32>,
          %mul3A_427 = vector.broadcast %squeeze3A_318 : f32 to vector<16xf32>
          %mul3A_428 = arith.mulf %mul3A_427, %get3A_426 : vector<16xf32>
          %add3A_429 = arith.addf %add3A_420, %mul3A_428 : vector<16xf32>
          %get3A_430 = arith.constant 4 : i32
          %get3A_431 = arith.index_cast %select_n3A_107 : i32 to index
          %get3A_432 = arith.index_cast %get3A_430 : i32 to index
          %get3A_433 = arith.index_cast %add3A_310 : i32 to index
          %get3A_434 = arith.constant 16 : index
          %get3A_435 = tpu.vector_load %arg8[%get3A_431, %get3A_432, %get3A_433, %get3A_434] {strides = array<i32>} : memref<2x8x80x32xf32, #tpu.memory_space<vmem>>, vector<16xf32>,
          %mul3A_436 = vector.broadcast %squeeze3A_312 : f32 to vector<16xf32>
          %mul3A_437 = arith.mulf %mul3A_436, %get3A_435 : vector<16xf32>
          %get3A_438 = arith.constant 5 : i32
          %get3A_439 = arith.index_cast %select_n3A_107 : i32 to index
          %get3A_440 = arith.index_cast %get3A_438 : i32 to index
          %get3A_441 = arith.index_cast %add3A_310 : i32 to index
          %get3A_442 = arith.constant 16 : index
          %get3A_443 = tpu.vector_load %arg8[%get3A_439, %get3A_440, %get3A_441, %get3A_442] {strides = array<i32>} : memref<2x8x80x32xf32, #tpu.memory_space<vmem>>, vector<16xf32>,
          %mul3A_444 = vector.broadcast %squeeze3A_314 : f32 to vector<16xf32>
          %mul3A_445 = arith.mulf %mul3A_444, %get3A_443 : vector<16xf32>
          %add3A_446 = arith.addf %mul3A_437, %mul3A_445 : vector<16xf32>
          %get3A_447 = arith.constant 6 : i32
          %get3A_448 = arith.index_cast %select_n3A_107 : i32 to index
          %get3A_449 = arith.index_cast %get3A_447 : i32 to index
          %get3A_450 = arith.index_cast %add3A_310 : i32 to index
          %get3A_451 = arith.constant 16 : index
          %get3A_452 = tpu.vector_load %arg8[%get3A_448, %get3A_449, %get3A_450, %get3A_451] {strides = array<i32>} : memref<2x8x80x32xf32, #tpu.memory_space<vmem>>, vector<16xf32>,
          %mul3A_453 = vector.broadcast %squeeze3A_316 : f32 to vector<16xf32>
          %mul3A_454 = arith.mulf %mul3A_453, %get3A_452 : vector<16xf32>
          %add3A_455 = arith.addf %add3A_446, %mul3A_454 : vector<16xf32>
          %get3A_456 = arith.constant 7 : i32
          %get3A_457 = arith.index_cast %select_n3A_107 : i32 to index
          %get3A_458 = arith.index_cast %get3A_456 : i32 to index
          %get3A_459 = arith.index_cast %add3A_310 : i32 to index
          %get3A_460 = arith.constant 16 : index
          %get3A_461 = tpu.vector_load %arg8[%get3A_457, %get3A_458, %get3A_459, %get3A_460] {strides = array<i32>} : memref<2x8x80x32xf32, #tpu.memory_space<vmem>>, vector<16xf32>,
          %mul3A_462 = vector.broadcast %squeeze3A_318 : f32 to vector<16xf32>
          %mul3A_463 = arith.mulf %mul3A_462, %get3A_461 : vector<16xf32>
          %add3A_464 = arith.addf %add3A_455, %mul3A_463 : vector<16xf32>
          %sub3A_465 = arith.subf %add3A_464, %add3A_429 : vector<16xf32>
          %mul3A_466 = vector.broadcast %squeeze3A : f32 to vector<16xf32>
          %mul3A_467 = arith.mulf %mul3A_466, %sub3A_465 : vector<16xf32>
          %add3A_468 = arith.addf %add3A_429, %mul3A_467 : vector<16xf32>
          %swap3A_469 = arith.index_cast %add3A_310 : i32 to index
          %swap3A_470 = arith.constant 16 : index
          %swap3A_471 = tpu.vector_load %arg11[%swap3A_469, %swap3A_470] {strides = array<i32>} : memref<80x32xf32, #tpu.memory_space<vmem>>, vector<16xf32>,
          tpu.vector_store %arg11[%swap3A_469, %swap3A_470], %add3A_468 {strides = array<i32>} : memref<80x32xf32, #tpu.memory_space<vmem>>, vector<16xf32>,
          %mul3A_472 = arith.constant 16 : i32
          %mul3A_473 = arith.muli %scan3A_271, %mul3A_472 : i32
          %add3A_474 = arith.constant 1 : i32
          %add3A_475 = arith.addi %mul3A_473, %add3A_474 : i32
          %slice3A_476 = vector.extract_strided_slice %get3A_278 {offsets = [1], sizes = [1], strides = [1]} : vector<16xf32> to vector<1xf32>
          %squeeze3A_477 = vector.extract %slice3A_476[0] : f32 from vector<1xf32>
          %slice3A_478 = vector.extract_strided_slice %get3A_285 {offsets = [1], sizes = [1], strides = [1]} : vector<16xf32> to vector<1xf32>
          %squeeze3A_479 = vector.extract %slice3A_478[0] : f32 from vector<1xf32>
          %slice3A_480 = vector.extract_strided_slice %get3A_292 {offsets = [1], sizes = [1], strides = [1]} : vector<16xf32> to vector<1xf32>
          %squeeze3A_481 = vector.extract %slice3A_480[0] : f32 from vector<1xf32>
          %slice3A_482 = vector.extract_strided_slice %get3A_299 {offsets = [1], sizes = [1], strides = [1]} : vector<16xf32> to vector<1xf32>
          %squeeze3A_483 = vector.extract %slice3A_482[0] : f32 from vector<1xf32>
          %slice3A_484 = vector.extract_strided_slice %get3A_306 {offsets = [1], sizes = [1], strides = [1]} : vector<16xf32> to vector<1xf32>
          %squeeze3A_485 = vector.extract %slice3A_484[0] : f32 from vector<1xf32>
          %get3A_486 = arith.constant 0 : i32
          %get3A_487 = arith.index_cast %select_n3A_107 : i32 to index
          %get3A_488 = arith.index_cast %get3A_486 : i32 to index
          %get3A_489 = arith.index_cast %add3A_475 : i32 to index
          %get3A_490 = arith.constant 0 : index
          %get3A_491 = tpu.vector_load %arg8[%get3A_487, %get3A_488, %get3A_489, %get3A_490] {strides = array<i32>} : memref<2x8x80x32xf32, #tpu.memory_space<vmem>>, vector<16xf32>,
          %mul3A_492 = vector.broadcast %squeeze3A_479 : f32 to vector<16xf32>
          %mul3A_493 = arith.mulf %mul3A_492, %get3A_491 : vector<16xf32>
          %get3A_494 = arith.constant 1 : i32
          %get3A_495 = arith.index_cast %select_n3A_107 : i32 to index
          %get3A_496 = arith.index_cast %get3A_494 : i32 to index
          %get3A_497 = arith.index_cast %add3A_475 : i32 to index
          %get3A_498 = arith.constant 0 : index
          %get3A_499 = tpu.vector_load %arg8[%get3A_495, %get3A_496, %get3A_497, %get3A_498] {strides = array<i32>} : memref<2x8x80x32xf32, #tpu.memory_space<vmem>>, vector<16xf32>,
          %mul3A_500 = vector.broadcast %squeeze3A_481 : f32 to vector<16xf32>
          %mul3A_501 = arith.mulf %mul3A_500, %get3A_499 : vector<16xf32>
          %add3A_502 = arith.addf %mul3A_493, %mul3A_501 : vector<16xf32>
          %get3A_503 = arith.constant 2 : i32
          %get3A_504 = arith.index_cast %select_n3A_107 : i32 to index
          %get3A_505 = arith.index_cast %get3A_503 : i32 to index
          %get3A_506 = arith.index_cast %add3A_475 : i32 to index
          %get3A_507 = arith.constant 0 : index
          %get3A_508 = tpu.vector_load %arg8[%get3A_504, %get3A_505, %get3A_506, %get3A_507] {strides = array<i32>} : memref<2x8x80x32xf32, #tpu.memory_space<vmem>>, vector<16xf32>,
          %mul3A_509 = vector.broadcast %squeeze3A_483 : f32 to vector<16xf32>
          %mul3A_510 = arith.mulf %mul3A_509, %get3A_508 : vector<16xf32>
          %add3A_511 = arith.addf %add3A_502, %mul3A_510 : vector<16xf32>
          %get3A_512 = arith.constant 3 : i32
          %get3A_513 = arith.index_cast %select_n3A_107 : i32 to index
          %get3A_514 = arith.index_cast %get3A_512 : i32 to index
          %get3A_515 = arith.index_cast %add3A_475 : i32 to index
          %get3A_516 = arith.constant 0 : index
          %get3A_517 = tpu.vector_load %arg8[%get3A_513, %get3A_514, %get3A_515, %get3A_516] {strides = array<i32>} : memref<2x8x80x32xf32, #tpu.memory_space<vmem>>, vector<16xf32>,
          %mul3A_518 = vector.broadcast %squeeze3A_485 : f32 to vector<16xf32>
          %mul3A_519 = arith.mulf %mul3A_518, %get3A_517 : vector<16xf32>
          %add3A_520 = arith.addf %add3A_511, %mul3A_519 : vector<16xf32>
          %get3A_521 = arith.constant 4 : i32
          %get3A_522 = arith.index_cast %select_n3A_107 : i32 to index
          %get3A_523 = arith.index_cast %get3A_521 : i32 to index
          %get3A_524 = arith.index_cast %add3A_475 : i32 to index
          %get3A_525 = arith.constant 0 : index
          %get3A_526 = tpu.vector_load %arg8[%get3A_522, %get3A_523, %get3A_524, %get3A_525] {strides = array<i32>} : memref<2x8x80x32xf32, #tpu.memory_space<vmem>>, vector<16xf32>,
          %mul3A_527 = vector.broadcast %squeeze3A_479 : f32 to vector<16xf32>
          %mul3A_528 = arith.mulf %mul3A_527, %get3A_526 : vector<16xf32>
          %get3A_529 = arith.constant 5 : i32
          %get3A_530 = arith.index_cast %select_n3A_107 : i32 to index
          %get3A_531 = arith.index_cast %get3A_529 : i32 to index
          %get3A_532 = arith.index_cast %add3A_475 : i32 to index
          %get3A_533 = arith.constant 0 : index
          %get3A_534 = tpu.vector_load %arg8[%get3A_530, %get3A_531, %get3A_532, %get3A_533] {strides = array<i32>} : memref<2x8x80x32xf32, #tpu.memory_space<vmem>>, vector<16xf32>,
          %mul3A_535 = vector.broadcast %squeeze3A_481 : f32 to vector<16xf32>
          %mul3A_536 = arith.mulf %mul3A_535, %get3A_534 : vector<16xf32>
          %add3A_537 = arith.addf %mul3A_528, %mul3A_536 : vector<16xf32>
          %get3A_538 = arith.constant 6 : i32
          %get3A_539 = arith.index_cast %select_n3A_107 : i32 to index
          %get3A_540 = arith.index_cast %get3A_538 : i32 to index
          %get3A_541 = arith.index_cast %add3A_475 : i32 to index
          %get3A_542 = arith.constant 0 : index
          %get3A_543 = tpu.vector_load %arg8[%get3A_539, %get3A_540, %get3A_541, %get3A_542] {strides = array<i32>} : memref<2x8x80x32xf32, #tpu.memory_space<vmem>>, vector<16xf32>,
          %mul3A_544 = vector.broadcast %squeeze3A_483 : f32 to vector<16xf32>
          %mul3A_545 = arith.mulf %mul3A_544, %get3A_543 : vector<16xf32>
          %add3A_546 = arith.addf %add3A_537, %mul3A_545 : vector<16xf32>
          %get3A_547 = arith.constant 7 : i32
          %get3A_548 = arith.index_cast %select_n3A_107 : i32 to index
          %get3A_549 = arith.index_cast %get3A_547 : i32 to index
          %get3A_550 = arith.index_cast %add3A_475 : i32 to index
          %get3A_551 = arith.constant 0 : index
          %get3A_552 = tpu.vector_load %arg8[%get3A_548, %get3A_549, %get3A_550, %get3A_551] {strides = array<i32>} : memref<2x8x80x32xf32, #tpu.memory_space<vmem>>, vector<16xf32>,
          %mul3A_553 = vector.broadcast %squeeze3A_485 : f32 to vector<16xf32>
          %mul3A_554 = arith.mulf %mul3A_553, %get3A_552 : vector<16xf32>
          %add3A_555 = arith.addf %add3A_546, %mul3A_554 : vector<16xf32>
          %sub3A_556 = arith.subf %add3A_555, %add3A_520 : vector<16xf32>
          %mul3A_557 = vector.broadcast %squeeze3A_477 : f32 to vector<16xf32>
          %mul3A_558 = arith.mulf %mul3A_557, %sub3A_556 : vector<16xf32>
          %add3A_559 = arith.addf %add3A_520, %mul3A_558 : vector<16xf32>
          %swap3A_560 = arith.index_cast %add3A_475 : i32 to index
          %swap3A_561 = arith.constant 0 : index
          %swap3A_562 = tpu.vector_load %arg11[%swap3A_560, %swap3A_561] {strides = array<i32>} : memref<80x32xf32, #tpu.memory_space<vmem>>, vector<16xf32>,
          tpu.vector_store %arg11[%swap3A_560, %swap3A_561], %add3A_559 {strides = array<i32>} : memref<80x32xf32, #tpu.memory_space<vmem>>, vector<16xf32>,
          %get3A_563 = arith.constant 0 : i32
          %get3A_564 = arith.index_cast %select_n3A_107 : i32 to index
          %get3A_565 = arith.index_cast %get3A_563 : i32 to index
          %get3A_566 = arith.index_cast %add3A_475 : i32 to index
          %get3A_567 = arith.constant 16 : index
          %get3A_568 = tpu.vector_load %arg8[%get3A_564, %get3A_565, %get3A_566, %get3A_567] {strides = array<i32>} : memref<2x8x80x32xf32, #tpu.memory_space<vmem>>, vector<16xf32>,
          %mul3A_569 = vector.broadcast %squeeze3A_479 : f32 to vector<16xf32>
          %mul3A_570 = arith.mulf %mul3A_569, %get3A_568 : vector<16xf32>
          %get3A_571 = arith.constant 1 : i32
          %get3A_572 = arith.index_cast %select_n3A_107 : i32 to index
          %get3A_573 = arith.index_cast %get3A_571 : i32 to index
          %get3A_574 = arith.index_cast %add3A_475 : i32 to index
          %get3A_575 = arith.constant 16 : index
          %get3A_576 = tpu.vector_load %arg8[%get3A_572, %get3A_573, %get3A_574, %get3A_575] {strides = array<i32>} : memref<2x8x80x32xf32, #tpu.memory_space<vmem>>, vector<16xf32>,
          %mul3A_577 = vector.broadcast %squeeze3A_481 : f32 to vector<16xf32>
          %mul3A_578 = arith.mulf %mul3A_577, %get3A_576 : vector<16xf32>
          %add3A_579 = arith.addf %mul3A_570, %mul3A_578 : vector<16xf32>
          %get3A_580 = arith.constant 2 : i32
          %get3A_581 = arith.index_cast %select_n3A_107 : i32 to index
          %get3A_582 = arith.index_cast %get3A_580 : i32 to index
          %get3A_583 = arith.index_cast %add3A_475 : i32 to index
          %get3A_584 = arith.constant 16 : index
          %get3A_585 = tpu.vector_load %arg8[%get3A_581, %get3A_582, %get3A_583, %get3A_584] {strides = array<i32>} : memref<2x8x80x32xf32, #tpu.memory_space<vmem>>, vector<16xf32>,
          %mul3A_586 = vector.broadcast %squeeze3A_483 : f32 to vector<16xf32>
          %mul3A_587 = arith.mulf %mul3A_586, %get3A_585 : vector<16xf32>
          %add3A_588 = arith.addf %add3A_579, %mul3A_587 : vector<16xf32>
          %get3A_589 = arith.constant 3 : i32
          %get3A_590 = arith.index_cast %select_n3A_107 : i32 to index
          %get3A_591 = arith.index_cast %get3A_589 : i32 to index
          %get3A_592 = arith.index_cast %add3A_475 : i32 to index
          %get3A_593 = arith.constant 16 : index
          %get3A_594 = tpu.vector_load %arg8[%get3A_590, %get3A_591, %get3A_592, %get3A_593] {strides = array<i32>} : memref<2x8x80x32xf32, #tpu.memory_space<vmem>>, vector<16xf32>,
          %mul3A_595 = vector.broadcast %squeeze3A_485 : f32 to vector<16xf32>
          %mul3A_596 = arith.mulf %mul3A_595, %get3A_594 : vector<16xf32>
          %add3A_597 = arith.addf %add3A_588, %mul3A_596 : vector<16xf32>
          %get3A_598 = arith.constant 4 : i32
          %get3A_599 = arith.index_cast %select_n3A_107 : i32 to index
          %get3A_600 = arith.index_cast %get3A_598 : i32 to index
          %get3A_601 = arith.index_cast %add3A_475 : i32 to index
          %get3A_602 = arith.constant 16 : index
          %get3A_603 = tpu.vector_load %arg8[%get3A_599, %get3A_600, %get3A_601, %get3A_602] {strides = array<i32>} : memref<2x8x80x32xf32, #tpu.memory_space<vmem>>, vector<16xf32>,
          %mul3A_604 = vector.broadcast %squeeze3A_479 : f32 to vector<16xf32>
          %mul3A_605 = arith.mulf %mul3A_604, %get3A_603 : vector<16xf32>
          %get3A_606 = arith.constant 5 : i32
          %get3A_607 = arith.index_cast %select_n3A_107 : i32 to index
          %get3A_608 = arith.index_cast %get3A_606 : i32 to index
          %get3A_609 = arith.index_cast %add3A_475 : i32 to index
          %get3A_610 = arith.constant 16 : index
          %get3A_611 = tpu.vector_load %arg8[%get3A_607, %get3A_608, %get3A_609, %get3A_610] {strides = array<i32>} : memref<2x8x80x32xf32, #tpu.memory_space<vmem>>, vector<16xf32>,
          %mul3A_612 = vector.broadcast %squeeze3A_481 : f32 to vector<16xf32>
          %mul3A_613 = arith.mulf %mul3A_612, %get3A_611 : vector<16xf32>
          %add3A_614 = arith.addf %mul3A_605, %mul3A_613 : vector<16xf32>
          %get3A_615 = arith.constant 6 : i32
          %get3A_616 = arith.index_cast %select_n3A_107 : i32 to index
          %get3A_617 = arith.index_cast %get3A_615 : i32 to index
          %get3A_618 = arith.index_cast %add3A_475 : i32 to index
          %get3A_619 = arith.constant 16 : index
          %get3A_620 = tpu.vector_load %arg8[%get3A_616, %get3A_617, %get3A_618, %get3A_619] {strides = array<i32>} : memref<2x8x80x32xf32, #tpu.memory_space<vmem>>, vector<16xf32>,
          %mul3A_621 = vector.broadcast %squeeze3A_483 : f32 to vector<16xf32>
          %mul3A_622 = arith.mulf %mul3A_621, %get3A_620 : vector<16xf32>
          %add3A_623 = arith.addf %add3A_614, %mul3A_622 : vector<16xf32>
          %get3A_624 = arith.constant 7 : i32
          %get3A_625 = arith.index_cast %select_n3A_107 : i32 to index
          %get3A_626 = arith.index_cast %get3A_624 : i32 to index
          %get3A_627 = arith.index_cast %add3A_475 : i32 to index
          %get3A_628 = arith.constant 16 : index
          %get3A_629 = tpu.vector_load %arg8[%get3A_625, %get3A_626, %get3A_627, %get3A_628] {strides = array<i32>} : memref<2x8x80x32xf32, #tpu.memory_space<vmem>>, vector<16xf32>,
          %mul3A_630 = vector.broadcast %squeeze3A_485 : f32 to vector<16xf32>
          %mul3A_631 = arith.mulf %mul3A_630, %get3A_629 : vector<16xf32>
          %add3A_632 = arith.addf %add3A_623, %mul3A_631 : vector<16xf32>
          %sub3A_633 = arith.subf %add3A_632, %add3A_597 : vector<16xf32>
          %mul3A_634 = vector.broadcast %squeeze3A_477 : f32 to vector<16xf32>
          %mul3A_635 = arith.mulf %mul3A_634, %sub3A_633 : vector<16xf32>
          %add3A_636 = arith.addf %add3A_597, %mul3A_635 : vector<16xf32>
          %swap3A_637 = arith.index_cast %add3A_475 : i32 to index
          %swap3A_638 = arith.constant 16 : index
          %swap3A_639 = tpu.vector_load %arg11[%swap3A_637, %swap3A_638] {strides = array<i32>} : memref<80x32xf32, #tpu.memory_space<vmem>>, vector<16xf32>,
          tpu.vector_store %arg11[%swap3A_637, %swap3A_638], %add3A_636 {strides = array<i32>} : memref<80x32xf32, #tpu.memory_space<vmem>>, vector<16xf32>,
          %mul3A_640 = arith.constant 16 : i32
          %mul3A_641 = arith.muli %scan3A_271, %mul3A_640 : i32
          %add3A_642 = arith.constant 2 : i32
          %add3A_643 = arith.addi %mul3A_641, %add3A_642 : i32
          %slice3A_644 = vector.extract_strided_slice %get3A_278 {offsets = [2], sizes = [1], strides = [1]} : vector<16xf32> to vector<1xf32>
          %squeeze3A_645 = vector.extract %slice3A_644[0] : f32 from vector<1xf32>
          %slice3A_646 = vector.extract_strided_slice %get3A_285 {offsets = [2], sizes = [1], strides = [1]} : vector<16xf32> to vector<1xf32>
          %squeeze3A_647 = vector.extract %slice3A_646[0] : f32 from vector<1xf32>
          %slice3A_648 = vector.extract_strided_slice %get3A_292 {offsets = [2], sizes = [1], strides = [1]} : vector<16xf32> to vector<1xf32>
          %squeeze3A_649 = vector.extract %slice3A_648[0] : f32 from vector<1xf32>
          %slice3A_650 = vector.extract_strided_slice %get3A_299 {offsets = [2], sizes = [1], strides = [1]} : vector<16xf32> to vector<1xf32>
          %squeeze3A_651 = vector.extract %slice3A_650[0] : f32 from vector<1xf32>
          %slice3A_652 = vector.extract_strided_slice %get3A_306 {offsets = [2], sizes = [1], strides = [1]} : vector<16xf32> to vector<1xf32>
          %squeeze3A_653 = vector.extract %slice3A_652[0] : f32 from vector<1xf32>
          %get3A_654 = arith.constant 0 : i32
          %get3A_655 = arith.index_cast %select_n3A_107 : i32 to index
          %get3A_656 = arith.index_cast %get3A_654 : i32 to index
          %get3A_657 = arith.index_cast %add3A_643 : i32 to index
          %get3A_658 = arith.constant 0 : index
          %get3A_659 = tpu.vector_load %arg8[%get3A_655, %get3A_656, %get3A_657, %get3A_658] {strides = array<i32>} : memref<2x8x80x32xf32, #tpu.memory_space<vmem>>, vector<16xf32>,
          %mul3A_660 = vector.broadcast %squeeze3A_647 : f32 to vector<16xf32>
          %mul3A_661 = arith.mulf %mul3A_660, %get3A_659 : vector<16xf32>
          %get3A_662 = arith.constant 1 : i32
          %get3A_663 = arith.index_cast %select_n3A_107 : i32 to index
          %get3A_664 = arith.index_cast %get3A_662 : i32 to index
          %get3A_665 = arith.index_cast %add3A_643 : i32 to index
          %get3A_666 = arith.constant 0 : index
          %get3A_667 = tpu.vector_load %arg8[%get3A_663, %get3A_664, %get3A_665, %get3A_666] {strides = array<i32>} : memref<2x8x80x32xf32, #tpu.memory_space<vmem>>, vector<16xf32>,
          %mul3A_668 = vector.broadcast %squeeze3A_649 : f32 to vector<16xf32>
          %mul3A_669 = arith.mulf %mul3A_668, %get3A_667 : vector<16xf32>
          %add3A_670 = arith.addf %mul3A_661, %mul3A_669 : vector<16xf32>
          %get3A_671 = arith.constant 2 : i32
          %get3A_672 = arith.index_cast %select_n3A_107 : i32 to index
          %get3A_673 = arith.index_cast %get3A_671 : i32 to index
          %get3A_674 = arith.index_cast %add3A_643 : i32 to index
          %get3A_675 = arith.constant 0 : index
          %get3A_676 = tpu.vector_load %arg8[%get3A_672, %get3A_673, %get3A_674, %get3A_675] {strides = array<i32>} : memref<2x8x80x32xf32, #tpu.memory_space<vmem>>, vector<16xf32>,
          %mul3A_677 = vector.broadcast %squeeze3A_651 : f32 to vector<16xf32>
          %mul3A_678 = arith.mulf %mul3A_677, %get3A_676 : vector<16xf32>
          %add3A_679 = arith.addf %add3A_670, %mul3A_678 : vector<16xf32>
          %get3A_680 = arith.constant 3 : i32
          %get3A_681 = arith.index_cast %select_n3A_107 : i32 to index
          %get3A_682 = arith.index_cast %get3A_680 : i32 to index
          %get3A_683 = arith.index_cast %add3A_643 : i32 to index
          %get3A_684 = arith.constant 0 : index
          %get3A_685 = tpu.vector_load %arg8[%get3A_681, %get3A_682, %get3A_683, %get3A_684] {strides = array<i32>} : memref<2x8x80x32xf32, #tpu.memory_space<vmem>>, vector<16xf32>,
          %mul3A_686 = vector.broadcast %squeeze3A_653 : f32 to vector<16xf32>
          %mul3A_687 = arith.mulf %mul3A_686, %get3A_685 : vector<16xf32>
          %add3A_688 = arith.addf %add3A_679, %mul3A_687 : vector<16xf32>
          %get3A_689 = arith.constant 4 : i32
          %get3A_690 = arith.index_cast %select_n3A_107 : i32 to index
          %get3A_691 = arith.index_cast %get3A_689 : i32 to index
          %get3A_692 = arith.index_cast %add3A_643 : i32 to index
          %get3A_693 = arith.constant 0 : index
          %get3A_694 = tpu.vector_load %arg8[%get3A_690, %get3A_691, %get3A_692, %get3A_693] {strides = array<i32>} : memref<2x8x80x32xf32, #tpu.memory_space<vmem>>, vector<16xf32>,
          %mul3A_695 = vector.broadcast %squeeze3A_647 : f32 to vector<16xf32>
          %mul3A_696 = arith.mulf %mul3A_695, %get3A_694 : vector<16xf32>
          %get3A_697 = arith.constant 5 : i32
          %get3A_698 = arith.index_cast %select_n3A_107 : i32 to index
          %get3A_699 = arith.index_cast %get3A_697 : i32 to index
          %get3A_700 = arith.index_cast %add3A_643 : i32 to index
          %get3A_701 = arith.constant 0 : index
          %get3A_702 = tpu.vector_load %arg8[%get3A_698, %get3A_699, %get3A_700, %get3A_701] {strides = array<i32>} : memref<2x8x80x32xf32, #tpu.memory_space<vmem>>, vector<16xf32>,
          %mul3A_703 = vector.broadcast %squeeze3A_649 : f32 to vector<16xf32>
          %mul3A_704 = arith.mulf %mul3A_703, %get3A_702 : vector<16xf32>
          %add3A_705 = arith.addf %mul3A_696, %mul3A_704 : vector<16xf32>
          %get3A_706 = arith.constant 6 : i32
          %get3A_707 = arith.index_cast %select_n3A_107 : i32 to index
          %get3A_708 = arith.index_cast %get3A_706 : i32 to index
          %get3A_709 = arith.index_cast %add3A_643 : i32 to index
          %get3A_710 = arith.constant 0 : index
          %get3A_711 = tpu.vector_load %arg8[%get3A_707, %get3A_708, %get3A_709, %get3A_710] {strides = array<i32>} : memref<2x8x80x32xf32, #tpu.memory_space<vmem>>, vector<16xf32>,
          %mul3A_712 = vector.broadcast %squeeze3A_651 : f32 to vector<16xf32>
          %mul3A_713 = arith.mulf %mul3A_712, %get3A_711 : vector<16xf32>
          %add3A_714 = arith.addf %add3A_705, %mul3A_713 : vector<16xf32>
          %get3A_715 = arith.constant 7 : i32
          %get3A_716 = arith.index_cast %select_n3A_107 : i32 to index
          %get3A_717 = arith.index_cast %get3A_715 : i32 to index
          %get3A_718 = arith.index_cast %add3A_643 : i32 to index
          %get3A_719 = arith.constant 0 : index
          %get3A_720 = tpu.vector_load %arg8[%get3A_716, %get3A_717, %get3A_718, %get3A_719] {strides = array<i32>} : memref<2x8x80x32xf32, #tpu.memory_space<vmem>>, vector<16xf32>,
          %mul3A_721 = vector.broadcast %squeeze3A_653 : f32 to vector<16xf32>
          %mul3A_722 = arith.mulf %mul3A_721, %get3A_720 : vector<16xf32>
          %add3A_723 = arith.addf %add3A_714, %mul3A_722 : vector<16xf32>
          %sub3A_724 = arith.subf %add3A_723, %add3A_688 : vector<16xf32>
          %mul3A_725 = vector.broadcast %squeeze3A_645 : f32 to vector<16xf32>
          %mul3A_726 = arith.mulf %mul3A_725, %sub3A_724 : vector<16xf32>
          %add3A_727 = arith.addf %add3A_688, %mul3A_726 : vector<16xf32>
          %swap3A_728 = arith.index_cast %add3A_643 : i32 to index
          %swap3A_729 = arith.constant 0 : index
          %swap3A_730 = tpu.vector_load %arg11[%swap3A_728, %swap3A_729] {strides = array<i32>} : memref<80x32xf32, #tpu.memory_space<vmem>>, vector<16xf32>,
          tpu.vector_store %arg11[%swap3A_728, %swap3A_729], %add3A_727 {strides = array<i32>} : memref<80x32xf32, #tpu.memory_space<vmem>>, vector<16xf32>,
          %get3A_731 = arith.constant 0 : i32
          %get3A_732 = arith.index_cast %select_n3A_107 : i32 to index
          %get3A_733 = arith.index_cast %get3A_731 : i32 to index
          %get3A_734 = arith.index_cast %add3A_643 : i32 to index
          %get3A_735 = arith.constant 16 : index
          %get3A_736 = tpu.vector_load %arg8[%get3A_732, %get3A_733, %get3A_734, %get3A_735] {strides = array<i32>} : memref<2x8x80x32xf32, #tpu.memory_space<vmem>>, vector<16xf32>,
          %mul3A_737 = vector.broadcast %squeeze3A_647 : f32 to vector<16xf32>
          %mul3A_738 = arith.mulf %mul3A_737, %get3A_736 : vector<16xf32>
          %get3A_739 = arith.constant 1 : i32
          %get3A_740 = arith.index_cast %select_n3A_107 : i32 to index
          %get3A_741 = arith.index_cast %get3A_739 : i32 to index
          %get3A_742 = arith.index_cast %add3A_643 : i32 to index
          %get3A_743 = arith.constant 16 : index
          %get3A_744 = tpu.vector_load %arg8[%get3A_740, %get3A_741, %get3A_742, %get3A_743] {strides = array<i32>} : memref<2x8x80x32xf32, #tpu.memory_space<vmem>>, vector<16xf32>,
          %mul3A_745 = vector.broadcast %squeeze3A_649 : f32 to vector<16xf32>
          %mul3A_746 = arith.mulf %mul3A_745, %get3A_744 : vector<16xf32>
          %add3A_747 = arith.addf %mul3A_738, %mul3A_746 : vector<16xf32>
          %get3A_748 = arith.constant 2 : i32
          %get3A_749 = arith.index_cast %select_n3A_107 : i32 to index
          %get3A_750 = arith.index_cast %get3A_748 : i32 to index
          %get3A_751 = arith.index_cast %add3A_643 : i32 to index
          %get3A_752 = arith.constant 16 : index
          %get3A_753 = tpu.vector_load %arg8[%get3A_749, %get3A_750, %get3A_751, %get3A_752] {strides = array<i32>} : memref<2x8x80x32xf32, #tpu.memory_space<vmem>>, vector<16xf32>,
          %mul3A_754 = vector.broadcast %squeeze3A_651 : f32 to vector<16xf32>
          %mul3A_755 = arith.mulf %mul3A_754, %get3A_753 : vector<16xf32>
          %add3A_756 = arith.addf %add3A_747, %mul3A_755 : vector<16xf32>
          %get3A_757 = arith.constant 3 : i32
          %get3A_758 = arith.index_cast %select_n3A_107 : i32 to index
          %get3A_759 = arith.index_cast %get3A_757 : i32 to index
          %get3A_760 = arith.index_cast %add3A_643 : i32 to index
          %get3A_761 = arith.constant 16 : index
          %get3A_762 = tpu.vector_load %arg8[%get3A_758, %get3A_759, %get3A_760, %get3A_761] {strides = array<i32>} : memref<2x8x80x32xf32, #tpu.memory_space<vmem>>, vector<16xf32>,
          %mul3A_763 = vector.broadcast %squeeze3A_653 : f32 to vector<16xf32>
          %mul3A_764 = arith.mulf %mul3A_763, %get3A_762 : vector<16xf32>
          %add3A_765 = arith.addf %add3A_756, %mul3A_764 : vector<16xf32>
          %get3A_766 = arith.constant 4 : i32
          %get3A_767 = arith.index_cast %select_n3A_107 : i32 to index
          %get3A_768 = arith.index_cast %get3A_766 : i32 to index
          %get3A_769 = arith.index_cast %add3A_643 : i32 to index
          %get3A_770 = arith.constant 16 : index
          %get3A_771 = tpu.vector_load %arg8[%get3A_767, %get3A_768, %get3A_769, %get3A_770] {strides = array<i32>} : memref<2x8x80x32xf32, #tpu.memory_space<vmem>>, vector<16xf32>,
          %mul3A_772 = vector.broadcast %squeeze3A_647 : f32 to vector<16xf32>
          %mul3A_773 = arith.mulf %mul3A_772, %get3A_771 : vector<16xf32>
          %get3A_774 = arith.constant 5 : i32
          %get3A_775 = arith.index_cast %select_n3A_107 : i32 to index
          %get3A_776 = arith.index_cast %get3A_774 : i32 to index
          %get3A_777 = arith.index_cast %add3A_643 : i32 to index
          %get3A_778 = arith.constant 16 : index
          %get3A_779 = tpu.vector_load %arg8[%get3A_775, %get3A_776, %get3A_777, %get3A_778] {strides = array<i32>} : memref<2x8x80x32xf32, #tpu.memory_space<vmem>>, vector<16xf32>,
          %mul3A_780 = vector.broadcast %squeeze3A_649 : f32 to vector<16xf32>
          %mul3A_781 = arith.mulf %mul3A_780, %get3A_779 : vector<16xf32>
          %add3A_782 = arith.addf %mul3A_773, %mul3A_781 : vector<16xf32>
          %get3A_783 = arith.constant 6 : i32
          %get3A_784 = arith.index_cast %select_n3A_107 : i32 to index
          %get3A_785 = arith.index_cast %get3A_783 : i32 to index
          %get3A_786 = arith.index_cast %add3A_643 : i32 to index
          %get3A_787 = arith.constant 16 : index
          %get3A_788 = tpu.vector_load %arg8[%get3A_784, %get3A_785, %get3A_786, %get3A_787] {strides = array<i32>} : memref<2x8x80x32xf32, #tpu.memory_space<vmem>>, vector<16xf32>,
          %mul3A_789 = vector.broadcast %squeeze3A_651 : f32 to vector<16xf32>
          %mul3A_790 = arith.mulf %mul3A_789, %get3A_788 : vector<16xf32>
          %add3A_791 = arith.addf %add3A_782, %mul3A_790 : vector<16xf32>
          %get3A_792 = arith.constant 7 : i32
          %get3A_793 = arith.index_cast %select_n3A_107 : i32 to index
          %get3A_794 = arith.index_cast %get3A_792 : i32 to index
          %get3A_795 = arith.index_cast %add3A_643 : i32 to index
          %get3A_796 = arith.constant 16 : index
          %get3A_797 = tpu.vector_load %arg8[%get3A_793, %get3A_794, %get3A_795, %get3A_796] {strides = array<i32>} : memref<2x8x80x32xf32, #tpu.memory_space<vmem>>, vector<16xf32>,
          %mul3A_798 = vector.broadcast %squeeze3A_653 : f32 to vector<16xf32>
          %mul3A_799 = arith.mulf %mul3A_798, %get3A_797 : vector<16xf32>
          %add3A_800 = arith.addf %add3A_791, %mul3A_799 : vector<16xf32>
          %sub3A_801 = arith.subf %add3A_800, %add3A_765 : vector<16xf32>
          %mul3A_802 = vector.broadcast %squeeze3A_645 : f32 to vector<16xf32>
          %mul3A_803 = arith.mulf %mul3A_802, %sub3A_801 : vector<16xf32>
          %add3A_804 = arith.addf %add3A_765, %mul3A_803 : vector<16xf32>
          %swap3A_805 = arith.index_cast %add3A_643 : i32 to index
          %swap3A_806 = arith.constant 16 : index
          %swap3A_807 = tpu.vector_load %arg11[%swap3A_805, %swap3A_806] {strides = array<i32>} : memref<80x32xf32, #tpu.memory_space<vmem>>, vector<16xf32>,
          tpu.vector_store %arg11[%swap3A_805, %swap3A_806], %add3A_804 {strides = array<i32>} : memref<80x32xf32, #tpu.memory_space<vmem>>, vector<16xf32>,
          %mul3A_808 = arith.constant 16 : i32
          %mul3A_809 = arith.muli %scan3A_271, %mul3A_808 : i32
          %add3A_810 = arith.constant 3 : i32
          %add3A_811 = arith.addi %mul3A_809, %add3A_810 : i32
          %slice3A_812 = vector.extract_strided_slice %get3A_278 {offsets = [3], sizes = [1], strides = [1]} : vector<16xf32> to vector<1xf32>
          %squeeze3A_813 = vector.extract %slice3A_812[0] : f32 from vector<1xf32>
          %slice3A_814 = vector.extract_strided_slice %get3A_285 {offsets = [3], sizes = [1], strides = [1]} : vector<16xf32> to vector<1xf32>
          %squeeze3A_815 = vector.extract %slice3A_814[0] : f32 from vector<1xf32>
          %slice3A_816 = vector.extract_strided_slice %get3A_292 {offsets = [3], sizes = [1], strides = [1]} : vector<16xf32> to vector<1xf32>
          %squeeze3A_817 = vector.extract %slice3A_816[0] : f32 from vector<1xf32>
          %slice3A_818 = vector.extract_strided_slice %get3A_299 {offsets = [3], sizes = [1], strides = [1]} : vector<16xf32> to vector<1xf32>
          %squeeze3A_819 = vector.extract %slice3A_818[0] : f32 from vector<1xf32>
          %slice3A_820 = vector.extract_strided_slice %get3A_306 {offsets = [3], sizes = [1], strides = [1]} : vector<16xf32> to vector<1xf32>
          %squeeze3A_821 = vector.extract %slice3A_820[0] : f32 from vector<1xf32>
          %get3A_822 = arith.constant 0 : i32
          %get3A_823 = arith.index_cast %select_n3A_107 : i32 to index
          %get3A_824 = arith.index_cast %get3A_822 : i32 to index
          %get3A_825 = arith.index_cast %add3A_811 : i32 to index
          %get3A_826 = arith.constant 0 : index
          %get3A_827 = tpu.vector_load %arg8[%get3A_823, %get3A_824, %get3A_825, %get3A_826] {strides = array<i32>} : memref<2x8x80x32xf32, #tpu.memory_space<vmem>>, vector<16xf32>,
          %mul3A_828 = vector.broadcast %squeeze3A_815 : f32 to vector<16xf32>
          %mul3A_829 = arith.mulf %mul3A_828, %get3A_827 : vector<16xf32>
          %get3A_830 = arith.constant 1 : i32
          %get3A_831 = arith.index_cast %select_n3A_107 : i32 to index
          %get3A_832 = arith.index_cast %get3A_830 : i32 to index
          %get3A_833 = arith.index_cast %add3A_811 : i32 to index
          %get3A_834 = arith.constant 0 : index
          %get3A_835 = tpu.vector_load %arg8[%get3A_831, %get3A_832, %get3A_833, %get3A_834] {strides = array<i32>} : memref<2x8x80x32xf32, #tpu.memory_space<vmem>>, vector<16xf32>,
          %mul3A_836 = vector.broadcast %squeeze3A_817 : f32 to vector<16xf32>
          %mul3A_837 = arith.mulf %mul3A_836, %get3A_835 : vector<16xf32>
          %add3A_838 = arith.addf %mul3A_829, %mul3A_837 : vector<16xf32>
          %get3A_839 = arith.constant 2 : i32
          %get3A_840 = arith.index_cast %select_n3A_107 : i32 to index
          %get3A_841 = arith.index_cast %get3A_839 : i32 to index
          %get3A_842 = arith.index_cast %add3A_811 : i32 to index
          %get3A_843 = arith.constant 0 : index
          %get3A_844 = tpu.vector_load %arg8[%get3A_840, %get3A_841, %get3A_842, %get3A_843] {strides = array<i32>} : memref<2x8x80x32xf32, #tpu.memory_space<vmem>>, vector<16xf32>,
          %mul3A_845 = vector.broadcast %squeeze3A_819 : f32 to vector<16xf32>
          %mul3A_846 = arith.mulf %mul3A_845, %get3A_844 : vector<16xf32>
          %add3A_847 = arith.addf %add3A_838, %mul3A_846 : vector<16xf32>
          %get3A_848 = arith.constant 3 : i32
          %get3A_849 = arith.index_cast %select_n3A_107 : i32 to index
          %get3A_850 = arith.index_cast %get3A_848 : i32 to index
          %get3A_851 = arith.index_cast %add3A_811 : i32 to index
          %get3A_852 = arith.constant 0 : index
          %get3A_853 = tpu.vector_load %arg8[%get3A_849, %get3A_850, %get3A_851, %get3A_852] {strides = array<i32>} : memref<2x8x80x32xf32, #tpu.memory_space<vmem>>, vector<16xf32>,
          %mul3A_854 = vector.broadcast %squeeze3A_821 : f32 to vector<16xf32>
          %mul3A_855 = arith.mulf %mul3A_854, %get3A_853 : vector<16xf32>
          %add3A_856 = arith.addf %add3A_847, %mul3A_855 : vector<16xf32>
          %get3A_857 = arith.constant 4 : i32
          %get3A_858 = arith.index_cast %select_n3A_107 : i32 to index
          %get3A_859 = arith.index_cast %get3A_857 : i32 to index
          %get3A_860 = arith.index_cast %add3A_811 : i32 to index
          %get3A_861 = arith.constant 0 : index
          %get3A_862 = tpu.vector_load %arg8[%get3A_858, %get3A_859, %get3A_860, %get3A_861] {strides = array<i32>} : memref<2x8x80x32xf32, #tpu.memory_space<vmem>>, vector<16xf32>,
          %mul3A_863 = vector.broadcast %squeeze3A_815 : f32 to vector<16xf32>
          %mul3A_864 = arith.mulf %mul3A_863, %get3A_862 : vector<16xf32>
          %get3A_865 = arith.constant 5 : i32
          %get3A_866 = arith.index_cast %select_n3A_107 : i32 to index
          %get3A_867 = arith.index_cast %get3A_865 : i32 to index
          %get3A_868 = arith.index_cast %add3A_811 : i32 to index
          %get3A_869 = arith.constant 0 : index
          %get3A_870 = tpu.vector_load %arg8[%get3A_866, %get3A_867, %get3A_868, %get3A_869] {strides = array<i32>} : memref<2x8x80x32xf32, #tpu.memory_space<vmem>>, vector<16xf32>,
          %mul3A_871 = vector.broadcast %squeeze3A_817 : f32 to vector<16xf32>
          %mul3A_872 = arith.mulf %mul3A_871, %get3A_870 : vector<16xf32>
          %add3A_873 = arith.addf %mul3A_864, %mul3A_872 : vector<16xf32>
          %get3A_874 = arith.constant 6 : i32
          %get3A_875 = arith.index_cast %select_n3A_107 : i32 to index
          %get3A_876 = arith.index_cast %get3A_874 : i32 to index
          %get3A_877 = arith.index_cast %add3A_811 : i32 to index
          %get3A_878 = arith.constant 0 : index
          %get3A_879 = tpu.vector_load %arg8[%get3A_875, %get3A_876, %get3A_877, %get3A_878] {strides = array<i32>} : memref<2x8x80x32xf32, #tpu.memory_space<vmem>>, vector<16xf32>,
          %mul3A_880 = vector.broadcast %squeeze3A_819 : f32 to vector<16xf32>
          %mul3A_881 = arith.mulf %mul3A_880, %get3A_879 : vector<16xf32>
          %add3A_882 = arith.addf %add3A_873, %mul3A_881 : vector<16xf32>
          %get3A_883 = arith.constant 7 : i32
          %get3A_884 = arith.index_cast %select_n3A_107 : i32 to index
          %get3A_885 = arith.index_cast %get3A_883 : i32 to index
          %get3A_886 = arith.index_cast %add3A_811 : i32 to index
          %get3A_887 = arith.constant 0 : index
          %get3A_888 = tpu.vector_load %arg8[%get3A_884, %get3A_885, %get3A_886, %get3A_887] {strides = array<i32>} : memref<2x8x80x32xf32, #tpu.memory_space<vmem>>, vector<16xf32>,
          %mul3A_889 = vector.broadcast %squeeze3A_821 : f32 to vector<16xf32>
          %mul3A_890 = arith.mulf %mul3A_889, %get3A_888 : vector<16xf32>
          %add3A_891 = arith.addf %add3A_882, %mul3A_890 : vector<16xf32>
          %sub3A_892 = arith.subf %add3A_891, %add3A_856 : vector<16xf32>
          %mul3A_893 = vector.broadcast %squeeze3A_813 : f32 to vector<16xf32>
          %mul3A_894 = arith.mulf %mul3A_893, %sub3A_892 : vector<16xf32>
          %add3A_895 = arith.addf %add3A_856, %mul3A_894 : vector<16xf32>
          %swap3A_896 = arith.index_cast %add3A_811 : i32 to index
          %swap3A_897 = arith.constant 0 : index
          %swap3A_898 = tpu.vector_load %arg11[%swap3A_896, %swap3A_897] {strides = array<i32>} : memref<80x32xf32, #tpu.memory_space<vmem>>, vector<16xf32>,
          tpu.vector_store %arg11[%swap3A_896, %swap3A_897], %add3A_895 {strides = array<i32>} : memref<80x32xf32, #tpu.memory_space<vmem>>, vector<16xf32>,
          %get3A_899 = arith.constant 0 : i32
          %get3A_900 = arith.index_cast %select_n3A_107 : i32 to index
          %get3A_901 = arith.index_cast %get3A_899 : i32 to index
          %get3A_902 = arith.index_cast %add3A_811 : i32 to index
          %get3A_903 = arith.constant 16 : index
          %get3A_904 = tpu.vector_load %arg8[%get3A_900, %get3A_901, %get3A_902, %get3A_903] {strides = array<i32>} : memref<2x8x80x32xf32, #tpu.memory_space<vmem>>, vector<16xf32>,
          %mul3A_905 = vector.broadcast %squeeze3A_815 : f32 to vector<16xf32>
          %mul3A_906 = arith.mulf %mul3A_905, %get3A_904 : vector<16xf32>
          %get3A_907 = arith.constant 1 : i32
          %get3A_908 = arith.index_cast %select_n3A_107 : i32 to index
          %get3A_909 = arith.index_cast %get3A_907 : i32 to index
          %get3A_910 = arith.index_cast %add3A_811 : i32 to index
          %get3A_911 = arith.constant 16 : index
          %get3A_912 = tpu.vector_load %arg8[%get3A_908, %get3A_909, %get3A_910, %get3A_911] {strides = array<i32>} : memref<2x8x80x32xf32, #tpu.memory_space<vmem>>, vector<16xf32>,
          %mul3A_913 = vector.broadcast %squeeze3A_817 : f32 to vector<16xf32>
          %mul3A_914 = arith.mulf %mul3A_913, %get3A_912 : vector<16xf32>
          %add3A_915 = arith.addf %mul3A_906, %mul3A_914 : vector<16xf32>
          %get3A_916 = arith.constant 2 : i32
          %get3A_917 = arith.index_cast %select_n3A_107 : i32 to index
          %get3A_918 = arith.index_cast %get3A_916 : i32 to index
          %get3A_919 = arith.index_cast %add3A_811 : i32 to index
          %get3A_920 = arith.constant 16 : index
          %get3A_921 = tpu.vector_load %arg8[%get3A_917, %get3A_918, %get3A_919, %get3A_920] {strides = array<i32>} : memref<2x8x80x32xf32, #tpu.memory_space<vmem>>, vector<16xf32>,
          %mul3A_922 = vector.broadcast %squeeze3A_819 : f32 to vector<16xf32>
          %mul3A_923 = arith.mulf %mul3A_922, %get3A_921 : vector<16xf32>
          %add3A_924 = arith.addf %add3A_915, %mul3A_923 : vector<16xf32>
          %get3A_925 = arith.constant 3 : i32
          %get3A_926 = arith.index_cast %select_n3A_107 : i32 to index
          %get3A_927 = arith.index_cast %get3A_925 : i32 to index
          %get3A_928 = arith.index_cast %add3A_811 : i32 to index
          %get3A_929 = arith.constant 16 : index
          %get3A_930 = tpu.vector_load %arg8[%get3A_926, %get3A_927, %get3A_928, %get3A_929] {strides = array<i32>} : memref<2x8x80x32xf32, #tpu.memory_space<vmem>>, vector<16xf32>,
          %mul3A_931 = vector.broadcast %squeeze3A_821 : f32 to vector<16xf32>
          %mul3A_932 = arith.mulf %mul3A_931, %get3A_930 : vector<16xf32>
          %add3A_933 = arith.addf %add3A_924, %mul3A_932 : vector<16xf32>
          %get3A_934 = arith.constant 4 : i32
          %get3A_935 = arith.index_cast %select_n3A_107 : i32 to index
          %get3A_936 = arith.index_cast %get3A_934 : i32 to index
          %get3A_937 = arith.index_cast %add3A_811 : i32 to index
          %get3A_938 = arith.constant 16 : index
          %get3A_939 = tpu.vector_load %arg8[%get3A_935, %get3A_936, %get3A_937, %get3A_938] {strides = array<i32>} : memref<2x8x80x32xf32, #tpu.memory_space<vmem>>, vector<16xf32>,
          %mul3A_940 = vector.broadcast %squeeze3A_815 : f32 to vector<16xf32>
          %mul3A_941 = arith.mulf %mul3A_940, %get3A_939 : vector<16xf32>
          %get3A_942 = arith.constant 5 : i32
          %get3A_943 = arith.index_cast %select_n3A_107 : i32 to index
          %get3A_944 = arith.index_cast %get3A_942 : i32 to index
          %get3A_945 = arith.index_cast %add3A_811 : i32 to index
          %get3A_946 = arith.constant 16 : index
          %get3A_947 = tpu.vector_load %arg8[%get3A_943, %get3A_944, %get3A_945, %get3A_946] {strides = array<i32>} : memref<2x8x80x32xf32, #tpu.memory_space<vmem>>, vector<16xf32>,
          %mul3A_948 = vector.broadcast %squeeze3A_817 : f32 to vector<16xf32>
          %mul3A_949 = arith.mulf %mul3A_948, %get3A_947 : vector<16xf32>
          %add3A_950 = arith.addf %mul3A_941, %mul3A_949 : vector<16xf32>
          %get3A_951 = arith.constant 6 : i32
          %get3A_952 = arith.index_cast %select_n3A_107 : i32 to index
          %get3A_953 = arith.index_cast %get3A_951 : i32 to index
          %get3A_954 = arith.index_cast %add3A_811 : i32 to index
          %get3A_955 = arith.constant 16 : index
          %get3A_956 = tpu.vector_load %arg8[%get3A_952, %get3A_953, %get3A_954, %get3A_955] {strides = array<i32>} : memref<2x8x80x32xf32, #tpu.memory_space<vmem>>, vector<16xf32>,
          %mul3A_957 = vector.broadcast %squeeze3A_819 : f32 to vector<16xf32>
          %mul3A_958 = arith.mulf %mul3A_957, %get3A_956 : vector<16xf32>
          %add3A_959 = arith.addf %add3A_950, %mul3A_958 : vector<16xf32>
          %get3A_960 = arith.constant 7 : i32
          %get3A_961 = arith.index_cast %select_n3A_107 : i32 to index
          %get3A_962 = arith.index_cast %get3A_960 : i32 to index
          %get3A_963 = arith.index_cast %add3A_811 : i32 to index
          %get3A_964 = arith.constant 16 : index
          %get3A_965 = tpu.vector_load %arg8[%get3A_961, %get3A_962, %get3A_963, %get3A_964] {strides = array<i32>} : memref<2x8x80x32xf32, #tpu.memory_space<vmem>>, vector<16xf32>,
          %mul3A_966 = vector.broadcast %squeeze3A_821 : f32 to vector<16xf32>
          %mul3A_967 = arith.mulf %mul3A_966, %get3A_965 : vector<16xf32>
          %add3A_968 = arith.addf %add3A_959, %mul3A_967 : vector<16xf32>
          %sub3A_969 = arith.subf %add3A_968, %add3A_933 : vector<16xf32>
          %mul3A_970 = vector.broadcast %squeeze3A_813 : f32 to vector<16xf32>
          %mul3A_971 = arith.mulf %mul3A_970, %sub3A_969 : vector<16xf32>
          %add3A_972 = arith.addf %add3A_933, %mul3A_971 : vector<16xf32>
          %swap3A_973 = arith.index_cast %add3A_811 : i32 to index
          %swap3A_974 = arith.constant 16 : index
          %swap3A_975 = tpu.vector_load %arg11[%swap3A_973, %swap3A_974] {strides = array<i32>} : memref<80x32xf32, #tpu.memory_space<vmem>>, vector<16xf32>,
          tpu.vector_store %arg11[%swap3A_973, %swap3A_974], %add3A_972 {strides = array<i32>} : memref<80x32xf32, #tpu.memory_space<vmem>>, vector<16xf32>,
          %mul3A_976 = arith.constant 16 : i32
          %mul3A_977 = arith.muli %scan3A_271, %mul3A_976 : i32
          %add3A_978 = arith.constant 4 : i32
          %add3A_979 = arith.addi %mul3A_977, %add3A_978 : i32
          %slice3A_980 = vector.extract_strided_slice %get3A_278 {offsets = [4], sizes = [1], strides = [1]} : vector<16xf32> to vector<1xf32>
          %squeeze3A_981 = vector.extract %slice3A_980[0] : f32 from vector<1xf32>
          %slice3A_982 = vector.extract_strided_slice %get3A_285 {offsets = [4], sizes = [1], strides = [1]} : vector<16xf32> to vector<1xf32>
          %squeeze3A_983 = vector.extract %slice3A_982[0] : f32 from vector<1xf32>
          %slice3A_984 = vector.extract_strided_slice %get3A_292 {offsets = [4], sizes = [1], strides = [1]} : vector<16xf32> to vector<1xf32>
          %squeeze3A_985 = vector.extract %slice3A_984[0] : f32 from vector<1xf32>
          %slice3A_986 = vector.extract_strided_slice %get3A_299 {offsets = [4], sizes = [1], strides = [1]} : vector<16xf32> to vector<1xf32>
          %squeeze3A_987 = vector.extract %slice3A_986[0] : f32 from vector<1xf32>
          %slice3A_988 = vector.extract_strided_slice %get3A_306 {offsets = [4], sizes = [1], strides = [1]} : vector<16xf32> to vector<1xf32>
          %squeeze3A_989 = vector.extract %slice3A_988[0] : f32 from vector<1xf32>
          %get3A_990 = arith.constant 0 : i32
          %get3A_991 = arith.index_cast %select_n3A_107 : i32 to index
          %get3A_992 = arith.index_cast %get3A_990 : i32 to index
          %get3A_993 = arith.index_cast %add3A_979 : i32 to index
          %get3A_994 = arith.constant 0 : index
          %get3A_995 = tpu.vector_load %arg8[%get3A_991, %get3A_992, %get3A_993, %get3A_994] {strides = array<i32>} : memref<2x8x80x32xf32, #tpu.memory_space<vmem>>, vector<16xf32>,
          %mul3A_996 = vector.broadcast %squeeze3A_983 : f32 to vector<16xf32>
          %mul3A_997 = arith.mulf %mul3A_996, %get3A_995 : vector<16xf32>
          %get3A_998 = arith.constant 1 : i32
          %get3A_999 = arith.index_cast %select_n3A_107 : i32 to index
          %get3A_1000 = arith.index_cast %get3A_998 : i32 to index
          %get3A_1001 = arith.index_cast %add3A_979 : i32 to index
          %get3A_1002 = arith.constant 0 : index
          %get3A_1003 = tpu.vector_load %arg8[%get3A_999, %get3A_1000, %get3A_1001, %get3A_1002] {strides = array<i32>} : memref<2x8x80x32xf32, #tpu.memory_space<vmem>>, vector<16xf32>,
          %mul3A_1004 = vector.broadcast %squeeze3A_985 : f32 to vector<16xf32>
          %mul3A_1005 = arith.mulf %mul3A_1004, %get3A_1003 : vector<16xf32>
          %add3A_1006 = arith.addf %mul3A_997, %mul3A_1005 : vector<16xf32>
          %get3A_1007 = arith.constant 2 : i32
          %get3A_1008 = arith.index_cast %select_n3A_107 : i32 to index
          %get3A_1009 = arith.index_cast %get3A_1007 : i32 to index
          %get3A_1010 = arith.index_cast %add3A_979 : i32 to index
          %get3A_1011 = arith.constant 0 : index
          %get3A_1012 = tpu.vector_load %arg8[%get3A_1008, %get3A_1009, %get3A_1010, %get3A_1011] {strides = array<i32>} : memref<2x8x80x32xf32, #tpu.memory_space<vmem>>, vector<16xf32>,
          %mul3A_1013 = vector.broadcast %squeeze3A_987 : f32 to vector<16xf32>
          %mul3A_1014 = arith.mulf %mul3A_1013, %get3A_1012 : vector<16xf32>
          %add3A_1015 = arith.addf %add3A_1006, %mul3A_1014 : vector<16xf32>
          %get3A_1016 = arith.constant 3 : i32
          %get3A_1017 = arith.index_cast %select_n3A_107 : i32 to index
          %get3A_1018 = arith.index_cast %get3A_1016 : i32 to index
          %get3A_1019 = arith.index_cast %add3A_979 : i32 to index
          %get3A_1020 = arith.constant 0 : index
          %get3A_1021 = tpu.vector_load %arg8[%get3A_1017, %get3A_1018, %get3A_1019, %get3A_1020] {strides = array<i32>} : memref<2x8x80x32xf32, #tpu.memory_space<vmem>>, vector<16xf32>,
          %mul3A_1022 = vector.broadcast %squeeze3A_989 : f32 to vector<16xf32>
          %mul3A_1023 = arith.mulf %mul3A_1022, %get3A_1021 : vector<16xf32>
          %add3A_1024 = arith.addf %add3A_1015, %mul3A_1023 : vector<16xf32>
          %get3A_1025 = arith.constant 4 : i32
          %get3A_1026 = arith.index_cast %select_n3A_107 : i32 to index
          %get3A_1027 = arith.index_cast %get3A_1025 : i32 to index
          %get3A_1028 = arith.index_cast %add3A_979 : i32 to index
          %get3A_1029 = arith.constant 0 : index
          %get3A_1030 = tpu.vector_load %arg8[%get3A_1026, %get3A_1027, %get3A_1028, %get3A_1029] {strides = array<i32>} : memref<2x8x80x32xf32, #tpu.memory_space<vmem>>, vector<16xf32>,
          %mul3A_1031 = vector.broadcast %squeeze3A_983 : f32 to vector<16xf32>
          %mul3A_1032 = arith.mulf %mul3A_1031, %get3A_1030 : vector<16xf32>
          %get3A_1033 = arith.constant 5 : i32
          %get3A_1034 = arith.index_cast %select_n3A_107 : i32 to index
          %get3A_1035 = arith.index_cast %get3A_1033 : i32 to index
          %get3A_1036 = arith.index_cast %add3A_979 : i32 to index
          %get3A_1037 = arith.constant 0 : index
          %get3A_1038 = tpu.vector_load %arg8[%get3A_1034, %get3A_1035, %get3A_1036, %get3A_1037] {strides = array<i32>} : memref<2x8x80x32xf32, #tpu.memory_space<vmem>>, vector<16xf32>,
          %mul3A_1039 = vector.broadcast %squeeze3A_985 : f32 to vector<16xf32>
          %mul3A_1040 = arith.mulf %mul3A_1039, %get3A_1038 : vector<16xf32>
          %add3A_1041 = arith.addf %mul3A_1032, %mul3A_1040 : vector<16xf32>
          %get3A_1042 = arith.constant 6 : i32
          %get3A_1043 = arith.index_cast %select_n3A_107 : i32 to index
          %get3A_1044 = arith.index_cast %get3A_1042 : i32 to index
          %get3A_1045 = arith.index_cast %add3A_979 : i32 to index
          %get3A_1046 = arith.constant 0 : index
          %get3A_1047 = tpu.vector_load %arg8[%get3A_1043, %get3A_1044, %get3A_1045, %get3A_1046] {strides = array<i32>} : memref<2x8x80x32xf32, #tpu.memory_space<vmem>>, vector<16xf32>,
          %mul3A_1048 = vector.broadcast %squeeze3A_987 : f32 to vector<16xf32>
          %mul3A_1049 = arith.mulf %mul3A_1048, %get3A_1047 : vector<16xf32>
          %add3A_1050 = arith.addf %add3A_1041, %mul3A_1049 : vector<16xf32>
          %get3A_1051 = arith.constant 7 : i32
          %get3A_1052 = arith.index_cast %select_n3A_107 : i32 to index
          %get3A_1053 = arith.index_cast %get3A_1051 : i32 to index
          %get3A_1054 = arith.index_cast %add3A_979 : i32 to index
          %get3A_1055 = arith.constant 0 : index
          %get3A_1056 = tpu.vector_load %arg8[%get3A_1052, %get3A_1053, %get3A_1054, %get3A_1055] {strides = array<i32>} : memref<2x8x80x32xf32, #tpu.memory_space<vmem>>, vector<16xf32>,
          %mul3A_1057 = vector.broadcast %squeeze3A_989 : f32 to vector<16xf32>
          %mul3A_1058 = arith.mulf %mul3A_1057, %get3A_1056 : vector<16xf32>
          %add3A_1059 = arith.addf %add3A_1050, %mul3A_1058 : vector<16xf32>
          %sub3A_1060 = arith.subf %add3A_1059, %add3A_1024 : vector<16xf32>
          %mul3A_1061 = vector.broadcast %squeeze3A_981 : f32 to vector<16xf32>
          %mul3A_1062 = arith.mulf %mul3A_1061, %sub3A_1060 : vector<16xf32>
          %add3A_1063 = arith.addf %add3A_1024, %mul3A_1062 : vector<16xf32>
          %swap3A_1064 = arith.index_cast %add3A_979 : i32 to index
          %swap3A_1065 = arith.constant 0 : index
          %swap3A_1066 = tpu.vector_load %arg11[%swap3A_1064, %swap3A_1065] {strides = array<i32>} : memref<80x32xf32, #tpu.memory_space<vmem>>, vector<16xf32>,
          tpu.vector_store %arg11[%swap3A_1064, %swap3A_1065], %add3A_1063 {strides = array<i32>} : memref<80x32xf32, #tpu.memory_space<vmem>>, vector<16xf32>,
          %get3A_1067 = arith.constant 0 : i32
          %get3A_1068 = arith.index_cast %select_n3A_107 : i32 to index
          %get3A_1069 = arith.index_cast %get3A_1067 : i32 to index
          %get3A_1070 = arith.index_cast %add3A_979 : i32 to index
          %get3A_1071 = arith.constant 16 : index
          %get3A_1072 = tpu.vector_load %arg8[%get3A_1068, %get3A_1069, %get3A_1070, %get3A_1071] {strides = array<i32>} : memref<2x8x80x32xf32, #tpu.memory_space<vmem>>, vector<16xf32>,
          %mul3A_1073 = vector.broadcast %squeeze3A_983 : f32 to vector<16xf32>
          %mul3A_1074 = arith.mulf %mul3A_1073, %get3A_1072 : vector<16xf32>
          %get3A_1075 = arith.constant 1 : i32
          %get3A_1076 = arith.index_cast %select_n3A_107 : i32 to index
          %get3A_1077 = arith.index_cast %get3A_1075 : i32 to index
          %get3A_1078 = arith.index_cast %add3A_979 : i32 to index
          %get3A_1079 = arith.constant 16 : index
          %get3A_1080 = tpu.vector_load %arg8[%get3A_1076, %get3A_1077, %get3A_1078, %get3A_1079] {strides = array<i32>} : memref<2x8x80x32xf32, #tpu.memory_space<vmem>>, vector<16xf32>,
          %mul3A_1081 = vector.broadcast %squeeze3A_985 : f32 to vector<16xf32>
          %mul3A_1082 = arith.mulf %mul3A_1081, %get3A_1080 : vector<16xf32>
          %add3A_1083 = arith.addf %mul3A_1074, %mul3A_1082 : vector<16xf32>
          %get3A_1084 = arith.constant 2 : i32
          %get3A_1085 = arith.index_cast %select_n3A_107 : i32 to index
          %get3A_1086 = arith.index_cast %get3A_1084 : i32 to index
          %get3A_1087 = arith.index_cast %add3A_979 : i32 to index
          %get3A_1088 = arith.constant 16 : index
          %get3A_1089 = tpu.vector_load %arg8[%get3A_1085, %get3A_1086, %get3A_1087, %get3A_1088] {strides = array<i32>} : memref<2x8x80x32xf32, #tpu.memory_space<vmem>>, vector<16xf32>,
          %mul3A_1090 = vector.broadcast %squeeze3A_987 : f32 to vector<16xf32>
          %mul3A_1091 = arith.mulf %mul3A_1090, %get3A_1089 : vector<16xf32>
          %add3A_1092 = arith.addf %add3A_1083, %mul3A_1091 : vector<16xf32>
          %get3A_1093 = arith.constant 3 : i32
          %get3A_1094 = arith.index_cast %select_n3A_107 : i32 to index
          %get3A_1095 = arith.index_cast %get3A_1093 : i32 to index
          %get3A_1096 = arith.index_cast %add3A_979 : i32 to index
          %get3A_1097 = arith.constant 16 : index
          %get3A_1098 = tpu.vector_load %arg8[%get3A_1094, %get3A_1095, %get3A_1096, %get3A_1097] {strides = array<i32>} : memref<2x8x80x32xf32, #tpu.memory_space<vmem>>, vector<16xf32>,
          %mul3A_1099 = vector.broadcast %squeeze3A_989 : f32 to vector<16xf32>
          %mul3A_1100 = arith.mulf %mul3A_1099, %get3A_1098 : vector<16xf32>
          %add3A_1101 = arith.addf %add3A_1092, %mul3A_1100 : vector<16xf32>
          %get3A_1102 = arith.constant 4 : i32
          %get3A_1103 = arith.index_cast %select_n3A_107 : i32 to index
          %get3A_1104 = arith.index_cast %get3A_1102 : i32 to index
          %get3A_1105 = arith.index_cast %add3A_979 : i32 to index
          %get3A_1106 = arith.constant 16 : index
          %get3A_1107 = tpu.vector_load %arg8[%get3A_1103, %get3A_1104, %get3A_1105, %get3A_1106] {strides = array<i32>} : memref<2x8x80x32xf32, #tpu.memory_space<vmem>>, vector<16xf32>,
          %mul3A_1108 = vector.broadcast %squeeze3A_983 : f32 to vector<16xf32>
          %mul3A_1109 = arith.mulf %mul3A_1108, %get3A_1107 : vector<16xf32>
          %get3A_1110 = arith.constant 5 : i32
          %get3A_1111 = arith.index_cast %select_n3A_107 : i32 to index
          %get3A_1112 = arith.index_cast %get3A_1110 : i32 to index
          %get3A_1113 = arith.index_cast %add3A_979 : i32 to index
          %get3A_1114 = arith.constant 16 : index
          %get3A_1115 = tpu.vector_load %arg8[%get3A_1111, %get3A_1112, %get3A_1113, %get3A_1114] {strides = array<i32>} : memref<2x8x80x32xf32, #tpu.memory_space<vmem>>, vector<16xf32>,
          %mul3A_1116 = vector.broadcast %squeeze3A_985 : f32 to vector<16xf32>
          %mul3A_1117 = arith.mulf %mul3A_1116, %get3A_1115 : vector<16xf32>
          %add3A_1118 = arith.addf %mul3A_1109, %mul3A_1117 : vector<16xf32>
          %get3A_1119 = arith.constant 6 : i32
          %get3A_1120 = arith.index_cast %select_n3A_107 : i32 to index
          %get3A_1121 = arith.index_cast %get3A_1119 : i32 to index
          %get3A_1122 = arith.index_cast %add3A_979 : i32 to index
          %get3A_1123 = arith.constant 16 : index
          %get3A_1124 = tpu.vector_load %arg8[%get3A_1120, %get3A_1121, %get3A_1122, %get3A_1123] {strides = array<i32>} : memref<2x8x80x32xf32, #tpu.memory_space<vmem>>, vector<16xf32>,
          %mul3A_1125 = vector.broadcast %squeeze3A_987 : f32 to vector<16xf32>
          %mul3A_1126 = arith.mulf %mul3A_1125, %get3A_1124 : vector<16xf32>
          %add3A_1127 = arith.addf %add3A_1118, %mul3A_1126 : vector<16xf32>
          %get3A_1128 = arith.constant 7 : i32
          %get3A_1129 = arith.index_cast %select_n3A_107 : i32 to index
          %get3A_1130 = arith.index_cast %get3A_1128 : i32 to index
          %get3A_1131 = arith.index_cast %add3A_979 : i32 to index
          %get3A_1132 = arith.constant 16 : index
          %get3A_1133 = tpu.vector_load %arg8[%get3A_1129, %get3A_1130, %get3A_1131, %get3A_1132] {strides = array<i32>} : memref<2x8x80x32xf32, #tpu.memory_space<vmem>>, vector<16xf32>,
          %mul3A_1134 = vector.broadcast %squeeze3A_989 : f32 to vector<16xf32>
          %mul3A_1135 = arith.mulf %mul3A_1134, %get3A_1133 : vector<16xf32>
          %add3A_1136 = arith.addf %add3A_1127, %mul3A_1135 : vector<16xf32>
          %sub3A_1137 = arith.subf %add3A_1136, %add3A_1101 : vector<16xf32>
          %mul3A_1138 = vector.broadcast %squeeze3A_981 : f32 to vector<16xf32>
          %mul3A_1139 = arith.mulf %mul3A_1138, %sub3A_1137 : vector<16xf32>
          %add3A_1140 = arith.addf %add3A_1101, %mul3A_1139 : vector<16xf32>
          %swap3A_1141 = arith.index_cast %add3A_979 : i32 to index
          %swap3A_1142 = arith.constant 16 : index
          %swap3A_1143 = tpu.vector_load %arg11[%swap3A_1141, %swap3A_1142] {strides = array<i32>} : memref<80x32xf32, #tpu.memory_space<vmem>>, vector<16xf32>,
          tpu.vector_store %arg11[%swap3A_1141, %swap3A_1142], %add3A_1140 {strides = array<i32>} : memref<80x32xf32, #tpu.memory_space<vmem>>, vector<16xf32>,
          %mul3A_1144 = arith.constant 16 : i32
          %mul3A_1145 = arith.muli %scan3A_271, %mul3A_1144 : i32
          %add3A_1146 = arith.constant 5 : i32
          %add3A_1147 = arith.addi %mul3A_1145, %add3A_1146 : i32
          %slice3A_1148 = vector.extract_strided_slice %get3A_278 {offsets = [5], sizes = [1], strides = [1]} : vector<16xf32> to vector<1xf32>
          %squeeze3A_1149 = vector.extract %slice3A_1148[0] : f32 from vector<1xf32>
          %slice3A_1150 = vector.extract_strided_slice %get3A_285 {offsets = [5], sizes = [1], strides = [1]} : vector<16xf32> to vector<1xf32>
          %squeeze3A_1151 = vector.extract %slice3A_1150[0] : f32 from vector<1xf32>
          %slice3A_1152 = vector.extract_strided_slice %get3A_292 {offsets = [5], sizes = [1], strides = [1]} : vector<16xf32> to vector<1xf32>
          %squeeze3A_1153 = vector.extract %slice3A_1152[0] : f32 from vector<1xf32>
          %slice3A_1154 = vector.extract_strided_slice %get3A_299 {offsets = [5], sizes = [1], strides = [1]} : vector<16xf32> to vector<1xf32>
          %squeeze3A_1155 = vector.extract %slice3A_1154[0] : f32 from vector<1xf32>
          %slice3A_1156 = vector.extract_strided_slice %get3A_306 {offsets = [5], sizes = [1], strides = [1]} : vector<16xf32> to vector<1xf32>
          %squeeze3A_1157 = vector.extract %slice3A_1156[0] : f32 from vector<1xf32>
          %get3A_1158 = arith.constant 0 : i32
          %get3A_1159 = arith.index_cast %select_n3A_107 : i32 to index
          %get3A_1160 = arith.index_cast %get3A_1158 : i32 to index
          %get3A_1161 = arith.index_cast %add3A_1147 : i32 to index
          %get3A_1162 = arith.constant 0 : index
          %get3A_1163 = tpu.vector_load %arg8[%get3A_1159, %get3A_1160, %get3A_1161, %get3A_1162] {strides = array<i32>} : memref<2x8x80x32xf32, #tpu.memory_space<vmem>>, vector<16xf32>,
          %mul3A_1164 = vector.broadcast %squeeze3A_1151 : f32 to vector<16xf32>
          %mul3A_1165 = arith.mulf %mul3A_1164, %get3A_1163 : vector<16xf32>
          %get3A_1166 = arith.constant 1 : i32
          %get3A_1167 = arith.index_cast %select_n3A_107 : i32 to index
          %get3A_1168 = arith.index_cast %get3A_1166 : i32 to index
          %get3A_1169 = arith.index_cast %add3A_1147 : i32 to index
          %get3A_1170 = arith.constant 0 : index
          %get3A_1171 = tpu.vector_load %arg8[%get3A_1167, %get3A_1168, %get3A_1169, %get3A_1170] {strides = array<i32>} : memref<2x8x80x32xf32, #tpu.memory_space<vmem>>, vector<16xf32>,
          %mul3A_1172 = vector.broadcast %squeeze3A_1153 : f32 to vector<16xf32>
          %mul3A_1173 = arith.mulf %mul3A_1172, %get3A_1171 : vector<16xf32>
          %add3A_1174 = arith.addf %mul3A_1165, %mul3A_1173 : vector<16xf32>
          %get3A_1175 = arith.constant 2 : i32
          %get3A_1176 = arith.index_cast %select_n3A_107 : i32 to index
          %get3A_1177 = arith.index_cast %get3A_1175 : i32 to index
          %get3A_1178 = arith.index_cast %add3A_1147 : i32 to index
          %get3A_1179 = arith.constant 0 : index
          %get3A_1180 = tpu.vector_load %arg8[%get3A_1176, %get3A_1177, %get3A_1178, %get3A_1179] {strides = array<i32>} : memref<2x8x80x32xf32, #tpu.memory_space<vmem>>, vector<16xf32>,
          %mul3A_1181 = vector.broadcast %squeeze3A_1155 : f32 to vector<16xf32>
          %mul3A_1182 = arith.mulf %mul3A_1181, %get3A_1180 : vector<16xf32>
          %add3A_1183 = arith.addf %add3A_1174, %mul3A_1182 : vector<16xf32>
          %get3A_1184 = arith.constant 3 : i32
          %get3A_1185 = arith.index_cast %select_n3A_107 : i32 to index
          %get3A_1186 = arith.index_cast %get3A_1184 : i32 to index
          %get3A_1187 = arith.index_cast %add3A_1147 : i32 to index
          %get3A_1188 = arith.constant 0 : index
          %get3A_1189 = tpu.vector_load %arg8[%get3A_1185, %get3A_1186, %get3A_1187, %get3A_1188] {strides = array<i32>} : memref<2x8x80x32xf32, #tpu.memory_space<vmem>>, vector<16xf32>,
          %mul3A_1190 = vector.broadcast %squeeze3A_1157 : f32 to vector<16xf32>
          %mul3A_1191 = arith.mulf %mul3A_1190, %get3A_1189 : vector<16xf32>
          %add3A_1192 = arith.addf %add3A_1183, %mul3A_1191 : vector<16xf32>
          %get3A_1193 = arith.constant 4 : i32
          %get3A_1194 = arith.index_cast %select_n3A_107 : i32 to index
          %get3A_1195 = arith.index_cast %get3A_1193 : i32 to index
          %get3A_1196 = arith.index_cast %add3A_1147 : i32 to index
          %get3A_1197 = arith.constant 0 : index
          %get3A_1198 = tpu.vector_load %arg8[%get3A_1194, %get3A_1195, %get3A_1196, %get3A_1197] {strides = array<i32>} : memref<2x8x80x32xf32, #tpu.memory_space<vmem>>, vector<16xf32>,
          %mul3A_1199 = vector.broadcast %squeeze3A_1151 : f32 to vector<16xf32>
          %mul3A_1200 = arith.mulf %mul3A_1199, %get3A_1198 : vector<16xf32>
          %get3A_1201 = arith.constant 5 : i32
          %get3A_1202 = arith.index_cast %select_n3A_107 : i32 to index
          %get3A_1203 = arith.index_cast %get3A_1201 : i32 to index
          %get3A_1204 = arith.index_cast %add3A_1147 : i32 to index
          %get3A_1205 = arith.constant 0 : index
          %get3A_1206 = tpu.vector_load %arg8[%get3A_1202, %get3A_1203, %get3A_1204, %get3A_1205] {strides = array<i32>} : memref<2x8x80x32xf32, #tpu.memory_space<vmem>>, vector<16xf32>,
          %mul3A_1207 = vector.broadcast %squeeze3A_1153 : f32 to vector<16xf32>
          %mul3A_1208 = arith.mulf %mul3A_1207, %get3A_1206 : vector<16xf32>
          %add3A_1209 = arith.addf %mul3A_1200, %mul3A_1208 : vector<16xf32>
          %get3A_1210 = arith.constant 6 : i32
          %get3A_1211 = arith.index_cast %select_n3A_107 : i32 to index
          %get3A_1212 = arith.index_cast %get3A_1210 : i32 to index
          %get3A_1213 = arith.index_cast %add3A_1147 : i32 to index
          %get3A_1214 = arith.constant 0 : index
          %get3A_1215 = tpu.vector_load %arg8[%get3A_1211, %get3A_1212, %get3A_1213, %get3A_1214] {strides = array<i32>} : memref<2x8x80x32xf32, #tpu.memory_space<vmem>>, vector<16xf32>,
          %mul3A_1216 = vector.broadcast %squeeze3A_1155 : f32 to vector<16xf32>
          %mul3A_1217 = arith.mulf %mul3A_1216, %get3A_1215 : vector<16xf32>
          %add3A_1218 = arith.addf %add3A_1209, %mul3A_1217 : vector<16xf32>
          %get3A_1219 = arith.constant 7 : i32
          %get3A_1220 = arith.index_cast %select_n3A_107 : i32 to index
          %get3A_1221 = arith.index_cast %get3A_1219 : i32 to index
          %get3A_1222 = arith.index_cast %add3A_1147 : i32 to index
          %get3A_1223 = arith.constant 0 : index
          %get3A_1224 = tpu.vector_load %arg8[%get3A_1220, %get3A_1221, %get3A_1222, %get3A_1223] {strides = array<i32>} : memref<2x8x80x32xf32, #tpu.memory_space<vmem>>, vector<16xf32>,
          %mul3A_1225 = vector.broadcast %squeeze3A_1157 : f32 to vector<16xf32>
          %mul3A_1226 = arith.mulf %mul3A_1225, %get3A_1224 : vector<16xf32>
          %add3A_1227 = arith.addf %add3A_1218, %mul3A_1226 : vector<16xf32>
          %sub3A_1228 = arith.subf %add3A_1227, %add3A_1192 : vector<16xf32>
          %mul3A_1229 = vector.broadcast %squeeze3A_1149 : f32 to vector<16xf32>
          %mul3A_1230 = arith.mulf %mul3A_1229, %sub3A_1228 : vector<16xf32>
          %add3A_1231 = arith.addf %add3A_1192, %mul3A_1230 : vector<16xf32>
          %swap3A_1232 = arith.index_cast %add3A_1147 : i32 to index
          %swap3A_1233 = arith.constant 0 : index
          %swap3A_1234 = tpu.vector_load %arg11[%swap3A_1232, %swap3A_1233] {strides = array<i32>} : memref<80x32xf32, #tpu.memory_space<vmem>>, vector<16xf32>,
          tpu.vector_store %arg11[%swap3A_1232, %swap3A_1233], %add3A_1231 {strides = array<i32>} : memref<80x32xf32, #tpu.memory_space<vmem>>, vector<16xf32>,
          %get3A_1235 = arith.constant 0 : i32
          %get3A_1236 = arith.index_cast %select_n3A_107 : i32 to index
          %get3A_1237 = arith.index_cast %get3A_1235 : i32 to index
          %get3A_1238 = arith.index_cast %add3A_1147 : i32 to index
          %get3A_1239 = arith.constant 16 : index
          %get3A_1240 = tpu.vector_load %arg8[%get3A_1236, %get3A_1237, %get3A_1238, %get3A_1239] {strides = array<i32>} : memref<2x8x80x32xf32, #tpu.memory_space<vmem>>, vector<16xf32>,
          %mul3A_1241 = vector.broadcast %squeeze3A_1151 : f32 to vector<16xf32>
          %mul3A_1242 = arith.mulf %mul3A_1241, %get3A_1240 : vector<16xf32>
          %get3A_1243 = arith.constant 1 : i32
          %get3A_1244 = arith.index_cast %select_n3A_107 : i32 to index
          %get3A_1245 = arith.index_cast %get3A_1243 : i32 to index
          %get3A_1246 = arith.index_cast %add3A_1147 : i32 to index
          %get3A_1247 = arith.constant 16 : index
          %get3A_1248 = tpu.vector_load %arg8[%get3A_1244, %get3A_1245, %get3A_1246, %get3A_1247] {strides = array<i32>} : memref<2x8x80x32xf32, #tpu.memory_space<vmem>>, vector<16xf32>,
          %mul3A_1249 = vector.broadcast %squeeze3A_1153 : f32 to vector<16xf32>
          %mul3A_1250 = arith.mulf %mul3A_1249, %get3A_1248 : vector<16xf32>
          %add3A_1251 = arith.addf %mul3A_1242, %mul3A_1250 : vector<16xf32>
          %get3A_1252 = arith.constant 2 : i32
          %get3A_1253 = arith.index_cast %select_n3A_107 : i32 to index
          %get3A_1254 = arith.index_cast %get3A_1252 : i32 to index
          %get3A_1255 = arith.index_cast %add3A_1147 : i32 to index
          %get3A_1256 = arith.constant 16 : index
          %get3A_1257 = tpu.vector_load %arg8[%get3A_1253, %get3A_1254, %get3A_1255, %get3A_1256] {strides = array<i32>} : memref<2x8x80x32xf32, #tpu.memory_space<vmem>>, vector<16xf32>,
          %mul3A_1258 = vector.broadcast %squeeze3A_1155 : f32 to vector<16xf32>
          %mul3A_1259 = arith.mulf %mul3A_1258, %get3A_1257 : vector<16xf32>
          %add3A_1260 = arith.addf %add3A_1251, %mul3A_1259 : vector<16xf32>
          %get3A_1261 = arith.constant 3 : i32
          %get3A_1262 = arith.index_cast %select_n3A_107 : i32 to index
          %get3A_1263 = arith.index_cast %get3A_1261 : i32 to index
          %get3A_1264 = arith.index_cast %add3A_1147 : i32 to index
          %get3A_1265 = arith.constant 16 : index
          %get3A_1266 = tpu.vector_load %arg8[%get3A_1262, %get3A_1263, %get3A_1264, %get3A_1265] {strides = array<i32>} : memref<2x8x80x32xf32, #tpu.memory_space<vmem>>, vector<16xf32>,
          %mul3A_1267 = vector.broadcast %squeeze3A_1157 : f32 to vector<16xf32>
          %mul3A_1268 = arith.mulf %mul3A_1267, %get3A_1266 : vector<16xf32>
          %add3A_1269 = arith.addf %add3A_1260, %mul3A_1268 : vector<16xf32>
          %get3A_1270 = arith.constant 4 : i32
          %get3A_1271 = arith.index_cast %select_n3A_107 : i32 to index
          %get3A_1272 = arith.index_cast %get3A_1270 : i32 to index
          %get3A_1273 = arith.index_cast %add3A_1147 : i32 to index
          %get3A_1274 = arith.constant 16 : index
          %get3A_1275 = tpu.vector_load %arg8[%get3A_1271, %get3A_1272, %get3A_1273, %get3A_1274] {strides = array<i32>} : memref<2x8x80x32xf32, #tpu.memory_space<vmem>>, vector<16xf32>,
          %mul3A_1276 = vector.broadcast %squeeze3A_1151 : f32 to vector<16xf32>
          %mul3A_1277 = arith.mulf %mul3A_1276, %get3A_1275 : vector<16xf32>
          %get3A_1278 = arith.constant 5 : i32
          %get3A_1279 = arith.index_cast %select_n3A_107 : i32 to index
          %get3A_1280 = arith.index_cast %get3A_1278 : i32 to index
          %get3A_1281 = arith.index_cast %add3A_1147 : i32 to index
          %get3A_1282 = arith.constant 16 : index
          %get3A_1283 = tpu.vector_load %arg8[%get3A_1279, %get3A_1280, %get3A_1281, %get3A_1282] {strides = array<i32>} : memref<2x8x80x32xf32, #tpu.memory_space<vmem>>, vector<16xf32>,
          %mul3A_1284 = vector.broadcast %squeeze3A_1153 : f32 to vector<16xf32>
          %mul3A_1285 = arith.mulf %mul3A_1284, %get3A_1283 : vector<16xf32>
          %add3A_1286 = arith.addf %mul3A_1277, %mul3A_1285 : vector<16xf32>
          %get3A_1287 = arith.constant 6 : i32
          %get3A_1288 = arith.index_cast %select_n3A_107 : i32 to index
          %get3A_1289 = arith.index_cast %get3A_1287 : i32 to index
          %get3A_1290 = arith.index_cast %add3A_1147 : i32 to index
          %get3A_1291 = arith.constant 16 : index
          %get3A_1292 = tpu.vector_load %arg8[%get3A_1288, %get3A_1289, %get3A_1290, %get3A_1291] {strides = array<i32>} : memref<2x8x80x32xf32, #tpu.memory_space<vmem>>, vector<16xf32>,
          %mul3A_1293 = vector.broadcast %squeeze3A_1155 : f32 to vector<16xf32>
          %mul3A_1294 = arith.mulf %mul3A_1293, %get3A_1292 : vector<16xf32>
          %add3A_1295 = arith.addf %add3A_1286, %mul3A_1294 : vector<16xf32>
          %get3A_1296 = arith.constant 7 : i32
          %get3A_1297 = arith.index_cast %select_n3A_107 : i32 to index
          %get3A_1298 = arith.index_cast %get3A_1296 : i32 to index
          %get3A_1299 = arith.index_cast %add3A_1147 : i32 to index
          %get3A_1300 = arith.constant 16 : index
          %get3A_1301 = tpu.vector_load %arg8[%get3A_1297, %get3A_1298, %get3A_1299, %get3A_1300] {strides = array<i32>} : memref<2x8x80x32xf32, #tpu.memory_space<vmem>>, vector<16xf32>,
          %mul3A_1302 = vector.broadcast %squeeze3A_1157 : f32 to vector<16xf32>
          %mul3A_1303 = arith.mulf %mul3A_1302, %get3A_1301 : vector<16xf32>
          %add3A_1304 = arith.addf %add3A_1295, %mul3A_1303 : vector<16xf32>
          %sub3A_1305 = arith.subf %add3A_1304, %add3A_1269 : vector<16xf32>
          %mul3A_1306 = vector.broadcast %squeeze3A_1149 : f32 to vector<16xf32>
          %mul3A_1307 = arith.mulf %mul3A_1306, %sub3A_1305 : vector<16xf32>
          %add3A_1308 = arith.addf %add3A_1269, %mul3A_1307 : vector<16xf32>
          %swap3A_1309 = arith.index_cast %add3A_1147 : i32 to index
          %swap3A_1310 = arith.constant 16 : index
          %swap3A_1311 = tpu.vector_load %arg11[%swap3A_1309, %swap3A_1310] {strides = array<i32>} : memref<80x32xf32, #tpu.memory_space<vmem>>, vector<16xf32>,
          tpu.vector_store %arg11[%swap3A_1309, %swap3A_1310], %add3A_1308 {strides = array<i32>} : memref<80x32xf32, #tpu.memory_space<vmem>>, vector<16xf32>,
          %mul3A_1312 = arith.constant 16 : i32
          %mul3A_1313 = arith.muli %scan3A_271, %mul3A_1312 : i32
          %add3A_1314 = arith.constant 6 : i32
          %add3A_1315 = arith.addi %mul3A_1313, %add3A_1314 : i32
          %slice3A_1316 = vector.extract_strided_slice %get3A_278 {offsets = [6], sizes = [1], strides = [1]} : vector<16xf32> to vector<1xf32>
          %squeeze3A_1317 = vector.extract %slice3A_1316[0] : f32 from vector<1xf32>
          %slice3A_1318 = vector.extract_strided_slice %get3A_285 {offsets = [6], sizes = [1], strides = [1]} : vector<16xf32> to vector<1xf32>
          %squeeze3A_1319 = vector.extract %slice3A_1318[0] : f32 from vector<1xf32>
          %slice3A_1320 = vector.extract_strided_slice %get3A_292 {offsets = [6], sizes = [1], strides = [1]} : vector<16xf32> to vector<1xf32>
          %squeeze3A_1321 = vector.extract %slice3A_1320[0] : f32 from vector<1xf32>
          %slice3A_1322 = vector.extract_strided_slice %get3A_299 {offsets = [6], sizes = [1], strides = [1]} : vector<16xf32> to vector<1xf32>
          %squeeze3A_1323 = vector.extract %slice3A_1322[0] : f32 from vector<1xf32>
          %slice3A_1324 = vector.extract_strided_slice %get3A_306 {offsets = [6], sizes = [1], strides = [1]} : vector<16xf32> to vector<1xf32>
          %squeeze3A_1325 = vector.extract %slice3A_1324[0] : f32 from vector<1xf32>
          %get3A_1326 = arith.constant 0 : i32
          %get3A_1327 = arith.index_cast %select_n3A_107 : i32 to index
          %get3A_1328 = arith.index_cast %get3A_1326 : i32 to index
          %get3A_1329 = arith.index_cast %add3A_1315 : i32 to index
          %get3A_1330 = arith.constant 0 : index
          %get3A_1331 = tpu.vector_load %arg8[%get3A_1327, %get3A_1328, %get3A_1329, %get3A_1330] {strides = array<i32>} : memref<2x8x80x32xf32, #tpu.memory_space<vmem>>, vector<16xf32>,
          %mul3A_1332 = vector.broadcast %squeeze3A_1319 : f32 to vector<16xf32>
          %mul3A_1333 = arith.mulf %mul3A_1332, %get3A_1331 : vector<16xf32>
          %get3A_1334 = arith.constant 1 : i32
          %get3A_1335 = arith.index_cast %select_n3A_107 : i32 to index
          %get3A_1336 = arith.index_cast %get3A_1334 : i32 to index
          %get3A_1337 = arith.index_cast %add3A_1315 : i32 to index
          %get3A_1338 = arith.constant 0 : index
          %get3A_1339 = tpu.vector_load %arg8[%get3A_1335, %get3A_1336, %get3A_1337, %get3A_1338] {strides = array<i32>} : memref<2x8x80x32xf32, #tpu.memory_space<vmem>>, vector<16xf32>,
          %mul3A_1340 = vector.broadcast %squeeze3A_1321 : f32 to vector<16xf32>
          %mul3A_1341 = arith.mulf %mul3A_1340, %get3A_1339 : vector<16xf32>
          %add3A_1342 = arith.addf %mul3A_1333, %mul3A_1341 : vector<16xf32>
          %get3A_1343 = arith.constant 2 : i32
          %get3A_1344 = arith.index_cast %select_n3A_107 : i32 to index
          %get3A_1345 = arith.index_cast %get3A_1343 : i32 to index
          %get3A_1346 = arith.index_cast %add3A_1315 : i32 to index
          %get3A_1347 = arith.constant 0 : index
          %get3A_1348 = tpu.vector_load %arg8[%get3A_1344, %get3A_1345, %get3A_1346, %get3A_1347] {strides = array<i32>} : memref<2x8x80x32xf32, #tpu.memory_space<vmem>>, vector<16xf32>,
          %mul3A_1349 = vector.broadcast %squeeze3A_1323 : f32 to vector<16xf32>
          %mul3A_1350 = arith.mulf %mul3A_1349, %get3A_1348 : vector<16xf32>
          %add3A_1351 = arith.addf %add3A_1342, %mul3A_1350 : vector<16xf32>
          %get3A_1352 = arith.constant 3 : i32
          %get3A_1353 = arith.index_cast %select_n3A_107 : i32 to index
          %get3A_1354 = arith.index_cast %get3A_1352 : i32 to index
          %get3A_1355 = arith.index_cast %add3A_1315 : i32 to index
          %get3A_1356 = arith.constant 0 : index
          %get3A_1357 = tpu.vector_load %arg8[%get3A_1353, %get3A_1354, %get3A_1355, %get3A_1356] {strides = array<i32>} : memref<2x8x80x32xf32, #tpu.memory_space<vmem>>, vector<16xf32>,
          %mul3A_1358 = vector.broadcast %squeeze3A_1325 : f32 to vector<16xf32>
          %mul3A_1359 = arith.mulf %mul3A_1358, %get3A_1357 : vector<16xf32>
          %add3A_1360 = arith.addf %add3A_1351, %mul3A_1359 : vector<16xf32>
          %get3A_1361 = arith.constant 4 : i32
          %get3A_1362 = arith.index_cast %select_n3A_107 : i32 to index
          %get3A_1363 = arith.index_cast %get3A_1361 : i32 to index
          %get3A_1364 = arith.index_cast %add3A_1315 : i32 to index
          %get3A_1365 = arith.constant 0 : index
          %get3A_1366 = tpu.vector_load %arg8[%get3A_1362, %get3A_1363, %get3A_1364, %get3A_1365] {strides = array<i32>} : memref<2x8x80x32xf32, #tpu.memory_space<vmem>>, vector<16xf32>,
          %mul3A_1367 = vector.broadcast %squeeze3A_1319 : f32 to vector<16xf32>
          %mul3A_1368 = arith.mulf %mul3A_1367, %get3A_1366 : vector<16xf32>
          %get3A_1369 = arith.constant 5 : i32
          %get3A_1370 = arith.index_cast %select_n3A_107 : i32 to index
          %get3A_1371 = arith.index_cast %get3A_1369 : i32 to index
          %get3A_1372 = arith.index_cast %add3A_1315 : i32 to index
          %get3A_1373 = arith.constant 0 : index
          %get3A_1374 = tpu.vector_load %arg8[%get3A_1370, %get3A_1371, %get3A_1372, %get3A_1373] {strides = array<i32>} : memref<2x8x80x32xf32, #tpu.memory_space<vmem>>, vector<16xf32>,
          %mul3A_1375 = vector.broadcast %squeeze3A_1321 : f32 to vector<16xf32>
          %mul3A_1376 = arith.mulf %mul3A_1375, %get3A_1374 : vector<16xf32>
          %add3A_1377 = arith.addf %mul3A_1368, %mul3A_1376 : vector<16xf32>
          %get3A_1378 = arith.constant 6 : i32
          %get3A_1379 = arith.index_cast %select_n3A_107 : i32 to index
          %get3A_1380 = arith.index_cast %get3A_1378 : i32 to index
          %get3A_1381 = arith.index_cast %add3A_1315 : i32 to index
          %get3A_1382 = arith.constant 0 : index
          %get3A_1383 = tpu.vector_load %arg8[%get3A_1379, %get3A_1380, %get3A_1381, %get3A_1382] {strides = array<i32>} : memref<2x8x80x32xf32, #tpu.memory_space<vmem>>, vector<16xf32>,
          %mul3A_1384 = vector.broadcast %squeeze3A_1323 : f32 to vector<16xf32>
          %mul3A_1385 = arith.mulf %mul3A_1384, %get3A_1383 : vector<16xf32>
          %add3A_1386 = arith.addf %add3A_1377, %mul3A_1385 : vector<16xf32>
          %get3A_1387 = arith.constant 7 : i32
          %get3A_1388 = arith.index_cast %select_n3A_107 : i32 to index
          %get3A_1389 = arith.index_cast %get3A_1387 : i32 to index
          %get3A_1390 = arith.index_cast %add3A_1315 : i32 to index
          %get3A_1391 = arith.constant 0 : index
          %get3A_1392 = tpu.vector_load %arg8[%get3A_1388, %get3A_1389, %get3A_1390, %get3A_1391] {strides = array<i32>} : memref<2x8x80x32xf32, #tpu.memory_space<vmem>>, vector<16xf32>,
          %mul3A_1393 = vector.broadcast %squeeze3A_1325 : f32 to vector<16xf32>
          %mul3A_1394 = arith.mulf %mul3A_1393, %get3A_1392 : vector<16xf32>
          %add3A_1395 = arith.addf %add3A_1386, %mul3A_1394 : vector<16xf32>
          %sub3A_1396 = arith.subf %add3A_1395, %add3A_1360 : vector<16xf32>
          %mul3A_1397 = vector.broadcast %squeeze3A_1317 : f32 to vector<16xf32>
          %mul3A_1398 = arith.mulf %mul3A_1397, %sub3A_1396 : vector<16xf32>
          %add3A_1399 = arith.addf %add3A_1360, %mul3A_1398 : vector<16xf32>
          %swap3A_1400 = arith.index_cast %add3A_1315 : i32 to index
          %swap3A_1401 = arith.constant 0 : index
          %swap3A_1402 = tpu.vector_load %arg11[%swap3A_1400, %swap3A_1401] {strides = array<i32>} : memref<80x32xf32, #tpu.memory_space<vmem>>, vector<16xf32>,
          tpu.vector_store %arg11[%swap3A_1400, %swap3A_1401], %add3A_1399 {strides = array<i32>} : memref<80x32xf32, #tpu.memory_space<vmem>>, vector<16xf32>,
          %get3A_1403 = arith.constant 0 : i32
          %get3A_1404 = arith.index_cast %select_n3A_107 : i32 to index
          %get3A_1405 = arith.index_cast %get3A_1403 : i32 to index
          %get3A_1406 = arith.index_cast %add3A_1315 : i32 to index
          %get3A_1407 = arith.constant 16 : index
          %get3A_1408 = tpu.vector_load %arg8[%get3A_1404, %get3A_1405, %get3A_1406, %get3A_1407] {strides = array<i32>} : memref<2x8x80x32xf32, #tpu.memory_space<vmem>>, vector<16xf32>,
          %mul3A_1409 = vector.broadcast %squeeze3A_1319 : f32 to vector<16xf32>
          %mul3A_1410 = arith.mulf %mul3A_1409, %get3A_1408 : vector<16xf32>
          %get3A_1411 = arith.constant 1 : i32
          %get3A_1412 = arith.index_cast %select_n3A_107 : i32 to index
          %get3A_1413 = arith.index_cast %get3A_1411 : i32 to index
          %get3A_1414 = arith.index_cast %add3A_1315 : i32 to index
          %get3A_1415 = arith.constant 16 : index
          %get3A_1416 = tpu.vector_load %arg8[%get3A_1412, %get3A_1413, %get3A_1414, %get3A_1415] {strides = array<i32>} : memref<2x8x80x32xf32, #tpu.memory_space<vmem>>, vector<16xf32>,
          %mul3A_1417 = vector.broadcast %squeeze3A_1321 : f32 to vector<16xf32>
          %mul3A_1418 = arith.mulf %mul3A_1417, %get3A_1416 : vector<16xf32>
          %add3A_1419 = arith.addf %mul3A_1410, %mul3A_1418 : vector<16xf32>
          %get3A_1420 = arith.constant 2 : i32
          %get3A_1421 = arith.index_cast %select_n3A_107 : i32 to index
          %get3A_1422 = arith.index_cast %get3A_1420 : i32 to index
          %get3A_1423 = arith.index_cast %add3A_1315 : i32 to index
          %get3A_1424 = arith.constant 16 : index
          %get3A_1425 = tpu.vector_load %arg8[%get3A_1421, %get3A_1422, %get3A_1423, %get3A_1424] {strides = array<i32>} : memref<2x8x80x32xf32, #tpu.memory_space<vmem>>, vector<16xf32>,
          %mul3A_1426 = vector.broadcast %squeeze3A_1323 : f32 to vector<16xf32>
          %mul3A_1427 = arith.mulf %mul3A_1426, %get3A_1425 : vector<16xf32>
          %add3A_1428 = arith.addf %add3A_1419, %mul3A_1427 : vector<16xf32>
          %get3A_1429 = arith.constant 3 : i32
          %get3A_1430 = arith.index_cast %select_n3A_107 : i32 to index
          %get3A_1431 = arith.index_cast %get3A_1429 : i32 to index
          %get3A_1432 = arith.index_cast %add3A_1315 : i32 to index
          %get3A_1433 = arith.constant 16 : index
          %get3A_1434 = tpu.vector_load %arg8[%get3A_1430, %get3A_1431, %get3A_1432, %get3A_1433] {strides = array<i32>} : memref<2x8x80x32xf32, #tpu.memory_space<vmem>>, vector<16xf32>,
          %mul3A_1435 = vector.broadcast %squeeze3A_1325 : f32 to vector<16xf32>
          %mul3A_1436 = arith.mulf %mul3A_1435, %get3A_1434 : vector<16xf32>
          %add3A_1437 = arith.addf %add3A_1428, %mul3A_1436 : vector<16xf32>
          %get3A_1438 = arith.constant 4 : i32
          %get3A_1439 = arith.index_cast %select_n3A_107 : i32 to index
          %get3A_1440 = arith.index_cast %get3A_1438 : i32 to index
          %get3A_1441 = arith.index_cast %add3A_1315 : i32 to index
          %get3A_1442 = arith.constant 16 : index
          %get3A_1443 = tpu.vector_load %arg8[%get3A_1439, %get3A_1440, %get3A_1441, %get3A_1442] {strides = array<i32>} : memref<2x8x80x32xf32, #tpu.memory_space<vmem>>, vector<16xf32>,
          %mul3A_1444 = vector.broadcast %squeeze3A_1319 : f32 to vector<16xf32>
          %mul3A_1445 = arith.mulf %mul3A_1444, %get3A_1443 : vector<16xf32>
          %get3A_1446 = arith.constant 5 : i32
          %get3A_1447 = arith.index_cast %select_n3A_107 : i32 to index
          %get3A_1448 = arith.index_cast %get3A_1446 : i32 to index
          %get3A_1449 = arith.index_cast %add3A_1315 : i32 to index
          %get3A_1450 = arith.constant 16 : index
          %get3A_1451 = tpu.vector_load %arg8[%get3A_1447, %get3A_1448, %get3A_1449, %get3A_1450] {strides = array<i32>} : memref<2x8x80x32xf32, #tpu.memory_space<vmem>>, vector<16xf32>,
          %mul3A_1452 = vector.broadcast %squeeze3A_1321 : f32 to vector<16xf32>
          %mul3A_1453 = arith.mulf %mul3A_1452, %get3A_1451 : vector<16xf32>
          %add3A_1454 = arith.addf %mul3A_1445, %mul3A_1453 : vector<16xf32>
          %get3A_1455 = arith.constant 6 : i32
          %get3A_1456 = arith.index_cast %select_n3A_107 : i32 to index
          %get3A_1457 = arith.index_cast %get3A_1455 : i32 to index
          %get3A_1458 = arith.index_cast %add3A_1315 : i32 to index
          %get3A_1459 = arith.constant 16 : index
          %get3A_1460 = tpu.vector_load %arg8[%get3A_1456, %get3A_1457, %get3A_1458, %get3A_1459] {strides = array<i32>} : memref<2x8x80x32xf32, #tpu.memory_space<vmem>>, vector<16xf32>,
          %mul3A_1461 = vector.broadcast %squeeze3A_1323 : f32 to vector<16xf32>
          %mul3A_1462 = arith.mulf %mul3A_1461, %get3A_1460 : vector<16xf32>
          %add3A_1463 = arith.addf %add3A_1454, %mul3A_1462 : vector<16xf32>
          %get3A_1464 = arith.constant 7 : i32
          %get3A_1465 = arith.index_cast %select_n3A_107 : i32 to index
          %get3A_1466 = arith.index_cast %get3A_1464 : i32 to index
          %get3A_1467 = arith.index_cast %add3A_1315 : i32 to index
          %get3A_1468 = arith.constant 16 : index
          %get3A_1469 = tpu.vector_load %arg8[%get3A_1465, %get3A_1466, %get3A_1467, %get3A_1468] {strides = array<i32>} : memref<2x8x80x32xf32, #tpu.memory_space<vmem>>, vector<16xf32>,
          %mul3A_1470 = vector.broadcast %squeeze3A_1325 : f32 to vector<16xf32>
          %mul3A_1471 = arith.mulf %mul3A_1470, %get3A_1469 : vector<16xf32>
          %add3A_1472 = arith.addf %add3A_1463, %mul3A_1471 : vector<16xf32>
          %sub3A_1473 = arith.subf %add3A_1472, %add3A_1437 : vector<16xf32>
          %mul3A_1474 = vector.broadcast %squeeze3A_1317 : f32 to vector<16xf32>
          %mul3A_1475 = arith.mulf %mul3A_1474, %sub3A_1473 : vector<16xf32>
          %add3A_1476 = arith.addf %add3A_1437, %mul3A_1475 : vector<16xf32>
          %swap3A_1477 = arith.index_cast %add3A_1315 : i32 to index
          %swap3A_1478 = arith.constant 16 : index
          %swap3A_1479 = tpu.vector_load %arg11[%swap3A_1477, %swap3A_1478] {strides = array<i32>} : memref<80x32xf32, #tpu.memory_space<vmem>>, vector<16xf32>,
          tpu.vector_store %arg11[%swap3A_1477, %swap3A_1478], %add3A_1476 {strides = array<i32>} : memref<80x32xf32, #tpu.memory_space<vmem>>, vector<16xf32>,
          %mul3A_1480 = arith.constant 16 : i32
          %mul3A_1481 = arith.muli %scan3A_271, %mul3A_1480 : i32
          %add3A_1482 = arith.constant 7 : i32
          %add3A_1483 = arith.addi %mul3A_1481, %add3A_1482 : i32
          %slice3A_1484 = vector.extract_strided_slice %get3A_278 {offsets = [7], sizes = [1], strides = [1]} : vector<16xf32> to vector<1xf32>
          %squeeze3A_1485 = vector.extract %slice3A_1484[0] : f32 from vector<1xf32>
          %slice3A_1486 = vector.extract_strided_slice %get3A_285 {offsets = [7], sizes = [1], strides = [1]} : vector<16xf32> to vector<1xf32>
          %squeeze3A_1487 = vector.extract %slice3A_1486[0] : f32 from vector<1xf32>
          %slice3A_1488 = vector.extract_strided_slice %get3A_292 {offsets = [7], sizes = [1], strides = [1]} : vector<16xf32> to vector<1xf32>
          %squeeze3A_1489 = vector.extract %slice3A_1488[0] : f32 from vector<1xf32>
          %slice3A_1490 = vector.extract_strided_slice %get3A_299 {offsets = [7], sizes = [1], strides = [1]} : vector<16xf32> to vector<1xf32>
          %squeeze3A_1491 = vector.extract %slice3A_1490[0] : f32 from vector<1xf32>
          %slice3A_1492 = vector.extract_strided_slice %get3A_306 {offsets = [7], sizes = [1], strides = [1]} : vector<16xf32> to vector<1xf32>
          %squeeze3A_1493 = vector.extract %slice3A_1492[0] : f32 from vector<1xf32>
          %get3A_1494 = arith.constant 0 : i32
          %get3A_1495 = arith.index_cast %select_n3A_107 : i32 to index
          %get3A_1496 = arith.index_cast %get3A_1494 : i32 to index
          %get3A_1497 = arith.index_cast %add3A_1483 : i32 to index
          %get3A_1498 = arith.constant 0 : index
          %get3A_1499 = tpu.vector_load %arg8[%get3A_1495, %get3A_1496, %get3A_1497, %get3A_1498] {strides = array<i32>} : memref<2x8x80x32xf32, #tpu.memory_space<vmem>>, vector<16xf32>,
          %mul3A_1500 = vector.broadcast %squeeze3A_1487 : f32 to vector<16xf32>
          %mul3A_1501 = arith.mulf %mul3A_1500, %get3A_1499 : vector<16xf32>
          %get3A_1502 = arith.constant 1 : i32
          %get3A_1503 = arith.index_cast %select_n3A_107 : i32 to index
          %get3A_1504 = arith.index_cast %get3A_1502 : i32 to index
          %get3A_1505 = arith.index_cast %add3A_1483 : i32 to index
          %get3A_1506 = arith.constant 0 : index
          %get3A_1507 = tpu.vector_load %arg8[%get3A_1503, %get3A_1504, %get3A_1505, %get3A_1506] {strides = array<i32>} : memref<2x8x80x32xf32, #tpu.memory_space<vmem>>, vector<16xf32>,
          %mul3A_1508 = vector.broadcast %squeeze3A_1489 : f32 to vector<16xf32>
          %mul3A_1509 = arith.mulf %mul3A_1508, %get3A_1507 : vector<16xf32>
          %add3A_1510 = arith.addf %mul3A_1501, %mul3A_1509 : vector<16xf32>
          %get3A_1511 = arith.constant 2 : i32
          %get3A_1512 = arith.index_cast %select_n3A_107 : i32 to index
          %get3A_1513 = arith.index_cast %get3A_1511 : i32 to index
          %get3A_1514 = arith.index_cast %add3A_1483 : i32 to index
          %get3A_1515 = arith.constant 0 : index
          %get3A_1516 = tpu.vector_load %arg8[%get3A_1512, %get3A_1513, %get3A_1514, %get3A_1515] {strides = array<i32>} : memref<2x8x80x32xf32, #tpu.memory_space<vmem>>, vector<16xf32>,
          %mul3A_1517 = vector.broadcast %squeeze3A_1491 : f32 to vector<16xf32>
          %mul3A_1518 = arith.mulf %mul3A_1517, %get3A_1516 : vector<16xf32>
          %add3A_1519 = arith.addf %add3A_1510, %mul3A_1518 : vector<16xf32>
          %get3A_1520 = arith.constant 3 : i32
          %get3A_1521 = arith.index_cast %select_n3A_107 : i32 to index
          %get3A_1522 = arith.index_cast %get3A_1520 : i32 to index
          %get3A_1523 = arith.index_cast %add3A_1483 : i32 to index
          %get3A_1524 = arith.constant 0 : index
          %get3A_1525 = tpu.vector_load %arg8[%get3A_1521, %get3A_1522, %get3A_1523, %get3A_1524] {strides = array<i32>} : memref<2x8x80x32xf32, #tpu.memory_space<vmem>>, vector<16xf32>,
          %mul3A_1526 = vector.broadcast %squeeze3A_1493 : f32 to vector<16xf32>
          %mul3A_1527 = arith.mulf %mul3A_1526, %get3A_1525 : vector<16xf32>
          %add3A_1528 = arith.addf %add3A_1519, %mul3A_1527 : vector<16xf32>
          %get3A_1529 = arith.constant 4 : i32
          %get3A_1530 = arith.index_cast %select_n3A_107 : i32 to index
          %get3A_1531 = arith.index_cast %get3A_1529 : i32 to index
          %get3A_1532 = arith.index_cast %add3A_1483 : i32 to index
          %get3A_1533 = arith.constant 0 : index
          %get3A_1534 = tpu.vector_load %arg8[%get3A_1530, %get3A_1531, %get3A_1532, %get3A_1533] {strides = array<i32>} : memref<2x8x80x32xf32, #tpu.memory_space<vmem>>, vector<16xf32>,
          %mul3A_1535 = vector.broadcast %squeeze3A_1487 : f32 to vector<16xf32>
          %mul3A_1536 = arith.mulf %mul3A_1535, %get3A_1534 : vector<16xf32>
          %get3A_1537 = arith.constant 5 : i32
          %get3A_1538 = arith.index_cast %select_n3A_107 : i32 to index
          %get3A_1539 = arith.index_cast %get3A_1537 : i32 to index
          %get3A_1540 = arith.index_cast %add3A_1483 : i32 to index
          %get3A_1541 = arith.constant 0 : index
          %get3A_1542 = tpu.vector_load %arg8[%get3A_1538, %get3A_1539, %get3A_1540, %get3A_1541] {strides = array<i32>} : memref<2x8x80x32xf32, #tpu.memory_space<vmem>>, vector<16xf32>,
          %mul3A_1543 = vector.broadcast %squeeze3A_1489 : f32 to vector<16xf32>
          %mul3A_1544 = arith.mulf %mul3A_1543, %get3A_1542 : vector<16xf32>
          %add3A_1545 = arith.addf %mul3A_1536, %mul3A_1544 : vector<16xf32>
          %get3A_1546 = arith.constant 6 : i32
          %get3A_1547 = arith.index_cast %select_n3A_107 : i32 to index
          %get3A_1548 = arith.index_cast %get3A_1546 : i32 to index
          %get3A_1549 = arith.index_cast %add3A_1483 : i32 to index
          %get3A_1550 = arith.constant 0 : index
          %get3A_1551 = tpu.vector_load %arg8[%get3A_1547, %get3A_1548, %get3A_1549, %get3A_1550] {strides = array<i32>} : memref<2x8x80x32xf32, #tpu.memory_space<vmem>>, vector<16xf32>,
          %mul3A_1552 = vector.broadcast %squeeze3A_1491 : f32 to vector<16xf32>
          %mul3A_1553 = arith.mulf %mul3A_1552, %get3A_1551 : vector<16xf32>
          %add3A_1554 = arith.addf %add3A_1545, %mul3A_1553 : vector<16xf32>
          %get3A_1555 = arith.constant 7 : i32
          %get3A_1556 = arith.index_cast %select_n3A_107 : i32 to index
          %get3A_1557 = arith.index_cast %get3A_1555 : i32 to index
          %get3A_1558 = arith.index_cast %add3A_1483 : i32 to index
          %get3A_1559 = arith.constant 0 : index
          %get3A_1560 = tpu.vector_load %arg8[%get3A_1556, %get3A_1557, %get3A_1558, %get3A_1559] {strides = array<i32>} : memref<2x8x80x32xf32, #tpu.memory_space<vmem>>, vector<16xf32>,
          %mul3A_1561 = vector.broadcast %squeeze3A_1493 : f32 to vector<16xf32>
          %mul3A_1562 = arith.mulf %mul3A_1561, %get3A_1560 : vector<16xf32>
          %add3A_1563 = arith.addf %add3A_1554, %mul3A_1562 : vector<16xf32>
          %sub3A_1564 = arith.subf %add3A_1563, %add3A_1528 : vector<16xf32>
          %mul3A_1565 = vector.broadcast %squeeze3A_1485 : f32 to vector<16xf32>
          %mul3A_1566 = arith.mulf %mul3A_1565, %sub3A_1564 : vector<16xf32>
          %add3A_1567 = arith.addf %add3A_1528, %mul3A_1566 : vector<16xf32>
          %swap3A_1568 = arith.index_cast %add3A_1483 : i32 to index
          %swap3A_1569 = arith.constant 0 : index
          %swap3A_1570 = tpu.vector_load %arg11[%swap3A_1568, %swap3A_1569] {strides = array<i32>} : memref<80x32xf32, #tpu.memory_space<vmem>>, vector<16xf32>,
          tpu.vector_store %arg11[%swap3A_1568, %swap3A_1569], %add3A_1567 {strides = array<i32>} : memref<80x32xf32, #tpu.memory_space<vmem>>, vector<16xf32>,
          %get3A_1571 = arith.constant 0 : i32
          %get3A_1572 = arith.index_cast %select_n3A_107 : i32 to index
          %get3A_1573 = arith.index_cast %get3A_1571 : i32 to index
          %get3A_1574 = arith.index_cast %add3A_1483 : i32 to index
          %get3A_1575 = arith.constant 16 : index
          %get3A_1576 = tpu.vector_load %arg8[%get3A_1572, %get3A_1573, %get3A_1574, %get3A_1575] {strides = array<i32>} : memref<2x8x80x32xf32, #tpu.memory_space<vmem>>, vector<16xf32>,
          %mul3A_1577 = vector.broadcast %squeeze3A_1487 : f32 to vector<16xf32>
          %mul3A_1578 = arith.mulf %mul3A_1577, %get3A_1576 : vector<16xf32>
          %get3A_1579 = arith.constant 1 : i32
          %get3A_1580 = arith.index_cast %select_n3A_107 : i32 to index
          %get3A_1581 = arith.index_cast %get3A_1579 : i32 to index
          %get3A_1582 = arith.index_cast %add3A_1483 : i32 to index
          %get3A_1583 = arith.constant 16 : index
          %get3A_1584 = tpu.vector_load %arg8[%get3A_1580, %get3A_1581, %get3A_1582, %get3A_1583] {strides = array<i32>} : memref<2x8x80x32xf32, #tpu.memory_space<vmem>>, vector<16xf32>,
          %mul3A_1585 = vector.broadcast %squeeze3A_1489 : f32 to vector<16xf32>
          %mul3A_1586 = arith.mulf %mul3A_1585, %get3A_1584 : vector<16xf32>
          %add3A_1587 = arith.addf %mul3A_1578, %mul3A_1586 : vector<16xf32>
          %get3A_1588 = arith.constant 2 : i32
          %get3A_1589 = arith.index_cast %select_n3A_107 : i32 to index
          %get3A_1590 = arith.index_cast %get3A_1588 : i32 to index
          %get3A_1591 = arith.index_cast %add3A_1483 : i32 to index
          %get3A_1592 = arith.constant 16 : index
          %get3A_1593 = tpu.vector_load %arg8[%get3A_1589, %get3A_1590, %get3A_1591, %get3A_1592] {strides = array<i32>} : memref<2x8x80x32xf32, #tpu.memory_space<vmem>>, vector<16xf32>,
          %mul3A_1594 = vector.broadcast %squeeze3A_1491 : f32 to vector<16xf32>
          %mul3A_1595 = arith.mulf %mul3A_1594, %get3A_1593 : vector<16xf32>
          %add3A_1596 = arith.addf %add3A_1587, %mul3A_1595 : vector<16xf32>
          %get3A_1597 = arith.constant 3 : i32
          %get3A_1598 = arith.index_cast %select_n3A_107 : i32 to index
          %get3A_1599 = arith.index_cast %get3A_1597 : i32 to index
          %get3A_1600 = arith.index_cast %add3A_1483 : i32 to index
          %get3A_1601 = arith.constant 16 : index
          %get3A_1602 = tpu.vector_load %arg8[%get3A_1598, %get3A_1599, %get3A_1600, %get3A_1601] {strides = array<i32>} : memref<2x8x80x32xf32, #tpu.memory_space<vmem>>, vector<16xf32>,
          %mul3A_1603 = vector.broadcast %squeeze3A_1493 : f32 to vector<16xf32>
          %mul3A_1604 = arith.mulf %mul3A_1603, %get3A_1602 : vector<16xf32>
          %add3A_1605 = arith.addf %add3A_1596, %mul3A_1604 : vector<16xf32>
          %get3A_1606 = arith.constant 4 : i32
          %get3A_1607 = arith.index_cast %select_n3A_107 : i32 to index
          %get3A_1608 = arith.index_cast %get3A_1606 : i32 to index
          %get3A_1609 = arith.index_cast %add3A_1483 : i32 to index
          %get3A_1610 = arith.constant 16 : index
          %get3A_1611 = tpu.vector_load %arg8[%get3A_1607, %get3A_1608, %get3A_1609, %get3A_1610] {strides = array<i32>} : memref<2x8x80x32xf32, #tpu.memory_space<vmem>>, vector<16xf32>,
          %mul3A_1612 = vector.broadcast %squeeze3A_1487 : f32 to vector<16xf32>
          %mul3A_1613 = arith.mulf %mul3A_1612, %get3A_1611 : vector<16xf32>
          %get3A_1614 = arith.constant 5 : i32
          %get3A_1615 = arith.index_cast %select_n3A_107 : i32 to index
          %get3A_1616 = arith.index_cast %get3A_1614 : i32 to index
          %get3A_1617 = arith.index_cast %add3A_1483 : i32 to index
          %get3A_1618 = arith.constant 16 : index
          %get3A_1619 = tpu.vector_load %arg8[%get3A_1615, %get3A_1616, %get3A_1617, %get3A_1618] {strides = array<i32>} : memref<2x8x80x32xf32, #tpu.memory_space<vmem>>, vector<16xf32>,
          %mul3A_1620 = vector.broadcast %squeeze3A_1489 : f32 to vector<16xf32>
          %mul3A_1621 = arith.mulf %mul3A_1620, %get3A_1619 : vector<16xf32>
          %add3A_1622 = arith.addf %mul3A_1613, %mul3A_1621 : vector<16xf32>
          %get3A_1623 = arith.constant 6 : i32
          %get3A_1624 = arith.index_cast %select_n3A_107 : i32 to index
          %get3A_1625 = arith.index_cast %get3A_1623 : i32 to index
          %get3A_1626 = arith.index_cast %add3A_1483 : i32 to index
          %get3A_1627 = arith.constant 16 : index
          %get3A_1628 = tpu.vector_load %arg8[%get3A_1624, %get3A_1625, %get3A_1626, %get3A_1627] {strides = array<i32>} : memref<2x8x80x32xf32, #tpu.memory_space<vmem>>, vector<16xf32>,
          %mul3A_1629 = vector.broadcast %squeeze3A_1491 : f32 to vector<16xf32>
          %mul3A_1630 = arith.mulf %mul3A_1629, %get3A_1628 : vector<16xf32>
          %add3A_1631 = arith.addf %add3A_1622, %mul3A_1630 : vector<16xf32>
          %get3A_1632 = arith.constant 7 : i32
          %get3A_1633 = arith.index_cast %select_n3A_107 : i32 to index
          %get3A_1634 = arith.index_cast %get3A_1632 : i32 to index
          %get3A_1635 = arith.index_cast %add3A_1483 : i32 to index
          %get3A_1636 = arith.constant 16 : index
          %get3A_1637 = tpu.vector_load %arg8[%get3A_1633, %get3A_1634, %get3A_1635, %get3A_1636] {strides = array<i32>} : memref<2x8x80x32xf32, #tpu.memory_space<vmem>>, vector<16xf32>,
          %mul3A_1638 = vector.broadcast %squeeze3A_1493 : f32 to vector<16xf32>
          %mul3A_1639 = arith.mulf %mul3A_1638, %get3A_1637 : vector<16xf32>
          %add3A_1640 = arith.addf %add3A_1631, %mul3A_1639 : vector<16xf32>
          %sub3A_1641 = arith.subf %add3A_1640, %add3A_1605 : vector<16xf32>
          %mul3A_1642 = vector.broadcast %squeeze3A_1485 : f32 to vector<16xf32>
          %mul3A_1643 = arith.mulf %mul3A_1642, %sub3A_1641 : vector<16xf32>
          %add3A_1644 = arith.addf %add3A_1605, %mul3A_1643 : vector<16xf32>
          %swap3A_1645 = arith.index_cast %add3A_1483 : i32 to index
          %swap3A_1646 = arith.constant 16 : index
          %swap3A_1647 = tpu.vector_load %arg11[%swap3A_1645, %swap3A_1646] {strides = array<i32>} : memref<80x32xf32, #tpu.memory_space<vmem>>, vector<16xf32>,
          tpu.vector_store %arg11[%swap3A_1645, %swap3A_1646], %add3A_1644 {strides = array<i32>} : memref<80x32xf32, #tpu.memory_space<vmem>>, vector<16xf32>,
          %mul3A_1648 = arith.constant 16 : i32
          %mul3A_1649 = arith.muli %scan3A_271, %mul3A_1648 : i32
          %add3A_1650 = arith.constant 8 : i32
          %add3A_1651 = arith.addi %mul3A_1649, %add3A_1650 : i32
          %slice3A_1652 = vector.extract_strided_slice %get3A_278 {offsets = [8], sizes = [1], strides = [1]} : vector<16xf32> to vector<1xf32>
          %squeeze3A_1653 = vector.extract %slice3A_1652[0] : f32 from vector<1xf32>
          %slice3A_1654 = vector.extract_strided_slice %get3A_285 {offsets = [8], sizes = [1], strides = [1]} : vector<16xf32> to vector<1xf32>
          %squeeze3A_1655 = vector.extract %slice3A_1654[0] : f32 from vector<1xf32>
          %slice3A_1656 = vector.extract_strided_slice %get3A_292 {offsets = [8], sizes = [1], strides = [1]} : vector<16xf32> to vector<1xf32>
          %squeeze3A_1657 = vector.extract %slice3A_1656[0] : f32 from vector<1xf32>
          %slice3A_1658 = vector.extract_strided_slice %get3A_299 {offsets = [8], sizes = [1], strides = [1]} : vector<16xf32> to vector<1xf32>
          %squeeze3A_1659 = vector.extract %slice3A_1658[0] : f32 from vector<1xf32>
          %slice3A_1660 = vector.extract_strided_slice %get3A_306 {offsets = [8], sizes = [1], strides = [1]} : vector<16xf32> to vector<1xf32>
          %squeeze3A_1661 = vector.extract %slice3A_1660[0] : f32 from vector<1xf32>
          %get3A_1662 = arith.constant 0 : i32
          %get3A_1663 = arith.index_cast %select_n3A_107 : i32 to index
          %get3A_1664 = arith.index_cast %get3A_1662 : i32 to index
          %get3A_1665 = arith.index_cast %add3A_1651 : i32 to index
          %get3A_1666 = arith.constant 0 : index
          %get3A_1667 = tpu.vector_load %arg8[%get3A_1663, %get3A_1664, %get3A_1665, %get3A_1666] {strides = array<i32>} : memref<2x8x80x32xf32, #tpu.memory_space<vmem>>, vector<16xf32>,
          %mul3A_1668 = vector.broadcast %squeeze3A_1655 : f32 to vector<16xf32>
          %mul3A_1669 = arith.mulf %mul3A_1668, %get3A_1667 : vector<16xf32>
          %get3A_1670 = arith.constant 1 : i32
          %get3A_1671 = arith.index_cast %select_n3A_107 : i32 to index
          %get3A_1672 = arith.index_cast %get3A_1670 : i32 to index
          %get3A_1673 = arith.index_cast %add3A_1651 : i32 to index
          %get3A_1674 = arith.constant 0 : index
          %get3A_1675 = tpu.vector_load %arg8[%get3A_1671, %get3A_1672, %get3A_1673, %get3A_1674] {strides = array<i32>} : memref<2x8x80x32xf32, #tpu.memory_space<vmem>>, vector<16xf32>,
          %mul3A_1676 = vector.broadcast %squeeze3A_1657 : f32 to vector<16xf32>
          %mul3A_1677 = arith.mulf %mul3A_1676, %get3A_1675 : vector<16xf32>
          %add3A_1678 = arith.addf %mul3A_1669, %mul3A_1677 : vector<16xf32>
          %get3A_1679 = arith.constant 2 : i32
          %get3A_1680 = arith.index_cast %select_n3A_107 : i32 to index
          %get3A_1681 = arith.index_cast %get3A_1679 : i32 to index
          %get3A_1682 = arith.index_cast %add3A_1651 : i32 to index
          %get3A_1683 = arith.constant 0 : index
          %get3A_1684 = tpu.vector_load %arg8[%get3A_1680, %get3A_1681, %get3A_1682, %get3A_1683] {strides = array<i32>} : memref<2x8x80x32xf32, #tpu.memory_space<vmem>>, vector<16xf32>,
          %mul3A_1685 = vector.broadcast %squeeze3A_1659 : f32 to vector<16xf32>
          %mul3A_1686 = arith.mulf %mul3A_1685, %get3A_1684 : vector<16xf32>
          %add3A_1687 = arith.addf %add3A_1678, %mul3A_1686 : vector<16xf32>
          %get3A_1688 = arith.constant 3 : i32
          %get3A_1689 = arith.index_cast %select_n3A_107 : i32 to index
          %get3A_1690 = arith.index_cast %get3A_1688 : i32 to index
          %get3A_1691 = arith.index_cast %add3A_1651 : i32 to index
          %get3A_1692 = arith.constant 0 : index
          %get3A_1693 = tpu.vector_load %arg8[%get3A_1689, %get3A_1690, %get3A_1691, %get3A_1692] {strides = array<i32>} : memref<2x8x80x32xf32, #tpu.memory_space<vmem>>, vector<16xf32>,
          %mul3A_1694 = vector.broadcast %squeeze3A_1661 : f32 to vector<16xf32>
          %mul3A_1695 = arith.mulf %mul3A_1694, %get3A_1693 : vector<16xf32>
          %add3A_1696 = arith.addf %add3A_1687, %mul3A_1695 : vector<16xf32>
          %get3A_1697 = arith.constant 4 : i32
          %get3A_1698 = arith.index_cast %select_n3A_107 : i32 to index
          %get3A_1699 = arith.index_cast %get3A_1697 : i32 to index
          %get3A_1700 = arith.index_cast %add3A_1651 : i32 to index
          %get3A_1701 = arith.constant 0 : index
          %get3A_1702 = tpu.vector_load %arg8[%get3A_1698, %get3A_1699, %get3A_1700, %get3A_1701] {strides = array<i32>} : memref<2x8x80x32xf32, #tpu.memory_space<vmem>>, vector<16xf32>,
          %mul3A_1703 = vector.broadcast %squeeze3A_1655 : f32 to vector<16xf32>
          %mul3A_1704 = arith.mulf %mul3A_1703, %get3A_1702 : vector<16xf32>
          %get3A_1705 = arith.constant 5 : i32
          %get3A_1706 = arith.index_cast %select_n3A_107 : i32 to index
          %get3A_1707 = arith.index_cast %get3A_1705 : i32 to index
          %get3A_1708 = arith.index_cast %add3A_1651 : i32 to index
          %get3A_1709 = arith.constant 0 : index
          %get3A_1710 = tpu.vector_load %arg8[%get3A_1706, %get3A_1707, %get3A_1708, %get3A_1709] {strides = array<i32>} : memref<2x8x80x32xf32, #tpu.memory_space<vmem>>, vector<16xf32>,
          %mul3A_1711 = vector.broadcast %squeeze3A_1657 : f32 to vector<16xf32>
          %mul3A_1712 = arith.mulf %mul3A_1711, %get3A_1710 : vector<16xf32>
          %add3A_1713 = arith.addf %mul3A_1704, %mul3A_1712 : vector<16xf32>
          %get3A_1714 = arith.constant 6 : i32
          %get3A_1715 = arith.index_cast %select_n3A_107 : i32 to index
          %get3A_1716 = arith.index_cast %get3A_1714 : i32 to index
          %get3A_1717 = arith.index_cast %add3A_1651 : i32 to index
          %get3A_1718 = arith.constant 0 : index
          %get3A_1719 = tpu.vector_load %arg8[%get3A_1715, %get3A_1716, %get3A_1717, %get3A_1718] {strides = array<i32>} : memref<2x8x80x32xf32, #tpu.memory_space<vmem>>, vector<16xf32>,
          %mul3A_1720 = vector.broadcast %squeeze3A_1659 : f32 to vector<16xf32>
          %mul3A_1721 = arith.mulf %mul3A_1720, %get3A_1719 : vector<16xf32>
          %add3A_1722 = arith.addf %add3A_1713, %mul3A_1721 : vector<16xf32>
          %get3A_1723 = arith.constant 7 : i32
          %get3A_1724 = arith.index_cast %select_n3A_107 : i32 to index
          %get3A_1725 = arith.index_cast %get3A_1723 : i32 to index
          %get3A_1726 = arith.index_cast %add3A_1651 : i32 to index
          %get3A_1727 = arith.constant 0 : index
          %get3A_1728 = tpu.vector_load %arg8[%get3A_1724, %get3A_1725, %get3A_1726, %get3A_1727] {strides = array<i32>} : memref<2x8x80x32xf32, #tpu.memory_space<vmem>>, vector<16xf32>,
          %mul3A_1729 = vector.broadcast %squeeze3A_1661 : f32 to vector<16xf32>
          %mul3A_1730 = arith.mulf %mul3A_1729, %get3A_1728 : vector<16xf32>
          %add3A_1731 = arith.addf %add3A_1722, %mul3A_1730 : vector<16xf32>
          %sub3A_1732 = arith.subf %add3A_1731, %add3A_1696 : vector<16xf32>
          %mul3A_1733 = vector.broadcast %squeeze3A_1653 : f32 to vector<16xf32>
          %mul3A_1734 = arith.mulf %mul3A_1733, %sub3A_1732 : vector<16xf32>
          %add3A_1735 = arith.addf %add3A_1696, %mul3A_1734 : vector<16xf32>
          %swap3A_1736 = arith.index_cast %add3A_1651 : i32 to index
          %swap3A_1737 = arith.constant 0 : index
          %swap3A_1738 = tpu.vector_load %arg11[%swap3A_1736, %swap3A_1737] {strides = array<i32>} : memref<80x32xf32, #tpu.memory_space<vmem>>, vector<16xf32>,
          tpu.vector_store %arg11[%swap3A_1736, %swap3A_1737], %add3A_1735 {strides = array<i32>} : memref<80x32xf32, #tpu.memory_space<vmem>>, vector<16xf32>,
          %get3A_1739 = arith.constant 0 : i32
          %get3A_1740 = arith.index_cast %select_n3A_107 : i32 to index
          %get3A_1741 = arith.index_cast %get3A_1739 : i32 to index
          %get3A_1742 = arith.index_cast %add3A_1651 : i32 to index
          %get3A_1743 = arith.constant 16 : index
          %get3A_1744 = tpu.vector_load %arg8[%get3A_1740, %get3A_1741, %get3A_1742, %get3A_1743] {strides = array<i32>} : memref<2x8x80x32xf32, #tpu.memory_space<vmem>>, vector<16xf32>,
          %mul3A_1745 = vector.broadcast %squeeze3A_1655 : f32 to vector<16xf32>
          %mul3A_1746 = arith.mulf %mul3A_1745, %get3A_1744 : vector<16xf32>
          %get3A_1747 = arith.constant 1 : i32
          %get3A_1748 = arith.index_cast %select_n3A_107 : i32 to index
          %get3A_1749 = arith.index_cast %get3A_1747 : i32 to index
          %get3A_1750 = arith.index_cast %add3A_1651 : i32 to index
          %get3A_1751 = arith.constant 16 : index
          %get3A_1752 = tpu.vector_load %arg8[%get3A_1748, %get3A_1749, %get3A_1750, %get3A_1751] {strides = array<i32>} : memref<2x8x80x32xf32, #tpu.memory_space<vmem>>, vector<16xf32>,
          %mul3A_1753 = vector.broadcast %squeeze3A_1657 : f32 to vector<16xf32>
          %mul3A_1754 = arith.mulf %mul3A_1753, %get3A_1752 : vector<16xf32>
          %add3A_1755 = arith.addf %mul3A_1746, %mul3A_1754 : vector<16xf32>
          %get3A_1756 = arith.constant 2 : i32
          %get3A_1757 = arith.index_cast %select_n3A_107 : i32 to index
          %get3A_1758 = arith.index_cast %get3A_1756 : i32 to index
          %get3A_1759 = arith.index_cast %add3A_1651 : i32 to index
          %get3A_1760 = arith.constant 16 : index
          %get3A_1761 = tpu.vector_load %arg8[%get3A_1757, %get3A_1758, %get3A_1759, %get3A_1760] {strides = array<i32>} : memref<2x8x80x32xf32, #tpu.memory_space<vmem>>, vector<16xf32>,
          %mul3A_1762 = vector.broadcast %squeeze3A_1659 : f32 to vector<16xf32>
          %mul3A_1763 = arith.mulf %mul3A_1762, %get3A_1761 : vector<16xf32>
          %add3A_1764 = arith.addf %add3A_1755, %mul3A_1763 : vector<16xf32>
          %get3A_1765 = arith.constant 3 : i32
          %get3A_1766 = arith.index_cast %select_n3A_107 : i32 to index
          %get3A_1767 = arith.index_cast %get3A_1765 : i32 to index
          %get3A_1768 = arith.index_cast %add3A_1651 : i32 to index
          %get3A_1769 = arith.constant 16 : index
          %get3A_1770 = tpu.vector_load %arg8[%get3A_1766, %get3A_1767, %get3A_1768, %get3A_1769] {strides = array<i32>} : memref<2x8x80x32xf32, #tpu.memory_space<vmem>>, vector<16xf32>,
          %mul3A_1771 = vector.broadcast %squeeze3A_1661 : f32 to vector<16xf32>
          %mul3A_1772 = arith.mulf %mul3A_1771, %get3A_1770 : vector<16xf32>
          %add3A_1773 = arith.addf %add3A_1764, %mul3A_1772 : vector<16xf32>
          %get3A_1774 = arith.constant 4 : i32
          %get3A_1775 = arith.index_cast %select_n3A_107 : i32 to index
          %get3A_1776 = arith.index_cast %get3A_1774 : i32 to index
          %get3A_1777 = arith.index_cast %add3A_1651 : i32 to index
          %get3A_1778 = arith.constant 16 : index
          %get3A_1779 = tpu.vector_load %arg8[%get3A_1775, %get3A_1776, %get3A_1777, %get3A_1778] {strides = array<i32>} : memref<2x8x80x32xf32, #tpu.memory_space<vmem>>, vector<16xf32>,
          %mul3A_1780 = vector.broadcast %squeeze3A_1655 : f32 to vector<16xf32>
          %mul3A_1781 = arith.mulf %mul3A_1780, %get3A_1779 : vector<16xf32>
          %get3A_1782 = arith.constant 5 : i32
          %get3A_1783 = arith.index_cast %select_n3A_107 : i32 to index
          %get3A_1784 = arith.index_cast %get3A_1782 : i32 to index
          %get3A_1785 = arith.index_cast %add3A_1651 : i32 to index
          %get3A_1786 = arith.constant 16 : index
          %get3A_1787 = tpu.vector_load %arg8[%get3A_1783, %get3A_1784, %get3A_1785, %get3A_1786] {strides = array<i32>} : memref<2x8x80x32xf32, #tpu.memory_space<vmem>>, vector<16xf32>,
          %mul3A_1788 = vector.broadcast %squeeze3A_1657 : f32 to vector<16xf32>
          %mul3A_1789 = arith.mulf %mul3A_1788, %get3A_1787 : vector<16xf32>
          %add3A_1790 = arith.addf %mul3A_1781, %mul3A_1789 : vector<16xf32>
          %get3A_1791 = arith.constant 6 : i32
          %get3A_1792 = arith.index_cast %select_n3A_107 : i32 to index
          %get3A_1793 = arith.index_cast %get3A_1791 : i32 to index
          %get3A_1794 = arith.index_cast %add3A_1651 : i32 to index
          %get3A_1795 = arith.constant 16 : index
          %get3A_1796 = tpu.vector_load %arg8[%get3A_1792, %get3A_1793, %get3A_1794, %get3A_1795] {strides = array<i32>} : memref<2x8x80x32xf32, #tpu.memory_space<vmem>>, vector<16xf32>,
          %mul3A_1797 = vector.broadcast %squeeze3A_1659 : f32 to vector<16xf32>
          %mul3A_1798 = arith.mulf %mul3A_1797, %get3A_1796 : vector<16xf32>
          %add3A_1799 = arith.addf %add3A_1790, %mul3A_1798 : vector<16xf32>
          %get3A_1800 = arith.constant 7 : i32
          %get3A_1801 = arith.index_cast %select_n3A_107 : i32 to index
          %get3A_1802 = arith.index_cast %get3A_1800 : i32 to index
          %get3A_1803 = arith.index_cast %add3A_1651 : i32 to index
          %get3A_1804 = arith.constant 16 : index
          %get3A_1805 = tpu.vector_load %arg8[%get3A_1801, %get3A_1802, %get3A_1803, %get3A_1804] {strides = array<i32>} : memref<2x8x80x32xf32, #tpu.memory_space<vmem>>, vector<16xf32>,
          %mul3A_1806 = vector.broadcast %squeeze3A_1661 : f32 to vector<16xf32>
          %mul3A_1807 = arith.mulf %mul3A_1806, %get3A_1805 : vector<16xf32>
          %add3A_1808 = arith.addf %add3A_1799, %mul3A_1807 : vector<16xf32>
          %sub3A_1809 = arith.subf %add3A_1808, %add3A_1773 : vector<16xf32>
          %mul3A_1810 = vector.broadcast %squeeze3A_1653 : f32 to vector<16xf32>
          %mul3A_1811 = arith.mulf %mul3A_1810, %sub3A_1809 : vector<16xf32>
          %add3A_1812 = arith.addf %add3A_1773, %mul3A_1811 : vector<16xf32>
          %swap3A_1813 = arith.index_cast %add3A_1651 : i32 to index
          %swap3A_1814 = arith.constant 16 : index
          %swap3A_1815 = tpu.vector_load %arg11[%swap3A_1813, %swap3A_1814] {strides = array<i32>} : memref<80x32xf32, #tpu.memory_space<vmem>>, vector<16xf32>,
          tpu.vector_store %arg11[%swap3A_1813, %swap3A_1814], %add3A_1812 {strides = array<i32>} : memref<80x32xf32, #tpu.memory_space<vmem>>, vector<16xf32>,
          %mul3A_1816 = arith.constant 16 : i32
          %mul3A_1817 = arith.muli %scan3A_271, %mul3A_1816 : i32
          %add3A_1818 = arith.constant 9 : i32
          %add3A_1819 = arith.addi %mul3A_1817, %add3A_1818 : i32
          %slice3A_1820 = vector.extract_strided_slice %get3A_278 {offsets = [9], sizes = [1], strides = [1]} : vector<16xf32> to vector<1xf32>
          %squeeze3A_1821 = vector.extract %slice3A_1820[0] : f32 from vector<1xf32>
          %slice3A_1822 = vector.extract_strided_slice %get3A_285 {offsets = [9], sizes = [1], strides = [1]} : vector<16xf32> to vector<1xf32>
          %squeeze3A_1823 = vector.extract %slice3A_1822[0] : f32 from vector<1xf32>
          %slice3A_1824 = vector.extract_strided_slice %get3A_292 {offsets = [9], sizes = [1], strides = [1]} : vector<16xf32> to vector<1xf32>
          %squeeze3A_1825 = vector.extract %slice3A_1824[0] : f32 from vector<1xf32>
          %slice3A_1826 = vector.extract_strided_slice %get3A_299 {offsets = [9], sizes = [1], strides = [1]} : vector<16xf32> to vector<1xf32>
          %squeeze3A_1827 = vector.extract %slice3A_1826[0] : f32 from vector<1xf32>
          %slice3A_1828 = vector.extract_strided_slice %get3A_306 {offsets = [9], sizes = [1], strides = [1]} : vector<16xf32> to vector<1xf32>
          %squeeze3A_1829 = vector.extract %slice3A_1828[0] : f32 from vector<1xf32>
          %get3A_1830 = arith.constant 0 : i32
          %get3A_1831 = arith.index_cast %select_n3A_107 : i32 to index
          %get3A_1832 = arith.index_cast %get3A_1830 : i32 to index
          %get3A_1833 = arith.index_cast %add3A_1819 : i32 to index
          %get3A_1834 = arith.constant 0 : index
          %get3A_1835 = tpu.vector_load %arg8[%get3A_1831, %get3A_1832, %get3A_1833, %get3A_1834] {strides = array<i32>} : memref<2x8x80x32xf32, #tpu.memory_space<vmem>>, vector<16xf32>,
          %mul3A_1836 = vector.broadcast %squeeze3A_1823 : f32 to vector<16xf32>
          %mul3A_1837 = arith.mulf %mul3A_1836, %get3A_1835 : vector<16xf32>
          %get3A_1838 = arith.constant 1 : i32
          %get3A_1839 = arith.index_cast %select_n3A_107 : i32 to index
          %get3A_1840 = arith.index_cast %get3A_1838 : i32 to index
          %get3A_1841 = arith.index_cast %add3A_1819 : i32 to index
          %get3A_1842 = arith.constant 0 : index
          %get3A_1843 = tpu.vector_load %arg8[%get3A_1839, %get3A_1840, %get3A_1841, %get3A_1842] {strides = array<i32>} : memref<2x8x80x32xf32, #tpu.memory_space<vmem>>, vector<16xf32>,
          %mul3A_1844 = vector.broadcast %squeeze3A_1825 : f32 to vector<16xf32>
          %mul3A_1845 = arith.mulf %mul3A_1844, %get3A_1843 : vector<16xf32>
          %add3A_1846 = arith.addf %mul3A_1837, %mul3A_1845 : vector<16xf32>
          %get3A_1847 = arith.constant 2 : i32
          %get3A_1848 = arith.index_cast %select_n3A_107 : i32 to index
          %get3A_1849 = arith.index_cast %get3A_1847 : i32 to index
          %get3A_1850 = arith.index_cast %add3A_1819 : i32 to index
          %get3A_1851 = arith.constant 0 : index
          %get3A_1852 = tpu.vector_load %arg8[%get3A_1848, %get3A_1849, %get3A_1850, %get3A_1851] {strides = array<i32>} : memref<2x8x80x32xf32, #tpu.memory_space<vmem>>, vector<16xf32>,
          %mul3A_1853 = vector.broadcast %squeeze3A_1827 : f32 to vector<16xf32>
          %mul3A_1854 = arith.mulf %mul3A_1853, %get3A_1852 : vector<16xf32>
          %add3A_1855 = arith.addf %add3A_1846, %mul3A_1854 : vector<16xf32>
          %get3A_1856 = arith.constant 3 : i32
          %get3A_1857 = arith.index_cast %select_n3A_107 : i32 to index
          %get3A_1858 = arith.index_cast %get3A_1856 : i32 to index
          %get3A_1859 = arith.index_cast %add3A_1819 : i32 to index
          %get3A_1860 = arith.constant 0 : index
          %get3A_1861 = tpu.vector_load %arg8[%get3A_1857, %get3A_1858, %get3A_1859, %get3A_1860] {strides = array<i32>} : memref<2x8x80x32xf32, #tpu.memory_space<vmem>>, vector<16xf32>,
          %mul3A_1862 = vector.broadcast %squeeze3A_1829 : f32 to vector<16xf32>
          %mul3A_1863 = arith.mulf %mul3A_1862, %get3A_1861 : vector<16xf32>
          %add3A_1864 = arith.addf %add3A_1855, %mul3A_1863 : vector<16xf32>
          %get3A_1865 = arith.constant 4 : i32
          %get3A_1866 = arith.index_cast %select_n3A_107 : i32 to index
          %get3A_1867 = arith.index_cast %get3A_1865 : i32 to index
          %get3A_1868 = arith.index_cast %add3A_1819 : i32 to index
          %get3A_1869 = arith.constant 0 : index
          %get3A_1870 = tpu.vector_load %arg8[%get3A_1866, %get3A_1867, %get3A_1868, %get3A_1869] {strides = array<i32>} : memref<2x8x80x32xf32, #tpu.memory_space<vmem>>, vector<16xf32>,
          %mul3A_1871 = vector.broadcast %squeeze3A_1823 : f32 to vector<16xf32>
          %mul3A_1872 = arith.mulf %mul3A_1871, %get3A_1870 : vector<16xf32>
          %get3A_1873 = arith.constant 5 : i32
          %get3A_1874 = arith.index_cast %select_n3A_107 : i32 to index
          %get3A_1875 = arith.index_cast %get3A_1873 : i32 to index
          %get3A_1876 = arith.index_cast %add3A_1819 : i32 to index
          %get3A_1877 = arith.constant 0 : index
          %get3A_1878 = tpu.vector_load %arg8[%get3A_1874, %get3A_1875, %get3A_1876, %get3A_1877] {strides = array<i32>} : memref<2x8x80x32xf32, #tpu.memory_space<vmem>>, vector<16xf32>,
          %mul3A_1879 = vector.broadcast %squeeze3A_1825 : f32 to vector<16xf32>
          %mul3A_1880 = arith.mulf %mul3A_1879, %get3A_1878 : vector<16xf32>
          %add3A_1881 = arith.addf %mul3A_1872, %mul3A_1880 : vector<16xf32>
          %get3A_1882 = arith.constant 6 : i32
          %get3A_1883 = arith.index_cast %select_n3A_107 : i32 to index
          %get3A_1884 = arith.index_cast %get3A_1882 : i32 to index
          %get3A_1885 = arith.index_cast %add3A_1819 : i32 to index
          %get3A_1886 = arith.constant 0 : index
          %get3A_1887 = tpu.vector_load %arg8[%get3A_1883, %get3A_1884, %get3A_1885, %get3A_1886] {strides = array<i32>} : memref<2x8x80x32xf32, #tpu.memory_space<vmem>>, vector<16xf32>,
          %mul3A_1888 = vector.broadcast %squeeze3A_1827 : f32 to vector<16xf32>
          %mul3A_1889 = arith.mulf %mul3A_1888, %get3A_1887 : vector<16xf32>
          %add3A_1890 = arith.addf %add3A_1881, %mul3A_1889 : vector<16xf32>
          %get3A_1891 = arith.constant 7 : i32
          %get3A_1892 = arith.index_cast %select_n3A_107 : i32 to index
          %get3A_1893 = arith.index_cast %get3A_1891 : i32 to index
          %get3A_1894 = arith.index_cast %add3A_1819 : i32 to index
          %get3A_1895 = arith.constant 0 : index
          %get3A_1896 = tpu.vector_load %arg8[%get3A_1892, %get3A_1893, %get3A_1894, %get3A_1895] {strides = array<i32>} : memref<2x8x80x32xf32, #tpu.memory_space<vmem>>, vector<16xf32>,
          %mul3A_1897 = vector.broadcast %squeeze3A_1829 : f32 to vector<16xf32>
          %mul3A_1898 = arith.mulf %mul3A_1897, %get3A_1896 : vector<16xf32>
          %add3A_1899 = arith.addf %add3A_1890, %mul3A_1898 : vector<16xf32>
          %sub3A_1900 = arith.subf %add3A_1899, %add3A_1864 : vector<16xf32>
          %mul3A_1901 = vector.broadcast %squeeze3A_1821 : f32 to vector<16xf32>
          %mul3A_1902 = arith.mulf %mul3A_1901, %sub3A_1900 : vector<16xf32>
          %add3A_1903 = arith.addf %add3A_1864, %mul3A_1902 : vector<16xf32>
          %swap3A_1904 = arith.index_cast %add3A_1819 : i32 to index
          %swap3A_1905 = arith.constant 0 : index
          %swap3A_1906 = tpu.vector_load %arg11[%swap3A_1904, %swap3A_1905] {strides = array<i32>} : memref<80x32xf32, #tpu.memory_space<vmem>>, vector<16xf32>,
          tpu.vector_store %arg11[%swap3A_1904, %swap3A_1905], %add3A_1903 {strides = array<i32>} : memref<80x32xf32, #tpu.memory_space<vmem>>, vector<16xf32>,
          %get3A_1907 = arith.constant 0 : i32
          %get3A_1908 = arith.index_cast %select_n3A_107 : i32 to index
          %get3A_1909 = arith.index_cast %get3A_1907 : i32 to index
          %get3A_1910 = arith.index_cast %add3A_1819 : i32 to index
          %get3A_1911 = arith.constant 16 : index
          %get3A_1912 = tpu.vector_load %arg8[%get3A_1908, %get3A_1909, %get3A_1910, %get3A_1911] {strides = array<i32>} : memref<2x8x80x32xf32, #tpu.memory_space<vmem>>, vector<16xf32>,
          %mul3A_1913 = vector.broadcast %squeeze3A_1823 : f32 to vector<16xf32>
          %mul3A_1914 = arith.mulf %mul3A_1913, %get3A_1912 : vector<16xf32>
          %get3A_1915 = arith.constant 1 : i32
          %get3A_1916 = arith.index_cast %select_n3A_107 : i32 to index
          %get3A_1917 = arith.index_cast %get3A_1915 : i32 to index
          %get3A_1918 = arith.index_cast %add3A_1819 : i32 to index
          %get3A_1919 = arith.constant 16 : index
          %get3A_1920 = tpu.vector_load %arg8[%get3A_1916, %get3A_1917, %get3A_1918, %get3A_1919] {strides = array<i32>} : memref<2x8x80x32xf32, #tpu.memory_space<vmem>>, vector<16xf32>,
          %mul3A_1921 = vector.broadcast %squeeze3A_1825 : f32 to vector<16xf32>
          %mul3A_1922 = arith.mulf %mul3A_1921, %get3A_1920 : vector<16xf32>
          %add3A_1923 = arith.addf %mul3A_1914, %mul3A_1922 : vector<16xf32>
          %get3A_1924 = arith.constant 2 : i32
          %get3A_1925 = arith.index_cast %select_n3A_107 : i32 to index
          %get3A_1926 = arith.index_cast %get3A_1924 : i32 to index
          %get3A_1927 = arith.index_cast %add3A_1819 : i32 to index
          %get3A_1928 = arith.constant 16 : index
          %get3A_1929 = tpu.vector_load %arg8[%get3A_1925, %get3A_1926, %get3A_1927, %get3A_1928] {strides = array<i32>} : memref<2x8x80x32xf32, #tpu.memory_space<vmem>>, vector<16xf32>,
          %mul3A_1930 = vector.broadcast %squeeze3A_1827 : f32 to vector<16xf32>
          %mul3A_1931 = arith.mulf %mul3A_1930, %get3A_1929 : vector<16xf32>
          %add3A_1932 = arith.addf %add3A_1923, %mul3A_1931 : vector<16xf32>
          %get3A_1933 = arith.constant 3 : i32
          %get3A_1934 = arith.index_cast %select_n3A_107 : i32 to index
          %get3A_1935 = arith.index_cast %get3A_1933 : i32 to index
          %get3A_1936 = arith.index_cast %add3A_1819 : i32 to index
          %get3A_1937 = arith.constant 16 : index
          %get3A_1938 = tpu.vector_load %arg8[%get3A_1934, %get3A_1935, %get3A_1936, %get3A_1937] {strides = array<i32>} : memref<2x8x80x32xf32, #tpu.memory_space<vmem>>, vector<16xf32>,
          %mul3A_1939 = vector.broadcast %squeeze3A_1829 : f32 to vector<16xf32>
          %mul3A_1940 = arith.mulf %mul3A_1939, %get3A_1938 : vector<16xf32>
          %add3A_1941 = arith.addf %add3A_1932, %mul3A_1940 : vector<16xf32>
          %get3A_1942 = arith.constant 4 : i32
          %get3A_1943 = arith.index_cast %select_n3A_107 : i32 to index
          %get3A_1944 = arith.index_cast %get3A_1942 : i32 to index
          %get3A_1945 = arith.index_cast %add3A_1819 : i32 to index
          %get3A_1946 = arith.constant 16 : index
          %get3A_1947 = tpu.vector_load %arg8[%get3A_1943, %get3A_1944, %get3A_1945, %get3A_1946] {strides = array<i32>} : memref<2x8x80x32xf32, #tpu.memory_space<vmem>>, vector<16xf32>,
          %mul3A_1948 = vector.broadcast %squeeze3A_1823 : f32 to vector<16xf32>
          %mul3A_1949 = arith.mulf %mul3A_1948, %get3A_1947 : vector<16xf32>
          %get3A_1950 = arith.constant 5 : i32
          %get3A_1951 = arith.index_cast %select_n3A_107 : i32 to index
          %get3A_1952 = arith.index_cast %get3A_1950 : i32 to index
          %get3A_1953 = arith.index_cast %add3A_1819 : i32 to index
          %get3A_1954 = arith.constant 16 : index
          %get3A_1955 = tpu.vector_load %arg8[%get3A_1951, %get3A_1952, %get3A_1953, %get3A_1954] {strides = array<i32>} : memref<2x8x80x32xf32, #tpu.memory_space<vmem>>, vector<16xf32>,
          %mul3A_1956 = vector.broadcast %squeeze3A_1825 : f32 to vector<16xf32>
          %mul3A_1957 = arith.mulf %mul3A_1956, %get3A_1955 : vector<16xf32>
          %add3A_1958 = arith.addf %mul3A_1949, %mul3A_1957 : vector<16xf32>
          %get3A_1959 = arith.constant 6 : i32
          %get3A_1960 = arith.index_cast %select_n3A_107 : i32 to index
          %get3A_1961 = arith.index_cast %get3A_1959 : i32 to index
          %get3A_1962 = arith.index_cast %add3A_1819 : i32 to index
          %get3A_1963 = arith.constant 16 : index
          %get3A_1964 = tpu.vector_load %arg8[%get3A_1960, %get3A_1961, %get3A_1962, %get3A_1963] {strides = array<i32>} : memref<2x8x80x32xf32, #tpu.memory_space<vmem>>, vector<16xf32>,
          %mul3A_1965 = vector.broadcast %squeeze3A_1827 : f32 to vector<16xf32>
          %mul3A_1966 = arith.mulf %mul3A_1965, %get3A_1964 : vector<16xf32>
          %add3A_1967 = arith.addf %add3A_1958, %mul3A_1966 : vector<16xf32>
          %get3A_1968 = arith.constant 7 : i32
          %get3A_1969 = arith.index_cast %select_n3A_107 : i32 to index
          %get3A_1970 = arith.index_cast %get3A_1968 : i32 to index
          %get3A_1971 = arith.index_cast %add3A_1819 : i32 to index
          %get3A_1972 = arith.constant 16 : index
          %get3A_1973 = tpu.vector_load %arg8[%get3A_1969, %get3A_1970, %get3A_1971, %get3A_1972] {strides = array<i32>} : memref<2x8x80x32xf32, #tpu.memory_space<vmem>>, vector<16xf32>,
          %mul3A_1974 = vector.broadcast %squeeze3A_1829 : f32 to vector<16xf32>
          %mul3A_1975 = arith.mulf %mul3A_1974, %get3A_1973 : vector<16xf32>
          %add3A_1976 = arith.addf %add3A_1967, %mul3A_1975 : vector<16xf32>
          %sub3A_1977 = arith.subf %add3A_1976, %add3A_1941 : vector<16xf32>
          %mul3A_1978 = vector.broadcast %squeeze3A_1821 : f32 to vector<16xf32>
          %mul3A_1979 = arith.mulf %mul3A_1978, %sub3A_1977 : vector<16xf32>
          %add3A_1980 = arith.addf %add3A_1941, %mul3A_1979 : vector<16xf32>
          %swap3A_1981 = arith.index_cast %add3A_1819 : i32 to index
          %swap3A_1982 = arith.constant 16 : index
          %swap3A_1983 = tpu.vector_load %arg11[%swap3A_1981, %swap3A_1982] {strides = array<i32>} : memref<80x32xf32, #tpu.memory_space<vmem>>, vector<16xf32>,
          tpu.vector_store %arg11[%swap3A_1981, %swap3A_1982], %add3A_1980 {strides = array<i32>} : memref<80x32xf32, #tpu.memory_space<vmem>>, vector<16xf32>,
          %mul3A_1984 = arith.constant 16 : i32
          %mul3A_1985 = arith.muli %scan3A_271, %mul3A_1984 : i32
          %add3A_1986 = arith.constant 10 : i32
          %add3A_1987 = arith.addi %mul3A_1985, %add3A_1986 : i32
          %slice3A_1988 = vector.extract_strided_slice %get3A_278 {offsets = [10], sizes = [1], strides = [1]} : vector<16xf32> to vector<1xf32>
          %squeeze3A_1989 = vector.extract %slice3A_1988[0] : f32 from vector<1xf32>
          %slice3A_1990 = vector.extract_strided_slice %get3A_285 {offsets = [10], sizes = [1], strides = [1]} : vector<16xf32> to vector<1xf32>
          %squeeze3A_1991 = vector.extract %slice3A_1990[0] : f32 from vector<1xf32>
          %slice3A_1992 = vector.extract_strided_slice %get3A_292 {offsets = [10], sizes = [1], strides = [1]} : vector<16xf32> to vector<1xf32>
          %squeeze3A_1993 = vector.extract %slice3A_1992[0] : f32 from vector<1xf32>
          %slice3A_1994 = vector.extract_strided_slice %get3A_299 {offsets = [10], sizes = [1], strides = [1]} : vector<16xf32> to vector<1xf32>
          %squeeze3A_1995 = vector.extract %slice3A_1994[0] : f32 from vector<1xf32>
          %slice3A_1996 = vector.extract_strided_slice %get3A_306 {offsets = [10], sizes = [1], strides = [1]} : vector<16xf32> to vector<1xf32>
          %squeeze3A_1997 = vector.extract %slice3A_1996[0] : f32 from vector<1xf32>
          %get3A_1998 = arith.constant 0 : i32
          %get3A_1999 = arith.index_cast %select_n3A_107 : i32 to index
          %get3A_2000 = arith.index_cast %get3A_1998 : i32 to index
          %get3A_2001 = arith.index_cast %add3A_1987 : i32 to index
          %get3A_2002 = arith.constant 0 : index
          %get3A_2003 = tpu.vector_load %arg8[%get3A_1999, %get3A_2000, %get3A_2001, %get3A_2002] {strides = array<i32>} : memref<2x8x80x32xf32, #tpu.memory_space<vmem>>, vector<16xf32>,
          %mul3A_2004 = vector.broadcast %squeeze3A_1991 : f32 to vector<16xf32>
          %mul3A_2005 = arith.mulf %mul3A_2004, %get3A_2003 : vector<16xf32>
          %get3A_2006 = arith.constant 1 : i32
          %get3A_2007 = arith.index_cast %select_n3A_107 : i32 to index
          %get3A_2008 = arith.index_cast %get3A_2006 : i32 to index
          %get3A_2009 = arith.index_cast %add3A_1987 : i32 to index
          %get3A_2010 = arith.constant 0 : index
          %get3A_2011 = tpu.vector_load %arg8[%get3A_2007, %get3A_2008, %get3A_2009, %get3A_2010] {strides = array<i32>} : memref<2x8x80x32xf32, #tpu.memory_space<vmem>>, vector<16xf32>,
          %mul3A_2012 = vector.broadcast %squeeze3A_1993 : f32 to vector<16xf32>
          %mul3A_2013 = arith.mulf %mul3A_2012, %get3A_2011 : vector<16xf32>
          %add3A_2014 = arith.addf %mul3A_2005, %mul3A_2013 : vector<16xf32>
          %get3A_2015 = arith.constant 2 : i32
          %get3A_2016 = arith.index_cast %select_n3A_107 : i32 to index
          %get3A_2017 = arith.index_cast %get3A_2015 : i32 to index
          %get3A_2018 = arith.index_cast %add3A_1987 : i32 to index
          %get3A_2019 = arith.constant 0 : index
          %get3A_2020 = tpu.vector_load %arg8[%get3A_2016, %get3A_2017, %get3A_2018, %get3A_2019] {strides = array<i32>} : memref<2x8x80x32xf32, #tpu.memory_space<vmem>>, vector<16xf32>,
          %mul3A_2021 = vector.broadcast %squeeze3A_1995 : f32 to vector<16xf32>
          %mul3A_2022 = arith.mulf %mul3A_2021, %get3A_2020 : vector<16xf32>
          %add3A_2023 = arith.addf %add3A_2014, %mul3A_2022 : vector<16xf32>
          %get3A_2024 = arith.constant 3 : i32
          %get3A_2025 = arith.index_cast %select_n3A_107 : i32 to index
          %get3A_2026 = arith.index_cast %get3A_2024 : i32 to index
          %get3A_2027 = arith.index_cast %add3A_1987 : i32 to index
          %get3A_2028 = arith.constant 0 : index
          %get3A_2029 = tpu.vector_load %arg8[%get3A_2025, %get3A_2026, %get3A_2027, %get3A_2028] {strides = array<i32>} : memref<2x8x80x32xf32, #tpu.memory_space<vmem>>, vector<16xf32>,
          %mul3A_2030 = vector.broadcast %squeeze3A_1997 : f32 to vector<16xf32>
          %mul3A_2031 = arith.mulf %mul3A_2030, %get3A_2029 : vector<16xf32>
          %add3A_2032 = arith.addf %add3A_2023, %mul3A_2031 : vector<16xf32>
          %get3A_2033 = arith.constant 4 : i32
          %get3A_2034 = arith.index_cast %select_n3A_107 : i32 to index
          %get3A_2035 = arith.index_cast %get3A_2033 : i32 to index
          %get3A_2036 = arith.index_cast %add3A_1987 : i32 to index
          %get3A_2037 = arith.constant 0 : index
          %get3A_2038 = tpu.vector_load %arg8[%get3A_2034, %get3A_2035, %get3A_2036, %get3A_2037] {strides = array<i32>} : memref<2x8x80x32xf32, #tpu.memory_space<vmem>>, vector<16xf32>,
          %mul3A_2039 = vector.broadcast %squeeze3A_1991 : f32 to vector<16xf32>
          %mul3A_2040 = arith.mulf %mul3A_2039, %get3A_2038 : vector<16xf32>
          %get3A_2041 = arith.constant 5 : i32
          %get3A_2042 = arith.index_cast %select_n3A_107 : i32 to index
          %get3A_2043 = arith.index_cast %get3A_2041 : i32 to index
          %get3A_2044 = arith.index_cast %add3A_1987 : i32 to index
          %get3A_2045 = arith.constant 0 : index
          %get3A_2046 = tpu.vector_load %arg8[%get3A_2042, %get3A_2043, %get3A_2044, %get3A_2045] {strides = array<i32>} : memref<2x8x80x32xf32, #tpu.memory_space<vmem>>, vector<16xf32>,
          %mul3A_2047 = vector.broadcast %squeeze3A_1993 : f32 to vector<16xf32>
          %mul3A_2048 = arith.mulf %mul3A_2047, %get3A_2046 : vector<16xf32>
          %add3A_2049 = arith.addf %mul3A_2040, %mul3A_2048 : vector<16xf32>
          %get3A_2050 = arith.constant 6 : i32
          %get3A_2051 = arith.index_cast %select_n3A_107 : i32 to index
          %get3A_2052 = arith.index_cast %get3A_2050 : i32 to index
          %get3A_2053 = arith.index_cast %add3A_1987 : i32 to index
          %get3A_2054 = arith.constant 0 : index
          %get3A_2055 = tpu.vector_load %arg8[%get3A_2051, %get3A_2052, %get3A_2053, %get3A_2054] {strides = array<i32>} : memref<2x8x80x32xf32, #tpu.memory_space<vmem>>, vector<16xf32>,
          %mul3A_2056 = vector.broadcast %squeeze3A_1995 : f32 to vector<16xf32>
          %mul3A_2057 = arith.mulf %mul3A_2056, %get3A_2055 : vector<16xf32>
          %add3A_2058 = arith.addf %add3A_2049, %mul3A_2057 : vector<16xf32>
          %get3A_2059 = arith.constant 7 : i32
          %get3A_2060 = arith.index_cast %select_n3A_107 : i32 to index
          %get3A_2061 = arith.index_cast %get3A_2059 : i32 to index
          %get3A_2062 = arith.index_cast %add3A_1987 : i32 to index
          %get3A_2063 = arith.constant 0 : index
          %get3A_2064 = tpu.vector_load %arg8[%get3A_2060, %get3A_2061, %get3A_2062, %get3A_2063] {strides = array<i32>} : memref<2x8x80x32xf32, #tpu.memory_space<vmem>>, vector<16xf32>,
          %mul3A_2065 = vector.broadcast %squeeze3A_1997 : f32 to vector<16xf32>
          %mul3A_2066 = arith.mulf %mul3A_2065, %get3A_2064 : vector<16xf32>
          %add3A_2067 = arith.addf %add3A_2058, %mul3A_2066 : vector<16xf32>
          %sub3A_2068 = arith.subf %add3A_2067, %add3A_2032 : vector<16xf32>
          %mul3A_2069 = vector.broadcast %squeeze3A_1989 : f32 to vector<16xf32>
          %mul3A_2070 = arith.mulf %mul3A_2069, %sub3A_2068 : vector<16xf32>
          %add3A_2071 = arith.addf %add3A_2032, %mul3A_2070 : vector<16xf32>
          %swap3A_2072 = arith.index_cast %add3A_1987 : i32 to index
          %swap3A_2073 = arith.constant 0 : index
          %swap3A_2074 = tpu.vector_load %arg11[%swap3A_2072, %swap3A_2073] {strides = array<i32>} : memref<80x32xf32, #tpu.memory_space<vmem>>, vector<16xf32>,
          tpu.vector_store %arg11[%swap3A_2072, %swap3A_2073], %add3A_2071 {strides = array<i32>} : memref<80x32xf32, #tpu.memory_space<vmem>>, vector<16xf32>,
          %get3A_2075 = arith.constant 0 : i32
          %get3A_2076 = arith.index_cast %select_n3A_107 : i32 to index
          %get3A_2077 = arith.index_cast %get3A_2075 : i32 to index
          %get3A_2078 = arith.index_cast %add3A_1987 : i32 to index
          %get3A_2079 = arith.constant 16 : index
          %get3A_2080 = tpu.vector_load %arg8[%get3A_2076, %get3A_2077, %get3A_2078, %get3A_2079] {strides = array<i32>} : memref<2x8x80x32xf32, #tpu.memory_space<vmem>>, vector<16xf32>,
          %mul3A_2081 = vector.broadcast %squeeze3A_1991 : f32 to vector<16xf32>
          %mul3A_2082 = arith.mulf %mul3A_2081, %get3A_2080 : vector<16xf32>
          %get3A_2083 = arith.constant 1 : i32
          %get3A_2084 = arith.index_cast %select_n3A_107 : i32 to index
          %get3A_2085 = arith.index_cast %get3A_2083 : i32 to index
          %get3A_2086 = arith.index_cast %add3A_1987 : i32 to index
          %get3A_2087 = arith.constant 16 : index
          %get3A_2088 = tpu.vector_load %arg8[%get3A_2084, %get3A_2085, %get3A_2086, %get3A_2087] {strides = array<i32>} : memref<2x8x80x32xf32, #tpu.memory_space<vmem>>, vector<16xf32>,
          %mul3A_2089 = vector.broadcast %squeeze3A_1993 : f32 to vector<16xf32>
          %mul3A_2090 = arith.mulf %mul3A_2089, %get3A_2088 : vector<16xf32>
          %add3A_2091 = arith.addf %mul3A_2082, %mul3A_2090 : vector<16xf32>
          %get3A_2092 = arith.constant 2 : i32
          %get3A_2093 = arith.index_cast %select_n3A_107 : i32 to index
          %get3A_2094 = arith.index_cast %get3A_2092 : i32 to index
          %get3A_2095 = arith.index_cast %add3A_1987 : i32 to index
          %get3A_2096 = arith.constant 16 : index
          %get3A_2097 = tpu.vector_load %arg8[%get3A_2093, %get3A_2094, %get3A_2095, %get3A_2096] {strides = array<i32>} : memref<2x8x80x32xf32, #tpu.memory_space<vmem>>, vector<16xf32>,
          %mul3A_2098 = vector.broadcast %squeeze3A_1995 : f32 to vector<16xf32>
          %mul3A_2099 = arith.mulf %mul3A_2098, %get3A_2097 : vector<16xf32>
          %add3A_2100 = arith.addf %add3A_2091, %mul3A_2099 : vector<16xf32>
          %get3A_2101 = arith.constant 3 : i32
          %get3A_2102 = arith.index_cast %select_n3A_107 : i32 to index
          %get3A_2103 = arith.index_cast %get3A_2101 : i32 to index
          %get3A_2104 = arith.index_cast %add3A_1987 : i32 to index
          %get3A_2105 = arith.constant 16 : index
          %get3A_2106 = tpu.vector_load %arg8[%get3A_2102, %get3A_2103, %get3A_2104, %get3A_2105] {strides = array<i32>} : memref<2x8x80x32xf32, #tpu.memory_space<vmem>>, vector<16xf32>,
          %mul3A_2107 = vector.broadcast %squeeze3A_1997 : f32 to vector<16xf32>
          %mul3A_2108 = arith.mulf %mul3A_2107, %get3A_2106 : vector<16xf32>
          %add3A_2109 = arith.addf %add3A_2100, %mul3A_2108 : vector<16xf32>
          %get3A_2110 = arith.constant 4 : i32
          %get3A_2111 = arith.index_cast %select_n3A_107 : i32 to index
          %get3A_2112 = arith.index_cast %get3A_2110 : i32 to index
          %get3A_2113 = arith.index_cast %add3A_1987 : i32 to index
          %get3A_2114 = arith.constant 16 : index
          %get3A_2115 = tpu.vector_load %arg8[%get3A_2111, %get3A_2112, %get3A_2113, %get3A_2114] {strides = array<i32>} : memref<2x8x80x32xf32, #tpu.memory_space<vmem>>, vector<16xf32>,
          %mul3A_2116 = vector.broadcast %squeeze3A_1991 : f32 to vector<16xf32>
          %mul3A_2117 = arith.mulf %mul3A_2116, %get3A_2115 : vector<16xf32>
          %get3A_2118 = arith.constant 5 : i32
          %get3A_2119 = arith.index_cast %select_n3A_107 : i32 to index
          %get3A_2120 = arith.index_cast %get3A_2118 : i32 to index
          %get3A_2121 = arith.index_cast %add3A_1987 : i32 to index
          %get3A_2122 = arith.constant 16 : index
          %get3A_2123 = tpu.vector_load %arg8[%get3A_2119, %get3A_2120, %get3A_2121, %get3A_2122] {strides = array<i32>} : memref<2x8x80x32xf32, #tpu.memory_space<vmem>>, vector<16xf32>,
          %mul3A_2124 = vector.broadcast %squeeze3A_1993 : f32 to vector<16xf32>
          %mul3A_2125 = arith.mulf %mul3A_2124, %get3A_2123 : vector<16xf32>
          %add3A_2126 = arith.addf %mul3A_2117, %mul3A_2125 : vector<16xf32>
          %get3A_2127 = arith.constant 6 : i32
          %get3A_2128 = arith.index_cast %select_n3A_107 : i32 to index
          %get3A_2129 = arith.index_cast %get3A_2127 : i32 to index
          %get3A_2130 = arith.index_cast %add3A_1987 : i32 to index
          %get3A_2131 = arith.constant 16 : index
          %get3A_2132 = tpu.vector_load %arg8[%get3A_2128, %get3A_2129, %get3A_2130, %get3A_2131] {strides = array<i32>} : memref<2x8x80x32xf32, #tpu.memory_space<vmem>>, vector<16xf32>,
          %mul3A_2133 = vector.broadcast %squeeze3A_1995 : f32 to vector<16xf32>
          %mul3A_2134 = arith.mulf %mul3A_2133, %get3A_2132 : vector<16xf32>
          %add3A_2135 = arith.addf %add3A_2126, %mul3A_2134 : vector<16xf32>
          %get3A_2136 = arith.constant 7 : i32
          %get3A_2137 = arith.index_cast %select_n3A_107 : i32 to index
          %get3A_2138 = arith.index_cast %get3A_2136 : i32 to index
          %get3A_2139 = arith.index_cast %add3A_1987 : i32 to index
          %get3A_2140 = arith.constant 16 : index
          %get3A_2141 = tpu.vector_load %arg8[%get3A_2137, %get3A_2138, %get3A_2139, %get3A_2140] {strides = array<i32>} : memref<2x8x80x32xf32, #tpu.memory_space<vmem>>, vector<16xf32>,
          %mul3A_2142 = vector.broadcast %squeeze3A_1997 : f32 to vector<16xf32>
          %mul3A_2143 = arith.mulf %mul3A_2142, %get3A_2141 : vector<16xf32>
          %add3A_2144 = arith.addf %add3A_2135, %mul3A_2143 : vector<16xf32>
          %sub3A_2145 = arith.subf %add3A_2144, %add3A_2109 : vector<16xf32>
          %mul3A_2146 = vector.broadcast %squeeze3A_1989 : f32 to vector<16xf32>
          %mul3A_2147 = arith.mulf %mul3A_2146, %sub3A_2145 : vector<16xf32>
          %add3A_2148 = arith.addf %add3A_2109, %mul3A_2147 : vector<16xf32>
          %swap3A_2149 = arith.index_cast %add3A_1987 : i32 to index
          %swap3A_2150 = arith.constant 16 : index
          %swap3A_2151 = tpu.vector_load %arg11[%swap3A_2149, %swap3A_2150] {strides = array<i32>} : memref<80x32xf32, #tpu.memory_space<vmem>>, vector<16xf32>,
          tpu.vector_store %arg11[%swap3A_2149, %swap3A_2150], %add3A_2148 {strides = array<i32>} : memref<80x32xf32, #tpu.memory_space<vmem>>, vector<16xf32>,
          %mul3A_2152 = arith.constant 16 : i32
          %mul3A_2153 = arith.muli %scan3A_271, %mul3A_2152 : i32
          %add3A_2154 = arith.constant 11 : i32
          %add3A_2155 = arith.addi %mul3A_2153, %add3A_2154 : i32
          %slice3A_2156 = vector.extract_strided_slice %get3A_278 {offsets = [11], sizes = [1], strides = [1]} : vector<16xf32> to vector<1xf32>
          %squeeze3A_2157 = vector.extract %slice3A_2156[0] : f32 from vector<1xf32>
          %slice3A_2158 = vector.extract_strided_slice %get3A_285 {offsets = [11], sizes = [1], strides = [1]} : vector<16xf32> to vector<1xf32>
          %squeeze3A_2159 = vector.extract %slice3A_2158[0] : f32 from vector<1xf32>
          %slice3A_2160 = vector.extract_strided_slice %get3A_292 {offsets = [11], sizes = [1], strides = [1]} : vector<16xf32> to vector<1xf32>
          %squeeze3A_2161 = vector.extract %slice3A_2160[0] : f32 from vector<1xf32>
          %slice3A_2162 = vector.extract_strided_slice %get3A_299 {offsets = [11], sizes = [1], strides = [1]} : vector<16xf32> to vector<1xf32>
          %squeeze3A_2163 = vector.extract %slice3A_2162[0] : f32 from vector<1xf32>
          %slice3A_2164 = vector.extract_strided_slice %get3A_306 {offsets = [11], sizes = [1], strides = [1]} : vector<16xf32> to vector<1xf32>
          %squeeze3A_2165 = vector.extract %slice3A_2164[0] : f32 from vector<1xf32>
          %get3A_2166 = arith.constant 0 : i32
          %get3A_2167 = arith.index_cast %select_n3A_107 : i32 to index
          %get3A_2168 = arith.index_cast %get3A_2166 : i32 to index
          %get3A_2169 = arith.index_cast %add3A_2155 : i32 to index
          %get3A_2170 = arith.constant 0 : index
          %get3A_2171 = tpu.vector_load %arg8[%get3A_2167, %get3A_2168, %get3A_2169, %get3A_2170] {strides = array<i32>} : memref<2x8x80x32xf32, #tpu.memory_space<vmem>>, vector<16xf32>,
          %mul3A_2172 = vector.broadcast %squeeze3A_2159 : f32 to vector<16xf32>
          %mul3A_2173 = arith.mulf %mul3A_2172, %get3A_2171 : vector<16xf32>
          %get3A_2174 = arith.constant 1 : i32
          %get3A_2175 = arith.index_cast %select_n3A_107 : i32 to index
          %get3A_2176 = arith.index_cast %get3A_2174 : i32 to index
          %get3A_2177 = arith.index_cast %add3A_2155 : i32 to index
          %get3A_2178 = arith.constant 0 : index
          %get3A_2179 = tpu.vector_load %arg8[%get3A_2175, %get3A_2176, %get3A_2177, %get3A_2178] {strides = array<i32>} : memref<2x8x80x32xf32, #tpu.memory_space<vmem>>, vector<16xf32>,
          %mul3A_2180 = vector.broadcast %squeeze3A_2161 : f32 to vector<16xf32>
          %mul3A_2181 = arith.mulf %mul3A_2180, %get3A_2179 : vector<16xf32>
          %add3A_2182 = arith.addf %mul3A_2173, %mul3A_2181 : vector<16xf32>
          %get3A_2183 = arith.constant 2 : i32
          %get3A_2184 = arith.index_cast %select_n3A_107 : i32 to index
          %get3A_2185 = arith.index_cast %get3A_2183 : i32 to index
          %get3A_2186 = arith.index_cast %add3A_2155 : i32 to index
          %get3A_2187 = arith.constant 0 : index
          %get3A_2188 = tpu.vector_load %arg8[%get3A_2184, %get3A_2185, %get3A_2186, %get3A_2187] {strides = array<i32>} : memref<2x8x80x32xf32, #tpu.memory_space<vmem>>, vector<16xf32>,
          %mul3A_2189 = vector.broadcast %squeeze3A_2163 : f32 to vector<16xf32>
          %mul3A_2190 = arith.mulf %mul3A_2189, %get3A_2188 : vector<16xf32>
          %add3A_2191 = arith.addf %add3A_2182, %mul3A_2190 : vector<16xf32>
          %get3A_2192 = arith.constant 3 : i32
          %get3A_2193 = arith.index_cast %select_n3A_107 : i32 to index
          %get3A_2194 = arith.index_cast %get3A_2192 : i32 to index
          %get3A_2195 = arith.index_cast %add3A_2155 : i32 to index
          %get3A_2196 = arith.constant 0 : index
          %get3A_2197 = tpu.vector_load %arg8[%get3A_2193, %get3A_2194, %get3A_2195, %get3A_2196] {strides = array<i32>} : memref<2x8x80x32xf32, #tpu.memory_space<vmem>>, vector<16xf32>,
          %mul3A_2198 = vector.broadcast %squeeze3A_2165 : f32 to vector<16xf32>
          %mul3A_2199 = arith.mulf %mul3A_2198, %get3A_2197 : vector<16xf32>
          %add3A_2200 = arith.addf %add3A_2191, %mul3A_2199 : vector<16xf32>
          %get3A_2201 = arith.constant 4 : i32
          %get3A_2202 = arith.index_cast %select_n3A_107 : i32 to index
          %get3A_2203 = arith.index_cast %get3A_2201 : i32 to index
          %get3A_2204 = arith.index_cast %add3A_2155 : i32 to index
          %get3A_2205 = arith.constant 0 : index
          %get3A_2206 = tpu.vector_load %arg8[%get3A_2202, %get3A_2203, %get3A_2204, %get3A_2205] {strides = array<i32>} : memref<2x8x80x32xf32, #tpu.memory_space<vmem>>, vector<16xf32>,
          %mul3A_2207 = vector.broadcast %squeeze3A_2159 : f32 to vector<16xf32>
          %mul3A_2208 = arith.mulf %mul3A_2207, %get3A_2206 : vector<16xf32>
          %get3A_2209 = arith.constant 5 : i32
          %get3A_2210 = arith.index_cast %select_n3A_107 : i32 to index
          %get3A_2211 = arith.index_cast %get3A_2209 : i32 to index
          %get3A_2212 = arith.index_cast %add3A_2155 : i32 to index
          %get3A_2213 = arith.constant 0 : index
          %get3A_2214 = tpu.vector_load %arg8[%get3A_2210, %get3A_2211, %get3A_2212, %get3A_2213] {strides = array<i32>} : memref<2x8x80x32xf32, #tpu.memory_space<vmem>>, vector<16xf32>,
          %mul3A_2215 = vector.broadcast %squeeze3A_2161 : f32 to vector<16xf32>
          %mul3A_2216 = arith.mulf %mul3A_2215, %get3A_2214 : vector<16xf32>
          %add3A_2217 = arith.addf %mul3A_2208, %mul3A_2216 : vector<16xf32>
          %get3A_2218 = arith.constant 6 : i32
          %get3A_2219 = arith.index_cast %select_n3A_107 : i32 to index
          %get3A_2220 = arith.index_cast %get3A_2218 : i32 to index
          %get3A_2221 = arith.index_cast %add3A_2155 : i32 to index
          %get3A_2222 = arith.constant 0 : index
          %get3A_2223 = tpu.vector_load %arg8[%get3A_2219, %get3A_2220, %get3A_2221, %get3A_2222] {strides = array<i32>} : memref<2x8x80x32xf32, #tpu.memory_space<vmem>>, vector<16xf32>,
          %mul3A_2224 = vector.broadcast %squeeze3A_2163 : f32 to vector<16xf32>
          %mul3A_2225 = arith.mulf %mul3A_2224, %get3A_2223 : vector<16xf32>
          %add3A_2226 = arith.addf %add3A_2217, %mul3A_2225 : vector<16xf32>
          %get3A_2227 = arith.constant 7 : i32
          %get3A_2228 = arith.index_cast %select_n3A_107 : i32 to index
          %get3A_2229 = arith.index_cast %get3A_2227 : i32 to index
          %get3A_2230 = arith.index_cast %add3A_2155 : i32 to index
          %get3A_2231 = arith.constant 0 : index
          %get3A_2232 = tpu.vector_load %arg8[%get3A_2228, %get3A_2229, %get3A_2230, %get3A_2231] {strides = array<i32>} : memref<2x8x80x32xf32, #tpu.memory_space<vmem>>, vector<16xf32>,
          %mul3A_2233 = vector.broadcast %squeeze3A_2165 : f32 to vector<16xf32>
          %mul3A_2234 = arith.mulf %mul3A_2233, %get3A_2232 : vector<16xf32>
          %add3A_2235 = arith.addf %add3A_2226, %mul3A_2234 : vector<16xf32>
          %sub3A_2236 = arith.subf %add3A_2235, %add3A_2200 : vector<16xf32>
          %mul3A_2237 = vector.broadcast %squeeze3A_2157 : f32 to vector<16xf32>
          %mul3A_2238 = arith.mulf %mul3A_2237, %sub3A_2236 : vector<16xf32>
          %add3A_2239 = arith.addf %add3A_2200, %mul3A_2238 : vector<16xf32>
          %swap3A_2240 = arith.index_cast %add3A_2155 : i32 to index
          %swap3A_2241 = arith.constant 0 : index
          %swap3A_2242 = tpu.vector_load %arg11[%swap3A_2240, %swap3A_2241] {strides = array<i32>} : memref<80x32xf32, #tpu.memory_space<vmem>>, vector<16xf32>,
          tpu.vector_store %arg11[%swap3A_2240, %swap3A_2241], %add3A_2239 {strides = array<i32>} : memref<80x32xf32, #tpu.memory_space<vmem>>, vector<16xf32>,
          %get3A_2243 = arith.constant 0 : i32
          %get3A_2244 = arith.index_cast %select_n3A_107 : i32 to index
          %get3A_2245 = arith.index_cast %get3A_2243 : i32 to index
          %get3A_2246 = arith.index_cast %add3A_2155 : i32 to index
          %get3A_2247 = arith.constant 16 : index
          %get3A_2248 = tpu.vector_load %arg8[%get3A_2244, %get3A_2245, %get3A_2246, %get3A_2247] {strides = array<i32>} : memref<2x8x80x32xf32, #tpu.memory_space<vmem>>, vector<16xf32>,
          %mul3A_2249 = vector.broadcast %squeeze3A_2159 : f32 to vector<16xf32>
          %mul3A_2250 = arith.mulf %mul3A_2249, %get3A_2248 : vector<16xf32>
          %get3A_2251 = arith.constant 1 : i32
          %get3A_2252 = arith.index_cast %select_n3A_107 : i32 to index
          %get3A_2253 = arith.index_cast %get3A_2251 : i32 to index
          %get3A_2254 = arith.index_cast %add3A_2155 : i32 to index
          %get3A_2255 = arith.constant 16 : index
          %get3A_2256 = tpu.vector_load %arg8[%get3A_2252, %get3A_2253, %get3A_2254, %get3A_2255] {strides = array<i32>} : memref<2x8x80x32xf32, #tpu.memory_space<vmem>>, vector<16xf32>,
          %mul3A_2257 = vector.broadcast %squeeze3A_2161 : f32 to vector<16xf32>
          %mul3A_2258 = arith.mulf %mul3A_2257, %get3A_2256 : vector<16xf32>
          %add3A_2259 = arith.addf %mul3A_2250, %mul3A_2258 : vector<16xf32>
          %get3A_2260 = arith.constant 2 : i32
          %get3A_2261 = arith.index_cast %select_n3A_107 : i32 to index
          %get3A_2262 = arith.index_cast %get3A_2260 : i32 to index
          %get3A_2263 = arith.index_cast %add3A_2155 : i32 to index
          %get3A_2264 = arith.constant 16 : index
          %get3A_2265 = tpu.vector_load %arg8[%get3A_2261, %get3A_2262, %get3A_2263, %get3A_2264] {strides = array<i32>} : memref<2x8x80x32xf32, #tpu.memory_space<vmem>>, vector<16xf32>,
          %mul3A_2266 = vector.broadcast %squeeze3A_2163 : f32 to vector<16xf32>
          %mul3A_2267 = arith.mulf %mul3A_2266, %get3A_2265 : vector<16xf32>
          %add3A_2268 = arith.addf %add3A_2259, %mul3A_2267 : vector<16xf32>
          %get3A_2269 = arith.constant 3 : i32
          %get3A_2270 = arith.index_cast %select_n3A_107 : i32 to index
          %get3A_2271 = arith.index_cast %get3A_2269 : i32 to index
          %get3A_2272 = arith.index_cast %add3A_2155 : i32 to index
          %get3A_2273 = arith.constant 16 : index
          %get3A_2274 = tpu.vector_load %arg8[%get3A_2270, %get3A_2271, %get3A_2272, %get3A_2273] {strides = array<i32>} : memref<2x8x80x32xf32, #tpu.memory_space<vmem>>, vector<16xf32>,
          %mul3A_2275 = vector.broadcast %squeeze3A_2165 : f32 to vector<16xf32>
          %mul3A_2276 = arith.mulf %mul3A_2275, %get3A_2274 : vector<16xf32>
          %add3A_2277 = arith.addf %add3A_2268, %mul3A_2276 : vector<16xf32>
          %get3A_2278 = arith.constant 4 : i32
          %get3A_2279 = arith.index_cast %select_n3A_107 : i32 to index
          %get3A_2280 = arith.index_cast %get3A_2278 : i32 to index
          %get3A_2281 = arith.index_cast %add3A_2155 : i32 to index
          %get3A_2282 = arith.constant 16 : index
          %get3A_2283 = tpu.vector_load %arg8[%get3A_2279, %get3A_2280, %get3A_2281, %get3A_2282] {strides = array<i32>} : memref<2x8x80x32xf32, #tpu.memory_space<vmem>>, vector<16xf32>,
          %mul3A_2284 = vector.broadcast %squeeze3A_2159 : f32 to vector<16xf32>
          %mul3A_2285 = arith.mulf %mul3A_2284, %get3A_2283 : vector<16xf32>
          %get3A_2286 = arith.constant 5 : i32
          %get3A_2287 = arith.index_cast %select_n3A_107 : i32 to index
          %get3A_2288 = arith.index_cast %get3A_2286 : i32 to index
          %get3A_2289 = arith.index_cast %add3A_2155 : i32 to index
          %get3A_2290 = arith.constant 16 : index
          %get3A_2291 = tpu.vector_load %arg8[%get3A_2287, %get3A_2288, %get3A_2289, %get3A_2290] {strides = array<i32>} : memref<2x8x80x32xf32, #tpu.memory_space<vmem>>, vector<16xf32>,
          %mul3A_2292 = vector.broadcast %squeeze3A_2161 : f32 to vector<16xf32>
          %mul3A_2293 = arith.mulf %mul3A_2292, %get3A_2291 : vector<16xf32>
          %add3A_2294 = arith.addf %mul3A_2285, %mul3A_2293 : vector<16xf32>
          %get3A_2295 = arith.constant 6 : i32
          %get3A_2296 = arith.index_cast %select_n3A_107 : i32 to index
          %get3A_2297 = arith.index_cast %get3A_2295 : i32 to index
          %get3A_2298 = arith.index_cast %add3A_2155 : i32 to index
          %get3A_2299 = arith.constant 16 : index
          %get3A_2300 = tpu.vector_load %arg8[%get3A_2296, %get3A_2297, %get3A_2298, %get3A_2299] {strides = array<i32>} : memref<2x8x80x32xf32, #tpu.memory_space<vmem>>, vector<16xf32>,
          %mul3A_2301 = vector.broadcast %squeeze3A_2163 : f32 to vector<16xf32>
          %mul3A_2302 = arith.mulf %mul3A_2301, %get3A_2300 : vector<16xf32>
          %add3A_2303 = arith.addf %add3A_2294, %mul3A_2302 : vector<16xf32>
          %get3A_2304 = arith.constant 7 : i32
          %get3A_2305 = arith.index_cast %select_n3A_107 : i32 to index
          %get3A_2306 = arith.index_cast %get3A_2304 : i32 to index
          %get3A_2307 = arith.index_cast %add3A_2155 : i32 to index
          %get3A_2308 = arith.constant 16 : index
          %get3A_2309 = tpu.vector_load %arg8[%get3A_2305, %get3A_2306, %get3A_2307, %get3A_2308] {strides = array<i32>} : memref<2x8x80x32xf32, #tpu.memory_space<vmem>>, vector<16xf32>,
          %mul3A_2310 = vector.broadcast %squeeze3A_2165 : f32 to vector<16xf32>
          %mul3A_2311 = arith.mulf %mul3A_2310, %get3A_2309 : vector<16xf32>
          %add3A_2312 = arith.addf %add3A_2303, %mul3A_2311 : vector<16xf32>
          %sub3A_2313 = arith.subf %add3A_2312, %add3A_2277 : vector<16xf32>
          %mul3A_2314 = vector.broadcast %squeeze3A_2157 : f32 to vector<16xf32>
          %mul3A_2315 = arith.mulf %mul3A_2314, %sub3A_2313 : vector<16xf32>
          %add3A_2316 = arith.addf %add3A_2277, %mul3A_2315 : vector<16xf32>
          %swap3A_2317 = arith.index_cast %add3A_2155 : i32 to index
          %swap3A_2318 = arith.constant 16 : index
          %swap3A_2319 = tpu.vector_load %arg11[%swap3A_2317, %swap3A_2318] {strides = array<i32>} : memref<80x32xf32, #tpu.memory_space<vmem>>, vector<16xf32>,
          tpu.vector_store %arg11[%swap3A_2317, %swap3A_2318], %add3A_2316 {strides = array<i32>} : memref<80x32xf32, #tpu.memory_space<vmem>>, vector<16xf32>,
          %mul3A_2320 = arith.constant 16 : i32
          %mul3A_2321 = arith.muli %scan3A_271, %mul3A_2320 : i32
          %add3A_2322 = arith.constant 12 : i32
          %add3A_2323 = arith.addi %mul3A_2321, %add3A_2322 : i32
          %slice3A_2324 = vector.extract_strided_slice %get3A_278 {offsets = [12], sizes = [1], strides = [1]} : vector<16xf32> to vector<1xf32>
          %squeeze3A_2325 = vector.extract %slice3A_2324[0] : f32 from vector<1xf32>
          %slice3A_2326 = vector.extract_strided_slice %get3A_285 {offsets = [12], sizes = [1], strides = [1]} : vector<16xf32> to vector<1xf32>
          %squeeze3A_2327 = vector.extract %slice3A_2326[0] : f32 from vector<1xf32>
          %slice3A_2328 = vector.extract_strided_slice %get3A_292 {offsets = [12], sizes = [1], strides = [1]} : vector<16xf32> to vector<1xf32>
          %squeeze3A_2329 = vector.extract %slice3A_2328[0] : f32 from vector<1xf32>
          %slice3A_2330 = vector.extract_strided_slice %get3A_299 {offsets = [12], sizes = [1], strides = [1]} : vector<16xf32> to vector<1xf32>
          %squeeze3A_2331 = vector.extract %slice3A_2330[0] : f32 from vector<1xf32>
          %slice3A_2332 = vector.extract_strided_slice %get3A_306 {offsets = [12], sizes = [1], strides = [1]} : vector<16xf32> to vector<1xf32>
          %squeeze3A_2333 = vector.extract %slice3A_2332[0] : f32 from vector<1xf32>
          %get3A_2334 = arith.constant 0 : i32
          %get3A_2335 = arith.index_cast %select_n3A_107 : i32 to index
          %get3A_2336 = arith.index_cast %get3A_2334 : i32 to index
          %get3A_2337 = arith.index_cast %add3A_2323 : i32 to index
          %get3A_2338 = arith.constant 0 : index
          %get3A_2339 = tpu.vector_load %arg8[%get3A_2335, %get3A_2336, %get3A_2337, %get3A_2338] {strides = array<i32>} : memref<2x8x80x32xf32, #tpu.memory_space<vmem>>, vector<16xf32>,
          %mul3A_2340 = vector.broadcast %squeeze3A_2327 : f32 to vector<16xf32>
          %mul3A_2341 = arith.mulf %mul3A_2340, %get3A_2339 : vector<16xf32>
          %get3A_2342 = arith.constant 1 : i32
          %get3A_2343 = arith.index_cast %select_n3A_107 : i32 to index
          %get3A_2344 = arith.index_cast %get3A_2342 : i32 to index
          %get3A_2345 = arith.index_cast %add3A_2323 : i32 to index
          %get3A_2346 = arith.constant 0 : index
          %get3A_2347 = tpu.vector_load %arg8[%get3A_2343, %get3A_2344, %get3A_2345, %get3A_2346] {strides = array<i32>} : memref<2x8x80x32xf32, #tpu.memory_space<vmem>>, vector<16xf32>,
          %mul3A_2348 = vector.broadcast %squeeze3A_2329 : f32 to vector<16xf32>
          %mul3A_2349 = arith.mulf %mul3A_2348, %get3A_2347 : vector<16xf32>
          %add3A_2350 = arith.addf %mul3A_2341, %mul3A_2349 : vector<16xf32>
          %get3A_2351 = arith.constant 2 : i32
          %get3A_2352 = arith.index_cast %select_n3A_107 : i32 to index
          %get3A_2353 = arith.index_cast %get3A_2351 : i32 to index
          %get3A_2354 = arith.index_cast %add3A_2323 : i32 to index
          %get3A_2355 = arith.constant 0 : index
          %get3A_2356 = tpu.vector_load %arg8[%get3A_2352, %get3A_2353, %get3A_2354, %get3A_2355] {strides = array<i32>} : memref<2x8x80x32xf32, #tpu.memory_space<vmem>>, vector<16xf32>,
          %mul3A_2357 = vector.broadcast %squeeze3A_2331 : f32 to vector<16xf32>
          %mul3A_2358 = arith.mulf %mul3A_2357, %get3A_2356 : vector<16xf32>
          %add3A_2359 = arith.addf %add3A_2350, %mul3A_2358 : vector<16xf32>
          %get3A_2360 = arith.constant 3 : i32
          %get3A_2361 = arith.index_cast %select_n3A_107 : i32 to index
          %get3A_2362 = arith.index_cast %get3A_2360 : i32 to index
          %get3A_2363 = arith.index_cast %add3A_2323 : i32 to index
          %get3A_2364 = arith.constant 0 : index
          %get3A_2365 = tpu.vector_load %arg8[%get3A_2361, %get3A_2362, %get3A_2363, %get3A_2364] {strides = array<i32>} : memref<2x8x80x32xf32, #tpu.memory_space<vmem>>, vector<16xf32>,
          %mul3A_2366 = vector.broadcast %squeeze3A_2333 : f32 to vector<16xf32>
          %mul3A_2367 = arith.mulf %mul3A_2366, %get3A_2365 : vector<16xf32>
          %add3A_2368 = arith.addf %add3A_2359, %mul3A_2367 : vector<16xf32>
          %get3A_2369 = arith.constant 4 : i32
          %get3A_2370 = arith.index_cast %select_n3A_107 : i32 to index
          %get3A_2371 = arith.index_cast %get3A_2369 : i32 to index
          %get3A_2372 = arith.index_cast %add3A_2323 : i32 to index
          %get3A_2373 = arith.constant 0 : index
          %get3A_2374 = tpu.vector_load %arg8[%get3A_2370, %get3A_2371, %get3A_2372, %get3A_2373] {strides = array<i32>} : memref<2x8x80x32xf32, #tpu.memory_space<vmem>>, vector<16xf32>,
          %mul3A_2375 = vector.broadcast %squeeze3A_2327 : f32 to vector<16xf32>
          %mul3A_2376 = arith.mulf %mul3A_2375, %get3A_2374 : vector<16xf32>
          %get3A_2377 = arith.constant 5 : i32
          %get3A_2378 = arith.index_cast %select_n3A_107 : i32 to index
          %get3A_2379 = arith.index_cast %get3A_2377 : i32 to index
          %get3A_2380 = arith.index_cast %add3A_2323 : i32 to index
          %get3A_2381 = arith.constant 0 : index
          %get3A_2382 = tpu.vector_load %arg8[%get3A_2378, %get3A_2379, %get3A_2380, %get3A_2381] {strides = array<i32>} : memref<2x8x80x32xf32, #tpu.memory_space<vmem>>, vector<16xf32>,
          %mul3A_2383 = vector.broadcast %squeeze3A_2329 : f32 to vector<16xf32>
          %mul3A_2384 = arith.mulf %mul3A_2383, %get3A_2382 : vector<16xf32>
          %add3A_2385 = arith.addf %mul3A_2376, %mul3A_2384 : vector<16xf32>
          %get3A_2386 = arith.constant 6 : i32
          %get3A_2387 = arith.index_cast %select_n3A_107 : i32 to index
          %get3A_2388 = arith.index_cast %get3A_2386 : i32 to index
          %get3A_2389 = arith.index_cast %add3A_2323 : i32 to index
          %get3A_2390 = arith.constant 0 : index
          %get3A_2391 = tpu.vector_load %arg8[%get3A_2387, %get3A_2388, %get3A_2389, %get3A_2390] {strides = array<i32>} : memref<2x8x80x32xf32, #tpu.memory_space<vmem>>, vector<16xf32>,
          %mul3A_2392 = vector.broadcast %squeeze3A_2331 : f32 to vector<16xf32>
          %mul3A_2393 = arith.mulf %mul3A_2392, %get3A_2391 : vector<16xf32>
          %add3A_2394 = arith.addf %add3A_2385, %mul3A_2393 : vector<16xf32>
          %get3A_2395 = arith.constant 7 : i32
          %get3A_2396 = arith.index_cast %select_n3A_107 : i32 to index
          %get3A_2397 = arith.index_cast %get3A_2395 : i32 to index
          %get3A_2398 = arith.index_cast %add3A_2323 : i32 to index
          %get3A_2399 = arith.constant 0 : index
          %get3A_2400 = tpu.vector_load %arg8[%get3A_2396, %get3A_2397, %get3A_2398, %get3A_2399] {strides = array<i32>} : memref<2x8x80x32xf32, #tpu.memory_space<vmem>>, vector<16xf32>,
          %mul3A_2401 = vector.broadcast %squeeze3A_2333 : f32 to vector<16xf32>
          %mul3A_2402 = arith.mulf %mul3A_2401, %get3A_2400 : vector<16xf32>
          %add3A_2403 = arith.addf %add3A_2394, %mul3A_2402 : vector<16xf32>
          %sub3A_2404 = arith.subf %add3A_2403, %add3A_2368 : vector<16xf32>
          %mul3A_2405 = vector.broadcast %squeeze3A_2325 : f32 to vector<16xf32>
          %mul3A_2406 = arith.mulf %mul3A_2405, %sub3A_2404 : vector<16xf32>
          %add3A_2407 = arith.addf %add3A_2368, %mul3A_2406 : vector<16xf32>
          %swap3A_2408 = arith.index_cast %add3A_2323 : i32 to index
          %swap3A_2409 = arith.constant 0 : index
          %swap3A_2410 = tpu.vector_load %arg11[%swap3A_2408, %swap3A_2409] {strides = array<i32>} : memref<80x32xf32, #tpu.memory_space<vmem>>, vector<16xf32>,
          tpu.vector_store %arg11[%swap3A_2408, %swap3A_2409], %add3A_2407 {strides = array<i32>} : memref<80x32xf32, #tpu.memory_space<vmem>>, vector<16xf32>,
          %get3A_2411 = arith.constant 0 : i32
          %get3A_2412 = arith.index_cast %select_n3A_107 : i32 to index
          %get3A_2413 = arith.index_cast %get3A_2411 : i32 to index
          %get3A_2414 = arith.index_cast %add3A_2323 : i32 to index
          %get3A_2415 = arith.constant 16 : index
          %get3A_2416 = tpu.vector_load %arg8[%get3A_2412, %get3A_2413, %get3A_2414, %get3A_2415] {strides = array<i32>} : memref<2x8x80x32xf32, #tpu.memory_space<vmem>>, vector<16xf32>,
          %mul3A_2417 = vector.broadcast %squeeze3A_2327 : f32 to vector<16xf32>
          %mul3A_2418 = arith.mulf %mul3A_2417, %get3A_2416 : vector<16xf32>
          %get3A_2419 = arith.constant 1 : i32
          %get3A_2420 = arith.index_cast %select_n3A_107 : i32 to index
          %get3A_2421 = arith.index_cast %get3A_2419 : i32 to index
          %get3A_2422 = arith.index_cast %add3A_2323 : i32 to index
          %get3A_2423 = arith.constant 16 : index
          %get3A_2424 = tpu.vector_load %arg8[%get3A_2420, %get3A_2421, %get3A_2422, %get3A_2423] {strides = array<i32>} : memref<2x8x80x32xf32, #tpu.memory_space<vmem>>, vector<16xf32>,
          %mul3A_2425 = vector.broadcast %squeeze3A_2329 : f32 to vector<16xf32>
          %mul3A_2426 = arith.mulf %mul3A_2425, %get3A_2424 : vector<16xf32>
          %add3A_2427 = arith.addf %mul3A_2418, %mul3A_2426 : vector<16xf32>
          %get3A_2428 = arith.constant 2 : i32
          %get3A_2429 = arith.index_cast %select_n3A_107 : i32 to index
          %get3A_2430 = arith.index_cast %get3A_2428 : i32 to index
          %get3A_2431 = arith.index_cast %add3A_2323 : i32 to index
          %get3A_2432 = arith.constant 16 : index
          %get3A_2433 = tpu.vector_load %arg8[%get3A_2429, %get3A_2430, %get3A_2431, %get3A_2432] {strides = array<i32>} : memref<2x8x80x32xf32, #tpu.memory_space<vmem>>, vector<16xf32>,
          %mul3A_2434 = vector.broadcast %squeeze3A_2331 : f32 to vector<16xf32>
          %mul3A_2435 = arith.mulf %mul3A_2434, %get3A_2433 : vector<16xf32>
          %add3A_2436 = arith.addf %add3A_2427, %mul3A_2435 : vector<16xf32>
          %get3A_2437 = arith.constant 3 : i32
          %get3A_2438 = arith.index_cast %select_n3A_107 : i32 to index
          %get3A_2439 = arith.index_cast %get3A_2437 : i32 to index
          %get3A_2440 = arith.index_cast %add3A_2323 : i32 to index
          %get3A_2441 = arith.constant 16 : index
          %get3A_2442 = tpu.vector_load %arg8[%get3A_2438, %get3A_2439, %get3A_2440, %get3A_2441] {strides = array<i32>} : memref<2x8x80x32xf32, #tpu.memory_space<vmem>>, vector<16xf32>,
          %mul3A_2443 = vector.broadcast %squeeze3A_2333 : f32 to vector<16xf32>
          %mul3A_2444 = arith.mulf %mul3A_2443, %get3A_2442 : vector<16xf32>
          %add3A_2445 = arith.addf %add3A_2436, %mul3A_2444 : vector<16xf32>
          %get3A_2446 = arith.constant 4 : i32
          %get3A_2447 = arith.index_cast %select_n3A_107 : i32 to index
          %get3A_2448 = arith.index_cast %get3A_2446 : i32 to index
          %get3A_2449 = arith.index_cast %add3A_2323 : i32 to index
          %get3A_2450 = arith.constant 16 : index
          %get3A_2451 = tpu.vector_load %arg8[%get3A_2447, %get3A_2448, %get3A_2449, %get3A_2450] {strides = array<i32>} : memref<2x8x80x32xf32, #tpu.memory_space<vmem>>, vector<16xf32>,
          %mul3A_2452 = vector.broadcast %squeeze3A_2327 : f32 to vector<16xf32>
          %mul3A_2453 = arith.mulf %mul3A_2452, %get3A_2451 : vector<16xf32>
          %get3A_2454 = arith.constant 5 : i32
          %get3A_2455 = arith.index_cast %select_n3A_107 : i32 to index
          %get3A_2456 = arith.index_cast %get3A_2454 : i32 to index
          %get3A_2457 = arith.index_cast %add3A_2323 : i32 to index
          %get3A_2458 = arith.constant 16 : index
          %get3A_2459 = tpu.vector_load %arg8[%get3A_2455, %get3A_2456, %get3A_2457, %get3A_2458] {strides = array<i32>} : memref<2x8x80x32xf32, #tpu.memory_space<vmem>>, vector<16xf32>,
          %mul3A_2460 = vector.broadcast %squeeze3A_2329 : f32 to vector<16xf32>
          %mul3A_2461 = arith.mulf %mul3A_2460, %get3A_2459 : vector<16xf32>
          %add3A_2462 = arith.addf %mul3A_2453, %mul3A_2461 : vector<16xf32>
          %get3A_2463 = arith.constant 6 : i32
          %get3A_2464 = arith.index_cast %select_n3A_107 : i32 to index
          %get3A_2465 = arith.index_cast %get3A_2463 : i32 to index
          %get3A_2466 = arith.index_cast %add3A_2323 : i32 to index
          %get3A_2467 = arith.constant 16 : index
          %get3A_2468 = tpu.vector_load %arg8[%get3A_2464, %get3A_2465, %get3A_2466, %get3A_2467] {strides = array<i32>} : memref<2x8x80x32xf32, #tpu.memory_space<vmem>>, vector<16xf32>,
          %mul3A_2469 = vector.broadcast %squeeze3A_2331 : f32 to vector<16xf32>
          %mul3A_2470 = arith.mulf %mul3A_2469, %get3A_2468 : vector<16xf32>
          %add3A_2471 = arith.addf %add3A_2462, %mul3A_2470 : vector<16xf32>
          %get3A_2472 = arith.constant 7 : i32
          %get3A_2473 = arith.index_cast %select_n3A_107 : i32 to index
          %get3A_2474 = arith.index_cast %get3A_2472 : i32 to index
          %get3A_2475 = arith.index_cast %add3A_2323 : i32 to index
          %get3A_2476 = arith.constant 16 : index
          %get3A_2477 = tpu.vector_load %arg8[%get3A_2473, %get3A_2474, %get3A_2475, %get3A_2476] {strides = array<i32>} : memref<2x8x80x32xf32, #tpu.memory_space<vmem>>, vector<16xf32>,
          %mul3A_2478 = vector.broadcast %squeeze3A_2333 : f32 to vector<16xf32>
          %mul3A_2479 = arith.mulf %mul3A_2478, %get3A_2477 : vector<16xf32>
          %add3A_2480 = arith.addf %add3A_2471, %mul3A_2479 : vector<16xf32>
          %sub3A_2481 = arith.subf %add3A_2480, %add3A_2445 : vector<16xf32>
          %mul3A_2482 = vector.broadcast %squeeze3A_2325 : f32 to vector<16xf32>
          %mul3A_2483 = arith.mulf %mul3A_2482, %sub3A_2481 : vector<16xf32>
          %add3A_2484 = arith.addf %add3A_2445, %mul3A_2483 : vector<16xf32>
          %swap3A_2485 = arith.index_cast %add3A_2323 : i32 to index
          %swap3A_2486 = arith.constant 16 : index
          %swap3A_2487 = tpu.vector_load %arg11[%swap3A_2485, %swap3A_2486] {strides = array<i32>} : memref<80x32xf32, #tpu.memory_space<vmem>>, vector<16xf32>,
          tpu.vector_store %arg11[%swap3A_2485, %swap3A_2486], %add3A_2484 {strides = array<i32>} : memref<80x32xf32, #tpu.memory_space<vmem>>, vector<16xf32>,
          %mul3A_2488 = arith.constant 16 : i32
          %mul3A_2489 = arith.muli %scan3A_271, %mul3A_2488 : i32
          %add3A_2490 = arith.constant 13 : i32
          %add3A_2491 = arith.addi %mul3A_2489, %add3A_2490 : i32
          %slice3A_2492 = vector.extract_strided_slice %get3A_278 {offsets = [13], sizes = [1], strides = [1]} : vector<16xf32> to vector<1xf32>
          %squeeze3A_2493 = vector.extract %slice3A_2492[0] : f32 from vector<1xf32>
          %slice3A_2494 = vector.extract_strided_slice %get3A_285 {offsets = [13], sizes = [1], strides = [1]} : vector<16xf32> to vector<1xf32>
          %squeeze3A_2495 = vector.extract %slice3A_2494[0] : f32 from vector<1xf32>
          %slice3A_2496 = vector.extract_strided_slice %get3A_292 {offsets = [13], sizes = [1], strides = [1]} : vector<16xf32> to vector<1xf32>
          %squeeze3A_2497 = vector.extract %slice3A_2496[0] : f32 from vector<1xf32>
          %slice3A_2498 = vector.extract_strided_slice %get3A_299 {offsets = [13], sizes = [1], strides = [1]} : vector<16xf32> to vector<1xf32>
          %squeeze3A_2499 = vector.extract %slice3A_2498[0] : f32 from vector<1xf32>
          %slice3A_2500 = vector.extract_strided_slice %get3A_306 {offsets = [13], sizes = [1], strides = [1]} : vector<16xf32> to vector<1xf32>
          %squeeze3A_2501 = vector.extract %slice3A_2500[0] : f32 from vector<1xf32>
          %get3A_2502 = arith.constant 0 : i32
          %get3A_2503 = arith.index_cast %select_n3A_107 : i32 to index
          %get3A_2504 = arith.index_cast %get3A_2502 : i32 to index
          %get3A_2505 = arith.index_cast %add3A_2491 : i32 to index
          %get3A_2506 = arith.constant 0 : index
          %get3A_2507 = tpu.vector_load %arg8[%get3A_2503, %get3A_2504, %get3A_2505, %get3A_2506] {strides = array<i32>} : memref<2x8x80x32xf32, #tpu.memory_space<vmem>>, vector<16xf32>,
          %mul3A_2508 = vector.broadcast %squeeze3A_2495 : f32 to vector<16xf32>
          %mul3A_2509 = arith.mulf %mul3A_2508, %get3A_2507 : vector<16xf32>
          %get3A_2510 = arith.constant 1 : i32
          %get3A_2511 = arith.index_cast %select_n3A_107 : i32 to index
          %get3A_2512 = arith.index_cast %get3A_2510 : i32 to index
          %get3A_2513 = arith.index_cast %add3A_2491 : i32 to index
          %get3A_2514 = arith.constant 0 : index
          %get3A_2515 = tpu.vector_load %arg8[%get3A_2511, %get3A_2512, %get3A_2513, %get3A_2514] {strides = array<i32>} : memref<2x8x80x32xf32, #tpu.memory_space<vmem>>, vector<16xf32>,
          %mul3A_2516 = vector.broadcast %squeeze3A_2497 : f32 to vector<16xf32>
          %mul3A_2517 = arith.mulf %mul3A_2516, %get3A_2515 : vector<16xf32>
          %add3A_2518 = arith.addf %mul3A_2509, %mul3A_2517 : vector<16xf32>
          %get3A_2519 = arith.constant 2 : i32
          %get3A_2520 = arith.index_cast %select_n3A_107 : i32 to index
          %get3A_2521 = arith.index_cast %get3A_2519 : i32 to index
          %get3A_2522 = arith.index_cast %add3A_2491 : i32 to index
          %get3A_2523 = arith.constant 0 : index
          %get3A_2524 = tpu.vector_load %arg8[%get3A_2520, %get3A_2521, %get3A_2522, %get3A_2523] {strides = array<i32>} : memref<2x8x80x32xf32, #tpu.memory_space<vmem>>, vector<16xf32>,
          %mul3A_2525 = vector.broadcast %squeeze3A_2499 : f32 to vector<16xf32>
          %mul3A_2526 = arith.mulf %mul3A_2525, %get3A_2524 : vector<16xf32>
          %add3A_2527 = arith.addf %add3A_2518, %mul3A_2526 : vector<16xf32>
          %get3A_2528 = arith.constant 3 : i32
          %get3A_2529 = arith.index_cast %select_n3A_107 : i32 to index
          %get3A_2530 = arith.index_cast %get3A_2528 : i32 to index
          %get3A_2531 = arith.index_cast %add3A_2491 : i32 to index
          %get3A_2532 = arith.constant 0 : index
          %get3A_2533 = tpu.vector_load %arg8[%get3A_2529, %get3A_2530, %get3A_2531, %get3A_2532] {strides = array<i32>} : memref<2x8x80x32xf32, #tpu.memory_space<vmem>>, vector<16xf32>,
          %mul3A_2534 = vector.broadcast %squeeze3A_2501 : f32 to vector<16xf32>
          %mul3A_2535 = arith.mulf %mul3A_2534, %get3A_2533 : vector<16xf32>
          %add3A_2536 = arith.addf %add3A_2527, %mul3A_2535 : vector<16xf32>
          %get3A_2537 = arith.constant 4 : i32
          %get3A_2538 = arith.index_cast %select_n3A_107 : i32 to index
          %get3A_2539 = arith.index_cast %get3A_2537 : i32 to index
          %get3A_2540 = arith.index_cast %add3A_2491 : i32 to index
          %get3A_2541 = arith.constant 0 : index
          %get3A_2542 = tpu.vector_load %arg8[%get3A_2538, %get3A_2539, %get3A_2540, %get3A_2541] {strides = array<i32>} : memref<2x8x80x32xf32, #tpu.memory_space<vmem>>, vector<16xf32>,
          %mul3A_2543 = vector.broadcast %squeeze3A_2495 : f32 to vector<16xf32>
          %mul3A_2544 = arith.mulf %mul3A_2543, %get3A_2542 : vector<16xf32>
          %get3A_2545 = arith.constant 5 : i32
          %get3A_2546 = arith.index_cast %select_n3A_107 : i32 to index
          %get3A_2547 = arith.index_cast %get3A_2545 : i32 to index
          %get3A_2548 = arith.index_cast %add3A_2491 : i32 to index
          %get3A_2549 = arith.constant 0 : index
          %get3A_2550 = tpu.vector_load %arg8[%get3A_2546, %get3A_2547, %get3A_2548, %get3A_2549] {strides = array<i32>} : memref<2x8x80x32xf32, #tpu.memory_space<vmem>>, vector<16xf32>,
          %mul3A_2551 = vector.broadcast %squeeze3A_2497 : f32 to vector<16xf32>
          %mul3A_2552 = arith.mulf %mul3A_2551, %get3A_2550 : vector<16xf32>
          %add3A_2553 = arith.addf %mul3A_2544, %mul3A_2552 : vector<16xf32>
          %get3A_2554 = arith.constant 6 : i32
          %get3A_2555 = arith.index_cast %select_n3A_107 : i32 to index
          %get3A_2556 = arith.index_cast %get3A_2554 : i32 to index
          %get3A_2557 = arith.index_cast %add3A_2491 : i32 to index
          %get3A_2558 = arith.constant 0 : index
          %get3A_2559 = tpu.vector_load %arg8[%get3A_2555, %get3A_2556, %get3A_2557, %get3A_2558] {strides = array<i32>} : memref<2x8x80x32xf32, #tpu.memory_space<vmem>>, vector<16xf32>,
          %mul3A_2560 = vector.broadcast %squeeze3A_2499 : f32 to vector<16xf32>
          %mul3A_2561 = arith.mulf %mul3A_2560, %get3A_2559 : vector<16xf32>
          %add3A_2562 = arith.addf %add3A_2553, %mul3A_2561 : vector<16xf32>
          %get3A_2563 = arith.constant 7 : i32
          %get3A_2564 = arith.index_cast %select_n3A_107 : i32 to index
          %get3A_2565 = arith.index_cast %get3A_2563 : i32 to index
          %get3A_2566 = arith.index_cast %add3A_2491 : i32 to index
          %get3A_2567 = arith.constant 0 : index
          %get3A_2568 = tpu.vector_load %arg8[%get3A_2564, %get3A_2565, %get3A_2566, %get3A_2567] {strides = array<i32>} : memref<2x8x80x32xf32, #tpu.memory_space<vmem>>, vector<16xf32>,
          %mul3A_2569 = vector.broadcast %squeeze3A_2501 : f32 to vector<16xf32>
          %mul3A_2570 = arith.mulf %mul3A_2569, %get3A_2568 : vector<16xf32>
          %add3A_2571 = arith.addf %add3A_2562, %mul3A_2570 : vector<16xf32>
          %sub3A_2572 = arith.subf %add3A_2571, %add3A_2536 : vector<16xf32>
          %mul3A_2573 = vector.broadcast %squeeze3A_2493 : f32 to vector<16xf32>
          %mul3A_2574 = arith.mulf %mul3A_2573, %sub3A_2572 : vector<16xf32>
          %add3A_2575 = arith.addf %add3A_2536, %mul3A_2574 : vector<16xf32>
          %swap3A_2576 = arith.index_cast %add3A_2491 : i32 to index
          %swap3A_2577 = arith.constant 0 : index
          %swap3A_2578 = tpu.vector_load %arg11[%swap3A_2576, %swap3A_2577] {strides = array<i32>} : memref<80x32xf32, #tpu.memory_space<vmem>>, vector<16xf32>,
          tpu.vector_store %arg11[%swap3A_2576, %swap3A_2577], %add3A_2575 {strides = array<i32>} : memref<80x32xf32, #tpu.memory_space<vmem>>, vector<16xf32>,
          %get3A_2579 = arith.constant 0 : i32
          %get3A_2580 = arith.index_cast %select_n3A_107 : i32 to index
          %get3A_2581 = arith.index_cast %get3A_2579 : i32 to index
          %get3A_2582 = arith.index_cast %add3A_2491 : i32 to index
          %get3A_2583 = arith.constant 16 : index
          %get3A_2584 = tpu.vector_load %arg8[%get3A_2580, %get3A_2581, %get3A_2582, %get3A_2583] {strides = array<i32>} : memref<2x8x80x32xf32, #tpu.memory_space<vmem>>, vector<16xf32>,
          %mul3A_2585 = vector.broadcast %squeeze3A_2495 : f32 to vector<16xf32>
          %mul3A_2586 = arith.mulf %mul3A_2585, %get3A_2584 : vector<16xf32>
          %get3A_2587 = arith.constant 1 : i32
          %get3A_2588 = arith.index_cast %select_n3A_107 : i32 to index
          %get3A_2589 = arith.index_cast %get3A_2587 : i32 to index
          %get3A_2590 = arith.index_cast %add3A_2491 : i32 to index
          %get3A_2591 = arith.constant 16 : index
          %get3A_2592 = tpu.vector_load %arg8[%get3A_2588, %get3A_2589, %get3A_2590, %get3A_2591] {strides = array<i32>} : memref<2x8x80x32xf32, #tpu.memory_space<vmem>>, vector<16xf32>,
          %mul3A_2593 = vector.broadcast %squeeze3A_2497 : f32 to vector<16xf32>
          %mul3A_2594 = arith.mulf %mul3A_2593, %get3A_2592 : vector<16xf32>
          %add3A_2595 = arith.addf %mul3A_2586, %mul3A_2594 : vector<16xf32>
          %get3A_2596 = arith.constant 2 : i32
          %get3A_2597 = arith.index_cast %select_n3A_107 : i32 to index
          %get3A_2598 = arith.index_cast %get3A_2596 : i32 to index
          %get3A_2599 = arith.index_cast %add3A_2491 : i32 to index
          %get3A_2600 = arith.constant 16 : index
          %get3A_2601 = tpu.vector_load %arg8[%get3A_2597, %get3A_2598, %get3A_2599, %get3A_2600] {strides = array<i32>} : memref<2x8x80x32xf32, #tpu.memory_space<vmem>>, vector<16xf32>,
          %mul3A_2602 = vector.broadcast %squeeze3A_2499 : f32 to vector<16xf32>
          %mul3A_2603 = arith.mulf %mul3A_2602, %get3A_2601 : vector<16xf32>
          %add3A_2604 = arith.addf %add3A_2595, %mul3A_2603 : vector<16xf32>
          %get3A_2605 = arith.constant 3 : i32
          %get3A_2606 = arith.index_cast %select_n3A_107 : i32 to index
          %get3A_2607 = arith.index_cast %get3A_2605 : i32 to index
          %get3A_2608 = arith.index_cast %add3A_2491 : i32 to index
          %get3A_2609 = arith.constant 16 : index
          %get3A_2610 = tpu.vector_load %arg8[%get3A_2606, %get3A_2607, %get3A_2608, %get3A_2609] {strides = array<i32>} : memref<2x8x80x32xf32, #tpu.memory_space<vmem>>, vector<16xf32>,
          %mul3A_2611 = vector.broadcast %squeeze3A_2501 : f32 to vector<16xf32>
          %mul3A_2612 = arith.mulf %mul3A_2611, %get3A_2610 : vector<16xf32>
          %add3A_2613 = arith.addf %add3A_2604, %mul3A_2612 : vector<16xf32>
          %get3A_2614 = arith.constant 4 : i32
          %get3A_2615 = arith.index_cast %select_n3A_107 : i32 to index
          %get3A_2616 = arith.index_cast %get3A_2614 : i32 to index
          %get3A_2617 = arith.index_cast %add3A_2491 : i32 to index
          %get3A_2618 = arith.constant 16 : index
          %get3A_2619 = tpu.vector_load %arg8[%get3A_2615, %get3A_2616, %get3A_2617, %get3A_2618] {strides = array<i32>} : memref<2x8x80x32xf32, #tpu.memory_space<vmem>>, vector<16xf32>,
          %mul3A_2620 = vector.broadcast %squeeze3A_2495 : f32 to vector<16xf32>
          %mul3A_2621 = arith.mulf %mul3A_2620, %get3A_2619 : vector<16xf32>
          %get3A_2622 = arith.constant 5 : i32
          %get3A_2623 = arith.index_cast %select_n3A_107 : i32 to index
          %get3A_2624 = arith.index_cast %get3A_2622 : i32 to index
          %get3A_2625 = arith.index_cast %add3A_2491 : i32 to index
          %get3A_2626 = arith.constant 16 : index
          %get3A_2627 = tpu.vector_load %arg8[%get3A_2623, %get3A_2624, %get3A_2625, %get3A_2626] {strides = array<i32>} : memref<2x8x80x32xf32, #tpu.memory_space<vmem>>, vector<16xf32>,
          %mul3A_2628 = vector.broadcast %squeeze3A_2497 : f32 to vector<16xf32>
          %mul3A_2629 = arith.mulf %mul3A_2628, %get3A_2627 : vector<16xf32>
          %add3A_2630 = arith.addf %mul3A_2621, %mul3A_2629 : vector<16xf32>
          %get3A_2631 = arith.constant 6 : i32
          %get3A_2632 = arith.index_cast %select_n3A_107 : i32 to index
          %get3A_2633 = arith.index_cast %get3A_2631 : i32 to index
          %get3A_2634 = arith.index_cast %add3A_2491 : i32 to index
          %get3A_2635 = arith.constant 16 : index
          %get3A_2636 = tpu.vector_load %arg8[%get3A_2632, %get3A_2633, %get3A_2634, %get3A_2635] {strides = array<i32>} : memref<2x8x80x32xf32, #tpu.memory_space<vmem>>, vector<16xf32>,
          %mul3A_2637 = vector.broadcast %squeeze3A_2499 : f32 to vector<16xf32>
          %mul3A_2638 = arith.mulf %mul3A_2637, %get3A_2636 : vector<16xf32>
          %add3A_2639 = arith.addf %add3A_2630, %mul3A_2638 : vector<16xf32>
          %get3A_2640 = arith.constant 7 : i32
          %get3A_2641 = arith.index_cast %select_n3A_107 : i32 to index
          %get3A_2642 = arith.index_cast %get3A_2640 : i32 to index
          %get3A_2643 = arith.index_cast %add3A_2491 : i32 to index
          %get3A_2644 = arith.constant 16 : index
          %get3A_2645 = tpu.vector_load %arg8[%get3A_2641, %get3A_2642, %get3A_2643, %get3A_2644] {strides = array<i32>} : memref<2x8x80x32xf32, #tpu.memory_space<vmem>>, vector<16xf32>,
          %mul3A_2646 = vector.broadcast %squeeze3A_2501 : f32 to vector<16xf32>
          %mul3A_2647 = arith.mulf %mul3A_2646, %get3A_2645 : vector<16xf32>
          %add3A_2648 = arith.addf %add3A_2639, %mul3A_2647 : vector<16xf32>
          %sub3A_2649 = arith.subf %add3A_2648, %add3A_2613 : vector<16xf32>
          %mul3A_2650 = vector.broadcast %squeeze3A_2493 : f32 to vector<16xf32>
          %mul3A_2651 = arith.mulf %mul3A_2650, %sub3A_2649 : vector<16xf32>
          %add3A_2652 = arith.addf %add3A_2613, %mul3A_2651 : vector<16xf32>
          %swap3A_2653 = arith.index_cast %add3A_2491 : i32 to index
          %swap3A_2654 = arith.constant 16 : index
          %swap3A_2655 = tpu.vector_load %arg11[%swap3A_2653, %swap3A_2654] {strides = array<i32>} : memref<80x32xf32, #tpu.memory_space<vmem>>, vector<16xf32>,
          tpu.vector_store %arg11[%swap3A_2653, %swap3A_2654], %add3A_2652 {strides = array<i32>} : memref<80x32xf32, #tpu.memory_space<vmem>>, vector<16xf32>,
          %mul3A_2656 = arith.constant 16 : i32
          %mul3A_2657 = arith.muli %scan3A_271, %mul3A_2656 : i32
          %add3A_2658 = arith.constant 14 : i32
          %add3A_2659 = arith.addi %mul3A_2657, %add3A_2658 : i32
          %slice3A_2660 = vector.extract_strided_slice %get3A_278 {offsets = [14], sizes = [1], strides = [1]} : vector<16xf32> to vector<1xf32>
          %squeeze3A_2661 = vector.extract %slice3A_2660[0] : f32 from vector<1xf32>
          %slice3A_2662 = vector.extract_strided_slice %get3A_285 {offsets = [14], sizes = [1], strides = [1]} : vector<16xf32> to vector<1xf32>
          %squeeze3A_2663 = vector.extract %slice3A_2662[0] : f32 from vector<1xf32>
          %slice3A_2664 = vector.extract_strided_slice %get3A_292 {offsets = [14], sizes = [1], strides = [1]} : vector<16xf32> to vector<1xf32>
          %squeeze3A_2665 = vector.extract %slice3A_2664[0] : f32 from vector<1xf32>
          %slice3A_2666 = vector.extract_strided_slice %get3A_299 {offsets = [14], sizes = [1], strides = [1]} : vector<16xf32> to vector<1xf32>
          %squeeze3A_2667 = vector.extract %slice3A_2666[0] : f32 from vector<1xf32>
          %slice3A_2668 = vector.extract_strided_slice %get3A_306 {offsets = [14], sizes = [1], strides = [1]} : vector<16xf32> to vector<1xf32>
          %squeeze3A_2669 = vector.extract %slice3A_2668[0] : f32 from vector<1xf32>
          %get3A_2670 = arith.constant 0 : i32
          %get3A_2671 = arith.index_cast %select_n3A_107 : i32 to index
          %get3A_2672 = arith.index_cast %get3A_2670 : i32 to index
          %get3A_2673 = arith.index_cast %add3A_2659 : i32 to index
          %get3A_2674 = arith.constant 0 : index
          %get3A_2675 = tpu.vector_load %arg8[%get3A_2671, %get3A_2672, %get3A_2673, %get3A_2674] {strides = array<i32>} : memref<2x8x80x32xf32, #tpu.memory_space<vmem>>, vector<16xf32>,
          %mul3A_2676 = vector.broadcast %squeeze3A_2663 : f32 to vector<16xf32>
          %mul3A_2677 = arith.mulf %mul3A_2676, %get3A_2675 : vector<16xf32>
          %get3A_2678 = arith.constant 1 : i32
          %get3A_2679 = arith.index_cast %select_n3A_107 : i32 to index
          %get3A_2680 = arith.index_cast %get3A_2678 : i32 to index
          %get3A_2681 = arith.index_cast %add3A_2659 : i32 to index
          %get3A_2682 = arith.constant 0 : index
          %get3A_2683 = tpu.vector_load %arg8[%get3A_2679, %get3A_2680, %get3A_2681, %get3A_2682] {strides = array<i32>} : memref<2x8x80x32xf32, #tpu.memory_space<vmem>>, vector<16xf32>,
          %mul3A_2684 = vector.broadcast %squeeze3A_2665 : f32 to vector<16xf32>
          %mul3A_2685 = arith.mulf %mul3A_2684, %get3A_2683 : vector<16xf32>
          %add3A_2686 = arith.addf %mul3A_2677, %mul3A_2685 : vector<16xf32>
          %get3A_2687 = arith.constant 2 : i32
          %get3A_2688 = arith.index_cast %select_n3A_107 : i32 to index
          %get3A_2689 = arith.index_cast %get3A_2687 : i32 to index
          %get3A_2690 = arith.index_cast %add3A_2659 : i32 to index
          %get3A_2691 = arith.constant 0 : index
          %get3A_2692 = tpu.vector_load %arg8[%get3A_2688, %get3A_2689, %get3A_2690, %get3A_2691] {strides = array<i32>} : memref<2x8x80x32xf32, #tpu.memory_space<vmem>>, vector<16xf32>,
          %mul3A_2693 = vector.broadcast %squeeze3A_2667 : f32 to vector<16xf32>
          %mul3A_2694 = arith.mulf %mul3A_2693, %get3A_2692 : vector<16xf32>
          %add3A_2695 = arith.addf %add3A_2686, %mul3A_2694 : vector<16xf32>
          %get3A_2696 = arith.constant 3 : i32
          %get3A_2697 = arith.index_cast %select_n3A_107 : i32 to index
          %get3A_2698 = arith.index_cast %get3A_2696 : i32 to index
          %get3A_2699 = arith.index_cast %add3A_2659 : i32 to index
          %get3A_2700 = arith.constant 0 : index
          %get3A_2701 = tpu.vector_load %arg8[%get3A_2697, %get3A_2698, %get3A_2699, %get3A_2700] {strides = array<i32>} : memref<2x8x80x32xf32, #tpu.memory_space<vmem>>, vector<16xf32>,
          %mul3A_2702 = vector.broadcast %squeeze3A_2669 : f32 to vector<16xf32>
          %mul3A_2703 = arith.mulf %mul3A_2702, %get3A_2701 : vector<16xf32>
          %add3A_2704 = arith.addf %add3A_2695, %mul3A_2703 : vector<16xf32>
          %get3A_2705 = arith.constant 4 : i32
          %get3A_2706 = arith.index_cast %select_n3A_107 : i32 to index
          %get3A_2707 = arith.index_cast %get3A_2705 : i32 to index
          %get3A_2708 = arith.index_cast %add3A_2659 : i32 to index
          %get3A_2709 = arith.constant 0 : index
          %get3A_2710 = tpu.vector_load %arg8[%get3A_2706, %get3A_2707, %get3A_2708, %get3A_2709] {strides = array<i32>} : memref<2x8x80x32xf32, #tpu.memory_space<vmem>>, vector<16xf32>,
          %mul3A_2711 = vector.broadcast %squeeze3A_2663 : f32 to vector<16xf32>
          %mul3A_2712 = arith.mulf %mul3A_2711, %get3A_2710 : vector<16xf32>
          %get3A_2713 = arith.constant 5 : i32
          %get3A_2714 = arith.index_cast %select_n3A_107 : i32 to index
          %get3A_2715 = arith.index_cast %get3A_2713 : i32 to index
          %get3A_2716 = arith.index_cast %add3A_2659 : i32 to index
          %get3A_2717 = arith.constant 0 : index
          %get3A_2718 = tpu.vector_load %arg8[%get3A_2714, %get3A_2715, %get3A_2716, %get3A_2717] {strides = array<i32>} : memref<2x8x80x32xf32, #tpu.memory_space<vmem>>, vector<16xf32>,
          %mul3A_2719 = vector.broadcast %squeeze3A_2665 : f32 to vector<16xf32>
          %mul3A_2720 = arith.mulf %mul3A_2719, %get3A_2718 : vector<16xf32>
          %add3A_2721 = arith.addf %mul3A_2712, %mul3A_2720 : vector<16xf32>
          %get3A_2722 = arith.constant 6 : i32
          %get3A_2723 = arith.index_cast %select_n3A_107 : i32 to index
          %get3A_2724 = arith.index_cast %get3A_2722 : i32 to index
          %get3A_2725 = arith.index_cast %add3A_2659 : i32 to index
          %get3A_2726 = arith.constant 0 : index
          %get3A_2727 = tpu.vector_load %arg8[%get3A_2723, %get3A_2724, %get3A_2725, %get3A_2726] {strides = array<i32>} : memref<2x8x80x32xf32, #tpu.memory_space<vmem>>, vector<16xf32>,
          %mul3A_2728 = vector.broadcast %squeeze3A_2667 : f32 to vector<16xf32>
          %mul3A_2729 = arith.mulf %mul3A_2728, %get3A_2727 : vector<16xf32>
          %add3A_2730 = arith.addf %add3A_2721, %mul3A_2729 : vector<16xf32>
          %get3A_2731 = arith.constant 7 : i32
          %get3A_2732 = arith.index_cast %select_n3A_107 : i32 to index
          %get3A_2733 = arith.index_cast %get3A_2731 : i32 to index
          %get3A_2734 = arith.index_cast %add3A_2659 : i32 to index
          %get3A_2735 = arith.constant 0 : index
          %get3A_2736 = tpu.vector_load %arg8[%get3A_2732, %get3A_2733, %get3A_2734, %get3A_2735] {strides = array<i32>} : memref<2x8x80x32xf32, #tpu.memory_space<vmem>>, vector<16xf32>,
          %mul3A_2737 = vector.broadcast %squeeze3A_2669 : f32 to vector<16xf32>
          %mul3A_2738 = arith.mulf %mul3A_2737, %get3A_2736 : vector<16xf32>
          %add3A_2739 = arith.addf %add3A_2730, %mul3A_2738 : vector<16xf32>
          %sub3A_2740 = arith.subf %add3A_2739, %add3A_2704 : vector<16xf32>
          %mul3A_2741 = vector.broadcast %squeeze3A_2661 : f32 to vector<16xf32>
          %mul3A_2742 = arith.mulf %mul3A_2741, %sub3A_2740 : vector<16xf32>
          %add3A_2743 = arith.addf %add3A_2704, %mul3A_2742 : vector<16xf32>
          %swap3A_2744 = arith.index_cast %add3A_2659 : i32 to index
          %swap3A_2745 = arith.constant 0 : index
          %swap3A_2746 = tpu.vector_load %arg11[%swap3A_2744, %swap3A_2745] {strides = array<i32>} : memref<80x32xf32, #tpu.memory_space<vmem>>, vector<16xf32>,
          tpu.vector_store %arg11[%swap3A_2744, %swap3A_2745], %add3A_2743 {strides = array<i32>} : memref<80x32xf32, #tpu.memory_space<vmem>>, vector<16xf32>,
          %get3A_2747 = arith.constant 0 : i32
          %get3A_2748 = arith.index_cast %select_n3A_107 : i32 to index
          %get3A_2749 = arith.index_cast %get3A_2747 : i32 to index
          %get3A_2750 = arith.index_cast %add3A_2659 : i32 to index
          %get3A_2751 = arith.constant 16 : index
          %get3A_2752 = tpu.vector_load %arg8[%get3A_2748, %get3A_2749, %get3A_2750, %get3A_2751] {strides = array<i32>} : memref<2x8x80x32xf32, #tpu.memory_space<vmem>>, vector<16xf32>,
          %mul3A_2753 = vector.broadcast %squeeze3A_2663 : f32 to vector<16xf32>
          %mul3A_2754 = arith.mulf %mul3A_2753, %get3A_2752 : vector<16xf32>
          %get3A_2755 = arith.constant 1 : i32
          %get3A_2756 = arith.index_cast %select_n3A_107 : i32 to index
          %get3A_2757 = arith.index_cast %get3A_2755 : i32 to index
          %get3A_2758 = arith.index_cast %add3A_2659 : i32 to index
          %get3A_2759 = arith.constant 16 : index
          %get3A_2760 = tpu.vector_load %arg8[%get3A_2756, %get3A_2757, %get3A_2758, %get3A_2759] {strides = array<i32>} : memref<2x8x80x32xf32, #tpu.memory_space<vmem>>, vector<16xf32>,
          %mul3A_2761 = vector.broadcast %squeeze3A_2665 : f32 to vector<16xf32>
          %mul3A_2762 = arith.mulf %mul3A_2761, %get3A_2760 : vector<16xf32>
          %add3A_2763 = arith.addf %mul3A_2754, %mul3A_2762 : vector<16xf32>
          %get3A_2764 = arith.constant 2 : i32
          %get3A_2765 = arith.index_cast %select_n3A_107 : i32 to index
          %get3A_2766 = arith.index_cast %get3A_2764 : i32 to index
          %get3A_2767 = arith.index_cast %add3A_2659 : i32 to index
          %get3A_2768 = arith.constant 16 : index
          %get3A_2769 = tpu.vector_load %arg8[%get3A_2765, %get3A_2766, %get3A_2767, %get3A_2768] {strides = array<i32>} : memref<2x8x80x32xf32, #tpu.memory_space<vmem>>, vector<16xf32>,
          %mul3A_2770 = vector.broadcast %squeeze3A_2667 : f32 to vector<16xf32>
          %mul3A_2771 = arith.mulf %mul3A_2770, %get3A_2769 : vector<16xf32>
          %add3A_2772 = arith.addf %add3A_2763, %mul3A_2771 : vector<16xf32>
          %get3A_2773 = arith.constant 3 : i32
          %get3A_2774 = arith.index_cast %select_n3A_107 : i32 to index
          %get3A_2775 = arith.index_cast %get3A_2773 : i32 to index
          %get3A_2776 = arith.index_cast %add3A_2659 : i32 to index
          %get3A_2777 = arith.constant 16 : index
          %get3A_2778 = tpu.vector_load %arg8[%get3A_2774, %get3A_2775, %get3A_2776, %get3A_2777] {strides = array<i32>} : memref<2x8x80x32xf32, #tpu.memory_space<vmem>>, vector<16xf32>,
          %mul3A_2779 = vector.broadcast %squeeze3A_2669 : f32 to vector<16xf32>
          %mul3A_2780 = arith.mulf %mul3A_2779, %get3A_2778 : vector<16xf32>
          %add3A_2781 = arith.addf %add3A_2772, %mul3A_2780 : vector<16xf32>
          %get3A_2782 = arith.constant 4 : i32
          %get3A_2783 = arith.index_cast %select_n3A_107 : i32 to index
          %get3A_2784 = arith.index_cast %get3A_2782 : i32 to index
          %get3A_2785 = arith.index_cast %add3A_2659 : i32 to index
          %get3A_2786 = arith.constant 16 : index
          %get3A_2787 = tpu.vector_load %arg8[%get3A_2783, %get3A_2784, %get3A_2785, %get3A_2786] {strides = array<i32>} : memref<2x8x80x32xf32, #tpu.memory_space<vmem>>, vector<16xf32>,
          %mul3A_2788 = vector.broadcast %squeeze3A_2663 : f32 to vector<16xf32>
          %mul3A_2789 = arith.mulf %mul3A_2788, %get3A_2787 : vector<16xf32>
          %get3A_2790 = arith.constant 5 : i32
          %get3A_2791 = arith.index_cast %select_n3A_107 : i32 to index
          %get3A_2792 = arith.index_cast %get3A_2790 : i32 to index
          %get3A_2793 = arith.index_cast %add3A_2659 : i32 to index
          %get3A_2794 = arith.constant 16 : index
          %get3A_2795 = tpu.vector_load %arg8[%get3A_2791, %get3A_2792, %get3A_2793, %get3A_2794] {strides = array<i32>} : memref<2x8x80x32xf32, #tpu.memory_space<vmem>>, vector<16xf32>,
          %mul3A_2796 = vector.broadcast %squeeze3A_2665 : f32 to vector<16xf32>
          %mul3A_2797 = arith.mulf %mul3A_2796, %get3A_2795 : vector<16xf32>
          %add3A_2798 = arith.addf %mul3A_2789, %mul3A_2797 : vector<16xf32>
          %get3A_2799 = arith.constant 6 : i32
          %get3A_2800 = arith.index_cast %select_n3A_107 : i32 to index
          %get3A_2801 = arith.index_cast %get3A_2799 : i32 to index
          %get3A_2802 = arith.index_cast %add3A_2659 : i32 to index
          %get3A_2803 = arith.constant 16 : index
          %get3A_2804 = tpu.vector_load %arg8[%get3A_2800, %get3A_2801, %get3A_2802, %get3A_2803] {strides = array<i32>} : memref<2x8x80x32xf32, #tpu.memory_space<vmem>>, vector<16xf32>,
          %mul3A_2805 = vector.broadcast %squeeze3A_2667 : f32 to vector<16xf32>
          %mul3A_2806 = arith.mulf %mul3A_2805, %get3A_2804 : vector<16xf32>
          %add3A_2807 = arith.addf %add3A_2798, %mul3A_2806 : vector<16xf32>
          %get3A_2808 = arith.constant 7 : i32
          %get3A_2809 = arith.index_cast %select_n3A_107 : i32 to index
          %get3A_2810 = arith.index_cast %get3A_2808 : i32 to index
          %get3A_2811 = arith.index_cast %add3A_2659 : i32 to index
          %get3A_2812 = arith.constant 16 : index
          %get3A_2813 = tpu.vector_load %arg8[%get3A_2809, %get3A_2810, %get3A_2811, %get3A_2812] {strides = array<i32>} : memref<2x8x80x32xf32, #tpu.memory_space<vmem>>, vector<16xf32>,
          %mul3A_2814 = vector.broadcast %squeeze3A_2669 : f32 to vector<16xf32>
          %mul3A_2815 = arith.mulf %mul3A_2814, %get3A_2813 : vector<16xf32>
          %add3A_2816 = arith.addf %add3A_2807, %mul3A_2815 : vector<16xf32>
          %sub3A_2817 = arith.subf %add3A_2816, %add3A_2781 : vector<16xf32>
          %mul3A_2818 = vector.broadcast %squeeze3A_2661 : f32 to vector<16xf32>
          %mul3A_2819 = arith.mulf %mul3A_2818, %sub3A_2817 : vector<16xf32>
          %add3A_2820 = arith.addf %add3A_2781, %mul3A_2819 : vector<16xf32>
          %swap3A_2821 = arith.index_cast %add3A_2659 : i32 to index
          %swap3A_2822 = arith.constant 16 : index
          %swap3A_2823 = tpu.vector_load %arg11[%swap3A_2821, %swap3A_2822] {strides = array<i32>} : memref<80x32xf32, #tpu.memory_space<vmem>>, vector<16xf32>,
          tpu.vector_store %arg11[%swap3A_2821, %swap3A_2822], %add3A_2820 {strides = array<i32>} : memref<80x32xf32, #tpu.memory_space<vmem>>, vector<16xf32>,
          %mul3A_2824 = arith.constant 16 : i32
          %mul3A_2825 = arith.muli %scan3A_271, %mul3A_2824 : i32
          %add3A_2826 = arith.constant 15 : i32
          %add3A_2827 = arith.addi %mul3A_2825, %add3A_2826 : i32
          %slice3A_2828 = vector.extract_strided_slice %get3A_278 {offsets = [15], sizes = [1], strides = [1]} : vector<16xf32> to vector<1xf32>
          %squeeze3A_2829 = vector.extract %slice3A_2828[0] : f32 from vector<1xf32>
          %slice3A_2830 = vector.extract_strided_slice %get3A_285 {offsets = [15], sizes = [1], strides = [1]} : vector<16xf32> to vector<1xf32>
          %squeeze3A_2831 = vector.extract %slice3A_2830[0] : f32 from vector<1xf32>
          %slice3A_2832 = vector.extract_strided_slice %get3A_292 {offsets = [15], sizes = [1], strides = [1]} : vector<16xf32> to vector<1xf32>
          %squeeze3A_2833 = vector.extract %slice3A_2832[0] : f32 from vector<1xf32>
          %slice3A_2834 = vector.extract_strided_slice %get3A_299 {offsets = [15], sizes = [1], strides = [1]} : vector<16xf32> to vector<1xf32>
          %squeeze3A_2835 = vector.extract %slice3A_2834[0] : f32 from vector<1xf32>
          %slice3A_2836 = vector.extract_strided_slice %get3A_306 {offsets = [15], sizes = [1], strides = [1]} : vector<16xf32> to vector<1xf32>
          %squeeze3A_2837 = vector.extract %slice3A_2836[0] : f32 from vector<1xf32>
          %get3A_2838 = arith.constant 0 : i32
          %get3A_2839 = arith.index_cast %select_n3A_107 : i32 to index
          %get3A_2840 = arith.index_cast %get3A_2838 : i32 to index
          %get3A_2841 = arith.index_cast %add3A_2827 : i32 to index
          %get3A_2842 = arith.constant 0 : index
          %get3A_2843 = tpu.vector_load %arg8[%get3A_2839, %get3A_2840, %get3A_2841, %get3A_2842] {strides = array<i32>} : memref<2x8x80x32xf32, #tpu.memory_space<vmem>>, vector<16xf32>,
          %mul3A_2844 = vector.broadcast %squeeze3A_2831 : f32 to vector<16xf32>
          %mul3A_2845 = arith.mulf %mul3A_2844, %get3A_2843 : vector<16xf32>
          %get3A_2846 = arith.constant 1 : i32
          %get3A_2847 = arith.index_cast %select_n3A_107 : i32 to index
          %get3A_2848 = arith.index_cast %get3A_2846 : i32 to index
          %get3A_2849 = arith.index_cast %add3A_2827 : i32 to index
          %get3A_2850 = arith.constant 0 : index
          %get3A_2851 = tpu.vector_load %arg8[%get3A_2847, %get3A_2848, %get3A_2849, %get3A_2850] {strides = array<i32>} : memref<2x8x80x32xf32, #tpu.memory_space<vmem>>, vector<16xf32>,
          %mul3A_2852 = vector.broadcast %squeeze3A_2833 : f32 to vector<16xf32>
          %mul3A_2853 = arith.mulf %mul3A_2852, %get3A_2851 : vector<16xf32>
          %add3A_2854 = arith.addf %mul3A_2845, %mul3A_2853 : vector<16xf32>
          %get3A_2855 = arith.constant 2 : i32
          %get3A_2856 = arith.index_cast %select_n3A_107 : i32 to index
          %get3A_2857 = arith.index_cast %get3A_2855 : i32 to index
          %get3A_2858 = arith.index_cast %add3A_2827 : i32 to index
          %get3A_2859 = arith.constant 0 : index
          %get3A_2860 = tpu.vector_load %arg8[%get3A_2856, %get3A_2857, %get3A_2858, %get3A_2859] {strides = array<i32>} : memref<2x8x80x32xf32, #tpu.memory_space<vmem>>, vector<16xf32>,
          %mul3A_2861 = vector.broadcast %squeeze3A_2835 : f32 to vector<16xf32>
          %mul3A_2862 = arith.mulf %mul3A_2861, %get3A_2860 : vector<16xf32>
          %add3A_2863 = arith.addf %add3A_2854, %mul3A_2862 : vector<16xf32>
          %get3A_2864 = arith.constant 3 : i32
          %get3A_2865 = arith.index_cast %select_n3A_107 : i32 to index
          %get3A_2866 = arith.index_cast %get3A_2864 : i32 to index
          %get3A_2867 = arith.index_cast %add3A_2827 : i32 to index
          %get3A_2868 = arith.constant 0 : index
          %get3A_2869 = tpu.vector_load %arg8[%get3A_2865, %get3A_2866, %get3A_2867, %get3A_2868] {strides = array<i32>} : memref<2x8x80x32xf32, #tpu.memory_space<vmem>>, vector<16xf32>,
          %mul3A_2870 = vector.broadcast %squeeze3A_2837 : f32 to vector<16xf32>
          %mul3A_2871 = arith.mulf %mul3A_2870, %get3A_2869 : vector<16xf32>
          %add3A_2872 = arith.addf %add3A_2863, %mul3A_2871 : vector<16xf32>
          %get3A_2873 = arith.constant 4 : i32
          %get3A_2874 = arith.index_cast %select_n3A_107 : i32 to index
          %get3A_2875 = arith.index_cast %get3A_2873 : i32 to index
          %get3A_2876 = arith.index_cast %add3A_2827 : i32 to index
          %get3A_2877 = arith.constant 0 : index
          %get3A_2878 = tpu.vector_load %arg8[%get3A_2874, %get3A_2875, %get3A_2876, %get3A_2877] {strides = array<i32>} : memref<2x8x80x32xf32, #tpu.memory_space<vmem>>, vector<16xf32>,
          %mul3A_2879 = vector.broadcast %squeeze3A_2831 : f32 to vector<16xf32>
          %mul3A_2880 = arith.mulf %mul3A_2879, %get3A_2878 : vector<16xf32>
          %get3A_2881 = arith.constant 5 : i32
          %get3A_2882 = arith.index_cast %select_n3A_107 : i32 to index
          %get3A_2883 = arith.index_cast %get3A_2881 : i32 to index
          %get3A_2884 = arith.index_cast %add3A_2827 : i32 to index
          %get3A_2885 = arith.constant 0 : index
          %get3A_2886 = tpu.vector_load %arg8[%get3A_2882, %get3A_2883, %get3A_2884, %get3A_2885] {strides = array<i32>} : memref<2x8x80x32xf32, #tpu.memory_space<vmem>>, vector<16xf32>,
          %mul3A_2887 = vector.broadcast %squeeze3A_2833 : f32 to vector<16xf32>
          %mul3A_2888 = arith.mulf %mul3A_2887, %get3A_2886 : vector<16xf32>
          %add3A_2889 = arith.addf %mul3A_2880, %mul3A_2888 : vector<16xf32>
          %get3A_2890 = arith.constant 6 : i32
          %get3A_2891 = arith.index_cast %select_n3A_107 : i32 to index
          %get3A_2892 = arith.index_cast %get3A_2890 : i32 to index
          %get3A_2893 = arith.index_cast %add3A_2827 : i32 to index
          %get3A_2894 = arith.constant 0 : index
          %get3A_2895 = tpu.vector_load %arg8[%get3A_2891, %get3A_2892, %get3A_2893, %get3A_2894] {strides = array<i32>} : memref<2x8x80x32xf32, #tpu.memory_space<vmem>>, vector<16xf32>,
          %mul3A_2896 = vector.broadcast %squeeze3A_2835 : f32 to vector<16xf32>
          %mul3A_2897 = arith.mulf %mul3A_2896, %get3A_2895 : vector<16xf32>
          %add3A_2898 = arith.addf %add3A_2889, %mul3A_2897 : vector<16xf32>
          %get3A_2899 = arith.constant 7 : i32
          %get3A_2900 = arith.index_cast %select_n3A_107 : i32 to index
          %get3A_2901 = arith.index_cast %get3A_2899 : i32 to index
          %get3A_2902 = arith.index_cast %add3A_2827 : i32 to index
          %get3A_2903 = arith.constant 0 : index
          %get3A_2904 = tpu.vector_load %arg8[%get3A_2900, %get3A_2901, %get3A_2902, %get3A_2903] {strides = array<i32>} : memref<2x8x80x32xf32, #tpu.memory_space<vmem>>, vector<16xf32>,
          %mul3A_2905 = vector.broadcast %squeeze3A_2837 : f32 to vector<16xf32>
          %mul3A_2906 = arith.mulf %mul3A_2905, %get3A_2904 : vector<16xf32>
          %add3A_2907 = arith.addf %add3A_2898, %mul3A_2906 : vector<16xf32>
          %sub3A_2908 = arith.subf %add3A_2907, %add3A_2872 : vector<16xf32>
          %mul3A_2909 = vector.broadcast %squeeze3A_2829 : f32 to vector<16xf32>
          %mul3A_2910 = arith.mulf %mul3A_2909, %sub3A_2908 : vector<16xf32>
          %add3A_2911 = arith.addf %add3A_2872, %mul3A_2910 : vector<16xf32>
          %swap3A_2912 = arith.index_cast %add3A_2827 : i32 to index
          %swap3A_2913 = arith.constant 0 : index
          %swap3A_2914 = tpu.vector_load %arg11[%swap3A_2912, %swap3A_2913] {strides = array<i32>} : memref<80x32xf32, #tpu.memory_space<vmem>>, vector<16xf32>,
          tpu.vector_store %arg11[%swap3A_2912, %swap3A_2913], %add3A_2911 {strides = array<i32>} : memref<80x32xf32, #tpu.memory_space<vmem>>, vector<16xf32>,
          %get3A_2915 = arith.constant 0 : i32
          %get3A_2916 = arith.index_cast %select_n3A_107 : i32 to index
          %get3A_2917 = arith.index_cast %get3A_2915 : i32 to index
          %get3A_2918 = arith.index_cast %add3A_2827 : i32 to index
          %get3A_2919 = arith.constant 16 : index
          %get3A_2920 = tpu.vector_load %arg8[%get3A_2916, %get3A_2917, %get3A_2918, %get3A_2919] {strides = array<i32>} : memref<2x8x80x32xf32, #tpu.memory_space<vmem>>, vector<16xf32>,
          %mul3A_2921 = vector.broadcast %squeeze3A_2831 : f32 to vector<16xf32>
          %mul3A_2922 = arith.mulf %mul3A_2921, %get3A_2920 : vector<16xf32>
          %get3A_2923 = arith.constant 1 : i32
          %get3A_2924 = arith.index_cast %select_n3A_107 : i32 to index
          %get3A_2925 = arith.index_cast %get3A_2923 : i32 to index
          %get3A_2926 = arith.index_cast %add3A_2827 : i32 to index
          %get3A_2927 = arith.constant 16 : index
          %get3A_2928 = tpu.vector_load %arg8[%get3A_2924, %get3A_2925, %get3A_2926, %get3A_2927] {strides = array<i32>} : memref<2x8x80x32xf32, #tpu.memory_space<vmem>>, vector<16xf32>,
          %mul3A_2929 = vector.broadcast %squeeze3A_2833 : f32 to vector<16xf32>
          %mul3A_2930 = arith.mulf %mul3A_2929, %get3A_2928 : vector<16xf32>
          %add3A_2931 = arith.addf %mul3A_2922, %mul3A_2930 : vector<16xf32>
          %get3A_2932 = arith.constant 2 : i32
          %get3A_2933 = arith.index_cast %select_n3A_107 : i32 to index
          %get3A_2934 = arith.index_cast %get3A_2932 : i32 to index
          %get3A_2935 = arith.index_cast %add3A_2827 : i32 to index
          %get3A_2936 = arith.constant 16 : index
          %get3A_2937 = tpu.vector_load %arg8[%get3A_2933, %get3A_2934, %get3A_2935, %get3A_2936] {strides = array<i32>} : memref<2x8x80x32xf32, #tpu.memory_space<vmem>>, vector<16xf32>,
          %mul3A_2938 = vector.broadcast %squeeze3A_2835 : f32 to vector<16xf32>
          %mul3A_2939 = arith.mulf %mul3A_2938, %get3A_2937 : vector<16xf32>
          %add3A_2940 = arith.addf %add3A_2931, %mul3A_2939 : vector<16xf32>
          %get3A_2941 = arith.constant 3 : i32
          %get3A_2942 = arith.index_cast %select_n3A_107 : i32 to index
          %get3A_2943 = arith.index_cast %get3A_2941 : i32 to index
          %get3A_2944 = arith.index_cast %add3A_2827 : i32 to index
          %get3A_2945 = arith.constant 16 : index
          %get3A_2946 = tpu.vector_load %arg8[%get3A_2942, %get3A_2943, %get3A_2944, %get3A_2945] {strides = array<i32>} : memref<2x8x80x32xf32, #tpu.memory_space<vmem>>, vector<16xf32>,
          %mul3A_2947 = vector.broadcast %squeeze3A_2837 : f32 to vector<16xf32>
          %mul3A_2948 = arith.mulf %mul3A_2947, %get3A_2946 : vector<16xf32>
          %add3A_2949 = arith.addf %add3A_2940, %mul3A_2948 : vector<16xf32>
          %get3A_2950 = arith.constant 4 : i32
          %get3A_2951 = arith.index_cast %select_n3A_107 : i32 to index
          %get3A_2952 = arith.index_cast %get3A_2950 : i32 to index
          %get3A_2953 = arith.index_cast %add3A_2827 : i32 to index
          %get3A_2954 = arith.constant 16 : index
          %get3A_2955 = tpu.vector_load %arg8[%get3A_2951, %get3A_2952, %get3A_2953, %get3A_2954] {strides = array<i32>} : memref<2x8x80x32xf32, #tpu.memory_space<vmem>>, vector<16xf32>,
          %mul3A_2956 = vector.broadcast %squeeze3A_2831 : f32 to vector<16xf32>
          %mul3A_2957 = arith.mulf %mul3A_2956, %get3A_2955 : vector<16xf32>
          %get3A_2958 = arith.constant 5 : i32
          %get3A_2959 = arith.index_cast %select_n3A_107 : i32 to index
          %get3A_2960 = arith.index_cast %get3A_2958 : i32 to index
          %get3A_2961 = arith.index_cast %add3A_2827 : i32 to index
          %get3A_2962 = arith.constant 16 : index
          %get3A_2963 = tpu.vector_load %arg8[%get3A_2959, %get3A_2960, %get3A_2961, %get3A_2962] {strides = array<i32>} : memref<2x8x80x32xf32, #tpu.memory_space<vmem>>, vector<16xf32>,
          %mul3A_2964 = vector.broadcast %squeeze3A_2833 : f32 to vector<16xf32>
          %mul3A_2965 = arith.mulf %mul3A_2964, %get3A_2963 : vector<16xf32>
          %add3A_2966 = arith.addf %mul3A_2957, %mul3A_2965 : vector<16xf32>
          %get3A_2967 = arith.constant 6 : i32
          %get3A_2968 = arith.index_cast %select_n3A_107 : i32 to index
          %get3A_2969 = arith.index_cast %get3A_2967 : i32 to index
          %get3A_2970 = arith.index_cast %add3A_2827 : i32 to index
          %get3A_2971 = arith.constant 16 : index
          %get3A_2972 = tpu.vector_load %arg8[%get3A_2968, %get3A_2969, %get3A_2970, %get3A_2971] {strides = array<i32>} : memref<2x8x80x32xf32, #tpu.memory_space<vmem>>, vector<16xf32>,
          %mul3A_2973 = vector.broadcast %squeeze3A_2835 : f32 to vector<16xf32>
          %mul3A_2974 = arith.mulf %mul3A_2973, %get3A_2972 : vector<16xf32>
          %add3A_2975 = arith.addf %add3A_2966, %mul3A_2974 : vector<16xf32>
          %get3A_2976 = arith.constant 7 : i32
          %get3A_2977 = arith.index_cast %select_n3A_107 : i32 to index
          %get3A_2978 = arith.index_cast %get3A_2976 : i32 to index
          %get3A_2979 = arith.index_cast %add3A_2827 : i32 to index
          %get3A_2980 = arith.constant 16 : index
          %get3A_2981 = tpu.vector_load %arg8[%get3A_2977, %get3A_2978, %get3A_2979, %get3A_2980] {strides = array<i32>} : memref<2x8x80x32xf32, #tpu.memory_space<vmem>>, vector<16xf32>,
          %mul3A_2982 = vector.broadcast %squeeze3A_2837 : f32 to vector<16xf32>
          %mul3A_2983 = arith.mulf %mul3A_2982, %get3A_2981 : vector<16xf32>
          %add3A_2984 = arith.addf %add3A_2975, %mul3A_2983 : vector<16xf32>
          %sub3A_2985 = arith.subf %add3A_2984, %add3A_2949 : vector<16xf32>
          %mul3A_2986 = vector.broadcast %squeeze3A_2829 : f32 to vector<16xf32>
          %mul3A_2987 = arith.mulf %mul3A_2986, %sub3A_2985 : vector<16xf32>
          %add3A_2988 = arith.addf %add3A_2949, %mul3A_2987 : vector<16xf32>
          %swap3A_2989 = arith.index_cast %add3A_2827 : i32 to index
          %swap3A_2990 = arith.constant 16 : index
          %swap3A_2991 = tpu.vector_load %arg11[%swap3A_2989, %swap3A_2990] {strides = array<i32>} : memref<80x32xf32, #tpu.memory_space<vmem>>, vector<16xf32>,
          tpu.vector_store %arg11[%swap3A_2989, %swap3A_2990], %add3A_2988 {strides = array<i32>} : memref<80x32xf32, #tpu.memory_space<vmem>>, vector<16xf32>,
          %scan3A_2992 = arith.constant 0 : i32
          scf.yield %scan3A_2992 : i32
        }
        %scan3A_268 = arith.constant 5 : i32
        %mul3A_269 = arith.constant 80 : i32
        %mul3A_270 = arith.muli %select_n3A_150, %mul3A_269 : i32
        "tpu.region"() ({
          %run_scoped3A = tpu.sem_alloc : memref<!tpu.dma_semaphore, #tpu.memory_space<semaphore_mem>>
          %dma_start3A_271 = arith.constant 0 : i32
          %dma_start3A_272 = tpu.memref_slice %arg6[%select_n3A_134, %mul3A_270, %dma_start3A_271] : memref<4x100000x32xf32, #tpu.memory_space<hbm>> -> memref<1x80x32xf32, #tpu.memory_space<hbm>>
          %dma_start3A_273 = tpu.memref_squeeze %dma_start3A_272 : memref<1x80x32xf32, #tpu.memory_space<hbm>> -> memref<80x32xf32, #tpu.memory_space<hbm>>
          %dma_start3A_274 = arith.constant 0 : i32
          %dma_start3A_275 = tpu.memref_slice %arg6[%select_n3A_134, %mul3A_270, %dma_start3A_274] : memref<4x100000x32xf32, #tpu.memory_space<hbm>> -> memref<1x80x32xf32, #tpu.memory_space<hbm>>
          %dma_start3A_276 = tpu.memref_squeeze %dma_start3A_275 : memref<1x80x32xf32, #tpu.memory_space<hbm>> -> memref<80x32xf32, #tpu.memory_space<hbm>>
          tpu.enqueue_dma source(%arg11 : memref<80x32xf32, #tpu.memory_space<vmem>>) target(%dma_start3A_276 : memref<80x32xf32, #tpu.memory_space<hbm>>) target_semaphore(%run_scoped3A : memref<!tpu.dma_semaphore, #tpu.memory_space<semaphore_mem>>)
          %dma_wait3A_277 = arith.constant 0 : i32
          %dma_wait3A_278 = tpu.memref_slice %arg6[%select_n3A_134, %mul3A_270, %dma_wait3A_277] : memref<4x100000x32xf32, #tpu.memory_space<hbm>> -> memref<1x80x32xf32, #tpu.memory_space<hbm>>
          %dma_wait3A_279 = tpu.memref_squeeze %dma_wait3A_278 : memref<1x80x32xf32, #tpu.memory_space<hbm>> -> memref<80x32xf32, #tpu.memory_space<hbm>>
          %dma_wait3A_280 = arith.constant 0 : i32
          %dma_wait3A_281 = tpu.memref_slice %arg6[%select_n3A_134, %mul3A_270, %dma_wait3A_280] : memref<4x100000x32xf32, #tpu.memory_space<hbm>> -> memref<1x80x32xf32, #tpu.memory_space<hbm>>
          %dma_wait3A_282 = tpu.memref_squeeze %dma_wait3A_281 : memref<1x80x32xf32, #tpu.memory_space<hbm>> -> memref<80x32xf32, #tpu.memory_space<hbm>>
          tpu.wait_dma2 semaphore(%run_scoped3A : memref<!tpu.dma_semaphore, #tpu.memory_space<semaphore_mem>>) src(%arg11 : memref<80x32xf32, #tpu.memory_space<vmem>>) dst(%dma_wait3A_282 : memref<80x32xf32, #tpu.memory_space<hbm>>)
          tpu.yield
        }) : () -> ()
      } else {
      }
      %scan3A_89 = arith.constant 0 : i32
      scf.yield %scan3A_89 : i32
    }
    %scan3A_79 = arith.constant 158 : i32
    return
  }
}

</mosaic_0001>

<sc_bundles>
// kernel: _run.3.cloned.1.call-start
scs
__scs_entry_jumppad:
0x0: {  	(pc) =	sbr.rel $0x88, $3  }
0x1: {  	(tag) =	ssettag $0x0;
	lr =	simm.s32 $0x1  }
0x2: {  	[smem:$0x3F9F] =	sst lr;
	_ =	strace $0xD0000000  }
0x3: {  	_ = 	snop  }
0x4: {  	_ = 	snop  }
0x5: {  	_ = 	snop  }
0x6: {  	_ = 	snop  }
0x7: {  	_ = 	snop  }
__scs_overlays_trampoline_lowered:
0x8: {  	[smem:$0x3FAE] =	sst s0  }
0x9: {  	[smem:$0x3FAF] =	sst s1  }
0xa: {  	[smem:$0x3FB0] =	sst s2  }
0xb: {  	[smem:$0x3FB1] =	sst s3  }
0xc: {  	[smem:$0x3FB2] =	sst s4  }
0xd: {  	[smem:$0x3FB3] =	sst s5  }
0xe: {  	[smem:$0x3FB4] =	sst s6  }
0xf: {  	[smem:$0x3FB5] =	sst s7  }
0x10: {  	[smem:$0x3FB6] =	sst s8  }
0x11: {  	[smem:$0x3FB7] =	sst s9;
	s0 =	simm.s32 @!p0 $0x0  }
0x12: {  	s1 =	sld [smem:$0x3F9D];
	s0 =	simm.s32 @p0 $0x1  }
0x13: {  	[smem:$0x3FB8] =	sst s0;
	s0 =	simm.s32 @!p1 $0x0  }
0x14: {  	s2 =	sld [smem:$0x3F9C];
	s0 =	simm.s32 @p1 $0x1  }
0x15: {  	[smem:$0x3FB9] =	sst s0;
	s0 =	simm.s32 @!p2 $0x0  }
0x16: {  	s3 =	sld [smem:$0x3FDB];
	s0 =	simm.s32 @p2 $0x1  }
0x17: {  	s4 =	simm.s32 $0x1BF5;
	[smem:$0x3FBB] =	sst s0  }
0x18: {  	s0 =	sld [smem:$0x3F9E];
	_ =	swait.ge [sflag:s4], $0x0  }
0x19: {  	s7 =	sld [smem:$0x3F9F]  }
0x1a: {  	s8 =	sadd.s32 $0xFFFFE003, lr  }
0x1b: {  	s9 =	sadd.s32 $0xFFFFFEF7, lr;
	s5 =	simm.s32 $0xFFFFFFFF;
	p2 =	slt.u32 s8, $0xFFFFF086  }
0x1c: {  	p1 =	slt.u32 s9, $0xF7A;
	s5 =	simm.s32 @!p2 $0x0  }
0x1d: {  	s5 =	simm.s32 @p1 $0x1;
	p0 =	seq.s32 s7, s2  }
0x1e: {  	s7 =	smul.u32 @!p0 $0xF7A, s2;
	p2 =	seq.s32 @!p0 s5, $0x0  }
0x1f: {  	s9 =	smul.u32 $0xF7A, s1;
	s8 =	simm.s32 @!p0 $0x1BF5;
	p2 =	por !p2, p0  }
0x20: {  	[sflag:s8] =	ssyncset.s32 @!p0 $0xFFFFF086;
	s6 =	sadd.s32 @!p0 s3, s7;
	s7 =	simm.s32 @!p0 $0x108  }
0x21: {  	s3 =	sadd.s32 s3, s9;
	s6 =	sadd.s32 @!p0 $0x88, s6;
	s7 =	simm.s32 @p2 $0x1082  }
0x22: {  	[simem:s7], [sflag:s8] =	dma.local @!p0 [hbm:s6], $0xF7A  }
0x23: {  	s9 =	sor.u32 $0xD0000000, s2;
	s6 =	simm.s32 $0x108;
	_ =	swait.ge @!p0 [sflag:s8], $0x0  }
0x24: {  	s3 =	sadd.s32 $0x88, s3;
	s6 =	simm.s32 @!p1 $0x1082;
	[sflag:s4] =	ssyncset.s32 $0xFFFFF086  }
0x25: {  	[simem:s6], [sflag:s4] =	dma.local [hbm:s3], $0xF7A  }
0x26: {  	[smem:$0x3F9F] =	sst s1;
	(tag) =	ssettag s2;
	_ =	strace s9  }
0x27: {  	s1 =	sld [smem:$0x3FAF]  }
0x28: {  	s2 =	sld [smem:$0x3FB0]  }
0x29: {  	s4 =	sld [smem:$0x3FB2]  }
0x2a: {  	p0 =	seq.s32 s5, $0x0;
	s5 =	sld [smem:$0x3FB3]  }
0x2b: {  	s6 =	sld [smem:$0x3FB4]  }
0x2c: {  	s7 =	sld [smem:$0x3FB5]  }
0x2d: {  	s3 =	simm.s32 $0x108;
	s8 =	sld [smem:$0x3FB6]  }
0x2e: {  	s3 =	simm.s32 @!p0 $0x1082;
	s9 =	sld [smem:$0x3FB7]  }
0x2f: {  	lr =	sadd.s32 s0, s3;
	s0 =	sld [smem:$0x3FAE]  }
0x30: {  	s3 =	sld [smem:$0x3FB1]  }
0x31: {  	[smem:$0x3FBA] =	sst s10  }
0x32: {  	s10 =	sld [smem:$0x3FB8];
	_ =	sdelay $0x3  }
0x33: {  	p0 =	seq.s32 s10, $0x1;
	s10 =	sld [smem:$0x3FBA];
	_ =	sdelay $0x3  }
0x34: {  	[smem:$0x3FBA] =	sst s10  }
0x35: {  	s10 =	sld [smem:$0x3FB9];
	_ =	sdelay $0x3  }
0x36: {  	p1 =	seq.s32 s10, $0x1;
	s10 =	sld [smem:$0x3FBA];
	_ =	sdelay $0x3  }
0x37: {  	[smem:$0x3FBA] =	sst s10  }
0x38: {  	s10 =	sld [smem:$0x3FBB]  }
0x39: {  	_ = 	snop;
	(pc) =	sbr.ind lr, $3  }
0x3a: {  	_ = 	snop  }
0x3b: {  	_ = 	snop  }
0x3c: {  	p2 =	seq.s32 s10, $0x1;
	s10 =	sld [smem:$0x3FBA]  }
0x3d: {  	_ =	shalt  }
0x3e: {  	_ =	shalt  }
0x3f: {  	_ =	shalt  }
0x40: {  	_ =	shalt  }
0x41: {  	_ =	shalt  }
0x42: {  	_ =	shalt  }
0x43: {  	_ =	shalt  }
0x44: {  	_ =	shalt  }
0x45: {  	_ =	shalt  }
0x46: {  	_ =	shalt  }
0x47: {  	_ =	shalt  }
0x48: {  	_ =	shalt  }
0x49: {  	_ =	shalt  }
0x4a: {  	_ =	shalt  }
0x4b: {  	_ =	shalt  }
0x4c: {  	_ =	shalt  }
0x4d: {  	_ =	shalt  }
0x4e: {  	_ =	shalt  }
0x4f: {  	_ =	shalt  }
0x50: {  	_ =	shalt  }
0x51: {  	_ =	shalt  }
0x52: {  	_ =	shalt  }
0x53: {  	_ =	shalt  }
0x54: {  	_ =	shalt  }
0x55: {  	_ =	shalt  }
0x56: {  	_ =	shalt  }
0x57: {  	_ =	shalt  }
0x58: {  	_ =	shalt  }
0x59: {  	_ =	shalt  }
0x5a: {  	_ =	shalt  }
0x5b: {  	_ =	shalt  }
0x5c: {  	_ =	shalt  }
0x5d: {  	_ =	shalt  }
0x5e: {  	_ =	shalt  }
0x5f: {  	_ =	shalt  }
0x60: {  	_ =	shalt  }
0x61: {  	_ =	shalt  }
0x62: {  	_ =	shalt  }
0x63: {  	_ =	shalt  }
0x64: {  	_ =	shalt  }
0x65: {  	_ =	shalt  }
0x66: {  	_ =	shalt  }
0x67: {  	_ =	shalt  }
0x68: {  	_ =	shalt  }
0x69: {  	_ =	shalt  }
0x6a: {  	_ =	shalt  }
0x6b: {  	_ =	shalt  }
0x6c: {  	_ =	shalt  }
0x6d: {  	_ =	shalt  }
0x6e: {  	_ =	shalt  }
0x6f: {  	_ =	shalt  }
0x70: {  	_ =	shalt  }
0x71: {  	_ =	shalt  }
0x72: {  	_ =	shalt  }
0x73: {  	_ =	shalt  }
0x74: {  	_ =	shalt  }
0x75: {  	_ =	shalt  }
0x76: {  	_ =	shalt  }
0x77: {  	_ =	shalt  }
0x78: {  	_ =	shalt  }
0x79: {  	_ =	shalt  }
0x7a: {  	_ =	shalt  }
0x7b: {  	_ =	shalt  }
0x7c: {  	_ =	shalt  }
0x7d: {  	_ =	shalt  }
0x7e: {  	_ =	shalt  }
0x7f: {  	_ =	shalt  }
0x80: {  	_ =	shalt  }
0x81: {  	_ =	shalt  }
0x82: {  	_ =	shalt  }
0x83: {  	_ =	shalt  }
0x84: {  	_ =	shalt  }
0x85: {  	_ =	shalt  }
0x86: {  	_ =	shalt  }
0x87: {  	_ =	shalt  }
.Lfunc_end0:
.L_simem_size_0:
called_computation.2_lowered:
.L_overlay_start_0:
0x88: {  	s2 =	sld [smem:$0x3FD9]  }
0x89: {  	s3 =	sld [smem:$0x3FFE];
	_ =	sdelay $0x1  }
0x8a: {  	s1 =	srdreg.scid  }
0x8b: {  	s0 =	sand.u32 $0x1, s1  }
0x8c: {  	s17 =	sshll.u32 s0, $0xA;
	s2 =	sadd.s32 s3, s2  }
0x8d: {  	s2 =	sadd.s32 s2, s17  }
0x8e: {  	[smem:$0x3FC6] =	sst s2  }
0x8f: {  	_ = 	snop  }
0x90: {  	s2 =	sld [smem:$0x3FD0];
	(tm) =	ssettm $0x1  }
0x91: {  	s18 =	sld [smem:$0x3FFB];
	_ =	sdelay $0x3  }
0x92: {  	_ =	strace s18  }
0x93: {  	s3 =	sld [smem:$0x3FFC];
	_ =	sdelay $0x3  }
0x94: {  	_ =	strace s3  }
0x95: {  	s3 =	sld [smem:$0x3FFD];
	_ =	sdelay $0x3  }
0x96: {  	_ =	strace s3  }
0x97: {  	_ =	strace $0x8FFFFFFF  }
0x98: {  	s19 =	sld [smem:$0x3FDB];
	_ =	sdelay $0x1  }
0x99: {  	s4 =	simm.s32 $_scs_section_size  }
0x9a: {  	s5 =	simm.s32 $_size__tile_overlayer_lowered;
	s6 =	simm.s32 $_tile_overlayer_lowered  }
0x9b: {  	s22 =	simm.s32 $0x1BFF;
	s21 =	sshll.u32 s6, $0x1;
	s3 =	sadd.s32 s4, s19  }
0x9c: {  	s7 =	simm.s32 $0x0;
	s20 =	sshll.u32 s5, $0x1;
	s5 =	sadd.s32 s21, s3  }
0x9d: {  	[timem:s7], [sflag:s22] =	dma.local [hbm:s5], s20  }
0x9e: {  	_ =	swait.ge [sflag:s22], s20  }
0x9f: {  	s4 =	ssub.s32 $0x0, s20;
	[sflag:s22] =	ssyncset.done $0x0  }
0xa0: {  	[sflag:s22] =	ssyncadd.s32 s4;
	_ =	sdelay $0x1  }
0xa1: {  	s23 =	simm.s32 $0x1B8B  }
0xa2: {  	_ =	swait.ge [sflag:s23], $0x1  }
0xa3: {  	[sflag:s23] =	ssyncset.done $0x0  }
0xa4: {  	s25 =	simm.s32 $0x1B8E;
	s24 =	sld [smem:$0x3FFE];
	[sflag:s23] =	ssyncadd.s32 $0xFFFFFFFF  }
0xa5: {  	s26 =	simm.s32 $execute0_lowered;
	[smem:$0x3FD2] =	sst s25  }
0xa6: {  	s5 =	sshll.u32 s26, $0x1;
	_ =	strace $0x80000049;
	[dreg:$0x1] =	wrdreg $0xFFFFFFFF  }
0xa7: {  	s28 =	simm.s32 $_size_execute0_lowered;
	s3 =	sadd.s32 s3, s5;
	[dreg:$0x0] =	wrdreg $0x0  }
0xa8: {  	s5 =	sshll.u32 s28, $0x1;
	[dreg:$0x2] =	wrdreg s3  }
0xa9: {  	[dreg:$0x3] =	wrdreg s5  }
0xaa: {  	[dreg:$0x4] =	wrdreg $0xC0  }
0xab: {  	_ =	task [dreg:s7], $0x5FFFF  }
0xac: {  	[dreg:$0x1] =	wrdreg $0xFFFFFFFF  }
0xad: {  	[dreg:$0x0] =	wrdreg $0x60  }
0xae: {  	[dreg:$0x2] =	wrdreg s24  }
0xaf: {  	[dreg:$0x3] =	wrdreg s2  }
0xb0: {  	[dreg:$0x4] =	wrdreg $0x9  }
0xb1: {  	_ =	task.clear_ibuf [dreg:s7], $0x5FFFF;
	_ =	strace $0x90000049  }
0xb2: {  	s29 =	simm.s32 $0x9;
	_ =	strace $0x8000004B  }
0xb3: {  	_ =	swait.ge [sflag:s29], $0x1  }
0xb4: {  	[sflag:s29] =	ssyncadd.s32 $0xFFFFFFFF  }
0xb5: {  	_ =	strace $0x9000004B  }
0xb6: {  	_ =	sfence  }
0xb7: {  	s30 =	sld [smem:$0x0];
	_ =	sdelay $0x2  }
0xb8: {  	s31 =	sshll.u32 s1, $0xD;
	s1 =	sshrl.u32 s1, $0x2  }
0xb9: {  	s3 =	sand.u32 $0x4000, s31;
	s1 =	sadd.s32 s1, s30  }
0xba: {  	s0 =	sor.u32 s3, s0;
	s1 =	sshll.u32 s1, $0x11  }
0xbb: {  	s0 =	sor.u32 s1, s0  }
0xbc: {  	s0 =	sadd.s32 $0x8F2B, s0  }
0xbd: {  	[sflag:s0] =	ssyncadd.remote.s32 $0x1  }
0xbe: {  	_ =	sfence.sel $0xFFFF  }
0xbf: {  	[dreg:$0x0] =	wrdreg $0xFFFFFFFF;
	(pc) =	sbr.abs _section_cstart, $3  }
0xc0: {  	[dreg:$0x1] =	wrdreg $0xFFFFFFFF  }
0xc1: {  	_ =	task.clear_ibuf [dreg:s7], $0x2FFFF;
	_ =	strace $0x9FFFFFFF  }
0xc2: {  	(tm) =	ssettm $0x7FFFFFFF  }
0xc3: {  	_ =	shalt  }
tec
execute0_lowered:
.L_overlay_start_1:
0x0: {  	(tag) =	ssettag $0x1  }
0x1: {  	s10 =	rddreg [dreg:$0x0]  }
0x2: {  	s1 =	rddreg [dreg:$0x1];
	s2 =	simm.s32 $0x0;
	s5 =	srdreg.scid  }
0x3: {  	s0 =	stileid.u32;
	s9 =	simm.s32 $0x9D;
	s15 =	simm.s32 $0xA820  }
0x4: {  	s16 =	simm.s32 $0xA870;
	s17 =	simm.s32 $0xA8C0;
	s18 =	simm.s32 $0x3  }
0x5: {  	s19 =	simm.s32 $0x50;
	s20 =	simm.s32 $0xAA00;
	s21 =	simm.s32 $0x4  }
0x6: {  	s22 =	simm.s32 $0x0;
	[smem:$0x7FF] =	sst s2;
	s4 =	sadd.s32 $0x1025A00, s10  }
0x7: {  	s8 =	sand.u32 $0x1, s5;
	s5 =	sadd.s32 $0x1000E00, s10;
	s6 =	sshll.u32 s0, $0x1  }
.Ltmp0:
0x8: {  	s11 =	ssub.s32 $0x2, s8;
	s8 =	sor.u32 s8, s6;
	(pc) =	sbr.rel .LBB2_1-.Ltmp0, $4  }
0x9: {  	s7 =	sadd.s32 $0x100D200, s10;
	p0 =	slt.u32 s0, $0x4;
	s13 =	smul.u32 $0xA, s8  }
0xa: {  	s10 =	sadd.s32 $0x1019600, s10;
	_ =	strace $0x8000004A;
	s12 =	sshrl.u32 s11, $0x1  }
0xb: {  	s9 =	simm.s32 @!p0 $0x9C;
	s14 =	ssub.s32 s11, s12;
	s11 =	sadd.s32 s5, s13  }
0xc: {  	s12 =	sadd.s32 s7, s13;
	s13 =	sadd.s32 s10, s13;
	s14 =	smax.u32 s14, $0x1  }
.LBB2_9:
0xd: {  	s22 =	sadd.s32 $0x1, s22  }
0xe: {  	p0 =	sne.s32 s22, s14  }
.Ltmp1:
0xf: {  	_ = 	snop;
	(pc) =	sbr.rel @!p0 .LBB2_10-.Ltmp1, $1  }
0x10: {  	_ =	sdelay $0x3  }
.LBB2_1:
0x11: {  	[tilespmem:s15], [sflag:$0x3] =	stream.linear.gather [hbm4b:s11+s2], $0x50, $0x38;
	[tilespmem:$0xB400] =	vst v63  }
.Ltmp2:
0x12: {  	_ = 	snop;
	(pc) =	sbr.rel .LBB2_2-.Ltmp2, $4  }
0x13: {  	_ = 	snop  }
0x14: {  	[tilespmem:s16], [sflag:$0x3] =	stream.linear.gather [hbm4b:s12+s2], $0x50, $0x38;
	[tilespmem:$0xB400] =	vst v63  }
0x15: {  	s23 =	simm.s32 $0x0  }
0x16: {  	[tilespmem:s17], [sflag:$0x3] =	stream.linear.gather [hbm4b:s13+s2], $0x50, $0x38;
	[tilespmem:$0xB400] =	vst v63  }
.LBB2_8:
0x17: {  	s23 =	sadd.s32 $0x1, s23  }
0x18: {  	p0 =	sne.s32 s23, $0x9E  }
.Ltmp3:
0x19: {  	_ = 	snop;
	(pc) =	sbr.rel @!p0 .LBB2_9-.Ltmp3, $1  }
0x1a: {  	_ =	sdelay $0x3  }
.LBB2_2:
0x1b: {  	p0 =	sge.u32 s23, s9  }
.Ltmp4:
0x1c: {  	_ = 	snop;
	(pc) =	sbr.rel @p0 .LBB2_4-.Ltmp4, $1  }
0x1d: {  	_ =	sdelay $0x3  }
0x1e: {  	_ =	swait.ge [sflag:s18], $0x50  }
0x1f: {  	[sflag:s18] =	ssyncset.done $0x0  }
0x20: {  	[sflag:s18] =	ssyncadd.s32 $0xFFFFFFB0  }
0x21: {  	_ =	swait.ge [sflag:s18], $0x50  }
0x22: {  	[sflag:s18] =	ssyncset.done $0x0  }
0x23: {  	s24 =	sand.u32 $0x1, s23;
	[sflag:s18] =	ssyncadd.s32 $0xFFFFFFB0  }
0x24: {  	s25 =	smul.u32 $0x3C0, s24;
	_ =	swait.ge [sflag:s18], $0x50  }
0x25: {  	[sflag:s18] =	ssyncset.done $0x0  }
0x26: {  	s26 =	sshrl.u32 s25, $0x2;
	[sflag:s18] =	ssyncadd.s32 $0xFFFFFFB0  }
0x27: {  	v0 =	vld [tilespmem:s26+$0xA820]  }
0x28: {  	v1 =	vld [tilespmem:s26+$0xA870]  }
0x29: {  	v2 =	vld [tilespmem:s26+$0xA8C0];
	_ =	sdelay $0x3  }
0x2a: {  	v0 =	vadd.f32 $1.000000000e+00, v0  }
0x2b: {  	v1 =	vadd.f32 $1.000000000e+00, v1;
	v2 =	vadd.f32 $1.000000000e+00, v2  }
0x2c: {  	v0 =	vmul.f32 $5.000000000e-01, v0  }
0x2d: {  	v1 =	vmul.f32 $5.000000000e-01, v1;
	v2 =	vmul.f32 $5.000000000e-01, v2  }
0x2e: {  	v0 =	vmul.f32 $6.300000000e+01, v0  }
0x2f: {  	v1 =	vmul.f32 $6.300000000e+01, v1;
	v2 =	vmul.f32 $6.300000000e+01, v2  }
0x30: {  	v0 =	vmax.f32 v0, $0.0e+00  }
0x31: {  	v1 =	vmax.f32 v1, $0.0e+00;
	v2 =	vmax.f32 v2, $0.0e+00;
	v0 =	vmin.f32 v0, $6.300000000e+01  }
0x32: {  	s31 =	sshll.u32 s23, $0x5;
	v1 =	vmin.f32 v1, $6.300000000e+01;
	v2 =	vmin.f32 v2, $6.300000000e+01;
	v3 =	vtrunc.f32 v0  }
0x33: {  	s25 =	sor.u32 s6, s31;
	v4 =	vtrunc.f32 v1;
	v5 =	vtrunc.f32 v2  }
0x34: {  	s25 =	smulhi.u32 $0x68DB8BAD, s25;
	v3 =	vcvt.f32.s32 v3;
	v4 =	vcvt.f32.s32 v4  }
0x35: {  	v5 =	vcvt.f32.s32 v5  }
0x36: {  	s25 =	sshll.u32 s25, $0x9;
	vm0 =	vlt.s32 v3, $0x3E;
	vm1 =	vlt.s32 v4, $0x3E  }
0x37: {  	s29 =	sand.u32 $0xFFFC0000, s25;
	vm15 =	vlt.s32 v5, $0x3E;
	v3 =	vnsel vm0, $0x3E, v3;
	v4 =	vnsel vm1, $0x3E, v4  }
0x38: {  	s0 =	smul.u32 $0xA00, s24;
	v5 =	vnsel vm15, $0x3E, v5;
	v6 =	vshll.u32 v4, $0x6;
	v7 =	vadd.s32 s29, v3  }
0x39: {  	v27 =	vshll.u32 v5, $0xC;
	v6 =	vadd.s32 v6, v7  }
0x3a: {  	s25 =	sshrl.u32 s0, $0x2;
	v6 =	vadd.s32 v27, v6  }
0x3b: {  	[tilespmem:s25+$0x0] =	vst v6;
	v7 =	vadd.s32 $0x40, v6  }
0x3c: {  	v28 =	vadd.s32 $0x1000, v6;
	[tilespmem:s25+$0x50] =	vst v7  }
0x3d: {  	v4 =	vcvt.s32.f32 v4;
	v5 =	vcvt.s32.f32 v5;
	v29 =	vadd.s32 $0x1040, v6;
	[tilespmem:s25+$0xA0] =	vst v28  }
0x3e: {  	v3 =	vcvt.s32.f32 v3;
	v30 =	vadd.s32 $0x1, v6;
	[tilespmem:s25+$0xF0] =	vst v29  }
0x3f: {  	v1 =	vsub.f32 v1, v4;
	v2 =	vsub.f32 v2, v5;
	v31 =	vadd.s32 $0x41, v6;
	[tilespmem:s25+$0x140] =	vst v30  }
0x40: {  	s28 =	smul.u32 $0x640, s24;
	v0 =	vsub.f32 v0, v3;
	v32 =	vadd.s32 $0x1001, v6;
	[tilespmem:s25+$0x190] =	vst v31  }
0x41: {  	v35 =	vadd.s32 $0x1041, v6;
	v33 =	vsub.f32 $1.000000000e+00, v1;
	v34 =	vsub.f32 $1.000000000e+00, v2;
	[tilespmem:s25+$0x1E0] =	vst v32  }
0x42: {  	s28 =	sshrl.u32 s28, $0x2;
	[tilespmem:s25+$0x230] =	vst v35;
	v39 =	vmul.f32 v2, v1  }
0x43: {  	[tilespmem:s28+$0xA500] =	vst v0;
	v36 =	vmul.f32 v34, v33  }
0x44: {  	v37 =	vmul.f32 v34, v1;
	[tilespmem:s28+$0xA640] =	vst v39  }
0x45: {  	v38 =	vmul.f32 v33, v2;
	[tilespmem:s28+$0xA550] =	vst v36  }
0x46: {  	[tilespmem:s28+$0xA5A0] =	vst v37  }
0x47: {  	[tilespmem:s28+$0xA5F0] =	vst v38  }
0x48: {  	v0 =	vld [tilespmem:s26+$0xA830]  }
0x49: {  	v40 =	vld [tilespmem:s26+$0xA880]  }
0x4a: {  	v41 =	vld [tilespmem:s26+$0xA8D0];
	_ =	sdelay $0x3  }
0x4b: {  	v0 =	vadd.f32 $1.000000000e+00, v0  }
0x4c: {  	v1 =	vadd.f32 $1.000000000e+00, v40;
	v2 =	vadd.f32 $1.000000000e+00, v41  }
0x4d: {  	v0 =	vmul.f32 $5.000000000e-01, v0  }
0x4e: {  	v1 =	vmul.f32 $5.000000000e-01, v1;
	v2 =	vmul.f32 $5.000000000e-01, v2  }
0x4f: {  	v0 =	vmul.f32 $6.300000000e+01, v0  }
0x50: {  	v1 =	vmul.f32 $6.300000000e+01, v1;
	v2 =	vmul.f32 $6.300000000e+01, v2  }
0x51: {  	v0 =	vmax.f32 v0, $0.0e+00  }
0x52: {  	v1 =	vmax.f32 v1, $0.0e+00;
	v2 =	vmax.f32 v2, $0.0e+00;
	v0 =	vmin.f32 v0, $6.300000000e+01  }
0x53: {  	v1 =	vmin.f32 v1, $6.300000000e+01;
	v2 =	vmin.f32 v2, $6.300000000e+01;
	v42 =	vtrunc.f32 v0  }
0x54: {  	v43 =	vtrunc.f32 v1;
	v44 =	vtrunc.f32 v2  }
0x55: {  	v3 =	vcvt.f32.s32 v42;
	v4 =	vcvt.f32.s32 v43  }
0x56: {  	v5 =	vcvt.f32.s32 v44  }
0x57: {  	vm4 =	vlt.s32 v3, $0x3E;
	vm5 =	vlt.s32 v4, $0x3E  }
0x58: {  	vm6 =	vlt.s32 v5, $0x3E;
	v3 =	vnsel vm4, $0x3E, v3;
	v4 =	vnsel vm5, $0x3E, v4  }
0x59: {  	v5 =	vnsel vm6, $0x3E, v5;
	v45 =	vshll.u32 v4, $0x6;
	v46 =	vadd.s32 s29, v3  }
0x5a: {  	v47 =	vshll.u32 v5, $0xC;
	v6 =	vadd.s32 v45, v46  }
0x5b: {  	v6 =	vadd.s32 v47, v6  }
0x5c: {  	[tilespmem:s25+$0x10] =	vst v6;
	v7 =	vadd.s32 $0x40, v6  }
0x5d: {  	v48 =	vadd.s32 $0x1000, v6;
	[tilespmem:s25+$0x60] =	vst v7  }
0x5e: {  	v4 =	vcvt.s32.f32 v4;
	v5 =	vcvt.s32.f32 v5;
	v49 =	vadd.s32 $0x1040, v6;
	[tilespmem:s25+$0xB0] =	vst v48  }
0x5f: {  	v3 =	vcvt.s32.f32 v3;
	v50 =	vadd.s32 $0x1, v6;
	[tilespmem:s25+$0x100] =	vst v49  }
0x60: {  	v1 =	vsub.f32 v1, v4;
	v2 =	vsub.f32 v2, v5;
	v51 =	vadd.s32 $0x41, v6;
	[tilespmem:s25+$0x150] =	vst v50  }
0x61: {  	v0 =	vsub.f32 v0, v3;
	v52 =	vadd.s32 $0x1001, v6;
	[tilespmem:s25+$0x1A0] =	vst v51  }
0x62: {  	v55 =	vadd.s32 $0x1041, v6;
	v53 =	vsub.f32 $1.000000000e+00, v1;
	v54 =	vsub.f32 $1.000000000e+00, v2;
	[tilespmem:s25+$0x1F0] =	vst v52  }
0x63: {  	[tilespmem:s25+$0x240] =	vst v55;
	v59 =	vmul.f32 v2, v1  }
0x64: {  	[tilespmem:s28+$0xA510] =	vst v0;
	v56 =	vmul.f32 v54, v53  }
0x65: {  	v57 =	vmul.f32 v54, v1;
	[tilespmem:s28+$0xA650] =	vst v59  }
0x66: {  	v58 =	vmul.f32 v53, v2;
	[tilespmem:s28+$0xA560] =	vst v56  }
0x67: {  	[tilespmem:s28+$0xA5B0] =	vst v57  }
0x68: {  	[tilespmem:s28+$0xA600] =	vst v58  }
0x69: {  	v0 =	vld [tilespmem:s26+$0xA840]  }
0x6a: {  	v60 =	vld [tilespmem:s26+$0xA890]  }
0x6b: {  	v61 =	vld [tilespmem:s26+$0xA8E0];
	_ =	sdelay $0x3  }
0x6c: {  	v0 =	vadd.f32 $1.000000000e+00, v0  }
0x6d: {  	v1 =	vadd.f32 $1.000000000e+00, v60;
	v2 =	vadd.f32 $1.000000000e+00, v61  }
0x6e: {  	v0 =	vmul.f32 $5.000000000e-01, v0  }
0x6f: {  	v1 =	vmul.f32 $5.000000000e-01, v1;
	v2 =	vmul.f32 $5.000000000e-01, v2  }
0x70: {  	v0 =	vmul.f32 $6.300000000e+01, v0  }
0x71: {  	v1 =	vmul.f32 $6.300000000e+01, v1;
	v2 =	vmul.f32 $6.300000000e+01, v2  }
0x72: {  	v0 =	vmax.f32 v0, $0.0e+00  }
0x73: {  	v1 =	vmax.f32 v1, $0.0e+00;
	v2 =	vmax.f32 v2, $0.0e+00;
	v0 =	vmin.f32 v0, $6.300000000e+01  }
0x74: {  	v1 =	vmin.f32 v1, $6.300000000e+01;
	v2 =	vmin.f32 v2, $6.300000000e+01;
	v62 =	vtrunc.f32 v0  }
0x75: {  	v63 =	vtrunc.f32 v1;
	v8 =	vtrunc.f32 v2  }
0x76: {  	v3 =	vcvt.f32.s32 v62;
	v4 =	vcvt.f32.s32 v63  }
0x77: {  	v5 =	vcvt.f32.s32 v8  }
0x78: {  	vm7 =	vlt.s32 v3, $0x3E;
	vm8 =	vlt.s32 v4, $0x3E  }
0x79: {  	vm9 =	vlt.s32 v5, $0x3E;
	v3 =	vnsel vm7, $0x3E, v3;
	v4 =	vnsel vm8, $0x3E, v4  }
0x7a: {  	v5 =	vnsel vm9, $0x3E, v5;
	v9 =	vshll.u32 v4, $0x6;
	v10 =	vadd.s32 s29, v3  }
0x7b: {  	v11 =	vshll.u32 v5, $0xC;
	v6 =	vadd.s32 v9, v10  }
0x7c: {  	v6 =	vadd.s32 v11, v6  }
0x7d: {  	[tilespmem:s25+$0x20] =	vst v6;
	v7 =	vadd.s32 $0x40, v6  }
0x7e: {  	v12 =	vadd.s32 $0x1000, v6;
	[tilespmem:s25+$0x70] =	vst v7  }
0x7f: {  	v4 =	vcvt.s32.f32 v4;
	v5 =	vcvt.s32.f32 v5;
	v13 =	vadd.s32 $0x1040, v6;
	[tilespmem:s25+$0xC0] =	vst v12  }
0x80: {  	v3 =	vcvt.s32.f32 v3;
	v14 =	vadd.s32 $0x1, v6;
	[tilespmem:s25+$0x110] =	vst v13  }
0x81: {  	v1 =	vsub.f32 v1, v4;
	v2 =	vsub.f32 v2, v5;
	v15 =	vadd.s32 $0x41, v6;
	[tilespmem:s25+$0x160] =	vst v14  }
0x82: {  	v0 =	vsub.f32 v0, v3;
	v16 =	vadd.s32 $0x1001, v6;
	[tilespmem:s25+$0x1B0] =	vst v15  }
0x83: {  	v19 =	vadd.s32 $0x1041, v6;
	v17 =	vsub.f32 $1.000000000e+00, v1;
	v18 =	vsub.f32 $1.000000000e+00, v2;
	[tilespmem:s25+$0x200] =	vst v16  }
0x84: {  	[tilespmem:s25+$0x250] =	vst v19;
	v23 =	vmul.f32 v2, v1  }
0x85: {  	[tilespmem:s28+$0xA520] =	vst v0;
	v20 =	vmul.f32 v18, v17  }
0x86: {  	v21 =	vmul.f32 v18, v1;
	[tilespmem:s28+$0xA660] =	vst v23  }
0x87: {  	v22 =	vmul.f32 v17, v2;
	[tilespmem:s28+$0xA570] =	vst v20  }
0x88: {  	[tilespmem:s28+$0xA5C0] =	vst v21  }
0x89: {  	[tilespmem:s28+$0xA610] =	vst v22  }
0x8a: {  	v0 =	vld [tilespmem:s26+$0xA850]  }
0x8b: {  	v24 =	vld [tilespmem:s26+$0xA8A0]  }
0x8c: {  	v25 =	vld [tilespmem:s26+$0xA8F0];
	_ =	sdelay $0x3  }
0x8d: {  	v0 =	vadd.f32 $1.000000000e+00, v0  }
0x8e: {  	v1 =	vadd.f32 $1.000000000e+00, v24;
	v2 =	vadd.f32 $1.000000000e+00, v25  }
0x8f: {  	v0 =	vmul.f32 $5.000000000e-01, v0  }
0x90: {  	v1 =	vmul.f32 $5.000000000e-01, v1;
	v2 =	vmul.f32 $5.000000000e-01, v2  }
0x91: {  	v0 =	vmul.f32 $6.300000000e+01, v0  }
0x92: {  	v1 =	vmul.f32 $6.300000000e+01, v1;
	v2 =	vmul.f32 $6.300000000e+01, v2  }
0x93: {  	v0 =	vmax.f32 v0, $0.0e+00  }
0x94: {  	v1 =	vmax.f32 v1, $0.0e+00;
	v2 =	vmax.f32 v2, $0.0e+00;
	v0 =	vmin.f32 v0, $6.300000000e+01  }
0x95: {  	v1 =	vmin.f32 v1, $6.300000000e+01;
	v2 =	vmin.f32 v2, $6.300000000e+01;
	v26 =	vtrunc.f32 v0  }
0x96: {  	v27 =	vtrunc.f32 v1;
	v28 =	vtrunc.f32 v2  }
0x97: {  	v3 =	vcvt.f32.s32 v26;
	v4 =	vcvt.f32.s32 v27  }
0x98: {  	v5 =	vcvt.f32.s32 v28  }
0x99: {  	vm10 =	vlt.s32 v3, $0x3E;
	vm11 =	vlt.s32 v4, $0x3E  }
0x9a: {  	vm12 =	vlt.s32 v5, $0x3E;
	v3 =	vnsel vm10, $0x3E, v3;
	v4 =	vnsel vm11, $0x3E, v4  }
0x9b: {  	v5 =	vnsel vm12, $0x3E, v5;
	v29 =	vshll.u32 v4, $0x6;
	v30 =	vadd.s32 s29, v3  }
0x9c: {  	v31 =	vshll.u32 v5, $0xC;
	v6 =	vadd.s32 v29, v30  }
0x9d: {  	v6 =	vadd.s32 v31, v6  }
0x9e: {  	[tilespmem:s25+$0x30] =	vst v6;
	v7 =	vadd.s32 $0x40, v6  }
0x9f: {  	v32 =	vadd.s32 $0x1000, v6;
	[tilespmem:s25+$0x80] =	vst v7  }
0xa0: {  	v4 =	vcvt.s32.f32 v4;
	v5 =	vcvt.s32.f32 v5;
	v33 =	vadd.s32 $0x1040, v6;
	[tilespmem:s25+$0xD0] =	vst v32  }
0xa1: {  	v3 =	vcvt.s32.f32 v3;
	v34 =	vadd.s32 $0x1, v6;
	[tilespmem:s25+$0x120] =	vst v33  }
0xa2: {  	v1 =	vsub.f32 v1, v4;
	v2 =	vsub.f32 v2, v5;
	v35 =	vadd.s32 $0x41, v6;
	[tilespmem:s25+$0x170] =	vst v34  }
0xa3: {  	v0 =	vsub.f32 v0, v3;
	v36 =	vadd.s32 $0x1001, v6;
	[tilespmem:s25+$0x1C0] =	vst v35  }
0xa4: {  	v39 =	vadd.s32 $0x1041, v6;
	v37 =	vsub.f32 $1.000000000e+00, v1;
	v38 =	vsub.f32 $1.000000000e+00, v2;
	[tilespmem:s25+$0x210] =	vst v36  }
0xa5: {  	[tilespmem:s25+$0x260] =	vst v39;
	v43 =	vmul.f32 v2, v1  }
0xa6: {  	[tilespmem:s28+$0xA530] =	vst v0;
	v40 =	vmul.f32 v38, v37  }
0xa7: {  	v41 =	vmul.f32 v38, v1;
	[tilespmem:s28+$0xA670] =	vst v43  }
0xa8: {  	v42 =	vmul.f32 v37, v2;
	[tilespmem:s28+$0xA580] =	vst v40  }
0xa9: {  	[tilespmem:s28+$0xA5D0] =	vst v41  }
0xaa: {  	[tilespmem:s28+$0xA620] =	vst v42  }
0xab: {  	v0 =	vld [tilespmem:s26+$0xA860]  }
0xac: {  	v44 =	vld [tilespmem:s26+$0xA8B0]  }
0xad: {  	v45 =	vld [tilespmem:s26+$0xA900];
	_ =	sdelay $0x3  }
0xae: {  	v0 =	vadd.f32 $1.000000000e+00, v0  }
0xaf: {  	v1 =	vadd.f32 $1.000000000e+00, v44;
	v2 =	vadd.f32 $1.000000000e+00, v45  }
0xb0: {  	v0 =	vmul.f32 $5.000000000e-01, v0  }
0xb1: {  	v1 =	vmul.f32 $5.000000000e-01, v1;
	v2 =	vmul.f32 $5.000000000e-01, v2  }
0xb2: {  	v0 =	vmul.f32 $6.300000000e+01, v0  }
0xb3: {  	v1 =	vmul.f32 $6.300000000e+01, v1;
	v2 =	vmul.f32 $6.300000000e+01, v2  }
0xb4: {  	v0 =	vmax.f32 v0, $0.0e+00  }
0xb5: {  	v1 =	vmax.f32 v1, $0.0e+00;
	v2 =	vmax.f32 v2, $0.0e+00;
	v0 =	vmin.f32 v0, $6.300000000e+01  }
0xb6: {  	v1 =	vmin.f32 v1, $6.300000000e+01;
	v2 =	vmin.f32 v2, $6.300000000e+01;
	v46 =	vtrunc.f32 v0  }
0xb7: {  	v47 =	vtrunc.f32 v1;
	v48 =	vtrunc.f32 v2  }
0xb8: {  	v3 =	vcvt.f32.s32 v46;
	v4 =	vcvt.f32.s32 v47  }
0xb9: {  	v5 =	vcvt.f32.s32 v48  }
0xba: {  	vm13 =	vlt.s32 v3, $0x3E;
	vm14 =	vlt.s32 v4, $0x3E  }
0xbb: {  	vm15 =	vlt.s32 v5, $0x3E;
	v3 =	vnsel vm13, $0x3E, v3;
	v4 =	vnsel vm14, $0x3E, v4  }
0xbc: {  	v5 =	vnsel vm15, $0x3E, v5;
	v49 =	vshll.u32 v4, $0x6;
	v50 =	vadd.s32 s29, v3  }
0xbd: {  	v51 =	vshll.u32 v5, $0xC;
	v6 =	vadd.s32 v49, v50  }
0xbe: {  	v6 =	vadd.s32 v51, v6  }
0xbf: {  	[tilespmem:s25+$0x40] =	vst v6;
	v7 =	vadd.s32 $0x40, v6  }
0xc0: {  	v52 =	vadd.s32 $0x1000, v6;
	[tilespmem:s25+$0x90] =	vst v7  }
0xc1: {  	v4 =	vcvt.s32.f32 v4;
	v5 =	vcvt.s32.f32 v5;
	v53 =	vadd.s32 $0x1040, v6;
	[tilespmem:s25+$0xE0] =	vst v52  }
0xc2: {  	v3 =	vcvt.s32.f32 v3;
	v54 =	vadd.s32 $0x1, v6;
	[tilespmem:s25+$0x130] =	vst v53  }
0xc3: {  	v1 =	vsub.f32 v1, v4;
	v2 =	vsub.f32 v2, v5;
	v55 =	vadd.s32 $0x41, v6;
	[tilespmem:s25+$0x180] =	vst v54  }
0xc4: {  	v0 =	vsub.f32 v0, v3;
	v56 =	vadd.s32 $0x1001, v6;
	[tilespmem:s25+$0x1D0] =	vst v55  }
0xc5: {  	v59 =	vadd.s32 $0x1041, v6;
	v57 =	vsub.f32 $1.000000000e+00, v1;
	v58 =	vsub.f32 $1.000000000e+00, v2;
	[tilespmem:s25+$0x220] =	vst v56  }
0xc6: {  	[tilespmem:s25+$0x270] =	vst v59;
	v63 =	vmul.f32 v2, v1  }
0xc7: {  	[tilespmem:s28+$0xA540] =	vst v0;
	v60 =	vmul.f32 v58, v57  }
0xc8: {  	s3 =	smul.u32 $0x14000, s24;
	v61 =	vmul.f32 v58, v1;
	[tilespmem:s28+$0xA680] =	vst v63  }
0xc9: {  	v62 =	vmul.f32 v57, v2;
	[tilespmem:s28+$0xA590] =	vst v60  }
0xca: {  	s26 =	sshrl.u32 s3, $0x2;
	[tilespmem:s28+$0xA5E0] =	vst v61  }
0xcb: {  	s24 =	sadd.s32 $0x1, s24;
	s29 =	sor.u32 $0x500, s26;
	[tilespmem:s28+$0xA630] =	vst v62  }
0xcc: {  	[tilespmem:s29], [sflag:s24] =	stream.indirect.gather [hbm4b:s4+s19], $0x20, s25, s19, $0xb8;
	[tilespmem:$0xB400] =	vst v63  }
0xcd: {  	s30 =	sor.u32 $0x50, s25;
	s31 =	sor.u32 $0xF00, s26;
	s28 =	sadd.s32 $0x1, s23  }
0xce: {  	[tilespmem:s31], [sflag:s24] =	stream.indirect.gather [hbm4b:s4+s19], $0x20, s30, s19, $0xb8;
	[tilespmem:$0xB400] =	vst v63  }
0xcf: {  	s0 =	sadd.s32 $0xA0, s25;
	s3 =	sadd.s32 $0x1900, s26;
	p0 =	sge.u32 s28, s9  }
0xd0: {  	[tilespmem:s3], [sflag:s24] =	stream.indirect.gather [hbm4b:s4+s19], $0x20, s0, s19, $0xb8;
	[tilespmem:$0xB400] =	vst v63  }
0xd1: {  	s29 =	sshll.u32 @!p0 s28, $0x5;
	s30 =	sadd.s32 $0xF0, s25;
	s31 =	sadd.s32 $0x2300, s26  }
0xd2: {  	[tilespmem:s31], [sflag:s24] =	stream.indirect.gather [hbm4b:s4+s19], $0x20, s30, s19, $0xb8;
	[tilespmem:$0xB400] =	vst v63  }
0xd3: {  	s29 =	sor.u32 @!p0 s8, s29;
	s0 =	sadd.s32 $0x140, s25;
	s3 =	sadd.s32 $0x2D00, s26  }
0xd4: {  	[tilespmem:s3], [sflag:s24] =	stream.indirect.gather [hbm4b:s4+s19], $0x20, s0, s19, $0xb8;
	[tilespmem:$0xB400] =	vst v63  }
0xd5: {  	s30 =	sadd.s32 $0x190, s25;
	s31 =	sadd.s32 $0x3700, s26;
	s0 =	smulhi.u32 @!p0 $0x68DB8BAD, s29  }
0xd6: {  	[tilespmem:s31], [sflag:s24] =	stream.indirect.gather [hbm4b:s4+s19], $0x20, s30, s19, $0xb8;
	[tilespmem:$0xB400] =	vst v63  }
0xd7: {  	s30 =	sadd.s32 $0x1E0, s25;
	s31 =	sadd.s32 $0x4100, s26;
	s0 =	sshrl.u32 @!p0 s0, $0x9  }
0xd8: {  	[tilespmem:s31], [sflag:s24] =	stream.indirect.gather [hbm4b:s4+s19], $0x20, s30, s19, $0xb8;
	[tilespmem:$0xB400] =	vst v63  }
0xd9: {  	s25 =	sadd.s32 $0x230, s25;
	s26 =	sadd.s32 $0x4B00, s26;
	s30 =	smul.u32 @!p0 $0x4E2, s0  }
0xda: {  	[tilespmem:s26], [sflag:s24] =	stream.indirect.gather [hbm4b:s4+s19], $0x20, s25, s19, $0xb8;
	[tilespmem:$0xB400] =	vst v63  }
0xdb: {  	s0 =	smul.u32 @!p0 $0x186A0, s0;
	s24 =	ssub.s32 @!p0 s29, s30  }
0xdc: {  	s25 =	sand.u32 @!p0 $0x1, s28;
	s24 =	smul.u32 @!p0 $0x50, s24  }
0xdd: {  	p1 =	seq.s32 @!p0 s25, $0x1  }
0xde: {  	s25 =	simm.s32 @!p0 $0xF0;
	p1 =	por !p1, p0;
	s0 =	sadd.s32 @!p0 s24, s0  }
0xdf: {  	s25 =	simm.s32 @p1 $0x0;
	s0 =	sshrl.u32 @!p0 s0, $0x3  }
0xe0: {  	s28 =	simm.s32 @!p0 $0x0;
	s24 =	sadd.s32 @!p0 $0xA820, s25;
	s26 =	sadd.s32 @!p0 s5, s0  }
0xe1: {  	[tilespmem:s24], [sflag:$0x3] =	stream.linear.gather @!p0 [hbm4b:s26+s28], $0x50, $0x38;
	[tilespmem:$0xB400] =	vst v63  }
0xe2: {  	s24 =	sadd.s32 @!p0 $0xA870, s25;
	s26 =	sadd.s32 @!p0 s7, s0  }
0xe3: {  	[tilespmem:s24], [sflag:$0x3] =	stream.linear.gather @!p0 [hbm4b:s26+s28], $0x50, $0x38;
	[tilespmem:$0xB400] =	vst v63  }
0xe4: {  	s0 =	sadd.s32 @!p0 s10, s0;
	s24 =	sadd.s32 @!p0 $0xA8C0, s25  }
0xe5: {  	[tilespmem:s24], [sflag:$0x3] =	stream.linear.gather @!p0 [hbm4b:s0+s28], $0x50, $0x38;
	[tilespmem:$0xB400] =	vst v63  }
.LBB2_4:
0xe6: {  	s24 =	sadd.s32 $0xFFFFFFFF, s23  }
0xe7: {  	p0 =	sge.u32 s24, s9  }
.Ltmp5:
0xe8: {  	_ = 	snop;
	(pc) =	sbr.rel @p0 .LBB2_8-.Ltmp5, $1  }
0xe9: {  	_ =	sdelay $0x3  }
0xea: {  	s0 =	sand.u32 $0x1, s24  }
0xeb: {  	s25 =	sadd.s32 $0x1, s0  }
0xec: {  	_ =	swait.ge [sflag:s25], $0xA00  }
0xed: {  	[sflag:s25] =	ssyncset.done $0x0  }
0xee: {  	[sflag:s25] =	ssyncadd.s32 $0xFFFFF600  }
0xef: {  	_ =	swait.ge [sflag:s25], $0xA00  }
0xf0: {  	[sflag:s25] =	ssyncset.done $0x0  }
0xf1: {  	[sflag:s25] =	ssyncadd.s32 $0xFFFFF600  }
0xf2: {  	_ =	swait.ge [sflag:s25], $0xA00  }
0xf3: {  	[sflag:s25] =	ssyncset.done $0x0  }
0xf4: {  	[sflag:s25] =	ssyncadd.s32 $0xFFFFF600  }
0xf5: {  	_ =	swait.ge [sflag:s25], $0xA00  }
0xf6: {  	[sflag:s25] =	ssyncset.done $0x0  }
0xf7: {  	[sflag:s25] =	ssyncadd.s32 $0xFFFFF600  }
0xf8: {  	_ =	swait.ge [sflag:s25], $0xA00  }
0xf9: {  	[sflag:s25] =	ssyncset.done $0x0  }
0xfa: {  	[sflag:s25] =	ssyncadd.s32 $0xFFFFF600  }
0xfb: {  	s26 =	smul.u32 $0x640, s0;
	_ =	swait.ge [sflag:s25], $0xA00  }
0xfc: {  	s0 =	smul.u32 $0x14000, s0;
	[sflag:s25] =	ssyncset.done $0x0  }
0xfd: {  	s26 =	sshrl.u32 s26, $0x2;
	[sflag:s25] =	ssyncadd.s32 $0xFFFFF600  }
0xfe: {  	s0 =	sshrl.u32 s0, $0x2;
	s26 =	sadd.s32 $0xA500, s26;
	_ =	swait.ge [sflag:s25], $0xA00  }
0xff: {  	s28 =	sor.u32 $0x500, s0;
	s29 =	sor.u32 $0xF00, s0;
	[sflag:s25] =	ssyncset.done $0x0  }
0x100: {  	s30 =	sadd.s32 $0x1900, s0;
	s31 =	sadd.s32 $0x2300, s0;
	v1 =	vmov s28;
	[sflag:s25] =	ssyncadd.s32 $0xFFFFF600  }
0x101: {  	s3 =	sadd.s32 $0x2D00, s0;
	v0 =	vmov s26;
	v2 =	vmov s29;
	s26 =	sadd.s32 $0x3700, s0;
	_ =	swait.ge [sflag:s25], $0xA00  }
0x102: {  	s29 =	sadd.s32 $0x4100, s0;
	s0 =	sadd.s32 $0x4B00, s0;
	v3 =	vmov s30;
	v4 =	vmov s31;
	v5 =	vmov s3;
	[sflag:s25] =	ssyncset.done $0x0  }
0x103: {  	v6 =	vmov s26;
	v7 =	vmov s29;
	v8 =	vmov s0;
	[sflag:s25] =	ssyncadd.s32 $0xFFFFF600;
	s25 =	simm.s32 $0x0  }
.LBB2_6:
0x104: {  	s26 =	sshll.u32 s25, $0x9  }
0x105: {  	v13 =	vld.idx.msk [tilespmem:v1+s26+$0x0 ss:$0x1], $0xffff  }
0x106: {  	s0 =	sshll.u32 s25, $0x4;
	v14 =	vld.idx.msk [tilespmem:v2+s26+$0x0 ss:$0x1], $0xffff  }
0x107: {  	s0 =	sand.u32 $0x3FFFFFF0, s0;
	v15 =	vld.idx.msk [tilespmem:v5+s26+$0x0 ss:$0x1], $0xffff  }
0x108: {  	v12 =	vld.idx.msk [tilespmem:v0+s0+$0x50 ss:$0x1], $0xffff  }
0x109: {  	v11 =	vld.idx.msk [tilespmem:v0+s0+$0xA0 ss:$0x1], $0xffff  }
0x10a: {  	v10 =	vld.idx.msk [tilespmem:v0+s0+$0xF0 ss:$0x1], $0xffff  }
0x10b: {  	v16 =	vld.idx.msk [tilespmem:v6+s26+$0x0 ss:$0x1], $0xffff  }
0x10c: {  	v18 =	vld.idx.msk [tilespmem:v3+s26+$0x0 ss:$0x1], $0xffff  }
0x10d: {  	v9 =	vld.idx.msk [tilespmem:v0+s0+$0x140 ss:$0x1], $0xffff  }
0x10e: {  	v20 =	vld.idx.msk [tilespmem:v7+s26+$0x0 ss:$0x1], $0xffff;
	v17 =	vbroadcast v12, $0x0;
	v19 =	vbroadcast v11, $0x0  }
0x10f: {  	v21 =	vld.idx.msk [tilespmem:v4+s26+$0x0 ss:$0x1], $0xffff;
	v22 =	vbroadcast v10, $0x0  }
0x110: {  	v23 =	vld.idx.msk [tilespmem:v8+s26+$0x0 ss:$0x1], $0xffff;
	v13 =	vmul.f32 v13, v17;
	v14 =	vmul.f32 v14, v19  }
0x111: {  	v15 =	vmul.f32 v15, v17;
	v16 =	vmul.f32 v16, v19  }
0x112: {  	v24 =	vbroadcast v9, $0x0;
	v18 =	vmul.f32 v18, v22  }
0x113: {  	v25 =	vmul.f32 v20, v22;
	v14 =	vadd.f32 v14, v13;
	v15 =	vadd.f32 v16, v15  }
0x114: {  	v26 =	vmul.f32 v21, v24;
	v13 =	vld.idx.msk [tilespmem:v0+s0+$0x0 ss:$0x1], $0xffff  }
0x115: {  	v27 =	vmul.f32 v23, v24;
	v14 =	vadd.f32 v18, v14;
	v15 =	vadd.f32 v25, v15;
	_ =	sdelay $0x1  }
0x116: {  	v14 =	vadd.f32 v26, v14;
	v15 =	vadd.f32 v27, v15;
	_ =	sdelay $0x1  }
0x117: {  	v28 =	vbroadcast v13, $0x0;
	v15 =	vsub.f32 v15, v14;
	_ =	sdelay $0x1  }
0x118: {  	v15 =	vmul.f32 v15, v28;
	_ =	sdelay $0x1  }
0x119: {  	v14 =	vadd.f32 v15, v14;
	_ =	sdelay $0x1  }
0x11a: {  	[tilespmem:s26+$0xAA00] =	vst v14  }
0x11b: {  	v14 =	vld.idx.msk [tilespmem:v1+s26+$0x10 ss:$0x1], $0xffff  }
0x11c: {  	v29 =	vld.idx.msk [tilespmem:v2+s26+$0x10 ss:$0x1], $0xffff  }
0x11d: {  	v30 =	vld.idx.msk [tilespmem:v5+s26+$0x10 ss:$0x1], $0xffff  }
0x11e: {  	v31 =	vld.idx.msk [tilespmem:v6+s26+$0x10 ss:$0x1], $0xffff  }
0x11f: {  	v32 =	vld.idx.msk [tilespmem:v3+s26+$0x10 ss:$0x1], $0xffff  }
0x120: {  	v33 =	vld.idx.msk [tilespmem:v7+s26+$0x10 ss:$0x1], $0xffff  }
0x121: {  	v25 =	vld.idx.msk [tilespmem:v4+s26+$0x10 ss:$0x1], $0xffff  }
0x122: {  	v26 =	vld.idx.msk [tilespmem:v8+s26+$0x10 ss:$0x1], $0xffff;
	v14 =	vmul.f32 v14, v17;
	v15 =	vmul.f32 v29, v19  }
0x123: {  	v17 =	vmul.f32 v30, v17;
	v34 =	vmul.f32 v31, v19  }
0x124: {  	v35 =	vmul.f32 v32, v22  }
0x125: {  	v36 =	vmul.f32 v33, v22;
	v14 =	vadd.f32 v15, v14;
	v17 =	vadd.f32 v34, v17  }
0x126: {  	v37 =	vmul.f32 v25, v24  }
0x127: {  	v38 =	vmul.f32 v26, v24;
	v14 =	vadd.f32 v35, v14;
	v17 =	vadd.f32 v36, v17;
	_ =	sdelay $0x1  }
0x128: {  	v14 =	vadd.f32 v37, v14;
	v39 =	vadd.f32 v38, v17;
	_ =	sdelay $0x1  }
0x129: {  	v15 =	vsub.f32 v39, v14;
	_ =	sdelay $0x1  }
0x12a: {  	v15 =	vmul.f32 v15, v28;
	_ =	sdelay $0x1  }
0x12b: {  	v14 =	vadd.f32 v15, v14;
	_ =	sdelay $0x1  }
0x12c: {  	s3 =	sor.u32 $0x20, s26;
	[tilespmem:s26+$0xAA10] =	vst v14  }
0x12d: {  	v14 =	vld.idx.msk [tilespmem:v1+s3+$0x0 ss:$0x1], $0xffff  }
0x12e: {  	v40 =	vld.idx.msk [tilespmem:v2+s3+$0x0 ss:$0x1], $0xffff  }
0x12f: {  	v41 =	vld.idx.msk [tilespmem:v5+s3+$0x0 ss:$0x1], $0xffff  }
0x130: {  	v42 =	vld.idx.msk [tilespmem:v6+s3+$0x0 ss:$0x1], $0xffff  }
0x131: {  	v44 =	vld.idx.msk [tilespmem:v3+s3+$0x0 ss:$0x1], $0xffff  }
0x132: {  	v43 =	vbroadcast v12, $0x1;
	v45 =	vbroadcast v11, $0x1;
	v46 =	vld.idx.msk [tilespmem:v7+s3+$0x0 ss:$0x1], $0xffff  }
0x133: {  	v48 =	vbroadcast v10, $0x1;
	v47 =	vld.idx.msk [tilespmem:v4+s3+$0x0 ss:$0x1], $0xffff  }
0x134: {  	v49 =	vld.idx.msk [tilespmem:v8+s3+$0x0 ss:$0x1], $0xffff;
	v14 =	vmul.f32 v14, v43;
	v15 =	vmul.f32 v40, v45  }
0x135: {  	v16 =	vmul.f32 v41, v43;
	v17 =	vmul.f32 v42, v45  }
0x136: {  	v51 =	vbroadcast v9, $0x1;
	v50 =	vmul.f32 v44, v48  }
0x137: {  	v52 =	vmul.f32 v46, v48;
	v14 =	vadd.f32 v15, v14;
	v16 =	vadd.f32 v17, v16  }
0x138: {  	v53 =	vmul.f32 v47, v51  }
0x139: {  	v54 =	vmul.f32 v49, v51;
	v14 =	vadd.f32 v50, v14;
	v16 =	vadd.f32 v52, v16;
	_ =	sdelay $0x1  }
0x13a: {  	v14 =	vadd.f32 v53, v14;
	v55 =	vadd.f32 v54, v16;
	_ =	sdelay $0x1  }
0x13b: {  	v56 =	vbroadcast v13, $0x1;
	v15 =	vsub.f32 v55, v14;
	_ =	sdelay $0x1  }
0x13c: {  	v15 =	vmul.f32 v15, v56;
	_ =	sdelay $0x1  }
0x13d: {  	v14 =	vadd.f32 v15, v14;
	_ =	sdelay $0x1  }
0x13e: {  	[tilespmem:s26+$0xAA20] =	vst v14  }
0x13f: {  	v14 =	vld.idx.msk [tilespmem:v1+s3+$0x10 ss:$0x1], $0xffff  }
0x140: {  	v57 =	vld.idx.msk [tilespmem:v2+s3+$0x10 ss:$0x1], $0xffff  }
0x141: {  	v58 =	vld.idx.msk [tilespmem:v5+s3+$0x10 ss:$0x1], $0xffff  }
0x142: {  	v59 =	vld.idx.msk [tilespmem:v6+s3+$0x10 ss:$0x1], $0xffff  }
0x143: {  	v60 =	vld.idx.msk [tilespmem:v3+s3+$0x10 ss:$0x1], $0xffff  }
0x144: {  	v61 =	vld.idx.msk [tilespmem:v7+s3+$0x10 ss:$0x1], $0xffff  }
0x145: {  	v62 =	vld.idx.msk [tilespmem:v4+s3+$0x10 ss:$0x1], $0xffff  }
0x146: {  	v63 =	vld.idx.msk [tilespmem:v8+s3+$0x10 ss:$0x1], $0xffff;
	v14 =	vmul.f32 v14, v43;
	v15 =	vmul.f32 v57, v45  }
0x147: {  	v17 =	vmul.f32 v58, v43;
	v21 =	vmul.f32 v59, v45  }
0x148: {  	v22 =	vmul.f32 v60, v48  }
0x149: {  	v24 =	vmul.f32 v61, v48;
	v14 =	vadd.f32 v15, v14;
	v17 =	vadd.f32 v21, v17  }
0x14a: {  	v25 =	vmul.f32 v62, v51  }
0x14b: {  	v26 =	vmul.f32 v63, v51;
	v14 =	vadd.f32 v22, v14;
	v17 =	vadd.f32 v24, v17;
	_ =	sdelay $0x1  }
0x14c: {  	v14 =	vadd.f32 v25, v14;
	v27 =	vadd.f32 v26, v17;
	_ =	sdelay $0x1  }
0x14d: {  	v15 =	vsub.f32 v27, v14;
	_ =	sdelay $0x1  }
0x14e: {  	v15 =	vmul.f32 v15, v56;
	_ =	sdelay $0x1  }
0x14f: {  	v14 =	vadd.f32 v15, v14;
	_ =	sdelay $0x1  }
0x150: {  	s28 =	sor.u32 $0x40, s26;
	[tilespmem:s26+$0xAA30] =	vst v14  }
0x151: {  	v14 =	vld.idx.msk [tilespmem:v1+s28+$0x0 ss:$0x1], $0xffff  }
0x152: {  	v28 =	vld.idx.msk [tilespmem:v2+s28+$0x0 ss:$0x1], $0xffff  }
0x153: {  	v29 =	vld.idx.msk [tilespmem:v5+s28+$0x0 ss:$0x1], $0xffff  }
0x154: {  	v30 =	vld.idx.msk [tilespmem:v6+s28+$0x0 ss:$0x1], $0xffff  }
0x155: {  	v32 =	vld.idx.msk [tilespmem:v3+s28+$0x0 ss:$0x1], $0xffff  }
0x156: {  	v31 =	vbroadcast v12, $0x2;
	v33 =	vbroadcast v11, $0x2;
	v34 =	vld.idx.msk [tilespmem:v7+s28+$0x0 ss:$0x1], $0xffff  }
0x157: {  	v36 =	vbroadcast v10, $0x2;
	v35 =	vld.idx.msk [tilespmem:v4+s28+$0x0 ss:$0x1], $0xffff  }
0x158: {  	v37 =	vld.idx.msk [tilespmem:v8+s28+$0x0 ss:$0x1], $0xffff;
	v14 =	vmul.f32 v14, v31;
	v15 =	vmul.f32 v28, v33  }
0x159: {  	v16 =	vmul.f32 v29, v31;
	v17 =	vmul.f32 v30, v33  }
0x15a: {  	v39 =	vbroadcast v9, $0x2;
	v38 =	vmul.f32 v32, v36  }
0x15b: {  	v40 =	vmul.f32 v34, v36;
	v14 =	vadd.f32 v15, v14;
	v16 =	vadd.f32 v17, v16  }
0x15c: {  	v41 =	vmul.f32 v35, v39  }
0x15d: {  	v42 =	vmul.f32 v37, v39;
	v14 =	vadd.f32 v38, v14;
	v16 =	vadd.f32 v40, v16;
	_ =	sdelay $0x1  }
0x15e: {  	v14 =	vadd.f32 v41, v14;
	v43 =	vadd.f32 v42, v16;
	_ =	sdelay $0x1  }
0x15f: {  	v44 =	vbroadcast v13, $0x2;
	v15 =	vsub.f32 v43, v14;
	_ =	sdelay $0x1  }
0x160: {  	v15 =	vmul.f32 v15, v44;
	_ =	sdelay $0x1  }
0x161: {  	v14 =	vadd.f32 v15, v14;
	_ =	sdelay $0x1  }
0x162: {  	[tilespmem:s26+$0xAA40] =	vst v14  }
0x163: {  	v14 =	vld.idx.msk [tilespmem:v1+s28+$0x10 ss:$0x1], $0xffff  }
0x164: {  	v45 =	vld.idx.msk [tilespmem:v2+s28+$0x10 ss:$0x1], $0xffff  }
0x165: {  	v46 =	vld.idx.msk [tilespmem:v5+s28+$0x10 ss:$0x1], $0xffff  }
0x166: {  	v47 =	vld.idx.msk [tilespmem:v6+s28+$0x10 ss:$0x1], $0xffff  }
0x167: {  	v48 =	vld.idx.msk [tilespmem:v3+s28+$0x10 ss:$0x1], $0xffff  }
0x168: {  	v49 =	vld.idx.msk [tilespmem:v7+s28+$0x10 ss:$0x1], $0xffff  }
0x169: {  	v50 =	vld.idx.msk [tilespmem:v4+s28+$0x10 ss:$0x1], $0xffff  }
0x16a: {  	v51 =	vld.idx.msk [tilespmem:v8+s28+$0x10 ss:$0x1], $0xffff;
	v14 =	vmul.f32 v14, v31;
	v15 =	vmul.f32 v45, v33  }
0x16b: {  	v17 =	vmul.f32 v46, v31;
	v52 =	vmul.f32 v47, v33  }
0x16c: {  	v53 =	vmul.f32 v48, v36  }
0x16d: {  	v54 =	vmul.f32 v49, v36;
	v14 =	vadd.f32 v15, v14;
	v17 =	vadd.f32 v52, v17  }
0x16e: {  	v55 =	vmul.f32 v50, v39  }
0x16f: {  	v56 =	vmul.f32 v51, v39;
	v14 =	vadd.f32 v53, v14;
	v17 =	vadd.f32 v54, v17;
	_ =	sdelay $0x1  }
0x170: {  	v14 =	vadd.f32 v55, v14;
	v57 =	vadd.f32 v56, v17;
	_ =	sdelay $0x1  }
0x171: {  	v15 =	vsub.f32 v57, v14;
	_ =	sdelay $0x1  }
0x172: {  	v15 =	vmul.f32 v15, v44;
	_ =	sdelay $0x1  }
0x173: {  	v14 =	vadd.f32 v15, v14;
	_ =	sdelay $0x1  }
0x174: {  	s29 =	sor.u32 $0x60, s26;
	[tilespmem:s26+$0xAA50] =	vst v14  }
0x175: {  	v14 =	vld.idx.msk [tilespmem:v1+s29+$0x0 ss:$0x1], $0xffff  }
0x176: {  	v58 =	vld.idx.msk [tilespmem:v2+s29+$0x0 ss:$0x1], $0xffff  }
0x177: {  	v59 =	vld.idx.msk [tilespmem:v5+s29+$0x0 ss:$0x1], $0xffff  }
0x178: {  	v60 =	vld.idx.msk [tilespmem:v6+s29+$0x0 ss:$0x1], $0xffff  }
0x179: {  	v62 =	vld.idx.msk [tilespmem:v3+s29+$0x0 ss:$0x1], $0xffff  }
0x17a: {  	v61 =	vbroadcast v12, $0x3;
	v63 =	vbroadcast v11, $0x3;
	v28 =	vld.idx.msk [tilespmem:v7+s29+$0x0 ss:$0x1], $0xffff  }
0x17b: {  	v30 =	vbroadcast v10, $0x3;
	v29 =	vld.idx.msk [tilespmem:v4+s29+$0x0 ss:$0x1], $0xffff  }
0x17c: {  	v31 =	vld.idx.msk [tilespmem:v8+s29+$0x0 ss:$0x1], $0xffff;
	v14 =	vmul.f32 v14, v61;
	v15 =	vmul.f32 v58, v63  }
0x17d: {  	v16 =	vmul.f32 v59, v61;
	v17 =	vmul.f32 v60, v63  }
0x17e: {  	v33 =	vbroadcast v9, $0x3;
	v32 =	vmul.f32 v62, v30  }
0x17f: {  	v34 =	vmul.f32 v28, v30;
	v14 =	vadd.f32 v15, v14;
	v16 =	vadd.f32 v17, v16  }
0x180: {  	v35 =	vmul.f32 v29, v33  }
0x181: {  	v36 =	vmul.f32 v31, v33;
	v14 =	vadd.f32 v32, v14;
	v16 =	vadd.f32 v34, v16;
	_ =	sdelay $0x1  }
0x182: {  	v14 =	vadd.f32 v35, v14;
	v37 =	vadd.f32 v36, v16;
	_ =	sdelay $0x1  }
0x183: {  	v38 =	vbroadcast v13, $0x3;
	v15 =	vsub.f32 v37, v14;
	_ =	sdelay $0x1  }
0x184: {  	v15 =	vmul.f32 v15, v38;
	_ =	sdelay $0x1  }
0x185: {  	v14 =	vadd.f32 v15, v14;
	_ =	sdelay $0x1  }
0x186: {  	[tilespmem:s26+$0xAA60] =	vst v14  }
0x187: {  	v14 =	vld.idx.msk [tilespmem:v1+s29+$0x10 ss:$0x1], $0xffff  }
0x188: {  	v39 =	vld.idx.msk [tilespmem:v2+s29+$0x10 ss:$0x1], $0xffff  }
0x189: {  	v40 =	vld.idx.msk [tilespmem:v5+s29+$0x10 ss:$0x1], $0xffff  }
0x18a: {  	v41 =	vld.idx.msk [tilespmem:v6+s29+$0x10 ss:$0x1], $0xffff  }
0x18b: {  	v42 =	vld.idx.msk [tilespmem:v3+s29+$0x10 ss:$0x1], $0xffff  }
0x18c: {  	v43 =	vld.idx.msk [tilespmem:v7+s29+$0x10 ss:$0x1], $0xffff  }
0x18d: {  	v44 =	vld.idx.msk [tilespmem:v4+s29+$0x10 ss:$0x1], $0xffff  }
0x18e: {  	v45 =	vld.idx.msk [tilespmem:v8+s29+$0x10 ss:$0x1], $0xffff;
	v14 =	vmul.f32 v14, v61;
	v15 =	vmul.f32 v39, v63  }
0x18f: {  	v17 =	vmul.f32 v40, v61;
	v46 =	vmul.f32 v41, v63  }
0x190: {  	v47 =	vmul.f32 v42, v30  }
0x191: {  	v48 =	vmul.f32 v43, v30;
	v14 =	vadd.f32 v15, v14;
	v17 =	vadd.f32 v46, v17  }
0x192: {  	v49 =	vmul.f32 v44, v33  }
0x193: {  	v50 =	vmul.f32 v45, v33;
	v14 =	vadd.f32 v47, v14;
	v17 =	vadd.f32 v48, v17;
	_ =	sdelay $0x1  }
0x194: {  	v14 =	vadd.f32 v49, v14;
	v51 =	vadd.f32 v50, v17;
	_ =	sdelay $0x1  }
0x195: {  	v15 =	vsub.f32 v51, v14;
	_ =	sdelay $0x1  }
0x196: {  	v15 =	vmul.f32 v15, v38;
	_ =	sdelay $0x1  }
0x197: {  	v14 =	vadd.f32 v15, v14;
	_ =	sdelay $0x1  }
0x198: {  	s30 =	sor.u32 $0x80, s26;
	[tilespmem:s26+$0xAA70] =	vst v14  }
0x199: {  	v14 =	vld.idx.msk [tilespmem:v1+s30+$0x0 ss:$0x1], $0xffff  }
0x19a: {  	v52 =	vld.idx.msk [tilespmem:v2+s30+$0x0 ss:$0x1], $0xffff  }
0x19b: {  	v53 =	vld.idx.msk [tilespmem:v5+s30+$0x0 ss:$0x1], $0xffff  }
0x19c: {  	v54 =	vld.idx.msk [tilespmem:v6+s30+$0x0 ss:$0x1], $0xffff  }
0x19d: {  	v56 =	vld.idx.msk [tilespmem:v3+s30+$0x0 ss:$0x1], $0xffff  }
0x19e: {  	v55 =	vbroadcast v12, $0x4;
	v57 =	vbroadcast v11, $0x4;
	v58 =	vld.idx.msk [tilespmem:v7+s30+$0x0 ss:$0x1], $0xffff  }
0x19f: {  	v60 =	vbroadcast v10, $0x4;
	v59 =	vld.idx.msk [tilespmem:v4+s30+$0x0 ss:$0x1], $0xffff  }
0x1a0: {  	v61 =	vld.idx.msk [tilespmem:v8+s30+$0x0 ss:$0x1], $0xffff;
	v14 =	vmul.f32 v14, v55;
	v15 =	vmul.f32 v52, v57  }
0x1a1: {  	v16 =	vmul.f32 v53, v55;
	v17 =	vmul.f32 v54, v57  }
0x1a2: {  	v63 =	vbroadcast v9, $0x4;
	v62 =	vmul.f32 v56, v60  }
0x1a3: {  	v28 =	vmul.f32 v58, v60;
	v14 =	vadd.f32 v15, v14;
	v16 =	vadd.f32 v17, v16  }
0x1a4: {  	v29 =	vmul.f32 v59, v63  }
0x1a5: {  	v30 =	vmul.f32 v61, v63;
	v14 =	vadd.f32 v62, v14;
	v16 =	vadd.f32 v28, v16;
	_ =	sdelay $0x1  }
0x1a6: {  	v14 =	vadd.f32 v29, v14;
	v31 =	vadd.f32 v30, v16;
	_ =	sdelay $0x1  }
0x1a7: {  	v32 =	vbroadcast v13, $0x4;
	v15 =	vsub.f32 v31, v14;
	_ =	sdelay $0x1  }
0x1a8: {  	v15 =	vmul.f32 v15, v32;
	_ =	sdelay $0x1  }
0x1a9: {  	v14 =	vadd.f32 v15, v14;
	_ =	sdelay $0x1  }
0x1aa: {  	[tilespmem:s26+$0xAA80] =	vst v14  }
0x1ab: {  	v14 =	vld.idx.msk [tilespmem:v1+s30+$0x10 ss:$0x1], $0xffff  }
0x1ac: {  	v33 =	vld.idx.msk [tilespmem:v2+s30+$0x10 ss:$0x1], $0xffff  }
0x1ad: {  	v34 =	vld.idx.msk [tilespmem:v5+s30+$0x10 ss:$0x1], $0xffff  }
0x1ae: {  	v35 =	vld.idx.msk [tilespmem:v6+s30+$0x10 ss:$0x1], $0xffff  }
0x1af: {  	v36 =	vld.idx.msk [tilespmem:v3+s30+$0x10 ss:$0x1], $0xffff  }
0x1b0: {  	v37 =	vld.idx.msk [tilespmem:v7+s30+$0x10 ss:$0x1], $0xffff  }
0x1b1: {  	v38 =	vld.idx.msk [tilespmem:v4+s30+$0x10 ss:$0x1], $0xffff  }
0x1b2: {  	v39 =	vld.idx.msk [tilespmem:v8+s30+$0x10 ss:$0x1], $0xffff;
	v14 =	vmul.f32 v14, v55;
	v15 =	vmul.f32 v33, v57  }
0x1b3: {  	v17 =	vmul.f32 v34, v55;
	v40 =	vmul.f32 v35, v57  }
0x1b4: {  	v41 =	vmul.f32 v36, v60  }
0x1b5: {  	v42 =	vmul.f32 v37, v60;
	v14 =	vadd.f32 v15, v14;
	v17 =	vadd.f32 v40, v17  }
0x1b6: {  	v43 =	vmul.f32 v38, v63  }
0x1b7: {  	v44 =	vmul.f32 v39, v63;
	v14 =	vadd.f32 v41, v14;
	v17 =	vadd.f32 v42, v17;
	_ =	sdelay $0x1  }
0x1b8: {  	v14 =	vadd.f32 v43, v14;
	v45 =	vadd.f32 v44, v17;
	_ =	sdelay $0x1  }
0x1b9: {  	v15 =	vsub.f32 v45, v14;
	_ =	sdelay $0x1  }
0x1ba: {  	v15 =	vmul.f32 v15, v32;
	_ =	sdelay $0x1  }
0x1bb: {  	v14 =	vadd.f32 v15, v14;
	_ =	sdelay $0x1  }
0x1bc: {  	s31 =	sor.u32 $0xA0, s26;
	[tilespmem:s26+$0xAA90] =	vst v14  }
0x1bd: {  	v14 =	vld.idx.msk [tilespmem:v1+s31+$0x0 ss:$0x1], $0xffff  }
0x1be: {  	v46 =	vld.idx.msk [tilespmem:v2+s31+$0x0 ss:$0x1], $0xffff  }
0x1bf: {  	v47 =	vld.idx.msk [tilespmem:v5+s31+$0x0 ss:$0x1], $0xffff  }
0x1c0: {  	v48 =	vld.idx.msk [tilespmem:v6+s31+$0x0 ss:$0x1], $0xffff  }
0x1c1: {  	v50 =	vld.idx.msk [tilespmem:v3+s31+$0x0 ss:$0x1], $0xffff  }
0x1c2: {  	v49 =	vbroadcast v12, $0x5;
	v51 =	vbroadcast v11, $0x5;
	v52 =	vld.idx.msk [tilespmem:v7+s31+$0x0 ss:$0x1], $0xffff  }
0x1c3: {  	v54 =	vbroadcast v10, $0x5;
	v53 =	vld.idx.msk [tilespmem:v4+s31+$0x0 ss:$0x1], $0xffff  }
0x1c4: {  	v55 =	vld.idx.msk [tilespmem:v8+s31+$0x0 ss:$0x1], $0xffff;
	v14 =	vmul.f32 v14, v49;
	v15 =	vmul.f32 v46, v51  }
0x1c5: {  	v16 =	vmul.f32 v47, v49;
	v17 =	vmul.f32 v48, v51  }
0x1c6: {  	v57 =	vbroadcast v9, $0x5;
	v56 =	vmul.f32 v50, v54  }
0x1c7: {  	v58 =	vmul.f32 v52, v54;
	v14 =	vadd.f32 v15, v14;
	v16 =	vadd.f32 v17, v16  }
0x1c8: {  	v59 =	vmul.f32 v53, v57  }
0x1c9: {  	v60 =	vmul.f32 v55, v57;
	v14 =	vadd.f32 v56, v14;
	v16 =	vadd.f32 v58, v16;
	_ =	sdelay $0x1  }
0x1ca: {  	v14 =	vadd.f32 v59, v14;
	v61 =	vadd.f32 v60, v16;
	_ =	sdelay $0x1  }
0x1cb: {  	v62 =	vbroadcast v13, $0x5;
	v15 =	vsub.f32 v61, v14;
	_ =	sdelay $0x1  }
0x1cc: {  	v15 =	vmul.f32 v15, v62;
	_ =	sdelay $0x1  }
0x1cd: {  	v14 =	vadd.f32 v15, v14;
	_ =	sdelay $0x1  }
0x1ce: {  	[tilespmem:s26+$0xAAA0] =	vst v14  }
0x1cf: {  	v14 =	vld.idx.msk [tilespmem:v1+s31+$0x10 ss:$0x1], $0xffff  }
0x1d0: {  	v63 =	vld.idx.msk [tilespmem:v2+s31+$0x10 ss:$0x1], $0xffff  }
0x1d1: {  	v28 =	vld.idx.msk [tilespmem:v5+s31+$0x10 ss:$0x1], $0xffff  }
0x1d2: {  	v29 =	vld.idx.msk [tilespmem:v6+s31+$0x10 ss:$0x1], $0xffff  }
0x1d3: {  	v30 =	vld.idx.msk [tilespmem:v3+s31+$0x10 ss:$0x1], $0xffff  }
0x1d4: {  	v31 =	vld.idx.msk [tilespmem:v7+s31+$0x10 ss:$0x1], $0xffff  }
0x1d5: {  	v32 =	vld.idx.msk [tilespmem:v4+s31+$0x10 ss:$0x1], $0xffff  }
0x1d6: {  	v33 =	vld.idx.msk [tilespmem:v8+s31+$0x10 ss:$0x1], $0xffff;
	v14 =	vmul.f32 v14, v49;
	v15 =	vmul.f32 v63, v51  }
0x1d7: {  	v17 =	vmul.f32 v28, v49;
	v34 =	vmul.f32 v29, v51  }
0x1d8: {  	v35 =	vmul.f32 v30, v54  }
0x1d9: {  	v36 =	vmul.f32 v31, v54;
	v14 =	vadd.f32 v15, v14;
	v17 =	vadd.f32 v34, v17  }
0x1da: {  	v37 =	vmul.f32 v32, v57  }
0x1db: {  	v38 =	vmul.f32 v33, v57;
	v14 =	vadd.f32 v35, v14;
	v17 =	vadd.f32 v36, v17;
	_ =	sdelay $0x1  }
0x1dc: {  	v14 =	vadd.f32 v37, v14;
	v39 =	vadd.f32 v38, v17;
	_ =	sdelay $0x1  }
0x1dd: {  	v15 =	vsub.f32 v39, v14;
	_ =	sdelay $0x1  }
0x1de: {  	v15 =	vmul.f32 v15, v62;
	_ =	sdelay $0x1  }
0x1df: {  	v14 =	vadd.f32 v15, v14;
	_ =	sdelay $0x1  }
0x1e0: {  	s3 =	sor.u32 $0xC0, s26;
	[tilespmem:s26+$0xAAB0] =	vst v14  }
0x1e1: {  	v14 =	vld.idx.msk [tilespmem:v1+s3+$0x0 ss:$0x1], $0xffff  }
0x1e2: {  	v40 =	vld.idx.msk [tilespmem:v2+s3+$0x0 ss:$0x1], $0xffff  }
0x1e3: {  	v41 =	vld.idx.msk [tilespmem:v5+s3+$0x0 ss:$0x1], $0xffff  }
0x1e4: {  	v42 =	vld.idx.msk [tilespmem:v6+s3+$0x0 ss:$0x1], $0xffff  }
0x1e5: {  	v44 =	vld.idx.msk [tilespmem:v3+s3+$0x0 ss:$0x1], $0xffff  }
0x1e6: {  	v43 =	vbroadcast v12, $0x6;
	v45 =	vbroadcast v11, $0x6;
	v46 =	vld.idx.msk [tilespmem:v7+s3+$0x0 ss:$0x1], $0xffff  }
0x1e7: {  	v48 =	vbroadcast v10, $0x6;
	v47 =	vld.idx.msk [tilespmem:v4+s3+$0x0 ss:$0x1], $0xffff  }
0x1e8: {  	v49 =	vld.idx.msk [tilespmem:v8+s3+$0x0 ss:$0x1], $0xffff;
	v14 =	vmul.f32 v14, v43;
	v15 =	vmul.f32 v40, v45  }
0x1e9: {  	v16 =	vmul.f32 v41, v43;
	v17 =	vmul.f32 v42, v45  }
0x1ea: {  	v51 =	vbroadcast v9, $0x6;
	v50 =	vmul.f32 v44, v48  }
0x1eb: {  	v52 =	vmul.f32 v46, v48;
	v14 =	vadd.f32 v15, v14;
	v16 =	vadd.f32 v17, v16  }
0x1ec: {  	v53 =	vmul.f32 v47, v51  }
0x1ed: {  	v54 =	vmul.f32 v49, v51;
	v14 =	vadd.f32 v50, v14;
	v16 =	vadd.f32 v52, v16;
	_ =	sdelay $0x1  }
0x1ee: {  	v14 =	vadd.f32 v53, v14;
	v55 =	vadd.f32 v54, v16;
	_ =	sdelay $0x1  }
0x1ef: {  	v56 =	vbroadcast v13, $0x6;
	v15 =	vsub.f32 v55, v14;
	_ =	sdelay $0x1  }
0x1f0: {  	v15 =	vmul.f32 v15, v56;
	_ =	sdelay $0x1  }
0x1f1: {  	v14 =	vadd.f32 v15, v14;
	_ =	sdelay $0x1  }
0x1f2: {  	[tilespmem:s26+$0xAAC0] =	vst v14  }
0x1f3: {  	v14 =	vld.idx.msk [tilespmem:v1+s3+$0x10 ss:$0x1], $0xffff  }
0x1f4: {  	v57 =	vld.idx.msk [tilespmem:v2+s3+$0x10 ss:$0x1], $0xffff  }
0x1f5: {  	v58 =	vld.idx.msk [tilespmem:v5+s3+$0x10 ss:$0x1], $0xffff  }
0x1f6: {  	v59 =	vld.idx.msk [tilespmem:v6+s3+$0x10 ss:$0x1], $0xffff  }
0x1f7: {  	v60 =	vld.idx.msk [tilespmem:v3+s3+$0x10 ss:$0x1], $0xffff  }
0x1f8: {  	v61 =	vld.idx.msk [tilespmem:v7+s3+$0x10 ss:$0x1], $0xffff  }
0x1f9: {  	v62 =	vld.idx.msk [tilespmem:v4+s3+$0x10 ss:$0x1], $0xffff  }
0x1fa: {  	v63 =	vld.idx.msk [tilespmem:v8+s3+$0x10 ss:$0x1], $0xffff;
	v14 =	vmul.f32 v14, v43;
	v15 =	vmul.f32 v57, v45  }
0x1fb: {  	v17 =	vmul.f32 v58, v43;
	v21 =	vmul.f32 v59, v45  }
0x1fc: {  	v22 =	vmul.f32 v60, v48  }
0x1fd: {  	v24 =	vmul.f32 v61, v48;
	v14 =	vadd.f32 v15, v14;
	v17 =	vadd.f32 v21, v17  }
0x1fe: {  	v25 =	vmul.f32 v62, v51  }
0x1ff: {  	v26 =	vmul.f32 v63, v51;
	v14 =	vadd.f32 v22, v14;
	v17 =	vadd.f32 v24, v17;
	_ =	sdelay $0x1  }
0x200: {  	v14 =	vadd.f32 v25, v14;
	v27 =	vadd.f32 v26, v17;
	_ =	sdelay $0x1  }
0x201: {  	v15 =	vsub.f32 v27, v14;
	_ =	sdelay $0x1  }
0x202: {  	v15 =	vmul.f32 v15, v56;
	_ =	sdelay $0x1  }
0x203: {  	v14 =	vadd.f32 v15, v14;
	_ =	sdelay $0x1  }
0x204: {  	s28 =	sor.u32 $0xE0, s26;
	[tilespmem:s26+$0xAAD0] =	vst v14  }
0x205: {  	v14 =	vld.idx.msk [tilespmem:v1+s28+$0x0 ss:$0x1], $0xffff  }
0x206: {  	v28 =	vld.idx.msk [tilespmem:v2+s28+$0x0 ss:$0x1], $0xffff  }
0x207: {  	v29 =	vld.idx.msk [tilespmem:v5+s28+$0x0 ss:$0x1], $0xffff  }
0x208: {  	v30 =	vld.idx.msk [tilespmem:v6+s28+$0x0 ss:$0x1], $0xffff  }
0x209: {  	v32 =	vld.idx.msk [tilespmem:v3+s28+$0x0 ss:$0x1], $0xffff  }
0x20a: {  	v31 =	vbroadcast v12, $0x7;
	v33 =	vbroadcast v11, $0x7;
	v34 =	vld.idx.msk [tilespmem:v7+s28+$0x0 ss:$0x1], $0xffff  }
0x20b: {  	v36 =	vbroadcast v10, $0x7;
	v35 =	vld.idx.msk [tilespmem:v4+s28+$0x0 ss:$0x1], $0xffff  }
0x20c: {  	v37 =	vld.idx.msk [tilespmem:v8+s28+$0x0 ss:$0x1], $0xffff;
	v14 =	vmul.f32 v14, v31;
	v15 =	vmul.f32 v28, v33  }
0x20d: {  	v16 =	vmul.f32 v29, v31;
	v17 =	vmul.f32 v30, v33  }
0x20e: {  	v39 =	vbroadcast v9, $0x7;
	v38 =	vmul.f32 v32, v36  }
0x20f: {  	v40 =	vmul.f32 v34, v36;
	v14 =	vadd.f32 v15, v14;
	v16 =	vadd.f32 v17, v16  }
0x210: {  	v41 =	vmul.f32 v35, v39  }
0x211: {  	v42 =	vmul.f32 v37, v39;
	v14 =	vadd.f32 v38, v14;
	v16 =	vadd.f32 v40, v16;
	_ =	sdelay $0x1  }
0x212: {  	v14 =	vadd.f32 v41, v14;
	v43 =	vadd.f32 v42, v16;
	_ =	sdelay $0x1  }
0x213: {  	v44 =	vbroadcast v13, $0x7;
	v15 =	vsub.f32 v43, v14;
	_ =	sdelay $0x1  }
0x214: {  	v15 =	vmul.f32 v15, v44;
	_ =	sdelay $0x1  }
0x215: {  	v14 =	vadd.f32 v15, v14;
	_ =	sdelay $0x1  }
0x216: {  	[tilespmem:s26+$0xAAE0] =	vst v14  }
0x217: {  	v14 =	vld.idx.msk [tilespmem:v1+s28+$0x10 ss:$0x1], $0xffff  }
0x218: {  	v45 =	vld.idx.msk [tilespmem:v2+s28+$0x10 ss:$0x1], $0xffff  }
0x219: {  	v46 =	vld.idx.msk [tilespmem:v5+s28+$0x10 ss:$0x1], $0xffff  }
0x21a: {  	v47 =	vld.idx.msk [tilespmem:v6+s28+$0x10 ss:$0x1], $0xffff  }
0x21b: {  	v48 =	vld.idx.msk [tilespmem:v3+s28+$0x10 ss:$0x1], $0xffff  }
0x21c: {  	v49 =	vld.idx.msk [tilespmem:v7+s28+$0x10 ss:$0x1], $0xffff  }
0x21d: {  	v50 =	vld.idx.msk [tilespmem:v4+s28+$0x10 ss:$0x1], $0xffff  }
0x21e: {  	v51 =	vld.idx.msk [tilespmem:v8+s28+$0x10 ss:$0x1], $0xffff;
	v14 =	vmul.f32 v14, v31;
	v15 =	vmul.f32 v45, v33  }
0x21f: {  	v17 =	vmul.f32 v46, v31;
	v52 =	vmul.f32 v47, v33  }
0x220: {  	v53 =	vmul.f32 v48, v36  }
0x221: {  	v54 =	vmul.f32 v49, v36;
	v14 =	vadd.f32 v15, v14;
	v17 =	vadd.f32 v52, v17  }
0x222: {  	v55 =	vmul.f32 v50, v39  }
0x223: {  	v56 =	vmul.f32 v51, v39;
	v14 =	vadd.f32 v53, v14;
	v17 =	vadd.f32 v54, v17;
	_ =	sdelay $0x1  }
0x224: {  	v14 =	vadd.f32 v55, v14;
	v57 =	vadd.f32 v56, v17;
	_ =	sdelay $0x1  }
0x225: {  	v15 =	vsub.f32 v57, v14;
	_ =	sdelay $0x1  }
0x226: {  	v15 =	vmul.f32 v15, v44;
	_ =	sdelay $0x1  }
0x227: {  	v14 =	vadd.f32 v15, v14;
	_ =	sdelay $0x1  }
0x228: {  	s29 =	sor.u32 $0x100, s26;
	[tilespmem:s26+$0xAAF0] =	vst v14  }
0x229: {  	v14 =	vld.idx.msk [tilespmem:v1+s29+$0x0 ss:$0x1], $0xffff  }
0x22a: {  	v58 =	vld.idx.msk [tilespmem:v2+s29+$0x0 ss:$0x1], $0xffff  }
0x22b: {  	v59 =	vld.idx.msk [tilespmem:v5+s29+$0x0 ss:$0x1], $0xffff  }
0x22c: {  	v60 =	vld.idx.msk [tilespmem:v6+s29+$0x0 ss:$0x1], $0xffff  }
0x22d: {  	v62 =	vld.idx.msk [tilespmem:v3+s29+$0x0 ss:$0x1], $0xffff  }
0x22e: {  	v61 =	vbroadcast v12, $0x8;
	v63 =	vbroadcast v11, $0x8;
	v28 =	vld.idx.msk [tilespmem:v7+s29+$0x0 ss:$0x1], $0xffff  }
0x22f: {  	v30 =	vbroadcast v10, $0x8;
	v29 =	vld.idx.msk [tilespmem:v4+s29+$0x0 ss:$0x1], $0xffff  }
0x230: {  	v31 =	vld.idx.msk [tilespmem:v8+s29+$0x0 ss:$0x1], $0xffff;
	v14 =	vmul.f32 v14, v61;
	v15 =	vmul.f32 v58, v63  }
0x231: {  	v16 =	vmul.f32 v59, v61;
	v17 =	vmul.f32 v60, v63  }
0x232: {  	v33 =	vbroadcast v9, $0x8;
	v32 =	vmul.f32 v62, v30  }
0x233: {  	v34 =	vmul.f32 v28, v30;
	v14 =	vadd.f32 v15, v14;
	v16 =	vadd.f32 v17, v16  }
0x234: {  	v35 =	vmul.f32 v29, v33  }
0x235: {  	v36 =	vmul.f32 v31, v33;
	v14 =	vadd.f32 v32, v14;
	v16 =	vadd.f32 v34, v16;
	_ =	sdelay $0x1  }
0x236: {  	v14 =	vadd.f32 v35, v14;
	v37 =	vadd.f32 v36, v16;
	_ =	sdelay $0x1  }
0x237: {  	v38 =	vbroadcast v13, $0x8;
	v15 =	vsub.f32 v37, v14;
	_ =	sdelay $0x1  }
0x238: {  	v15 =	vmul.f32 v15, v38;
	_ =	sdelay $0x1  }
0x239: {  	v14 =	vadd.f32 v15, v14;
	_ =	sdelay $0x1  }
0x23a: {  	[tilespmem:s26+$0xAB00] =	vst v14  }
0x23b: {  	v14 =	vld.idx.msk [tilespmem:v1+s29+$0x10 ss:$0x1], $0xffff  }
0x23c: {  	v39 =	vld.idx.msk [tilespmem:v2+s29+$0x10 ss:$0x1], $0xffff  }
0x23d: {  	v40 =	vld.idx.msk [tilespmem:v5+s29+$0x10 ss:$0x1], $0xffff  }
0x23e: {  	v41 =	vld.idx.msk [tilespmem:v6+s29+$0x10 ss:$0x1], $0xffff  }
0x23f: {  	v42 =	vld.idx.msk [tilespmem:v3+s29+$0x10 ss:$0x1], $0xffff  }
0x240: {  	v43 =	vld.idx.msk [tilespmem:v7+s29+$0x10 ss:$0x1], $0xffff  }
0x241: {  	v44 =	vld.idx.msk [tilespmem:v4+s29+$0x10 ss:$0x1], $0xffff  }
0x242: {  	v45 =	vld.idx.msk [tilespmem:v8+s29+$0x10 ss:$0x1], $0xffff;
	v14 =	vmul.f32 v14, v61;
	v15 =	vmul.f32 v39, v63  }
0x243: {  	v17 =	vmul.f32 v40, v61;
	v46 =	vmul.f32 v41, v63  }
0x244: {  	v47 =	vmul.f32 v42, v30  }
0x245: {  	v48 =	vmul.f32 v43, v30;
	v14 =	vadd.f32 v15, v14;
	v17 =	vadd.f32 v46, v17  }
0x246: {  	v49 =	vmul.f32 v44, v33  }
0x247: {  	v50 =	vmul.f32 v45, v33;
	v14 =	vadd.f32 v47, v14;
	v17 =	vadd.f32 v48, v17;
	_ =	sdelay $0x1  }
0x248: {  	v14 =	vadd.f32 v49, v14;
	v51 =	vadd.f32 v50, v17;
	_ =	sdelay $0x1  }
0x249: {  	v15 =	vsub.f32 v51, v14;
	_ =	sdelay $0x1  }
0x24a: {  	v15 =	vmul.f32 v15, v38;
	_ =	sdelay $0x1  }
0x24b: {  	v14 =	vadd.f32 v15, v14;
	_ =	sdelay $0x1  }
0x24c: {  	s30 =	sor.u32 $0x120, s26;
	[tilespmem:s26+$0xAB10] =	vst v14  }
0x24d: {  	v14 =	vld.idx.msk [tilespmem:v1+s30+$0x0 ss:$0x1], $0xffff  }
0x24e: {  	v52 =	vld.idx.msk [tilespmem:v2+s30+$0x0 ss:$0x1], $0xffff  }
0x24f: {  	v53 =	vld.idx.msk [tilespmem:v5+s30+$0x0 ss:$0x1], $0xffff  }
0x250: {  	v54 =	vld.idx.msk [tilespmem:v6+s30+$0x0 ss:$0x1], $0xffff  }
0x251: {  	v56 =	vld.idx.msk [tilespmem:v3+s30+$0x0 ss:$0x1], $0xffff  }
0x252: {  	v55 =	vbroadcast v12, $0x9;
	v57 =	vbroadcast v11, $0x9;
	v58 =	vld.idx.msk [tilespmem:v7+s30+$0x0 ss:$0x1], $0xffff  }
0x253: {  	v60 =	vbroadcast v10, $0x9;
	v59 =	vld.idx.msk [tilespmem:v4+s30+$0x0 ss:$0x1], $0xffff  }
0x254: {  	v61 =	vld.idx.msk [tilespmem:v8+s30+$0x0 ss:$0x1], $0xffff;
	v14 =	vmul.f32 v14, v55;
	v15 =	vmul.f32 v52, v57  }
0x255: {  	v16 =	vmul.f32 v53, v55;
	v17 =	vmul.f32 v54, v57  }
0x256: {  	v63 =	vbroadcast v9, $0x9;
	v62 =	vmul.f32 v56, v60  }
0x257: {  	v28 =	vmul.f32 v58, v60;
	v14 =	vadd.f32 v15, v14;
	v16 =	vadd.f32 v17, v16  }
0x258: {  	v29 =	vmul.f32 v59, v63  }
0x259: {  	v30 =	vmul.f32 v61, v63;
	v14 =	vadd.f32 v62, v14;
	v16 =	vadd.f32 v28, v16;
	_ =	sdelay $0x1  }
0x25a: {  	v14 =	vadd.f32 v29, v14;
	v31 =	vadd.f32 v30, v16;
	_ =	sdelay $0x1  }
0x25b: {  	v32 =	vbroadcast v13, $0x9;
	v15 =	vsub.f32 v31, v14;
	_ =	sdelay $0x1  }
0x25c: {  	v15 =	vmul.f32 v15, v32;
	_ =	sdelay $0x1  }
0x25d: {  	v14 =	vadd.f32 v15, v14;
	_ =	sdelay $0x1  }
0x25e: {  	[tilespmem:s26+$0xAB20] =	vst v14  }
0x25f: {  	v14 =	vld.idx.msk [tilespmem:v1+s30+$0x10 ss:$0x1], $0xffff  }
0x260: {  	v33 =	vld.idx.msk [tilespmem:v2+s30+$0x10 ss:$0x1], $0xffff  }
0x261: {  	v34 =	vld.idx.msk [tilespmem:v5+s30+$0x10 ss:$0x1], $0xffff  }
0x262: {  	v35 =	vld.idx.msk [tilespmem:v6+s30+$0x10 ss:$0x1], $0xffff  }
0x263: {  	v36 =	vld.idx.msk [tilespmem:v3+s30+$0x10 ss:$0x1], $0xffff  }
0x264: {  	v37 =	vld.idx.msk [tilespmem:v7+s30+$0x10 ss:$0x1], $0xffff  }
0x265: {  	v38 =	vld.idx.msk [tilespmem:v4+s30+$0x10 ss:$0x1], $0xffff  }
0x266: {  	v39 =	vld.idx.msk [tilespmem:v8+s30+$0x10 ss:$0x1], $0xffff;
	v14 =	vmul.f32 v14, v55;
	v15 =	vmul.f32 v33, v57  }
0x267: {  	v17 =	vmul.f32 v34, v55;
	v40 =	vmul.f32 v35, v57  }
0x268: {  	v41 =	vmul.f32 v36, v60  }
0x269: {  	v42 =	vmul.f32 v37, v60;
	v14 =	vadd.f32 v15, v14;
	v17 =	vadd.f32 v40, v17  }
0x26a: {  	v43 =	vmul.f32 v38, v63  }
0x26b: {  	v44 =	vmul.f32 v39, v63;
	v14 =	vadd.f32 v41, v14;
	v17 =	vadd.f32 v42, v17;
	_ =	sdelay $0x1  }
0x26c: {  	v14 =	vadd.f32 v43, v14;
	v45 =	vadd.f32 v44, v17;
	_ =	sdelay $0x1  }
0x26d: {  	v15 =	vsub.f32 v45, v14;
	_ =	sdelay $0x1  }
0x26e: {  	v15 =	vmul.f32 v15, v32;
	_ =	sdelay $0x1  }
0x26f: {  	v14 =	vadd.f32 v15, v14;
	_ =	sdelay $0x1  }
0x270: {  	s31 =	sor.u32 $0x140, s26;
	[tilespmem:s26+$0xAB30] =	vst v14  }
0x271: {  	v14 =	vld.idx.msk [tilespmem:v1+s31+$0x0 ss:$0x1], $0xffff  }
0x272: {  	v46 =	vld.idx.msk [tilespmem:v2+s31+$0x0 ss:$0x1], $0xffff  }
0x273: {  	v47 =	vld.idx.msk [tilespmem:v5+s31+$0x0 ss:$0x1], $0xffff  }
0x274: {  	v48 =	vld.idx.msk [tilespmem:v6+s31+$0x0 ss:$0x1], $0xffff  }
0x275: {  	v50 =	vld.idx.msk [tilespmem:v3+s31+$0x0 ss:$0x1], $0xffff  }
0x276: {  	v49 =	vbroadcast v12, $0xA;
	v51 =	vbroadcast v11, $0xA;
	v52 =	vld.idx.msk [tilespmem:v7+s31+$0x0 ss:$0x1], $0xffff  }
0x277: {  	v54 =	vbroadcast v10, $0xA;
	v53 =	vld.idx.msk [tilespmem:v4+s31+$0x0 ss:$0x1], $0xffff  }
0x278: {  	v55 =	vld.idx.msk [tilespmem:v8+s31+$0x0 ss:$0x1], $0xffff;
	v14 =	vmul.f32 v14, v49;
	v15 =	vmul.f32 v46, v51  }
0x279: {  	v16 =	vmul.f32 v47, v49;
	v17 =	vmul.f32 v48, v51  }
0x27a: {  	v57 =	vbroadcast v9, $0xA;
	v56 =	vmul.f32 v50, v54  }
0x27b: {  	v58 =	vmul.f32 v52, v54;
	v14 =	vadd.f32 v15, v14;
	v16 =	vadd.f32 v17, v16  }
0x27c: {  	v59 =	vmul.f32 v53, v57  }
0x27d: {  	v60 =	vmul.f32 v55, v57;
	v14 =	vadd.f32 v56, v14;
	v16 =	vadd.f32 v58, v16;
	_ =	sdelay $0x1  }
0x27e: {  	v14 =	vadd.f32 v59, v14;
	v61 =	vadd.f32 v60, v16;
	_ =	sdelay $0x1  }
0x27f: {  	v62 =	vbroadcast v13, $0xA;
	v15 =	vsub.f32 v61, v14;
	_ =	sdelay $0x1  }
0x280: {  	v15 =	vmul.f32 v15, v62;
	_ =	sdelay $0x1  }
0x281: {  	v14 =	vadd.f32 v15, v14;
	_ =	sdelay $0x1  }
0x282: {  	[tilespmem:s26+$0xAB40] =	vst v14  }
0x283: {  	v14 =	vld.idx.msk [tilespmem:v1+s31+$0x10 ss:$0x1], $0xffff  }
0x284: {  	v63 =	vld.idx.msk [tilespmem:v2+s31+$0x10 ss:$0x1], $0xffff  }
0x285: {  	v28 =	vld.idx.msk [tilespmem:v5+s31+$0x10 ss:$0x1], $0xffff  }
0x286: {  	v29 =	vld.idx.msk [tilespmem:v6+s31+$0x10 ss:$0x1], $0xffff  }
0x287: {  	v30 =	vld.idx.msk [tilespmem:v3+s31+$0x10 ss:$0x1], $0xffff  }
0x288: {  	v31 =	vld.idx.msk [tilespmem:v7+s31+$0x10 ss:$0x1], $0xffff  }
0x289: {  	v32 =	vld.idx.msk [tilespmem:v4+s31+$0x10 ss:$0x1], $0xffff  }
0x28a: {  	v33 =	vld.idx.msk [tilespmem:v8+s31+$0x10 ss:$0x1], $0xffff;
	v14 =	vmul.f32 v14, v49;
	v15 =	vmul.f32 v63, v51  }
0x28b: {  	v17 =	vmul.f32 v28, v49;
	v34 =	vmul.f32 v29, v51  }
0x28c: {  	v35 =	vmul.f32 v30, v54  }
0x28d: {  	v36 =	vmul.f32 v31, v54;
	v14 =	vadd.f32 v15, v14;
	v17 =	vadd.f32 v34, v17  }
0x28e: {  	v37 =	vmul.f32 v32, v57  }
0x28f: {  	v38 =	vmul.f32 v33, v57;
	v14 =	vadd.f32 v35, v14;
	v17 =	vadd.f32 v36, v17;
	_ =	sdelay $0x1  }
0x290: {  	v14 =	vadd.f32 v37, v14;
	v39 =	vadd.f32 v38, v17;
	_ =	sdelay $0x1  }
0x291: {  	v15 =	vsub.f32 v39, v14;
	_ =	sdelay $0x1  }
0x292: {  	v15 =	vmul.f32 v15, v62;
	_ =	sdelay $0x1  }
0x293: {  	v14 =	vadd.f32 v15, v14;
	_ =	sdelay $0x1  }
0x294: {  	s3 =	sor.u32 $0x160, s26;
	[tilespmem:s26+$0xAB50] =	vst v14  }
0x295: {  	v14 =	vld.idx.msk [tilespmem:v1+s3+$0x0 ss:$0x1], $0xffff  }
0x296: {  	v40 =	vld.idx.msk [tilespmem:v2+s3+$0x0 ss:$0x1], $0xffff  }
0x297: {  	v41 =	vld.idx.msk [tilespmem:v5+s3+$0x0 ss:$0x1], $0xffff  }
0x298: {  	v42 =	vld.idx.msk [tilespmem:v6+s3+$0x0 ss:$0x1], $0xffff  }
0x299: {  	v44 =	vld.idx.msk [tilespmem:v3+s3+$0x0 ss:$0x1], $0xffff  }
0x29a: {  	v43 =	vbroadcast v12, $0xB;
	v45 =	vbroadcast v11, $0xB;
	v46 =	vld.idx.msk [tilespmem:v7+s3+$0x0 ss:$0x1], $0xffff  }
0x29b: {  	v48 =	vbroadcast v10, $0xB;
	v47 =	vld.idx.msk [tilespmem:v4+s3+$0x0 ss:$0x1], $0xffff  }
0x29c: {  	v49 =	vld.idx.msk [tilespmem:v8+s3+$0x0 ss:$0x1], $0xffff;
	v14 =	vmul.f32 v14, v43;
	v15 =	vmul.f32 v40, v45  }
0x29d: {  	v16 =	vmul.f32 v41, v43;
	v17 =	vmul.f32 v42, v45  }
0x29e: {  	v51 =	vbroadcast v9, $0xB;
	v50 =	vmul.f32 v44, v48  }
0x29f: {  	v52 =	vmul.f32 v46, v48;
	v14 =	vadd.f32 v15, v14;
	v16 =	vadd.f32 v17, v16  }
0x2a0: {  	v53 =	vmul.f32 v47, v51  }
0x2a1: {  	v54 =	vmul.f32 v49, v51;
	v14 =	vadd.f32 v50, v14;
	v16 =	vadd.f32 v52, v16;
	_ =	sdelay $0x1  }
0x2a2: {  	v14 =	vadd.f32 v53, v14;
	v55 =	vadd.f32 v54, v16;
	_ =	sdelay $0x1  }
0x2a3: {  	v56 =	vbroadcast v13, $0xB;
	v15 =	vsub.f32 v55, v14;
	_ =	sdelay $0x1  }
0x2a4: {  	v15 =	vmul.f32 v15, v56;
	_ =	sdelay $0x1  }
0x2a5: {  	v14 =	vadd.f32 v15, v14;
	_ =	sdelay $0x1  }
0x2a6: {  	[tilespmem:s26+$0xAB60] =	vst v14  }
0x2a7: {  	v14 =	vld.idx.msk [tilespmem:v1+s3+$0x10 ss:$0x1], $0xffff  }
0x2a8: {  	v57 =	vld.idx.msk [tilespmem:v2+s3+$0x10 ss:$0x1], $0xffff  }
0x2a9: {  	v58 =	vld.idx.msk [tilespmem:v5+s3+$0x10 ss:$0x1], $0xffff  }
0x2aa: {  	v59 =	vld.idx.msk [tilespmem:v6+s3+$0x10 ss:$0x1], $0xffff  }
0x2ab: {  	v60 =	vld.idx.msk [tilespmem:v3+s3+$0x10 ss:$0x1], $0xffff  }
0x2ac: {  	v61 =	vld.idx.msk [tilespmem:v7+s3+$0x10 ss:$0x1], $0xffff  }
0x2ad: {  	v62 =	vld.idx.msk [tilespmem:v4+s3+$0x10 ss:$0x1], $0xffff  }
0x2ae: {  	v63 =	vld.idx.msk [tilespmem:v8+s3+$0x10 ss:$0x1], $0xffff;
	v14 =	vmul.f32 v14, v43;
	v15 =	vmul.f32 v57, v45  }
0x2af: {  	v17 =	vmul.f32 v58, v43;
	v21 =	vmul.f32 v59, v45  }
0x2b0: {  	v22 =	vmul.f32 v60, v48  }
0x2b1: {  	v24 =	vmul.f32 v61, v48;
	v14 =	vadd.f32 v15, v14;
	v17 =	vadd.f32 v21, v17  }
0x2b2: {  	v25 =	vmul.f32 v62, v51  }
0x2b3: {  	v26 =	vmul.f32 v63, v51;
	v14 =	vadd.f32 v22, v14;
	v17 =	vadd.f32 v24, v17;
	_ =	sdelay $0x1  }
0x2b4: {  	v14 =	vadd.f32 v25, v14;
	v27 =	vadd.f32 v26, v17;
	_ =	sdelay $0x1  }
0x2b5: {  	v15 =	vsub.f32 v27, v14;
	_ =	sdelay $0x1  }
0x2b6: {  	v15 =	vmul.f32 v15, v56;
	_ =	sdelay $0x1  }
0x2b7: {  	v14 =	vadd.f32 v15, v14;
	_ =	sdelay $0x1  }
0x2b8: {  	s28 =	sor.u32 $0x180, s26;
	[tilespmem:s26+$0xAB70] =	vst v14  }
0x2b9: {  	v14 =	vld.idx.msk [tilespmem:v1+s28+$0x0 ss:$0x1], $0xffff  }
0x2ba: {  	v28 =	vld.idx.msk [tilespmem:v2+s28+$0x0 ss:$0x1], $0xffff  }
0x2bb: {  	v29 =	vld.idx.msk [tilespmem:v5+s28+$0x0 ss:$0x1], $0xffff  }
0x2bc: {  	v30 =	vld.idx.msk [tilespmem:v6+s28+$0x0 ss:$0x1], $0xffff  }
0x2bd: {  	v32 =	vld.idx.msk [tilespmem:v3+s28+$0x0 ss:$0x1], $0xffff  }
0x2be: {  	v31 =	vbroadcast v12, $0xC;
	v33 =	vbroadcast v11, $0xC;
	v34 =	vld.idx.msk [tilespmem:v7+s28+$0x0 ss:$0x1], $0xffff  }
0x2bf: {  	v36 =	vbroadcast v10, $0xC;
	v35 =	vld.idx.msk [tilespmem:v4+s28+$0x0 ss:$0x1], $0xffff  }
0x2c0: {  	v37 =	vld.idx.msk [tilespmem:v8+s28+$0x0 ss:$0x1], $0xffff;
	v14 =	vmul.f32 v14, v31;
	v15 =	vmul.f32 v28, v33  }
0x2c1: {  	v16 =	vmul.f32 v29, v31;
	v17 =	vmul.f32 v30, v33  }
0x2c2: {  	v39 =	vbroadcast v9, $0xC;
	v38 =	vmul.f32 v32, v36  }
0x2c3: {  	v40 =	vmul.f32 v34, v36;
	v14 =	vadd.f32 v15, v14;
	v16 =	vadd.f32 v17, v16  }
0x2c4: {  	v41 =	vmul.f32 v35, v39  }
0x2c5: {  	v42 =	vmul.f32 v37, v39;
	v14 =	vadd.f32 v38, v14;
	v16 =	vadd.f32 v40, v16;
	_ =	sdelay $0x1  }
0x2c6: {  	v14 =	vadd.f32 v41, v14;
	v43 =	vadd.f32 v42, v16;
	_ =	sdelay $0x1  }
0x2c7: {  	v44 =	vbroadcast v13, $0xC;
	v15 =	vsub.f32 v43, v14;
	_ =	sdelay $0x1  }
0x2c8: {  	v15 =	vmul.f32 v15, v44;
	_ =	sdelay $0x1  }
0x2c9: {  	v14 =	vadd.f32 v15, v14;
	_ =	sdelay $0x1  }
0x2ca: {  	[tilespmem:s26+$0xAB80] =	vst v14  }
0x2cb: {  	v14 =	vld.idx.msk [tilespmem:v1+s28+$0x10 ss:$0x1], $0xffff  }
0x2cc: {  	v45 =	vld.idx.msk [tilespmem:v2+s28+$0x10 ss:$0x1], $0xffff  }
0x2cd: {  	v46 =	vld.idx.msk [tilespmem:v5+s28+$0x10 ss:$0x1], $0xffff  }
0x2ce: {  	v47 =	vld.idx.msk [tilespmem:v6+s28+$0x10 ss:$0x1], $0xffff  }
0x2cf: {  	v48 =	vld.idx.msk [tilespmem:v3+s28+$0x10 ss:$0x1], $0xffff  }
0x2d0: {  	v49 =	vld.idx.msk [tilespmem:v7+s28+$0x10 ss:$0x1], $0xffff  }
0x2d1: {  	v50 =	vld.idx.msk [tilespmem:v4+s28+$0x10 ss:$0x1], $0xffff  }
0x2d2: {  	v51 =	vld.idx.msk [tilespmem:v8+s28+$0x10 ss:$0x1], $0xffff;
	v14 =	vmul.f32 v14, v31;
	v15 =	vmul.f32 v45, v33  }
0x2d3: {  	v17 =	vmul.f32 v46, v31;
	v52 =	vmul.f32 v47, v33  }
0x2d4: {  	v53 =	vmul.f32 v48, v36  }
0x2d5: {  	v54 =	vmul.f32 v49, v36;
	v14 =	vadd.f32 v15, v14;
	v17 =	vadd.f32 v52, v17  }
0x2d6: {  	v55 =	vmul.f32 v50, v39  }
0x2d7: {  	v56 =	vmul.f32 v51, v39;
	v14 =	vadd.f32 v53, v14;
	v17 =	vadd.f32 v54, v17;
	_ =	sdelay $0x1  }
0x2d8: {  	v14 =	vadd.f32 v55, v14;
	v57 =	vadd.f32 v56, v17;
	_ =	sdelay $0x1  }
0x2d9: {  	v15 =	vsub.f32 v57, v14;
	_ =	sdelay $0x1  }
0x2da: {  	v15 =	vmul.f32 v15, v44;
	_ =	sdelay $0x1  }
0x2db: {  	v14 =	vadd.f32 v15, v14;
	_ =	sdelay $0x1  }
0x2dc: {  	s29 =	sor.u32 $0x1A0, s26;
	[tilespmem:s26+$0xAB90] =	vst v14  }
0x2dd: {  	v14 =	vld.idx.msk [tilespmem:v1+s29+$0x0 ss:$0x1], $0xffff  }
0x2de: {  	v58 =	vld.idx.msk [tilespmem:v2+s29+$0x0 ss:$0x1], $0xffff  }
0x2df: {  	v59 =	vld.idx.msk [tilespmem:v5+s29+$0x0 ss:$0x1], $0xffff  }
0x2e0: {  	v60 =	vld.idx.msk [tilespmem:v6+s29+$0x0 ss:$0x1], $0xffff  }
0x2e1: {  	v62 =	vld.idx.msk [tilespmem:v3+s29+$0x0 ss:$0x1], $0xffff  }
0x2e2: {  	v61 =	vbroadcast v12, $0xD;
	v63 =	vbroadcast v11, $0xD;
	v28 =	vld.idx.msk [tilespmem:v7+s29+$0x0 ss:$0x1], $0xffff  }
0x2e3: {  	v30 =	vbroadcast v10, $0xD;
	v29 =	vld.idx.msk [tilespmem:v4+s29+$0x0 ss:$0x1], $0xffff  }
0x2e4: {  	v31 =	vld.idx.msk [tilespmem:v8+s29+$0x0 ss:$0x1], $0xffff;
	v14 =	vmul.f32 v14, v61;
	v15 =	vmul.f32 v58, v63  }
0x2e5: {  	v16 =	vmul.f32 v59, v61;
	v17 =	vmul.f32 v60, v63  }
0x2e6: {  	v33 =	vbroadcast v9, $0xD;
	v32 =	vmul.f32 v62, v30  }
0x2e7: {  	v34 =	vmul.f32 v28, v30;
	v14 =	vadd.f32 v15, v14;
	v16 =	vadd.f32 v17, v16  }
0x2e8: {  	v35 =	vmul.f32 v29, v33  }
0x2e9: {  	v36 =	vmul.f32 v31, v33;
	v14 =	vadd.f32 v32, v14;
	v16 =	vadd.f32 v34, v16;
	_ =	sdelay $0x1  }
0x2ea: {  	v14 =	vadd.f32 v35, v14;
	v37 =	vadd.f32 v36, v16;
	_ =	sdelay $0x1  }
0x2eb: {  	v38 =	vbroadcast v13, $0xD;
	v15 =	vsub.f32 v37, v14;
	_ =	sdelay $0x1  }
0x2ec: {  	v15 =	vmul.f32 v15, v38;
	_ =	sdelay $0x1  }
0x2ed: {  	v14 =	vadd.f32 v15, v14;
	_ =	sdelay $0x1  }
0x2ee: {  	[tilespmem:s26+$0xABA0] =	vst v14  }
0x2ef: {  	v14 =	vld.idx.msk [tilespmem:v1+s29+$0x10 ss:$0x1], $0xffff  }
0x2f0: {  	v39 =	vld.idx.msk [tilespmem:v2+s29+$0x10 ss:$0x1], $0xffff  }
0x2f1: {  	v40 =	vld.idx.msk [tilespmem:v5+s29+$0x10 ss:$0x1], $0xffff  }
0x2f2: {  	v41 =	vld.idx.msk [tilespmem:v6+s29+$0x10 ss:$0x1], $0xffff  }
0x2f3: {  	v42 =	vld.idx.msk [tilespmem:v3+s29+$0x10 ss:$0x1], $0xffff  }
0x2f4: {  	v43 =	vld.idx.msk [tilespmem:v7+s29+$0x10 ss:$0x1], $0xffff  }
0x2f5: {  	v44 =	vld.idx.msk [tilespmem:v4+s29+$0x10 ss:$0x1], $0xffff  }
0x2f6: {  	v45 =	vld.idx.msk [tilespmem:v8+s29+$0x10 ss:$0x1], $0xffff;
	v14 =	vmul.f32 v14, v61;
	v15 =	vmul.f32 v39, v63  }
0x2f7: {  	v17 =	vmul.f32 v40, v61;
	v46 =	vmul.f32 v41, v63  }
0x2f8: {  	v47 =	vmul.f32 v42, v30  }
0x2f9: {  	v48 =	vmul.f32 v43, v30;
	v14 =	vadd.f32 v15, v14;
	v17 =	vadd.f32 v46, v17  }
0x2fa: {  	v49 =	vmul.f32 v44, v33  }
0x2fb: {  	v50 =	vmul.f32 v45, v33;
	v14 =	vadd.f32 v47, v14;
	v17 =	vadd.f32 v48, v17;
	_ =	sdelay $0x1  }
0x2fc: {  	v14 =	vadd.f32 v49, v14;
	v51 =	vadd.f32 v50, v17;
	_ =	sdelay $0x1  }
0x2fd: {  	v15 =	vsub.f32 v51, v14;
	_ =	sdelay $0x1  }
0x2fe: {  	v15 =	vmul.f32 v15, v38;
	_ =	sdelay $0x1  }
0x2ff: {  	v14 =	vadd.f32 v15, v14;
	_ =	sdelay $0x1  }
0x300: {  	s30 =	sor.u32 $0x1C0, s26;
	[tilespmem:s26+$0xABB0] =	vst v14  }
0x301: {  	v14 =	vld.idx.msk [tilespmem:v1+s30+$0x0 ss:$0x1], $0xffff  }
0x302: {  	v52 =	vld.idx.msk [tilespmem:v2+s30+$0x0 ss:$0x1], $0xffff  }
0x303: {  	v53 =	vld.idx.msk [tilespmem:v5+s30+$0x0 ss:$0x1], $0xffff  }
0x304: {  	v54 =	vld.idx.msk [tilespmem:v6+s30+$0x0 ss:$0x1], $0xffff  }
0x305: {  	v56 =	vld.idx.msk [tilespmem:v3+s30+$0x0 ss:$0x1], $0xffff  }
0x306: {  	v55 =	vbroadcast v12, $0xE;
	v57 =	vbroadcast v11, $0xE;
	v58 =	vld.idx.msk [tilespmem:v7+s30+$0x0 ss:$0x1], $0xffff  }
0x307: {  	v60 =	vbroadcast v10, $0xE;
	v59 =	vld.idx.msk [tilespmem:v4+s30+$0x0 ss:$0x1], $0xffff  }
0x308: {  	v61 =	vld.idx.msk [tilespmem:v8+s30+$0x0 ss:$0x1], $0xffff;
	v14 =	vmul.f32 v14, v55;
	v15 =	vmul.f32 v52, v57  }
0x309: {  	v16 =	vmul.f32 v53, v55;
	v17 =	vmul.f32 v54, v57  }
0x30a: {  	v63 =	vbroadcast v9, $0xE;
	v62 =	vmul.f32 v56, v60  }
0x30b: {  	v21 =	vmul.f32 v58, v60;
	v14 =	vadd.f32 v15, v14;
	v16 =	vadd.f32 v17, v16  }
0x30c: {  	v25 =	vmul.f32 v59, v63  }
0x30d: {  	v26 =	vmul.f32 v61, v63;
	v14 =	vadd.f32 v62, v14;
	v16 =	vadd.f32 v21, v16;
	_ =	sdelay $0x1  }
0x30e: {  	v14 =	vadd.f32 v25, v14;
	v27 =	vadd.f32 v26, v16;
	_ =	sdelay $0x1  }
0x30f: {  	v28 =	vbroadcast v13, $0xE;
	v15 =	vsub.f32 v27, v14;
	_ =	sdelay $0x1  }
0x310: {  	v15 =	vmul.f32 v15, v28;
	_ =	sdelay $0x1  }
0x311: {  	v14 =	vadd.f32 v15, v14;
	_ =	sdelay $0x1  }
0x312: {  	[tilespmem:s26+$0xABC0] =	vst v14  }
0x313: {  	v14 =	vld.idx.msk [tilespmem:v1+s30+$0x10 ss:$0x1], $0xffff  }
0x314: {  	v29 =	vld.idx.msk [tilespmem:v2+s30+$0x10 ss:$0x1], $0xffff  }
0x315: {  	v30 =	vld.idx.msk [tilespmem:v5+s30+$0x10 ss:$0x1], $0xffff  }
0x316: {  	v31 =	vld.idx.msk [tilespmem:v6+s30+$0x10 ss:$0x1], $0xffff  }
0x317: {  	v32 =	vld.idx.msk [tilespmem:v3+s30+$0x10 ss:$0x1], $0xffff  }
0x318: {  	v33 =	vld.idx.msk [tilespmem:v7+s30+$0x10 ss:$0x1], $0xffff  }
0x319: {  	v34 =	vld.idx.msk [tilespmem:v4+s30+$0x10 ss:$0x1], $0xffff  }
0x31a: {  	v35 =	vld.idx.msk [tilespmem:v8+s30+$0x10 ss:$0x1], $0xffff;
	v14 =	vmul.f32 v14, v55;
	v15 =	vmul.f32 v29, v57  }
0x31b: {  	v17 =	vmul.f32 v30, v55;
	v36 =	vmul.f32 v31, v57  }
0x31c: {  	v37 =	vmul.f32 v32, v60  }
0x31d: {  	v38 =	vmul.f32 v33, v60;
	v14 =	vadd.f32 v15, v14;
	v17 =	vadd.f32 v36, v17  }
0x31e: {  	v39 =	vmul.f32 v34, v63  }
0x31f: {  	v40 =	vmul.f32 v35, v63;
	v14 =	vadd.f32 v37, v14;
	v17 =	vadd.f32 v38, v17;
	_ =	sdelay $0x1  }
0x320: {  	v14 =	vadd.f32 v39, v14;
	v41 =	vadd.f32 v40, v17;
	_ =	sdelay $0x1  }
0x321: {  	v15 =	vsub.f32 v41, v14;
	_ =	sdelay $0x1  }
0x322: {  	v15 =	vmul.f32 v15, v28;
	_ =	sdelay $0x1  }
0x323: {  	v14 =	vadd.f32 v15, v14;
	_ =	sdelay $0x1  }
0x324: {  	s31 =	sor.u32 $0x1E0, s26;
	[tilespmem:s26+$0xABD0] =	vst v14  }
0x325: {  	v14 =	vld.idx.msk [tilespmem:v1+s31+$0x0 ss:$0x1], $0xffff  }
0x326: {  	v42 =	vld.idx.msk [tilespmem:v2+s31+$0x0 ss:$0x1], $0xffff  }
0x327: {  	v43 =	vld.idx.msk [tilespmem:v5+s31+$0x0 ss:$0x1], $0xffff  }
0x328: {  	v44 =	vld.idx.msk [tilespmem:v6+s31+$0x0 ss:$0x1], $0xffff  }
0x329: {  	v45 =	vld.idx.msk [tilespmem:v3+s31+$0x0 ss:$0x1], $0xffff  }
0x32a: {  	v12 =	vbroadcast v12, $0xF;
	v11 =	vbroadcast v11, $0xF;
	v46 =	vld.idx.msk [tilespmem:v7+s31+$0x0 ss:$0x1], $0xffff  }
0x32b: {  	v10 =	vbroadcast v10, $0xF;
	v47 =	vld.idx.msk [tilespmem:v4+s31+$0x0 ss:$0x1], $0xffff  }
0x32c: {  	v48 =	vld.idx.msk [tilespmem:v8+s31+$0x0 ss:$0x1], $0xffff;
	v14 =	vmul.f32 v14, v12;
	v15 =	vmul.f32 v42, v11  }
0x32d: {  	v16 =	vmul.f32 v43, v12;
	v17 =	vmul.f32 v44, v11  }
0x32e: {  	v9 =	vbroadcast v9, $0xF;
	v49 =	vmul.f32 v45, v10  }
0x32f: {  	v50 =	vmul.f32 v46, v10;
	v14 =	vadd.f32 v15, v14;
	v16 =	vadd.f32 v17, v16  }
0x330: {  	v51 =	vmul.f32 v47, v9  }
0x331: {  	v52 =	vmul.f32 v48, v9;
	v14 =	vadd.f32 v49, v14;
	v16 =	vadd.f32 v50, v16;
	_ =	sdelay $0x1  }
0x332: {  	v14 =	vadd.f32 v51, v14;
	v53 =	vadd.f32 v52, v16;
	_ =	sdelay $0x1  }
0x333: {  	v13 =	vbroadcast v13, $0xF;
	v15 =	vsub.f32 v53, v14;
	_ =	sdelay $0x1  }
0x334: {  	v15 =	vmul.f32 v15, v13;
	_ =	sdelay $0x1  }
0x335: {  	v14 =	vadd.f32 v15, v14;
	_ =	sdelay $0x1  }
0x336: {  	[tilespmem:s26+$0xABE0] =	vst v14  }
0x337: {  	v14 =	vld.idx.msk [tilespmem:v1+s31+$0x10 ss:$0x1], $0xffff  }
0x338: {  	v54 =	vld.idx.msk [tilespmem:v2+s31+$0x10 ss:$0x1], $0xffff  }
0x339: {  	v55 =	vld.idx.msk [tilespmem:v5+s31+$0x10 ss:$0x1], $0xffff  }
0x33a: {  	v56 =	vld.idx.msk [tilespmem:v6+s31+$0x10 ss:$0x1], $0xffff  }
0x33b: {  	v57 =	vld.idx.msk [tilespmem:v3+s31+$0x10 ss:$0x1], $0xffff  }
0x33c: {  	v58 =	vld.idx.msk [tilespmem:v7+s31+$0x10 ss:$0x1], $0xffff  }
0x33d: {  	v59 =	vld.idx.msk [tilespmem:v4+s31+$0x10 ss:$0x1], $0xffff  }
0x33e: {  	v60 =	vld.idx.msk [tilespmem:v8+s31+$0x10 ss:$0x1], $0xffff;
	v14 =	vmul.f32 v14, v12;
	v15 =	vmul.f32 v54, v11  }
0x33f: {  	v12 =	vmul.f32 v55, v12;
	v11 =	vmul.f32 v56, v11  }
0x340: {  	v61 =	vmul.f32 v57, v10  }
0x341: {  	v10 =	vmul.f32 v58, v10;
	v14 =	vadd.f32 v15, v14;
	v11 =	vadd.f32 v11, v12  }
0x342: {  	v63 =	vmul.f32 v59, v9  }
0x343: {  	v9 =	vmul.f32 v60, v9;
	v62 =	vadd.f32 v61, v14;
	v10 =	vadd.f32 v10, v11;
	_ =	sdelay $0x1  }
0x344: {  	v11 =	vadd.f32 v63, v62;
	v9 =	vadd.f32 v9, v10;
	_ =	sdelay $0x1  }
0x345: {  	v9 =	vsub.f32 v9, v11  }
0x346: {  	p0 =	sne.s32 s25, $0x4  }
.Ltmp6:
0x347: {  	v9 =	vmul.f32 v9, v13;
	(pc) =	sbr.rel @p0 .LBB2_6-.Ltmp6, $3  }
0x348: {  	_ = 	snop  }
0x349: {  	v9 =	vadd.f32 v9, v11;
	_ =	sdelay $0x1  }
0x34a: {  	s25 =	sadd.s32 $0x1, s25;
	[tilespmem:s26+$0xABF0] =	vst v9  }
0x34b: {  	s0 =	sshll.u32 s24, $0x5  }
0x34c: {  	s0 =	sor.u32 s8, s0  }
0x34d: {  	s3 =	smulhi.u32 $0x68DB8BAD, s0;
	_ =	sdelay $0x1  }
0x34e: {  	s3 =	sshrl.u32 s3, $0x9  }
0x34f: {  	s31 =	smul.u32 $0x4E2, s3;
	_ =	sdelay $0x1  }
0x350: {  	s3 =	smul.u32 $0x30D400, s3;
	s0 =	ssub.s32 s0, s31  }
0x351: {  	s0 =	smul.u32 $0xA00, s0;
	_ =	sdelay $0x1  }
0x352: {  	s0 =	sadd.s32 s0, s3  }
0x353: {  	s0 =	sshrl.u32 s0, $0x3  }
.Ltmp7:
0x354: {  	s0 =	sadd.s32 s1, s0;
	(pc) =	sbr.rel .LBB2_8-.Ltmp7, $4  }
0x355: {  	[hbm4b:s0+s2] =	stream.linear.scatter [tilespmem:s20], [sflag:$0x4], $0xA00, $0x38;
	[tilespmem:$0xB400] =	vst v63  }
0x356: {  	_ =	swait.ge [sflag:s21], $0xA00  }
0x357: {  	[sflag:s21] =	ssyncset.done $0x0  }
0x358: {  	[sflag:s21] =	ssyncadd.s32 $0xFFFFF600  }
.LBB2_10:
0x359: {  	_ =	sfence.sel $0x180000  }
0x35a: {  	[bflag:$0x0] =	sbarrier.arrive $0xFFFF  }
0x35b: {  	_ =	strace $0x9000004A  }
0x35c: {  	s0 =	stileid.u32;
	[bflag:$0x2] =	sbarrier.arrive $0xFFFF  }
0x35d: {  	p0 =	sne.s32 s0, $0x0;
	s0 =	rddreg [dreg:$0x2]  }
0x35e: {  	s0 =	sadd.s32 @!p0 $0x100000, s0  }
0x35f: {  	[sflag:s0] =	ssyncadd.tile.s32 @!p0 $0x1;
	_ =	shalt  }
.Lfunc_end2:
_tile_overlayer_lowered:
.L_overlay_start_2:
0x360: {  	(tag) =	ssettag $0x2  }
0x361: {  	s0 =	rddreg [dreg:$0x0];
	s2 =	stileid.u32  }
0x362: {  	s1 =	rddreg [dreg:$0x1];
	p0 =	sne.s32 s2, $0x0  }
0x363: {  	s3 =	rddreg [dreg:$0x2];
	[bflag:$0x3] =	sbarrier.arrive $0xFFFF;
	s2 =	simm.s32 @!p0 $0x1C04  }
0x364: {  	[timem:s3], [sflag:s2] =	dma.local @!p0 [hbm:s0], s1  }
0x365: {  	s0 =	simm.s32 @!p0 $0x4  }
0x366: {  	_ =	swait.ge @!p0 [sflag:s0], s1  }
0x367: {  	s1 =	ssub.s32 @!p0 $0x0, s1;
	[sflag:s0] =	ssyncset.done @!p0 $0x0  }
0x368: {  	[sflag:s0] =	ssyncadd.s32 @!p0 s1  }
0x369: {  	[bflag:$0x3] =	sbarrier.arrive $0xFFFF  }
0x36a: {  	_ =	shalt  }

// kernel: sparse-core-data-format-call.1.cloned.1.call-start
scs
called_computation.1_lowered:
.L_overlay_start_0:
0x0: {  	s2 =	sld [smem:$0x3FD9]  }
0x1: {  	s3 =	sld [smem:$0x3FFE];
	_ =	sdelay $0x1  }
0x2: {  	s1 =	srdreg.scid  }
0x3: {  	s0 =	sand.u32 $0x1, s1  }
0x4: {  	s18 =	sshll.u32 s0, $0xA;
	s2 =	sadd.s32 s3, s2  }
0x5: {  	s2 =	sadd.s32 s2, s18  }
0x6: {  	[smem:$0x3FC6] =	sst s2  }
0x7: {  	_ = 	snop  }
0x8: {  	s2 =	sld [smem:$0x3FC9];
	(tm) =	ssettm $0x1  }
0x9: {  	s19 =	sld [smem:$0x3FFB];
	_ =	sdelay $0x3  }
0xa: {  	_ =	strace s19  }
0xb: {  	s3 =	sld [smem:$0x3FFC];
	_ =	sdelay $0x3  }
0xc: {  	_ =	strace s3  }
0xd: {  	s3 =	sld [smem:$0x3FFD];
	_ =	sdelay $0x3  }
0xe: {  	_ =	strace s3  }
0xf: {  	_ =	strace $0x8FFFFFFF  }
0x10: {  	s20 =	sld [smem:$0x3FDB];
	_ =	sdelay $0x1  }
0x11: {  	s4 =	simm.s32 $_scs_section_size  }
0x12: {  	s5 =	simm.s32 $_size__tile_overlayer_lowered;
	s6 =	simm.s32 $_tile_overlayer_lowered  }
0x13: {  	s23 =	simm.s32 $0x1BFF;
	s22 =	sshll.u32 s6, $0x1;
	s3 =	sadd.s32 s4, s20  }
0x14: {  	s7 =	simm.s32 $0x0;
	s21 =	sshll.u32 s5, $0x1;
	s5 =	sadd.s32 s22, s3  }
0x15: {  	[timem:s7], [sflag:s23] =	dma.local [hbm:s5], s21  }
0x16: {  	_ =	swait.ge [sflag:s23], s21  }
0x17: {  	s4 =	ssub.s32 $0x0, s21;
	[sflag:s23] =	ssyncset.done $0x0  }
0x18: {  	[sflag:s23] =	ssyncadd.s32 s4;
	_ =	sdelay $0x1  }
0x19: {  	s24 =	simm.s32 $0x1B8B  }
0x1a: {  	_ =	swait.ge [sflag:s24], $0x1  }
0x1b: {  	[sflag:s24] =	ssyncset.done $0x0  }
0x1c: {  	s26 =	simm.s32 $0x1B8E;
	s25 =	sld [smem:$0x3FFE];
	[sflag:s24] =	ssyncadd.s32 $0xFFFFFFFF  }
0x1d: {  	s27 =	simm.s32 $execute0_lowered;
	[smem:$0x3FD2] =	sst s26  }
0x1e: {  	s5 =	sshll.u32 s27, $0x1;
	_ =	strace $0x80000046;
	[dreg:$0x1] =	wrdreg $0xFFFFFFFF  }
0x1f: {  	s28 =	simm.s32 $_size_execute0_lowered;
	s3 =	sadd.s32 s3, s5;
	[dreg:$0x0] =	wrdreg $0x0  }
0x20: {  	s5 =	sshll.u32 s28, $0x1;
	[dreg:$0x2] =	wrdreg s3  }
0x21: {  	[dreg:$0x3] =	wrdreg s5  }
0x22: {  	[dreg:$0x4] =	wrdreg $0xC0  }
0x23: {  	_ =	task [dreg:s7], $0x5FFFF  }
0x24: {  	[dreg:$0x1] =	wrdreg $0xFFFFFFFF  }
0x25: {  	[dreg:$0x0] =	wrdreg $0x60  }
0x26: {  	[dreg:$0x2] =	wrdreg s2  }
0x27: {  	[dreg:$0x3] =	wrdreg s25  }
0x28: {  	[dreg:$0x4] =	wrdreg $0x9  }
0x29: {  	_ =	task.clear_ibuf [dreg:s7], $0x5FFFF;
	_ =	strace $0x90000046  }
0x2a: {  	s29 =	simm.s32 $0x9;
	_ =	strace $0x80000048  }
0x2b: {  	_ =	swait.ge [sflag:s29], $0x1  }
0x2c: {  	[sflag:s29] =	ssyncadd.s32 $0xFFFFFFFF  }
0x2d: {  	_ =	strace $0x90000048  }
0x2e: {  	_ =	sfence  }
0x2f: {  	s30 =	sld [smem:$0x0];
	_ =	sdelay $0x2  }
0x30: {  	s31 =	sshll.u32 s1, $0xD;
	s1 =	sshrl.u32 s1, $0x2  }
0x31: {  	s3 =	sand.u32 $0x4000, s31;
	s1 =	sadd.s32 s1, s30  }
0x32: {  	s0 =	sor.u32 s3, s0;
	s1 =	sshll.u32 s1, $0x11  }
0x33: {  	s0 =	sor.u32 s1, s0  }
0x34: {  	s0 =	sadd.s32 $0x8F2B, s0  }
0x35: {  	[sflag:s0] =	ssyncadd.remote.s32 $0x1  }
0x36: {  	_ =	sfence.sel $0xFFFF  }
0x37: {  	[dreg:$0x0] =	wrdreg $0xFFFFFFFF;
	(pc) =	sbr.abs _section_cstart, $3  }
0x38: {  	[dreg:$0x1] =	wrdreg $0xFFFFFFFF  }
0x39: {  	_ =	task.clear_ibuf [dreg:s7], $0x2FFFF;
	_ =	strace $0x9FFFFFFF  }
0x3a: {  	(tm) =	ssettm $0x7FFFFFFF  }
0x3b: {  	_ =	shalt  }
tec
execute0_lowered:
.L_overlay_start_1:
0x0: {  	(tag) =	ssettag $0x1  }
0x1: {  	s2 =	rddreg [dreg:$0x0]  }
0x2: {  	s8 =	rddreg [dreg:$0x1]  }
0x3: {  	s0 =	rddreg [dreg:$0x2];
	_ =	strace $0x80000047;
	s4 =	srdreg.scid  }
0x4: {  	s1 =	stileid.u32;
	s6 =	simm.s32 $0x2;
	s15 =	simm.s32 $0x0  }
0x5: {  	p0 =	por $0x0, $0x0;
	s9 =	simm.s32 $0x80;
	s17 =	simm.s32 $0x0  }
0x6: {  	s16 =	simm.s32 $0x0;
	s18 =	simm.s32 $0x0;
	s11 =	simm.s32 $0x0  }
.Ltmp0:
0x7: {  	s13 =	simm.s32 $0x0;
	s14 =	simm.s32 $0x0;
	(pc) =	sbr.rel .LBB1_1-.Ltmp0, $4  }
0x8: {  	s10 =	simm.s32 $0x0;
	s5 =	sshll.u32 s4, $0x4;
	s4 =	simm.s32 $0x1  }
0x9: {  	s3 =	sadd.s32 $0xE00, s8;
	s5 =	sand.u32 $0x10, s5;
	[sflag:s4] =	ssyncpa.u1 $0x0  }
0xa: {  	s7 =	sadd.s32 $0x800E00, s8;
	s5 =	sor.u32 s1, s5;
	[sflag:s6] =	ssyncpa.u1 $0x0  }
0xb: {  	s6 =	sadd.s32 $0x400E00, s8;
	s8 =	sadd.s32 $0xC00E00, s8;
	s12 =	smov.u32 s5  }
.LBB1_7:
0xc: {  	s19 =	sadd.s32 $0x1, s11  }
0xd: {  	s15 =	sadd.s32 $0x20, s12;
	s20 =	smov.u32 s12;
	p2 =	sgt.s32 s19, $0x3F  }
0xe: {  	s20 =	smov.u32 @p2 s15  }
0xf: {  	s21 =	smov.u32 s13;
	s15 =	sadd.s32 $0x20, s13;
	p3 =	sgt.s32 s20, $0x3F  }
0x10: {  	s21 =	smov.u32 @p3 s15  }
0x11: {  	s22 =	smov.u32 s14;
	s15 =	sadd.s32 $0x4, s14;
	p4 =	sgt.s32 s21, $0x1F  }
0x12: {  	p1 =	slt.u32 s10, $0x2;
	s22 =	smov.u32 @p4 s15  }
0x13: {  	s10 =	sadd.s32 $0x1, s10;
	s19 =	simm.s32 @p2 $0x0;
	p2 =	sgt.s32 s22, $0x3  }
0x14: {  	s23 =	simm.s32 @!p1 $0x2;
	s22 =	simm.s32 @p2 $0x0;
	p2 =	sne.s32 s10, $0x82  }
.Ltmp1:
0x15: {  	s17 =	smov.u32 s12;
	_ =	swait.ge @!p1 [sflag:s23], $0x2000;
	(pc) =	sbr.rel @!p2 .LBB1_8-.Ltmp1, $4  }
0x16: {  	s16 =	smov.u32 s13;
	s18 =	smov.u32 s14;
	[sflag:s23] =	ssyncset.done @!p1 $0x0  }
0x17: {  	p0 =	por !p0, !p0;
	s20 =	smov.u32 @p3 s5;
	[sflag:s23] =	ssyncadd.s32 @!p1 $0xFFFFE000  }
0x18: {  	s12 =	smov.u32 s20;
	s21 =	simm.s32 @p4 $0x0;
	s15 =	smov.u32 s11  }
0x19: {  	s11 =	smov.u32 s19;
	s13 =	smov.u32 s21;
	s14 =	smov.u32 s22  }
.LBB1_1:
0x1a: {  	p1 =	sgt.u32 s10, $0x7F  }
0x1b: {  	s19 =	sxor.u32 @!p1 $0xFFFFFFFF, s10;
	s20 =	sshll.u32 @!p1 s14, $0x15  }
0x1c: {  	s21 =	sshll.u32 @!p1 s13, $0x10;
	s22 =	sshll.u32 @!p1 s12, $0xA;
	s20 =	sadd.s32 @!p1 s2, s20  }
0x1d: {  	s23 =	sshll.u32 @!p1 s11, $0x4;
	s19 =	sshll.u32 @!p1 s19, $0xD;
	s20 =	sadd.s32 @!p1 s21, s20  }
0x1e: {  	s19 =	sand.u32 @!p1 $0x2000, s19;
	s21 =	sand.u32 @!p1 $0x3F0, s23;
	s20 =	sadd.s32 @!p1 s22, s20  }
0x1f: {  	s22 =	simm.s32 @!p1 $0x80000;
	s20 =	sadd.s32 @!p1 s21, s20;
	s21 =	simm.s32 @!p1 $0x40  }
0x20: {  	[tilespmem:s19], [sflag:$0x1] =	stream.strided.gather @!p1 [hbm4b:s20+s21], $0x2000, s22, s21, $0x38;
	[tilespmem:$0x8200] =	vst v63  }
0x21: {  	p1 =	seq.s32 s10, $0x0  }
0x22: {  	p2 =	seq.s32 @!p1 s10, $0x81  }
0x23: {  	p1 =	por p1, p2  }
.Ltmp2:
0x24: {  	_ = 	snop;
	(pc) =	sbr.rel @p1 .LBB1_7-.Ltmp2, $1  }
0x25: {  	_ =	sdelay $0x3  }
0x26: {  	s19 =	simm.s32 $0x1;
	s21 =	sand.u32 $0x1, s10  }
0x27: {  	_ =	swait.ge [sflag:s4], $0x2000;
	s19 =	simm.s32 @!p0 $0x0;
	s23 =	smul.u32 $0x8400, s21  }
0x28: {  	[sflag:s4] =	ssyncset.done $0x0;
	s20 =	smul.u32 $0x8400, s19  }
0x29: {  	s19 =	sshll.u32 s19, $0xD;
	[sflag:s4] =	ssyncadd.s32 $0xFFFFE000  }
0x2a: {  	s22 =	sor.u32 $0x20, s19;
	s19 =	sshrl.u32 s23, $0x2;
	s20 =	sshrl.u32 s20, $0x2  }
0x2b: {  	s23 =	simm.s32 $0x0;
	s21 =	sor.u32 $0x4000, s20;
	s20 =	sor.u32 $0x4000, s19  }
.LBB1_3:
0x2c: {  	v3 =	vld [tilespmem:s22+$0x10]  }
0x2d: {  	v2 =	vld [tilespmem:s22+$0xFFFFFFF0]  }
0x2e: {  	v0 =	vld [tilespmem:s22+$0x0]  }
0x2f: {  	v1 =	vld [tilespmem:s22+$0xFFFFFFE0]  }
0x30: {  	s24 =	sadd.s32 $0x0, s21  }
0x31: {  	s25 =	simm.s32 $0x4;
	s26 =	sadd.s32 $0x40, s22;
	[tilespmem:s24+$0x630 ss:$0x21] =	vst.msk $0xffff, v3  }
.LBB1_4:
0x32: {  	v3 =	vld [tilespmem:s26+$0x10];
	p1 =	sne.s32 s25, $0x7C;
	[tilespmem:s24+$0x210 ss:$0x21] =	vst.msk $0xffff, v2;
	s27 =	smov.u32 s25;
	s25 =	sadd.s32 $0x4, s25  }
.Ltmp3:
0x33: {  	v2 =	vld [tilespmem:s26+$0xFFFFFFF0];
	[tilespmem:s24+$0x420 ss:$0x21] =	vst.msk $0xffff, v0;
	(pc) =	sbr.rel @p1 .LBB1_4-.Ltmp3, $4  }
0x34: {  	v0 =	vld [tilespmem:s26+$0x0];
	[tilespmem:s24+$0x0 ss:$0x21] =	vst.msk $0xffff, v1  }
0x35: {  	s24 =	sshra.s32 s27, $0x2;
	v1 =	vld [tilespmem:s26+$0xFFFFFFE0]  }
0x36: {  	s24 =	sadd.s32 s24, s21  }
0x37: {  	s26 =	sadd.s32 $0x40, s26;
	[tilespmem:s24+$0x630 ss:$0x21] =	vst.msk $0xffff, v3  }
0x38: {  	s23 =	sadd.s32 $0x1, s23  }
0x39: {  	p1 =	sne.s32 s23, $0x4  }
.Ltmp4:
0x3a: {  	_ = 	snop;
	(pc) =	sbr.rel @p1 .LBB1_3-.Ltmp4, $4  }
0x3b: {  	_ = 	snop  }
0x3c: {  	[tilespmem:s24+$0x210 ss:$0x21] =	vst.msk $0xffff, v2  }
0x3d: {  	[tilespmem:s24+$0x420 ss:$0x21] =	vst.msk $0xffff, v0  }
0x3e: {  	s21 =	sadd.s32 $0x840, s21;
	s22 =	sadd.s32 $0x800, s22;
	[tilespmem:s24+$0x0 ss:$0x21] =	vst.msk $0xffff, v1  }
0x3f: {  	s18 =	sshll.u32 s18, $0x16;
	s17 =	sshll.u32 s17, $0x10  }
0x40: {  	s21 =	sadd.s32 s18, s17  }
0x41: {  	s22 =	sand.u32 $0x380, s16;
	s23 =	sshrl.u32 s16, $0x3;
	s21 =	sadd.s32 s3, s21  }
0x42: {  	s26 =	sand.u32 $0x7, s16;
	s23 =	sand.u32 $0xF, s23;
	s21 =	sadd.s32 s22, s21  }
0x43: {  	s15 =	sshll.u32 s15, $0xA;
	s16 =	sshll.u32 s26, $0x12;
	s21 =	sadd.s32 s23, s21  }
0x44: {  	s27 =	sadd.s32 s18, s6;
	s16 =	sor.u32 $0x20, s16;
	s21 =	sadd.s32 s15, s21  }
0x45: {  	[hbm4b:s21+s16] =	stream.strided.scatter [tilespmem:s20], [sflag:$0x2], $0x800, s9, s16, $0x10;
	[tilespmem:$0x8200] =	vst v63  }
0x46: {  	s20 =	sadd.s32 s22, s27  }
0x47: {  	s20 =	sadd.s32 s17, s20  }
0x48: {  	s20 =	sadd.s32 s23, s20  }
0x49: {  	s28 =	sadd.s32 $0x4840, s19;
	s29 =	sadd.s32 s18, s7;
	s20 =	sadd.s32 s15, s20  }
0x4a: {  	[hbm4b:s20+s16] =	stream.strided.scatter [tilespmem:s28], [sflag:$0x2], $0x800, s9, s16, $0x10;
	[tilespmem:$0x8200] =	vst v63  }
0x4b: {  	s18 =	sadd.s32 s18, s8;
	s20 =	sadd.s32 s22, s29  }
0x4c: {  	s18 =	sadd.s32 s22, s18;
	s20 =	sadd.s32 s17, s20  }
.Ltmp5:
0x4d: {  	s17 =	sadd.s32 s17, s18;
	s20 =	sadd.s32 s23, s20;
	(pc) =	sbr.rel .LBB1_7-.Ltmp5, $4  }
0x4e: {  	s30 =	sadd.s32 $0x5080, s19;
	s17 =	sadd.s32 s23, s17;
	s20 =	sadd.s32 s15, s20  }
0x4f: {  	[hbm4b:s20+s16] =	stream.strided.scatter [tilespmem:s30], [sflag:$0x2], $0x800, s9, s16, $0x10;
	[tilespmem:$0x8200] =	vst v63  }
0x50: {  	s31 =	sadd.s32 $0x58C0, s19;
	s15 =	sadd.s32 s15, s17  }
0x51: {  	[hbm4b:s15+s16] =	stream.strided.scatter [tilespmem:s31], [sflag:$0x2], $0x800, s9, s16, $0x10;
	[tilespmem:$0x8200] =	vst v63  }
.LBB1_8:
0x52: {  	_ =	sfence.sel $0x180000  }
0x53: {  	s2 =	simm.s32 $0x1;
	[bflag:$0x0] =	sbarrier.arrive $0xFFFF  }
0x54: {  	s31 =	simm.s32 $0x2;
	[sflag:s2] =	ssyncpa.u1 $0x1  }
0x55: {  	[sflag:s31] =	ssyncpa.u1 $0x1  }
0x56: {  	p0 =	sne.s32 s1, $0x0;
	_ =	strace $0x90000047  }
0x57: {  	s0 =	sadd.s32 @!p0 $0x100000, s0;
	[bflag:$0x2] =	sbarrier.arrive $0xFFFF  }
0x58: {  	[sflag:s0] =	ssyncadd.tile.s32 @!p0 $0x1;
	_ =	shalt  }
.Lfunc_end1:
_tile_overlayer_lowered:
.L_overlay_start_2:
0x59: {  	(tag) =	ssettag $0x2  }
0x5a: {  	s0 =	rddreg [dreg:$0x0];
	s2 =	stileid.u32  }
0x5b: {  	s1 =	rddreg [dreg:$0x1];
	p0 =	sne.s32 s2, $0x0  }
0x5c: {  	s3 =	rddreg [dreg:$0x2];
	[bflag:$0x3] =	sbarrier.arrive $0xFFFF;
	s2 =	simm.s32 @!p0 $0x1C01  }
0x5d: {  	[timem:s3], [sflag:s2] =	dma.local @!p0 [hbm:s0], s1  }
0x5e: {  	s0 =	simm.s32 @!p0 $0x1  }
0x5f: {  	_ =	swait.ge @!p0 [sflag:s0], s1  }
0x60: {  	s1 =	ssub.s32 @!p0 $0x0, s1;
	[sflag:s0] =	ssyncset.done @!p0 $0x0  }
0x61: {  	[sflag:s0] =	ssyncadd.s32 @!p0 s1  }
0x62: {  	[bflag:$0x3] =	sbarrier.arrive $0xFFFF  }
0x63: {  	_ =	shalt  }

// kernel: sparse-core-data-format-call.cloned.1.call-start
scs
called_computation_lowered:
.L_overlay_start_0:
0x0: {  	s2 =	sld [smem:$0x3FD9]  }
0x1: {  	s3 =	sld [smem:$0x3FFE];
	_ =	sdelay $0x1  }
0x2: {  	s1 =	srdreg.scid  }
0x3: {  	s0 =	sand.u32 $0x1, s1  }
0x4: {  	s18 =	sshll.u32 s0, $0xA;
	s2 =	sadd.s32 s3, s2  }
0x5: {  	s2 =	sadd.s32 s2, s18  }
0x6: {  	[smem:$0x3FC6] =	sst s2  }
0x7: {  	_ = 	snop  }
0x8: {  	s2 =	sld [smem:$0x3FD0];
	(tm) =	ssettm $0x1  }
0x9: {  	s19 =	sld [smem:$0x3FFB];
	_ =	sdelay $0x3  }
0xa: {  	_ =	strace s19  }
0xb: {  	s3 =	sld [smem:$0x3FFC];
	_ =	sdelay $0x3  }
0xc: {  	_ =	strace s3  }
0xd: {  	s3 =	sld [smem:$0x3FFD];
	_ =	sdelay $0x3  }
0xe: {  	_ =	strace s3  }
0xf: {  	_ =	strace $0x8FFFFFFF  }
0x10: {  	s20 =	sld [smem:$0x3FDB];
	_ =	sdelay $0x1  }
0x11: {  	s4 =	simm.s32 $_scs_section_size  }
0x12: {  	s5 =	simm.s32 $_size__tile_overlayer_lowered;
	s6 =	simm.s32 $_tile_overlayer_lowered  }
0x13: {  	s23 =	simm.s32 $0x1BFF;
	s22 =	sshll.u32 s6, $0x1;
	s3 =	sadd.s32 s4, s20  }
0x14: {  	s7 =	simm.s32 $0x0;
	s21 =	sshll.u32 s5, $0x1;
	s5 =	sadd.s32 s22, s3  }
0x15: {  	[timem:s7], [sflag:s23] =	dma.local [hbm:s5], s21  }
0x16: {  	_ =	swait.ge [sflag:s23], s21  }
0x17: {  	s4 =	ssub.s32 $0x0, s21;
	[sflag:s23] =	ssyncset.done $0x0  }
0x18: {  	[sflag:s23] =	ssyncadd.s32 s4;
	_ =	sdelay $0x1  }
0x19: {  	s24 =	simm.s32 $0x1B8B  }
0x1a: {  	_ =	swait.ge [sflag:s24], $0x1  }
0x1b: {  	[sflag:s24] =	ssyncset.done $0x0  }
0x1c: {  	s26 =	simm.s32 $0x1B8E;
	s25 =	sld [smem:$0x3FFE];
	[sflag:s24] =	ssyncadd.s32 $0xFFFFFFFF  }
0x1d: {  	s27 =	simm.s32 $execute0_lowered;
	[smem:$0x3FD2] =	sst s26  }
0x1e: {  	s5 =	sshll.u32 s27, $0x1;
	_ =	strace $0x8000004C;
	[dreg:$0x1] =	wrdreg $0xFFFFFFFF  }
0x1f: {  	s28 =	simm.s32 $_size_execute0_lowered;
	s3 =	sadd.s32 s3, s5;
	[dreg:$0x0] =	wrdreg $0x0  }
0x20: {  	s5 =	sshll.u32 s28, $0x1;
	[dreg:$0x2] =	wrdreg s3  }
0x21: {  	[dreg:$0x3] =	wrdreg s5  }
0x22: {  	[dreg:$0x4] =	wrdreg $0xC0  }
0x23: {  	_ =	task [dreg:s7], $0x5FFFF  }
0x24: {  	[dreg:$0x1] =	wrdreg $0xFFFFFFFF  }
0x25: {  	[dreg:$0x0] =	wrdreg $0x60  }
0x26: {  	[dreg:$0x2] =	wrdreg s25  }
0x27: {  	[dreg:$0x3] =	wrdreg s2  }
0x28: {  	[dreg:$0x4] =	wrdreg $0x9  }
0x29: {  	_ =	task.clear_ibuf [dreg:s7], $0x5FFFF;
	_ =	strace $0x9000004C  }
0x2a: {  	s29 =	simm.s32 $0x9;
	_ =	strace $0x8000004E  }
0x2b: {  	_ =	swait.ge [sflag:s29], $0x1  }
0x2c: {  	[sflag:s29] =	ssyncadd.s32 $0xFFFFFFFF  }
0x2d: {  	_ =	strace $0x9000004E  }
0x2e: {  	_ =	sfence  }
0x2f: {  	s30 =	sld [smem:$0x0];
	_ =	sdelay $0x2  }
0x30: {  	s31 =	sshll.u32 s1, $0xD;
	s1 =	sshrl.u32 s1, $0x2  }
0x31: {  	s3 =	sand.u32 $0x4000, s31;
	s1 =	sadd.s32 s1, s30  }
0x32: {  	s0 =	sor.u32 s3, s0;
	s1 =	sshll.u32 s1, $0x11  }
0x33: {  	s0 =	sor.u32 s1, s0  }
0x34: {  	s0 =	sadd.s32 $0x8F2B, s0  }
0x35: {  	[sflag:s0] =	ssyncadd.remote.s32 $0x1  }
0x36: {  	_ =	sfence.sel $0xFFFF  }
0x37: {  	[dreg:$0x0] =	wrdreg $0xFFFFFFFF;
	(pc) =	sbr.abs _section_cstart, $3  }
0x38: {  	[dreg:$0x1] =	wrdreg $0xFFFFFFFF  }
0x39: {  	_ =	task.clear_ibuf [dreg:s7], $0x2FFFF;
	_ =	strace $0x9FFFFFFF  }
0x3a: {  	(tm) =	ssettm $0x7FFFFFFF  }
0x3b: {  	_ =	shalt  }
tec
execute0_lowered:
.L_overlay_start_1:
0x0: {  	(tag) =	ssettag $0x1  }
0x1: {  	s3 =	rddreg [dreg:$0x0]  }
0x2: {  	s2 =	rddreg [dreg:$0x1];
	s1 =	stileid.u32  }
0x3: {  	s4 =	srdreg.scid;
	s0 =	rddreg [dreg:$0x2];
	_ =	strace $0x8000004D  }
0x4: {  	s7 =	simm.s32 $0x2;
	s14 =	simm.s32 $0x0;
	p0 =	por $0x0, $0x0  }
0x5: {  	s9 =	simm.s32 $0xC3800;
	s5 =	sshll.u32 s1, $0x5;
	s4 =	sshll.u32 s4, $0x9  }
.Ltmp0:
0x6: {  	s13 =	simm.s32 $0x0;
	s4 =	sor.u32 s5, s4;
	(pc) =	sbr.rel .LBB1_1-.Ltmp0, $4  }
0x7: {  	s12 =	simm.s32 $0x0;
	s5 =	simm.s32 $0x1;
	s4 =	sand.u32 $0x380, s4  }
0x8: {  	s3 =	sadd.s32 $0xE00, s3;
	[sflag:s5] =	ssyncpa.u1 $0x0;
	s8 =	ssub.s32 $0x18680, s4  }
0x9: {  	s6 =	sand.u32 $0x3, s1;
	[sflag:s7] =	ssyncpa.u1 $0x0;
	s7 =	sshrl.u32 s8, $0xA  }
0xa: {  	s11 =	smov.u32 s6;
	s10 =	smov.u32 s4;
	s8 =	sor.u32 $0x2, s7  }
.LBB1_5:
0xb: {  	s15 =	sadd.s32 $0x400, s10  }
0xc: {  	s13 =	sadd.s32 $0x4, s11;
	s17 =	smov.u32 s11;
	p2 =	sgt.s32 s15, $0x1869F  }
0xd: {  	s17 =	smov.u32 @p2 s13  }
0xe: {  	s15 =	smov.u32 @p2 s4;
	p2 =	sgt.s32 s17, $0x3  }
0xf: {  	s17 =	smov.u32 @p2 s6;
	p2 =	sne.s32 s12, s8  }
.Ltmp1:
0x10: {  	p1 =	slt.u32 s12, $0x2;
	(pc) =	sbr.rel @!p2 .LBB1_6-.Ltmp1, $4  }
0x11: {  	s16 =	simm.s32 @!p1 $0x2  }
0x12: {  	s14 =	smov.u32 s10;
	p0 =	por !p0, !p0;
	_ =	swait.ge @!p1 [sflag:s16], $0x1000  }
0x13: {  	s13 =	smov.u32 s11;
	[sflag:s16] =	ssyncset.done @!p1 $0x0;
	s10 =	smov.u32 s15  }
0x14: {  	s12 =	sadd.s32 $0x1, s12;
	[sflag:s16] =	ssyncadd.s32 @!p1 $0xFFFFF000;
	s11 =	smov.u32 s17  }
.LBB1_1:
0x15: {  	p1 =	sgt.u32 s12, s7  }
0x16: {  	s17 =	smov.u32 s11;
	s19 =	smov.u32 s10;
	p2 =	sgt.s32 @!p1 s11, $0x3  }
0x17: {  	s15 =	sand.u32 @!p1 $0x1FFFFFF, s10;
	s18 =	sshra.s32 @!p1 s11, $0x1F;
	p2 =	por !p2, p1  }
0x18: {  	s20 =	sshra.s32 @!p1 s10, $0x1F;
	s17 =	simm.s32 @p2 $0x3;
	p2 =	sgt.s32 @!p1 s10, $0x18620  }
0x19: {  	s16 =	smulhi.u32 @!p1 $0x14F8B59, s15;
	s18 =	sand.u32 @!p1 s18, s11;
	p2 =	por !p2, p1  }
0x1a: {  	s17 =	ssub.s32 @!p1 s17, s18;
	s18 =	sand.u32 @!p1 s20, s10;
	s19 =	simm.s32 @p2 $0x18620  }
0x1b: {  	s17 =	sadd.s32 @!p1 $0xFFFFFFFD, s17;
	s18 =	ssub.s32 @!p1 s19, s18  }
0x1c: {  	s16 =	sshrl.u32 @!p1 s16, $0x9;
	p2 =	sgt.s32 @!p1 s17, $0x0;
	s19 =	sadd.s32 @!p1 $0xFFFE79E0, s18  }
0x1d: {  	s17 =	sshll.u32 @!p1 s17, $0x5;
	s18 =	ssub.s32 @!p1 $0x186A0, s18;
	p3 =	sgt.s32 @!p1 s19, $0x7F  }
0x1e: {  	s17 =	ssub.s32 @!p1 $0x20, s17;
	p2 =	por !p2, p1;
	p3 =	por !p3, p1  }
0x1f: {  	s16 =	smul.u32 @!p1 $0x186A0, s16;
	s17 =	simm.s32 @!p2 $0x0;
	s18 =	simm.s32 @!p3 $0x0  }
0x20: {  	s19 =	sxor.u32 @!p1 $0xFFFFFFFF, s12;
	s17 =	smul.u32 @!p1 s18, s17  }
0x21: {  	s15 =	ssub.s32 @!p1 s15, s16;
	s18 =	sshll.u32 @!p1 s19, $0xC;
	s19 =	smul.u32 @!p1 $0x186A00, s11  }
0x22: {  	s15 =	sshll.u32 @!p1 s15, $0x4  }
0x23: {  	s18 =	sand.u32 @!p1 $0x1000, s18;
	s16 =	sand.u32 @!p1 $0x3FFFFFE0, s17;
	s17 =	sadd.s32 @!p1 s3, s19  }
0x24: {  	s19 =	simm.s32 @!p1 $0x80;
	s15 =	sadd.s32 @!p1 s15, s17;
	s17 =	simm.s32 @!p1 $0x20  }
0x25: {  	[tilespmem:s18], [sflag:$0x1] =	stream.strided.gather @!p1 [hbm4b:s15+s17], s16, s19, s17, $0x38;
	[tilespmem:$0x4040] =	vst v63  }
0x26: {  	p1 =	seq.s32 s12, $0x0  }
0x27: {  	p2 =	sge.u32 @!p1 s12, s8  }
0x28: {  	p1 =	por p1, p2  }
.Ltmp2:
0x29: {  	_ = 	snop;
	(pc) =	sbr.rel @p1 .LBB1_5-.Ltmp2, $1  }
0x2a: {  	_ =	sdelay $0x3  }
0x2b: {  	p1 =	sgt.s32 s13, $0x3;
	s15 =	smov.u32 s13  }
0x2c: {  	s16 =	sshra.s32 s13, $0x1F;
	s17 =	smov.u32 s14;
	s18 =	sshra.s32 s14, $0x1F  }
0x2d: {  	s15 =	simm.s32 @!p1 $0x3;
	s16 =	sand.u32 s16, s13;
	p1 =	sgt.s32 s14, $0x18620  }
0x2e: {  	s27 =	sand.u32 s18, s14;
	s15 =	ssub.s32 s15, s16;
	s17 =	simm.s32 @!p1 $0x18620  }
0x2f: {  	s15 =	sadd.s32 $0xFFFFFFFD, s15;
	s16 =	ssub.s32 s17, s27  }
0x30: {  	p1 =	sgt.s32 s15, $0x0;
	s17 =	sadd.s32 $0xFFFE79E0, s16;
	s15 =	sshll.u32 s15, $0x5  }
0x31: {  	s16 =	ssub.s32 $0x186A0, s16;
	p2 =	sgt.s32 s17, $0x7F;
	s15 =	ssub.s32 $0x20, s15  }
0x32: {  	s16 =	simm.s32 @p2 $0x0;
	s15 =	simm.s32 @p1 $0x0  }
0x33: {  	s15 =	smul.u32 s16, s15;
	_ =	sdelay $0x1  }
0x34: {  	s16 =	simm.s32 $0x1;
	s15 =	sand.u32 $0x3FFFFFE0, s15  }
0x35: {  	s16 =	simm.s32 @!p0 $0x0;
	_ =	swait.ge [sflag:s5], s15  }
0x36: {  	s28 =	sshll.u32 s16, $0xC;
	s15 =	ssub.s32 $0x0, s15;
	[sflag:s5] =	ssyncset.done $0x0  }
0x37: {  	s19 =	sor.u32 $0x10, s28;
	[sflag:s5] =	ssyncadd.s32 s15  }
0x38: {  	s29 =	smul.u32 $0x4080, s16;
	v1 =	vld [tilespmem:s19+$0x0]  }
0x39: {  	s30 =	sand.u32 $0x1, s12;
	v0 =	vld [tilespmem:s19+$0xFFFFFFF0]  }
0x3a: {  	s16 =	smul.u32 $0x4080, s30;
	s15 =	sshrl.u32 s29, $0x2  }
0x3b: {  	s17 =	sor.u32 $0x2000, s15  }
0x3c: {  	s31 =	sshrl.u32 s16, $0x2;
	s16 =	sadd.s32 $0x0, s17  }
0x3d: {  	s18 =	simm.s32 $0x4;
	s15 =	sor.u32 $0x2000, s31;
	s19 =	sadd.s32 $0x20, s19;
	[tilespmem:s16+$0x810 ss:$0x81] =	vst.msk $0xffff, v1  }
.LBB1_3:
0x3e: {  	v1 =	vld [tilespmem:s19+$0x0];
	p1 =	sne.s32 s18, $0x1FC;
	[tilespmem:s16+$0x0 ss:$0x81] =	vst.msk $0xffff, v0;
	s16 =	smov.u32 s18;
	s18 =	sadd.s32 $0x4, s18  }
.Ltmp3:
0x3f: {  	v0 =	vld [tilespmem:s19+$0xFFFFFFF0];
	(pc) =	sbr.rel @p1 .LBB1_3-.Ltmp3, $4  }
0x40: {  	_ = 	snop  }
0x41: {  	s16 =	sshra.s32 s16, $0x2  }
0x42: {  	s16 =	sadd.s32 s16, s17  }
0x43: {  	s19 =	sadd.s32 $0x20, s19;
	[tilespmem:s16+$0x810 ss:$0x81] =	vst.msk $0xffff, v1  }
0x44: {  	s17 =	sshll.u32 s14, $0x3  }
0x45: {  	s29 =	sand.u32 $0x7F, s14;
	s17 =	sand.u32 $0xFFFFFC00, s17  }
0x46: {  	s14 =	sor.u32 s29, s17;
	s17 =	smulhi.u32 $0xA79C7B17, s17  }
0x47: {  	s18 =	smulhi.u32 $0xA79C7B17, s14;
	_ =	sdelay $0x1  }
0x48: {  	s13 =	smul.u32 $0x61C00, s13;
	s17 =	sshrl.u32 s17, $0x10;
	s18 =	sshrl.u32 s18, $0x10  }
0x49: {  	s17 =	sand.u32 $0x1F, s17;
	s18 =	smul.u32 $0x18700, s18  }
0x4a: {  	s17 =	smul.u32 $0x30E0, s17  }
.Ltmp4:
0x4b: {  	s14 =	ssub.s32 s14, s18;
	(pc) =	sbr.rel .LBB1_5-.Ltmp4, $4  }
0x4c: {  	s13 =	sadd.s32 s2, s13;
	s18 =	sand.u32 $0x7, s14  }
0x4d: {  	s13 =	sadd.s32 s17, s13;
	s14 =	sshrl.u32 s14, $0x3;
	s30 =	sshll.u32 s18, $0x12  }
0x4e: {  	[tilespmem:s16+$0x0 ss:$0x81] =	vst.msk $0xffff, v0;
	s13 =	sadd.s32 s14, s13;
	s31 =	sor.u32 $0x400, s30  }
0x4f: {  	[hbm4b:s13+s31] =	stream.strided.scatter [tilespmem:s15], [sflag:$0x2], $0x1000, s9, s31, $0x20;
	[tilespmem:$0x4040] =	vst v63  }
.LBB1_6:
0x50: {  	_ =	sfence.sel $0x180000  }
0x51: {  	s2 =	simm.s32 $0x1;
	[bflag:$0x0] =	sbarrier.arrive $0xFFFF  }
0x52: {  	s31 =	simm.s32 $0x2;
	[sflag:s2] =	ssyncpa.u1 $0x1  }
0x53: {  	[sflag:s31] =	ssyncpa.u1 $0x1  }
0x54: {  	p0 =	sne.s32 s1, $0x0;
	_ =	strace $0x9000004D  }
0x55: {  	s0 =	sadd.s32 @!p0 $0x100000, s0;
	[bflag:$0x2] =	sbarrier.arrive $0xFFFF  }
0x56: {  	[sflag:s0] =	ssyncadd.tile.s32 @!p0 $0x1;
	_ =	shalt  }
.Lfunc_end1:
_tile_overlayer_lowered:
.L_overlay_start_2:
0x57: {  	(tag) =	ssettag $0x2  }
0x58: {  	s0 =	rddreg [dreg:$0x0];
	s2 =	stileid.u32  }
0x59: {  	s1 =	rddreg [dreg:$0x1];
	p0 =	sne.s32 s2, $0x0  }
0x5a: {  	s3 =	rddreg [dreg:$0x2];
	[bflag:$0x3] =	sbarrier.arrive $0xFFFF;
	s2 =	simm.s32 @!p0 $0x1C01  }
0x5b: {  	[timem:s3], [sflag:s2] =	dma.local @!p0 [hbm:s0], s1  }
0x5c: {  	s0 =	simm.s32 @!p0 $0x1  }
0x5d: {  	_ =	swait.ge @!p0 [sflag:s0], s1  }
0x5e: {  	s1 =	ssub.s32 @!p0 $0x0, s1;
	[sflag:s0] =	ssyncset.done @!p0 $0x0  }
0x5f: {  	[sflag:s0] =	ssyncadd.s32 @!p0 s1  }
0x60: {  	[bflag:$0x3] =	sbarrier.arrive $0xFFFF  }
0x61: {  	_ =	shalt  }

</sc_bundles>
